<compile_context>
chip_gen: v7x
topology: tpu7x:2x2x1
jax: 0.10.2.dev20260603
libtpu: 0.0.44.dev20260713+nightly
codegen_flags: <defaults>
</compile_context>

<pallas_src>
import functools

import jax
import jax.numpy as jnp
from jax import lax
from jax.experimental import pallas as pl
from jax.experimental.pallas import tpu as pltpu
from jax.experimental.pallas import tpu_sc as plsc

M = 1_000_000
D = 32
B = 16384
PACK = 128 // D
MP = M // PACK

NC = 2
NS = 16
HALF = M // NC
R = 32_768
RP = R // PACK
PASSES = -(-HALF // R)
PROWS_PER_TILE = RP // NS
BPC = B // NS
WAVE = 128
NDUMMY = 64


def _sc_body(self_hbm, li_hbm, pos_hbm, values_hbm, out_hbm,
             li_ref, pos_ref, r_sorted, pi_sorted, widx, pidx,
             gath, counts, starts, ptrs, spmem, sem, sem2):
    c = lax.axis_index("c")
    s = lax.axis_index("s")
    lane = lax.iota(jnp.int32, 16)
    core_base = c * HALF
    nbuckets = PASSES

    pltpu.sync_copy(li_hbm.at[pl.ds(s * BPC, BPC)], li_ref)
    pltpu.sync_copy(pos_hbm.at[pl.ds(s * BPC, BPC)], pos_ref)

    def bucket_of(r16):
        rel = r16 - core_base
        b = jnp.where(rel >= HALF - R, PASSES - 1, rel >> 15)
        in_core = (rel >= 0) & (rel < HALF)
        return jnp.where(in_core, b, nbuckets)

    def zstep(i, carry):
        counts[i] = 0
        return carry
    lax.fori_loop(0, nbuckets + 1, zstep, 0)

    def cstep(g, carry):
        b16 = bucket_of(li_ref[pl.ds(g * 16, 16)])
        for j in range(16):
            bj = b16[j]
            counts[bj] = counts[bj] + 1
        return carry
    lax.fori_loop(0, BPC // 16, cstep, 0)

    def pstep(i, acc):
        starts[i] = acc
        ptrs[i] = acc
        return acc + counts[i]
    total = lax.fori_loop(0, nbuckets + 1, pstep, 0)
    starts[nbuckets + 1] = total

    def wstore(ref, off, val):
        w0 = (off // 16) * 16
        tgt = off - w0
        old = ref[pl.ds(w0, 16)]
        ref[pl.ds(w0, 16)] = jnp.where(lane == tgt, val, old)

    def plstep(g, carry):
        li16 = li_ref[pl.ds(g * 16, 16)]
        pi16 = pos_ref[pl.ds(g * 16, 16)]
        b16 = bucket_of(li16)
        for j in range(16):
            bj = b16[j]
            off = ptrs[bj]
            ptrs[bj] = off + 1
            wstore(r_sorted, off, li16[j])
            wstore(pi_sorted, off, pi16[j])
        return carry
    lax.fori_loop(0, BPC // 16, plstep, 0)

    SPLIT = 4
    SW = WAVE // SPLIT

    def one_pass(p, carry):
        base = core_base + jnp.minimum(p * R, HALF - R)
        pbase = base // PACK

        bs = starts[p]
        be = starts[p + 1]
        nw = (be - bs + (WAVE - 1)) // WAVE

        def build_wave(woff):
            def bstep(v, carry3):
                q = woff + v * 16
                live = (q + lane) < be
                r16 = r_sorted[pl.ds(q, 16)]
                p16 = pi_sorted[pl.ds(q, 16)]
                dumm = RP + ((lane + v * 16) % NDUMMY)
                widx[v // 2, pl.ds((v % 2) * 16, 16)] = jnp.where(
                    live, (r16 >> 2) - pbase, dumm)
                pidx[v // 2, pl.ds((v % 2) * 16, 16)] = jnp.where(
                    live, p16 + ((r16 & (PACK - 1)) << 14), 0)
                return carry3
            lax.fori_loop(0, WAVE // 16, bstep, 0)

        def fire_gather():
            return [pltpu.async_copy(
                values_hbm.at[pidx.at[k]],
                gath.at[pl.ds(k * SW, SW)], sem2) for k in range(SPLIT)]

        def do_scatter():
            scps = [pltpu.async_copy(
                gath.at[pl.ds(k * SW, SW)],
                spmem.at[widx.at[k]], sem2, add=True) for k in range(SPLIT)]
            for cp in scps:
                cp.wait()

        build_wave(bs)
        gcps = fire_gather()

        prow0 = pl.multiple_of(pbase + s * PROWS_PER_TILE, 8)
        sprow0 = pl.multiple_of(s * PROWS_PER_TILE, 8)
        CH = PROWS_PER_TILE // 8
        cps = [pltpu.async_copy(
            self_hbm.at[pl.ds(prow0 + t * CH, CH)],
            spmem.at[pl.ds(sprow0 + t * CH, CH)], sem)
            for t in range(8)]
        for cp in cps:
            cp.wait()
        plsc.subcore_barrier()

        for cp in gcps:
            cp.wait()
        do_scatter()

        def one_wave(w, carry2):
            build_wave(bs + w * WAVE)
            for cp in fire_gather():
                cp.wait()
            do_scatter()
            return carry2

        lax.fori_loop(1, jnp.maximum(nw, 1), one_wave, 0)
        plsc.subcore_barrier()

        cps2 = [pltpu.async_copy(
            spmem.at[pl.ds(sprow0 + t * CH, CH)],
            out_hbm.at[pl.ds(prow0 + t * CH, CH)], sem)
            for t in range(8)]
        for cp in cps2:
            cp.wait()
        return carry

    lax.fori_loop(0, PASSES, one_pass, 0)


@jax.jit
def _index_put(self_packed, linear_index, pos_idx, values_padded):
    mesh = plsc.VectorSubcoreMesh(core_axis_name="c", subcore_axis_name="s")
    run = functools.partial(
        pl.kernel,
        out_type=jax.ShapeDtypeStruct((MP, 128), jnp.float32),
        mesh=mesh,
        scratch_types=[
            pltpu.VMEM((BPC,), jnp.int32),
            pltpu.VMEM((BPC,), jnp.int32),
            pltpu.VMEM((BPC + 16,), jnp.int32),
            pltpu.VMEM((BPC + 16,), jnp.int32),
            pltpu.VMEM((4, WAVE // 4), jnp.int32),
            pltpu.VMEM((4, WAVE // 4), jnp.int32),
            pltpu.VMEM((WAVE, 128), jnp.float32),
            pltpu.SMEM((PASSES + 2,), jnp.int32),
            pltpu.SMEM((PASSES + 2,), jnp.int32),
            pltpu.SMEM((PASSES + 2,), jnp.int32),
            pltpu.VMEM_SHARED((RP + NDUMMY, 128), jnp.float32),
            pltpu.SemaphoreType.DMA,
            pltpu.SemaphoreType.DMA,
        ],
    )(_sc_body)
    return run(self_packed, linear_index, pos_idx, values_padded)


def kernel(self_tensor, linear_index, pos_idx, values, slice_size, accumulate):
    li = jnp.asarray(linear_index, jnp.int32)
    pi = jnp.asarray(pos_idx, jnp.int32)
    self_p = self_tensor.reshape(MP, 128)
    values_4 = jnp.concatenate(
        [jnp.pad(values, ((0, 0), (k * D, 128 - (k + 1) * D)))
         for k in range(PACK)], axis=0)
    out_p = _index_put(self_p, li, pi, values_4)
    return out_p.reshape(M, D)

# --- scband reference (transcript-rebuilt; emitter-appended) ---
"""Pipeline reference for scband-model-69767448756497 (READ-ONLY COPY).

The authoritative reference and input builder live on the scoring server;
editing this copy changes nothing except your own understanding.
"""

import jax, jax.numpy as jnp
import numpy as np


def setup_inputs(seed: int = 0) -> dict:
    key = jax.random.key(seed)
    k1, k2, k3, k4 = jax.random.split(key, 4)
    M, D, B = 1000000, 32, 16384
    self_tensor = jax.random.normal(k1, (M, D), dtype=jnp.float32)
    linear_index = jax.random.randint(k2, (B,), 0, M, dtype=jnp.int64)
    pos_idx = jax.random.randint(k3, (B,), 0, B, dtype=jnp.int64)
    values = jax.random.normal(k4, (B, D), dtype=jnp.float32)
    return {
        "self_tensor": self_tensor,
        "linear_index": linear_index,
        "pos_idx": pos_idx,
        "values": values,
        "slice_size": 32,
        "accumulate": True,
    }


def reference(self_tensor, linear_index, pos_idx, values, slice_size, accumulate):
    # IndexPutWithSort: out[linear_index[i]] (+)= values[pos_idx[i]]
    gathered = jnp.take(values, pos_idx, axis=0)
    out = jax.lax.cond(
        accumulate,
        lambda: self_tensor.at[linear_index].add(gathered),
        lambda: self_tensor.at[linear_index].set(gathered),
    )
    return out

if __name__ == "__main__":
    import jax
    _d = setup_inputs()
    print(jax.jit(kernel)(*tuple(_d.values())))

</pallas_src>

<mosaic_0001>
#map = affine_map<(d0, d1) -> (0, 0)>
#map1 = affine_map<(d0, d1) -> (0)>
module attributes {stable_mosaic.version = 14 : i64} {
  func.func @_sc_body(%arg0: i32, %arg1: i32, %arg2: memref<250000x128xf32, #tpu.memory_space<hbm>>, %arg3: memref<16384xi32, #tpu.memory_space<hbm>>, %arg4: memref<16384xi32, #tpu.memory_space<hbm>>, %arg5: memref<65536x128xf32, #tpu.memory_space<hbm>>, %arg6: memref<250000x128xf32, #tpu.memory_space<hbm>>, %arg7: memref<1024xi32, #tpu.memory_space<vmem>>, %arg8: memref<1024xi32, #tpu.memory_space<vmem>>, %arg9: memref<1040xi32, #tpu.memory_space<vmem>>, %arg10: memref<1040xi32, #tpu.memory_space<vmem>>, %arg11: memref<4x32xi32, #tpu.memory_space<vmem>>, %arg12: memref<4x32xi32, #tpu.memory_space<vmem>>, %arg13: memref<128x128xf32, #tpu.memory_space<vmem>>, %arg14: memref<18xi32, #tpu.memory_space<smem>>, %arg15: memref<18xi32, #tpu.memory_space<smem>>, %arg16: memref<18xi32, #tpu.memory_space<smem>>, %arg17: memref<8256x128xf32, #tpu.memory_space<vmem_shared>>, %arg18: memref<!tpu.dma_semaphore, #tpu.memory_space<semaphore_mem>>, %arg19: memref<!tpu.dma_semaphore, #tpu.memory_space<semaphore_mem>>) attributes {dimension_semantics = [#tpu.dimension_semantics<core_parallel>, #tpu.dimension_semantics<subcore_parallel>], iteration_bounds = array<i64: 2, 16>, scalar_prefetch = 0 : i64, scratch_operands = 13 : i64, tpu.core_type = #tpu.core_type<sc_vector_subcore>, window_params = [{transform_indices = #map}, {transform_indices = #map1}, {transform_indices = #map1}, {transform_indices = #map}, {transform_indices = #map}]} {
    %iota3A = tpu.iota {dimensions = array<i32: 0>} : vector<16xi32>
    %mul3A = arith.constant 500000 : i32
    %mul3A_0 = arith.muli %arg0, %mul3A : i32
    %mul3A_1 = arith.constant 1024 : i32
    %mul3A_2 = arith.muli %arg1, %mul3A_1 : i32
    "tpu.region"() ({
      %run_scoped3A = tpu.sem_alloc : memref<!tpu.dma_semaphore, #tpu.memory_space<semaphore_mem>>
      %dma_start3A = tpu.memref_slice %arg3[%mul3A_2] : memref<16384xi32, #tpu.memory_space<hbm>> -> memref<1024xi32, #tpu.memory_space<hbm>>
      %dma_start3A_37 = tpu.memref_slice %arg3[%mul3A_2] : memref<16384xi32, #tpu.memory_space<hbm>> -> memref<1024xi32, #tpu.memory_space<hbm>>
      tpu.enqueue_dma source(%dma_start3A_37 : memref<1024xi32, #tpu.memory_space<hbm>>) target(%arg7 : memref<1024xi32, #tpu.memory_space<vmem>>) target_semaphore(%run_scoped3A : memref<!tpu.dma_semaphore, #tpu.memory_space<semaphore_mem>>)
      %dma_wait3A = tpu.memref_slice %arg3[%mul3A_2] : memref<16384xi32, #tpu.memory_space<hbm>> -> memref<1024xi32, #tpu.memory_space<hbm>>
      %dma_wait3A_38 = tpu.memref_slice %arg3[%mul3A_2] : memref<16384xi32, #tpu.memory_space<hbm>> -> memref<1024xi32, #tpu.memory_space<hbm>>
      tpu.wait_dma2 semaphore(%run_scoped3A : memref<!tpu.dma_semaphore, #tpu.memory_space<semaphore_mem>>) src(%dma_wait3A_38 : memref<1024xi32, #tpu.memory_space<hbm>>) dst(%arg7 : memref<1024xi32, #tpu.memory_space<vmem>>)
      tpu.yield
    }) : () -> ()
    %mul3A_3 = arith.constant 1024 : i32
    %mul3A_4 = arith.muli %arg1, %mul3A_3 : i32
    "tpu.region"() ({
      %run_scoped3A = tpu.sem_alloc : memref<!tpu.dma_semaphore, #tpu.memory_space<semaphore_mem>>
      %dma_start3A = tpu.memref_slice %arg4[%mul3A_4] : memref<16384xi32, #tpu.memory_space<hbm>> -> memref<1024xi32, #tpu.memory_space<hbm>>
      %dma_start3A_37 = tpu.memref_slice %arg4[%mul3A_4] : memref<16384xi32, #tpu.memory_space<hbm>> -> memref<1024xi32, #tpu.memory_space<hbm>>
      tpu.enqueue_dma source(%dma_start3A_37 : memref<1024xi32, #tpu.memory_space<hbm>>) target(%arg8 : memref<1024xi32, #tpu.memory_space<vmem>>) target_semaphore(%run_scoped3A : memref<!tpu.dma_semaphore, #tpu.memory_space<semaphore_mem>>)
      %dma_wait3A = tpu.memref_slice %arg4[%mul3A_4] : memref<16384xi32, #tpu.memory_space<hbm>> -> memref<1024xi32, #tpu.memory_space<hbm>>
      %dma_wait3A_38 = tpu.memref_slice %arg4[%mul3A_4] : memref<16384xi32, #tpu.memory_space<hbm>> -> memref<1024xi32, #tpu.memory_space<hbm>>
      tpu.wait_dma2 semaphore(%run_scoped3A : memref<!tpu.dma_semaphore, #tpu.memory_space<semaphore_mem>>) src(%dma_wait3A_38 : memref<1024xi32, #tpu.memory_space<hbm>>) dst(%arg8 : memref<1024xi32, #tpu.memory_space<vmem>>)
      tpu.yield
    }) : () -> ()
    %scan3A = arith.constant 0 : i32
    %scan3A_5 = arith.constant 0 : i32
    %scan3A_6 = arith.constant 17 : i32
    %scan3A_7 = arith.addi %scan3A_5, %scan3A_6 : i32
    %scan3A_8 = arith.constant 1 : i32
    scf.for %scan3A_37 = %scan3A_5 to %scan3A_7 step %scan3A_8  : i32 {
      %swap3A_38 = arith.constant 0 : i32
      %swap3A_39 = arith.index_cast %scan3A_37 : i32 to index
      %swap3A_40 = memref.load %arg14[%swap3A_39] : memref<18xi32, #tpu.memory_space<smem>>
      memref.store %swap3A_38, %arg14[%swap3A_39] : memref<18xi32, #tpu.memory_space<smem>>
    }
    %scan3A_9 = arith.constant 17 : i32
    %scan3A_10 = arith.constant 0 : i32
    %scan3A_11 = arith.constant 0 : i32
    %scan3A_12 = arith.constant 64 : i32
    %scan3A_13 = arith.addi %scan3A_11, %scan3A_12 : i32
    %scan3A_14 = arith.constant 1 : i32
    scf.for %scan3A_37 = %scan3A_11 to %scan3A_13 step %scan3A_14  : i32 {
      %mul3A_38 = arith.constant 16 : i32
      %mul3A_39 = arith.muli %scan3A_37, %mul3A_38 : i32
      %get3A = arith.index_cast %mul3A_39 : i32 to index
      %get3A_40 = tpu.vector_load %arg7[%get3A] {strides = array<i32>} : memref<1024xi32, #tpu.memory_space<vmem>>, vector<16xi32>,
      %get3A_41 = vector.shape_cast %get3A_40 : vector<16xi32> to vector<16xi32>
      %sub3A = vector.broadcast %mul3A_0 : i32 to vector<16xi32>
      %sub3A_42 = arith.subi %get3A_41, %sub3A : vector<16xi32>
      %ge3A = arith.constant 467232 : i32
      %ge3A_43 = vector.broadcast %ge3A : i32 to vector<16xi32>
      %ge3A_44 = arith.cmpi sge, %sub3A_42, %ge3A_43 : vector<16xi32>
      %shift_right_arithmetic3A = arith.constant 15 : i32
      %shift_right_arithmetic3A_45 = vector.broadcast %shift_right_arithmetic3A : i32 to vector<16xi32>
      %shift_right_arithmetic3A_46 = arith.shrsi %sub3A_42, %shift_right_arithmetic3A_45 : vector<16xi32>
      %jit3A = arith.constant 15 : i32
      %broadcast_in_dim3A = vector.broadcast %jit3A : i32 to vector<16xi32>
      %select_n3A = arith.select %ge3A_44, %broadcast_in_dim3A, %shift_right_arithmetic3A_46 : vector<16xi1>, vector<16xi32>
      %ge3A_47 = arith.constant 0 : i32
      %ge3A_48 = vector.broadcast %ge3A_47 : i32 to vector<16xi32>
      %ge3A_49 = arith.cmpi sge, %sub3A_42, %ge3A_48 : vector<16xi32>
      %lt3A = arith.constant 500000 : i32
      %lt3A_50 = vector.broadcast %lt3A : i32 to vector<16xi32>
      %lt3A_51 = arith.cmpi slt, %sub3A_42, %lt3A_50 : vector<16xi32>
      %and3A = arith.andi %ge3A_49, %lt3A_51 : vector<16xi1>
      %jit3A_52 = arith.constant 16 : i32
      %broadcast_in_dim3A_53 = vector.broadcast %jit3A_52 : i32 to vector<16xi32>
      %select_n3A_54 = arith.select %and3A, %select_n3A, %broadcast_in_dim3A_53 : vector<16xi1>, vector<16xi32>
      %slice3A = vector.extract_strided_slice %select_n3A_54 {offsets = [0], sizes = [1], strides = [1]} : vector<16xi32> to vector<1xi32>
      %squeeze3A = vector.extract %slice3A[0] : i32 from vector<1xi32>
      %get3A_55 = arith.index_cast %squeeze3A : i32 to index
      %get3A_56 = memref.load %arg14[%get3A_55] : memref<18xi32, #tpu.memory_space<smem>>
      %add3A = arith.constant 1 : i32
      %add3A_57 = arith.addi %get3A_56, %add3A : i32
      %swap3A_58 = arith.index_cast %squeeze3A : i32 to index
      %swap3A_59 = memref.load %arg14[%swap3A_58] : memref<18xi32, #tpu.memory_space<smem>>
      memref.store %add3A_57, %arg14[%swap3A_58] : memref<18xi32, #tpu.memory_space<smem>>
      %slice3A_60 = vector.extract_strided_slice %select_n3A_54 {offsets = [1], sizes = [1], strides = [1]} : vector<16xi32> to vector<1xi32>
      %squeeze3A_61 = vector.extract %slice3A_60[0] : i32 from vector<1xi32>
      %get3A_62 = arith.index_cast %squeeze3A_61 : i32 to index
      %get3A_63 = memref.load %arg14[%get3A_62] : memref<18xi32, #tpu.memory_space<smem>>
      %add3A_64 = arith.constant 1 : i32
      %add3A_65 = arith.addi %get3A_63, %add3A_64 : i32
      %swap3A_66 = arith.index_cast %squeeze3A_61 : i32 to index
      %swap3A_67 = memref.load %arg14[%swap3A_66] : memref<18xi32, #tpu.memory_space<smem>>
      memref.store %add3A_65, %arg14[%swap3A_66] : memref<18xi32, #tpu.memory_space<smem>>
      %slice3A_68 = vector.extract_strided_slice %select_n3A_54 {offsets = [2], sizes = [1], strides = [1]} : vector<16xi32> to vector<1xi32>
      %squeeze3A_69 = vector.extract %slice3A_68[0] : i32 from vector<1xi32>
      %get3A_70 = arith.index_cast %squeeze3A_69 : i32 to index
      %get3A_71 = memref.load %arg14[%get3A_70] : memref<18xi32, #tpu.memory_space<smem>>
      %add3A_72 = arith.constant 1 : i32
      %add3A_73 = arith.addi %get3A_71, %add3A_72 : i32
      %swap3A_74 = arith.index_cast %squeeze3A_69 : i32 to index
      %swap3A_75 = memref.load %arg14[%swap3A_74] : memref<18xi32, #tpu.memory_space<smem>>
      memref.store %add3A_73, %arg14[%swap3A_74] : memref<18xi32, #tpu.memory_space<smem>>
      %slice3A_76 = vector.extract_strided_slice %select_n3A_54 {offsets = [3], sizes = [1], strides = [1]} : vector<16xi32> to vector<1xi32>
      %squeeze3A_77 = vector.extract %slice3A_76[0] : i32 from vector<1xi32>
      %get3A_78 = arith.index_cast %squeeze3A_77 : i32 to index
      %get3A_79 = memref.load %arg14[%get3A_78] : memref<18xi32, #tpu.memory_space<smem>>
      %add3A_80 = arith.constant 1 : i32
      %add3A_81 = arith.addi %get3A_79, %add3A_80 : i32
      %swap3A_82 = arith.index_cast %squeeze3A_77 : i32 to index
      %swap3A_83 = memref.load %arg14[%swap3A_82] : memref<18xi32, #tpu.memory_space<smem>>
      memref.store %add3A_81, %arg14[%swap3A_82] : memref<18xi32, #tpu.memory_space<smem>>
      %slice3A_84 = vector.extract_strided_slice %select_n3A_54 {offsets = [4], sizes = [1], strides = [1]} : vector<16xi32> to vector<1xi32>
      %squeeze3A_85 = vector.extract %slice3A_84[0] : i32 from vector<1xi32>
      %get3A_86 = arith.index_cast %squeeze3A_85 : i32 to index
      %get3A_87 = memref.load %arg14[%get3A_86] : memref<18xi32, #tpu.memory_space<smem>>
      %add3A_88 = arith.constant 1 : i32
      %add3A_89 = arith.addi %get3A_87, %add3A_88 : i32
      %swap3A_90 = arith.index_cast %squeeze3A_85 : i32 to index
      %swap3A_91 = memref.load %arg14[%swap3A_90] : memref<18xi32, #tpu.memory_space<smem>>
      memref.store %add3A_89, %arg14[%swap3A_90] : memref<18xi32, #tpu.memory_space<smem>>
      %slice3A_92 = vector.extract_strided_slice %select_n3A_54 {offsets = [5], sizes = [1], strides = [1]} : vector<16xi32> to vector<1xi32>
      %squeeze3A_93 = vector.extract %slice3A_92[0] : i32 from vector<1xi32>
      %get3A_94 = arith.index_cast %squeeze3A_93 : i32 to index
      %get3A_95 = memref.load %arg14[%get3A_94] : memref<18xi32, #tpu.memory_space<smem>>
      %add3A_96 = arith.constant 1 : i32
      %add3A_97 = arith.addi %get3A_95, %add3A_96 : i32
      %swap3A_98 = arith.index_cast %squeeze3A_93 : i32 to index
      %swap3A_99 = memref.load %arg14[%swap3A_98] : memref<18xi32, #tpu.memory_space<smem>>
      memref.store %add3A_97, %arg14[%swap3A_98] : memref<18xi32, #tpu.memory_space<smem>>
      %slice3A_100 = vector.extract_strided_slice %select_n3A_54 {offsets = [6], sizes = [1], strides = [1]} : vector<16xi32> to vector<1xi32>
      %squeeze3A_101 = vector.extract %slice3A_100[0] : i32 from vector<1xi32>
      %get3A_102 = arith.index_cast %squeeze3A_101 : i32 to index
      %get3A_103 = memref.load %arg14[%get3A_102] : memref<18xi32, #tpu.memory_space<smem>>
      %add3A_104 = arith.constant 1 : i32
      %add3A_105 = arith.addi %get3A_103, %add3A_104 : i32
      %swap3A_106 = arith.index_cast %squeeze3A_101 : i32 to index
      %swap3A_107 = memref.load %arg14[%swap3A_106] : memref<18xi32, #tpu.memory_space<smem>>
      memref.store %add3A_105, %arg14[%swap3A_106] : memref<18xi32, #tpu.memory_space<smem>>
      %slice3A_108 = vector.extract_strided_slice %select_n3A_54 {offsets = [7], sizes = [1], strides = [1]} : vector<16xi32> to vector<1xi32>
      %squeeze3A_109 = vector.extract %slice3A_108[0] : i32 from vector<1xi32>
      %get3A_110 = arith.index_cast %squeeze3A_109 : i32 to index
      %get3A_111 = memref.load %arg14[%get3A_110] : memref<18xi32, #tpu.memory_space<smem>>
      %add3A_112 = arith.constant 1 : i32
      %add3A_113 = arith.addi %get3A_111, %add3A_112 : i32
      %swap3A_114 = arith.index_cast %squeeze3A_109 : i32 to index
      %swap3A_115 = memref.load %arg14[%swap3A_114] : memref<18xi32, #tpu.memory_space<smem>>
      memref.store %add3A_113, %arg14[%swap3A_114] : memref<18xi32, #tpu.memory_space<smem>>
      %slice3A_116 = vector.extract_strided_slice %select_n3A_54 {offsets = [8], sizes = [1], strides = [1]} : vector<16xi32> to vector<1xi32>
      %squeeze3A_117 = vector.extract %slice3A_116[0] : i32 from vector<1xi32>
      %get3A_118 = arith.index_cast %squeeze3A_117 : i32 to index
      %get3A_119 = memref.load %arg14[%get3A_118] : memref<18xi32, #tpu.memory_space<smem>>
      %add3A_120 = arith.constant 1 : i32
      %add3A_121 = arith.addi %get3A_119, %add3A_120 : i32
      %swap3A_122 = arith.index_cast %squeeze3A_117 : i32 to index
      %swap3A_123 = memref.load %arg14[%swap3A_122] : memref<18xi32, #tpu.memory_space<smem>>
      memref.store %add3A_121, %arg14[%swap3A_122] : memref<18xi32, #tpu.memory_space<smem>>
      %slice3A_124 = vector.extract_strided_slice %select_n3A_54 {offsets = [9], sizes = [1], strides = [1]} : vector<16xi32> to vector<1xi32>
      %squeeze3A_125 = vector.extract %slice3A_124[0] : i32 from vector<1xi32>
      %get3A_126 = arith.index_cast %squeeze3A_125 : i32 to index
      %get3A_127 = memref.load %arg14[%get3A_126] : memref<18xi32, #tpu.memory_space<smem>>
      %add3A_128 = arith.constant 1 : i32
      %add3A_129 = arith.addi %get3A_127, %add3A_128 : i32
      %swap3A_130 = arith.index_cast %squeeze3A_125 : i32 to index
      %swap3A_131 = memref.load %arg14[%swap3A_130] : memref<18xi32, #tpu.memory_space<smem>>
      memref.store %add3A_129, %arg14[%swap3A_130] : memref<18xi32, #tpu.memory_space<smem>>
      %slice3A_132 = vector.extract_strided_slice %select_n3A_54 {offsets = [10], sizes = [1], strides = [1]} : vector<16xi32> to vector<1xi32>
      %squeeze3A_133 = vector.extract %slice3A_132[0] : i32 from vector<1xi32>
      %get3A_134 = arith.index_cast %squeeze3A_133 : i32 to index
      %get3A_135 = memref.load %arg14[%get3A_134] : memref<18xi32, #tpu.memory_space<smem>>
      %add3A_136 = arith.constant 1 : i32
      %add3A_137 = arith.addi %get3A_135, %add3A_136 : i32
      %swap3A_138 = arith.index_cast %squeeze3A_133 : i32 to index
      %swap3A_139 = memref.load %arg14[%swap3A_138] : memref<18xi32, #tpu.memory_space<smem>>
      memref.store %add3A_137, %arg14[%swap3A_138] : memref<18xi32, #tpu.memory_space<smem>>
      %slice3A_140 = vector.extract_strided_slice %select_n3A_54 {offsets = [11], sizes = [1], strides = [1]} : vector<16xi32> to vector<1xi32>
      %squeeze3A_141 = vector.extract %slice3A_140[0] : i32 from vector<1xi32>
      %get3A_142 = arith.index_cast %squeeze3A_141 : i32 to index
      %get3A_143 = memref.load %arg14[%get3A_142] : memref<18xi32, #tpu.memory_space<smem>>
      %add3A_144 = arith.constant 1 : i32
      %add3A_145 = arith.addi %get3A_143, %add3A_144 : i32
      %swap3A_146 = arith.index_cast %squeeze3A_141 : i32 to index
      %swap3A_147 = memref.load %arg14[%swap3A_146] : memref<18xi32, #tpu.memory_space<smem>>
      memref.store %add3A_145, %arg14[%swap3A_146] : memref<18xi32, #tpu.memory_space<smem>>
      %slice3A_148 = vector.extract_strided_slice %select_n3A_54 {offsets = [12], sizes = [1], strides = [1]} : vector<16xi32> to vector<1xi32>
      %squeeze3A_149 = vector.extract %slice3A_148[0] : i32 from vector<1xi32>
      %get3A_150 = arith.index_cast %squeeze3A_149 : i32 to index
      %get3A_151 = memref.load %arg14[%get3A_150] : memref<18xi32, #tpu.memory_space<smem>>
      %add3A_152 = arith.constant 1 : i32
      %add3A_153 = arith.addi %get3A_151, %add3A_152 : i32
      %swap3A_154 = arith.index_cast %squeeze3A_149 : i32 to index
      %swap3A_155 = memref.load %arg14[%swap3A_154] : memref<18xi32, #tpu.memory_space<smem>>
      memref.store %add3A_153, %arg14[%swap3A_154] : memref<18xi32, #tpu.memory_space<smem>>
      %slice3A_156 = vector.extract_strided_slice %select_n3A_54 {offsets = [13], sizes = [1], strides = [1]} : vector<16xi32> to vector<1xi32>
      %squeeze3A_157 = vector.extract %slice3A_156[0] : i32 from vector<1xi32>
      %get3A_158 = arith.index_cast %squeeze3A_157 : i32 to index
      %get3A_159 = memref.load %arg14[%get3A_158] : memref<18xi32, #tpu.memory_space<smem>>
      %add3A_160 = arith.constant 1 : i32
      %add3A_161 = arith.addi %get3A_159, %add3A_160 : i32
      %swap3A_162 = arith.index_cast %squeeze3A_157 : i32 to index
      %swap3A_163 = memref.load %arg14[%swap3A_162] : memref<18xi32, #tpu.memory_space<smem>>
      memref.store %add3A_161, %arg14[%swap3A_162] : memref<18xi32, #tpu.memory_space<smem>>
      %slice3A_164 = vector.extract_strided_slice %select_n3A_54 {offsets = [14], sizes = [1], strides = [1]} : vector<16xi32> to vector<1xi32>
      %squeeze3A_165 = vector.extract %slice3A_164[0] : i32 from vector<1xi32>
      %get3A_166 = arith.index_cast %squeeze3A_165 : i32 to index
      %get3A_167 = memref.load %arg14[%get3A_166] : memref<18xi32, #tpu.memory_space<smem>>
      %add3A_168 = arith.constant 1 : i32
      %add3A_169 = arith.addi %get3A_167, %add3A_168 : i32
      %swap3A_170 = arith.index_cast %squeeze3A_165 : i32 to index
      %swap3A_171 = memref.load %arg14[%swap3A_170] : memref<18xi32, #tpu.memory_space<smem>>
      memref.store %add3A_169, %arg14[%swap3A_170] : memref<18xi32, #tpu.memory_space<smem>>
      %slice3A_172 = vector.extract_strided_slice %select_n3A_54 {offsets = [15], sizes = [1], strides = [1]} : vector<16xi32> to vector<1xi32>
      %squeeze3A_173 = vector.extract %slice3A_172[0] : i32 from vector<1xi32>
      %get3A_174 = arith.index_cast %squeeze3A_173 : i32 to index
      %get3A_175 = memref.load %arg14[%get3A_174] : memref<18xi32, #tpu.memory_space<smem>>
      %add3A_176 = arith.constant 1 : i32
      %add3A_177 = arith.addi %get3A_175, %add3A_176 : i32
      %swap3A_178 = arith.index_cast %squeeze3A_173 : i32 to index
      %swap3A_179 = memref.load %arg14[%swap3A_178] : memref<18xi32, #tpu.memory_space<smem>>
      memref.store %add3A_177, %arg14[%swap3A_178] : memref<18xi32, #tpu.memory_space<smem>>
    }
    %scan3A_15 = arith.constant 64 : i32
    %scan3A_16 = arith.constant 0 : i32
    %scan3A_17 = arith.constant 0 : i32
    %scan3A_18 = arith.constant 17 : i32
    %scan3A_19 = arith.addi %scan3A_17, %scan3A_18 : i32
    %scan3A_20 = arith.constant 1 : i32
    %scan3A_21 = scf.for %scan3A_37 = %scan3A_17 to %scan3A_19 step %scan3A_20 iter_args(%scan3A_38 = %scan3A_16) -> (i32)  : i32 {
      %swap3A_39 = arith.index_cast %scan3A_37 : i32 to index
      %swap3A_40 = memref.load %arg15[%swap3A_39] : memref<18xi32, #tpu.memory_space<smem>>
      memref.store %scan3A_38, %arg15[%swap3A_39] : memref<18xi32, #tpu.memory_space<smem>>
      %swap3A_41 = arith.index_cast %scan3A_37 : i32 to index
      %swap3A_42 = memref.load %arg16[%swap3A_41] : memref<18xi32, #tpu.memory_space<smem>>
      memref.store %scan3A_38, %arg16[%swap3A_41] : memref<18xi32, #tpu.memory_space<smem>>
      %get3A = arith.index_cast %scan3A_37 : i32 to index
      %get3A_43 = memref.load %arg14[%get3A] : memref<18xi32, #tpu.memory_space<smem>>
      %add3A = arith.addi %scan3A_38, %get3A_43 : i32
      scf.yield %add3A : i32
    }
    %scan3A_22 = arith.constant 17 : i32
    %swap3A = arith.constant 17 : i32
    %swap3A_23 = arith.index_cast %swap3A : i32 to index
    %swap3A_24 = memref.load %arg15[%swap3A_23] : memref<18xi32, #tpu.memory_space<smem>>
    memref.store %scan3A_21, %arg15[%swap3A_23] : memref<18xi32, #tpu.memory_space<smem>>
    %scan3A_25 = arith.constant 0 : i32
    %scan3A_26 = arith.constant 0 : i32
    %scan3A_27 = arith.constant 64 : i32
    %scan3A_28 = arith.addi %scan3A_26, %scan3A_27 : i32
    %scan3A_29 = arith.constant 1 : i32
    scf.for %scan3A_37 = %scan3A_26 to %scan3A_28 step %scan3A_29  : i32 {
      %mul3A_38 = arith.constant 16 : i32
      %mul3A_39 = arith.muli %scan3A_37, %mul3A_38 : i32
      %get3A = arith.index_cast %mul3A_39 : i32 to index
      %get3A_40 = tpu.vector_load %arg7[%get3A] {strides = array<i32>} : memref<1024xi32, #tpu.memory_space<vmem>>, vector<16xi32>,
      %get3A_41 = vector.shape_cast %get3A_40 : vector<16xi32> to vector<16xi32>
      %mul3A_42 = arith.constant 16 : i32
      %mul3A_43 = arith.muli %scan3A_37, %mul3A_42 : i32
      %get3A_44 = arith.index_cast %mul3A_43 : i32 to index
      %get3A_45 = tpu.vector_load %arg8[%get3A_44] {strides = array<i32>} : memref<1024xi32, #tpu.memory_space<vmem>>, vector<16xi32>,
      %get3A_46 = vector.shape_cast %get3A_45 : vector<16xi32> to vector<16xi32>
      %sub3A = vector.broadcast %mul3A_0 : i32 to vector<16xi32>
      %sub3A_47 = arith.subi %get3A_41, %sub3A : vector<16xi32>
      %ge3A = arith.constant 467232 : i32
      %ge3A_48 = vector.broadcast %ge3A : i32 to vector<16xi32>
      %ge3A_49 = arith.cmpi sge, %sub3A_47, %ge3A_48 : vector<16xi32>
      %shift_right_arithmetic3A = arith.constant 15 : i32
      %shift_right_arithmetic3A_50 = vector.broadcast %shift_right_arithmetic3A : i32 to vector<16xi32>
      %shift_right_arithmetic3A_51 = arith.shrsi %sub3A_47, %shift_right_arithmetic3A_50 : vector<16xi32>
      %jit3A = arith.constant 15 : i32
      %broadcast_in_dim3A = vector.broadcast %jit3A : i32 to vector<16xi32>
      %select_n3A = arith.select %ge3A_49, %broadcast_in_dim3A, %shift_right_arithmetic3A_51 : vector<16xi1>, vector<16xi32>
      %ge3A_52 = arith.constant 0 : i32
      %ge3A_53 = vector.broadcast %ge3A_52 : i32 to vector<16xi32>
      %ge3A_54 = arith.cmpi sge, %sub3A_47, %ge3A_53 : vector<16xi32>
      %lt3A = arith.constant 500000 : i32
      %lt3A_55 = vector.broadcast %lt3A : i32 to vector<16xi32>
      %lt3A_56 = arith.cmpi slt, %sub3A_47, %lt3A_55 : vector<16xi32>
      %and3A = arith.andi %ge3A_54, %lt3A_56 : vector<16xi1>
      %jit3A_57 = arith.constant 16 : i32
      %broadcast_in_dim3A_58 = vector.broadcast %jit3A_57 : i32 to vector<16xi32>
      %select_n3A_59 = arith.select %and3A, %select_n3A, %broadcast_in_dim3A_58 : vector<16xi1>, vector<16xi32>
      %slice3A = vector.extract_strided_slice %select_n3A_59 {offsets = [0], sizes = [1], strides = [1]} : vector<16xi32> to vector<1xi32>
      %squeeze3A = vector.extract %slice3A[0] : i32 from vector<1xi32>
      %get3A_60 = arith.index_cast %squeeze3A : i32 to index
      %get3A_61 = memref.load %arg16[%get3A_60] : memref<18xi32, #tpu.memory_space<smem>>
      %add3A = arith.constant 1 : i32
      %add3A_62 = arith.addi %get3A_61, %add3A : i32
      %swap3A_63 = arith.index_cast %squeeze3A : i32 to index
      %swap3A_64 = memref.load %arg16[%swap3A_63] : memref<18xi32, #tpu.memory_space<smem>>
      memref.store %add3A_62, %arg16[%swap3A_63] : memref<18xi32, #tpu.memory_space<smem>>
      %slice3A_65 = vector.extract_strided_slice %get3A_41 {offsets = [0], sizes = [1], strides = [1]} : vector<16xi32> to vector<1xi32>
      %squeeze3A_66 = vector.extract %slice3A_65[0] : i32 from vector<1xi32>
      %jit3A_67 = arith.constant 16 : i32
      %div3A = arith.divsi %get3A_61, %jit3A_67 : i32
      %sign3A = arith.constant 0 : i32
      %sign3A_68 = arith.cmpi sgt, %get3A_61, %sign3A : i32
      %sign3A_69 = arith.extui %sign3A_68 : i1 to i32
      %sign3A_70 = arith.constant 0 : i32
      %sign3A_71 = arith.cmpi slt, %get3A_61, %sign3A_70 : i32
      %sign3A_72 = arith.extui %sign3A_71 : i1 to i32
      %sign3A_73 = arith.subi %sign3A_69, %sign3A_72 : i32
      %sign3A_74 = arith.constant 0 : i32
      %sign3A_75 = arith.cmpi sgt, %jit3A_67, %sign3A_74 : i32
      %sign3A_76 = arith.extui %sign3A_75 : i1 to i32
      %sign3A_77 = arith.constant 0 : i32
      %sign3A_78 = arith.cmpi slt, %jit3A_67, %sign3A_77 : i32
      %sign3A_79 = arith.extui %sign3A_78 : i1 to i32
      %sign3A_80 = arith.subi %sign3A_76, %sign3A_79 : i32
      %ne3A = arith.cmpi ne, %sign3A_73, %sign3A_80 : i32
      %rem3A = arith.remsi %get3A_61, %jit3A_67 : i32
      %ne3A_81 = arith.constant 0 : i32
      %ne3A_82 = arith.cmpi ne, %rem3A, %ne3A_81 : i32
      %and3A_83 = arith.andi %ne3A, %ne3A_82 : i1
      %sub3A_84 = arith.constant 1 : i32
      %sub3A_85 = arith.subi %div3A, %sub3A_84 : i32
      %select_n3A_86 = arith.select %and3A_83, %sub3A_85, %div3A : i32
      %mul3A_87 = arith.constant 16 : i32
      %mul3A_88 = arith.muli %select_n3A_86, %mul3A_87 : i32
      %sub3A_89 = arith.subi %get3A_61, %mul3A_88 : i32
      %get3A_90 = arith.index_cast %mul3A_88 : i32 to index
      %get3A_91 = tpu.vector_load %arg9[%get3A_90] {strides = array<i32>} : memref<1040xi32, #tpu.memory_space<vmem>>, vector<16xi32>,
      %get3A_92 = vector.shape_cast %get3A_91 : vector<16xi32> to vector<16xi32>
      %eq3A = vector.broadcast %sub3A_89 : i32 to vector<16xi32>
      %eq3A_93 = arith.cmpi eq, %iota3A, %eq3A : vector<16xi32>
      %broadcast_in_dim3A_94 = vector.broadcast %squeeze3A_66 : i32 to vector<16xi32>
      %select_n3A_95 = arith.select %eq3A_93, %broadcast_in_dim3A_94, %get3A_92 : vector<16xi1>, vector<16xi32>
      %swap3A_96 = arith.index_cast %mul3A_88 : i32 to index
      %swap3A_97 = tpu.vector_load %arg9[%swap3A_96] {strides = array<i32>} : memref<1040xi32, #tpu.memory_space<vmem>>, vector<16xi32>,
      %swap3A_98 = vector.shape_cast %swap3A_97 : vector<16xi32> to vector<16xi32>
      %swap3A_99 = vector.shape_cast %select_n3A_95 : vector<16xi32> to vector<16xi32>
      tpu.vector_store %arg9[%swap3A_96], %swap3A_99 {strides = array<i32>} : memref<1040xi32, #tpu.memory_space<vmem>>, vector<16xi32>,
      %slice3A_100 = vector.extract_strided_slice %get3A_46 {offsets = [0], sizes = [1], strides = [1]} : vector<16xi32> to vector<1xi32>
      %squeeze3A_101 = vector.extract %slice3A_100[0] : i32 from vector<1xi32>
      %jit3A_102 = arith.constant 16 : i32
      %div3A_103 = arith.divsi %get3A_61, %jit3A_102 : i32
      %sign3A_104 = arith.constant 0 : i32
      %sign3A_105 = arith.cmpi sgt, %get3A_61, %sign3A_104 : i32
      %sign3A_106 = arith.extui %sign3A_105 : i1 to i32
      %sign3A_107 = arith.constant 0 : i32
      %sign3A_108 = arith.cmpi slt, %get3A_61, %sign3A_107 : i32
      %sign3A_109 = arith.extui %sign3A_108 : i1 to i32
      %sign3A_110 = arith.subi %sign3A_106, %sign3A_109 : i32
      %sign3A_111 = arith.constant 0 : i32
      %sign3A_112 = arith.cmpi sgt, %jit3A_102, %sign3A_111 : i32
      %sign3A_113 = arith.extui %sign3A_112 : i1 to i32
      %sign3A_114 = arith.constant 0 : i32
      %sign3A_115 = arith.cmpi slt, %jit3A_102, %sign3A_114 : i32
      %sign3A_116 = arith.extui %sign3A_115 : i1 to i32
      %sign3A_117 = arith.subi %sign3A_113, %sign3A_116 : i32
      %ne3A_118 = arith.cmpi ne, %sign3A_110, %sign3A_117 : i32
      %rem3A_119 = arith.remsi %get3A_61, %jit3A_102 : i32
      %ne3A_120 = arith.constant 0 : i32
      %ne3A_121 = arith.cmpi ne, %rem3A_119, %ne3A_120 : i32
      %and3A_122 = arith.andi %ne3A_118, %ne3A_121 : i1
      %sub3A_123 = arith.constant 1 : i32
      %sub3A_124 = arith.subi %div3A_103, %sub3A_123 : i32
      %select_n3A_125 = arith.select %and3A_122, %sub3A_124, %div3A_103 : i32
      %mul3A_126 = arith.constant 16 : i32
      %mul3A_127 = arith.muli %select_n3A_125, %mul3A_126 : i32
      %sub3A_128 = arith.subi %get3A_61, %mul3A_127 : i32
      %get3A_129 = arith.index_cast %mul3A_127 : i32 to index
      %get3A_130 = tpu.vector_load %arg10[%get3A_129] {strides = array<i32>} : memref<1040xi32, #tpu.memory_space<vmem>>, vector<16xi32>,
      %get3A_131 = vector.shape_cast %get3A_130 : vector<16xi32> to vector<16xi32>
      %eq3A_132 = vector.broadcast %sub3A_128 : i32 to vector<16xi32>
      %eq3A_133 = arith.cmpi eq, %iota3A, %eq3A_132 : vector<16xi32>
      %broadcast_in_dim3A_134 = vector.broadcast %squeeze3A_101 : i32 to vector<16xi32>
      %select_n3A_135 = arith.select %eq3A_133, %broadcast_in_dim3A_134, %get3A_131 : vector<16xi1>, vector<16xi32>
      %swap3A_136 = arith.index_cast %mul3A_127 : i32 to index
      %swap3A_137 = tpu.vector_load %arg10[%swap3A_136] {strides = array<i32>} : memref<1040xi32, #tpu.memory_space<vmem>>, vector<16xi32>,
      %swap3A_138 = vector.shape_cast %swap3A_137 : vector<16xi32> to vector<16xi32>
      %swap3A_139 = vector.shape_cast %select_n3A_135 : vector<16xi32> to vector<16xi32>
      tpu.vector_store %arg10[%swap3A_136], %swap3A_139 {strides = array<i32>} : memref<1040xi32, #tpu.memory_space<vmem>>, vector<16xi32>,
      %slice3A_140 = vector.extract_strided_slice %select_n3A_59 {offsets = [1], sizes = [1], strides = [1]} : vector<16xi32> to vector<1xi32>
      %squeeze3A_141 = vector.extract %slice3A_140[0] : i32 from vector<1xi32>
      %get3A_142 = arith.index_cast %squeeze3A_141 : i32 to index
      %get3A_143 = memref.load %arg16[%get3A_142] : memref<18xi32, #tpu.memory_space<smem>>
      %add3A_144 = arith.constant 1 : i32
      %add3A_145 = arith.addi %get3A_143, %add3A_144 : i32
      %swap3A_146 = arith.index_cast %squeeze3A_141 : i32 to index
      %swap3A_147 = memref.load %arg16[%swap3A_146] : memref<18xi32, #tpu.memory_space<smem>>
      memref.store %add3A_145, %arg16[%swap3A_146] : memref<18xi32, #tpu.memory_space<smem>>
      %slice3A_148 = vector.extract_strided_slice %get3A_41 {offsets = [1], sizes = [1], strides = [1]} : vector<16xi32> to vector<1xi32>
      %squeeze3A_149 = vector.extract %slice3A_148[0] : i32 from vector<1xi32>
      %jit3A_150 = arith.constant 16 : i32
      %div3A_151 = arith.divsi %get3A_143, %jit3A_150 : i32
      %sign3A_152 = arith.constant 0 : i32
      %sign3A_153 = arith.cmpi sgt, %get3A_143, %sign3A_152 : i32
      %sign3A_154 = arith.extui %sign3A_153 : i1 to i32
      %sign3A_155 = arith.constant 0 : i32
      %sign3A_156 = arith.cmpi slt, %get3A_143, %sign3A_155 : i32
      %sign3A_157 = arith.extui %sign3A_156 : i1 to i32
      %sign3A_158 = arith.subi %sign3A_154, %sign3A_157 : i32
      %sign3A_159 = arith.constant 0 : i32
      %sign3A_160 = arith.cmpi sgt, %jit3A_150, %sign3A_159 : i32
      %sign3A_161 = arith.extui %sign3A_160 : i1 to i32
      %sign3A_162 = arith.constant 0 : i32
      %sign3A_163 = arith.cmpi slt, %jit3A_150, %sign3A_162 : i32
      %sign3A_164 = arith.extui %sign3A_163 : i1 to i32
      %sign3A_165 = arith.subi %sign3A_161, %sign3A_164 : i32
      %ne3A_166 = arith.cmpi ne, %sign3A_158, %sign3A_165 : i32
      %rem3A_167 = arith.remsi %get3A_143, %jit3A_150 : i32
      %ne3A_168 = arith.constant 0 : i32
      %ne3A_169 = arith.cmpi ne, %rem3A_167, %ne3A_168 : i32
      %and3A_170 = arith.andi %ne3A_166, %ne3A_169 : i1
      %sub3A_171 = arith.constant 1 : i32
      %sub3A_172 = arith.subi %div3A_151, %sub3A_171 : i32
      %select_n3A_173 = arith.select %and3A_170, %sub3A_172, %div3A_151 : i32
      %mul3A_174 = arith.constant 16 : i32
      %mul3A_175 = arith.muli %select_n3A_173, %mul3A_174 : i32
      %sub3A_176 = arith.subi %get3A_143, %mul3A_175 : i32
      %get3A_177 = arith.index_cast %mul3A_175 : i32 to index
      %get3A_178 = tpu.vector_load %arg9[%get3A_177] {strides = array<i32>} : memref<1040xi32, #tpu.memory_space<vmem>>, vector<16xi32>,
      %get3A_179 = vector.shape_cast %get3A_178 : vector<16xi32> to vector<16xi32>
      %eq3A_180 = vector.broadcast %sub3A_176 : i32 to vector<16xi32>
      %eq3A_181 = arith.cmpi eq, %iota3A, %eq3A_180 : vector<16xi32>
      %broadcast_in_dim3A_182 = vector.broadcast %squeeze3A_149 : i32 to vector<16xi32>
      %select_n3A_183 = arith.select %eq3A_181, %broadcast_in_dim3A_182, %get3A_179 : vector<16xi1>, vector<16xi32>
      %swap3A_184 = arith.index_cast %mul3A_175 : i32 to index
      %swap3A_185 = tpu.vector_load %arg9[%swap3A_184] {strides = array<i32>} : memref<1040xi32, #tpu.memory_space<vmem>>, vector<16xi32>,
      %swap3A_186 = vector.shape_cast %swap3A_185 : vector<16xi32> to vector<16xi32>
      %swap3A_187 = vector.shape_cast %select_n3A_183 : vector<16xi32> to vector<16xi32>
      tpu.vector_store %arg9[%swap3A_184], %swap3A_187 {strides = array<i32>} : memref<1040xi32, #tpu.memory_space<vmem>>, vector<16xi32>,
      %slice3A_188 = vector.extract_strided_slice %get3A_46 {offsets = [1], sizes = [1], strides = [1]} : vector<16xi32> to vector<1xi32>
      %squeeze3A_189 = vector.extract %slice3A_188[0] : i32 from vector<1xi32>
      %jit3A_190 = arith.constant 16 : i32
      %div3A_191 = arith.divsi %get3A_143, %jit3A_190 : i32
      %sign3A_192 = arith.constant 0 : i32
      %sign3A_193 = arith.cmpi sgt, %get3A_143, %sign3A_192 : i32
      %sign3A_194 = arith.extui %sign3A_193 : i1 to i32
      %sign3A_195 = arith.constant 0 : i32
      %sign3A_196 = arith.cmpi slt, %get3A_143, %sign3A_195 : i32
      %sign3A_197 = arith.extui %sign3A_196 : i1 to i32
      %sign3A_198 = arith.subi %sign3A_194, %sign3A_197 : i32
      %sign3A_199 = arith.constant 0 : i32
      %sign3A_200 = arith.cmpi sgt, %jit3A_190, %sign3A_199 : i32
      %sign3A_201 = arith.extui %sign3A_200 : i1 to i32
      %sign3A_202 = arith.constant 0 : i32
      %sign3A_203 = arith.cmpi slt, %jit3A_190, %sign3A_202 : i32
      %sign3A_204 = arith.extui %sign3A_203 : i1 to i32
      %sign3A_205 = arith.subi %sign3A_201, %sign3A_204 : i32
      %ne3A_206 = arith.cmpi ne, %sign3A_198, %sign3A_205 : i32
      %rem3A_207 = arith.remsi %get3A_143, %jit3A_190 : i32
      %ne3A_208 = arith.constant 0 : i32
      %ne3A_209 = arith.cmpi ne, %rem3A_207, %ne3A_208 : i32
      %and3A_210 = arith.andi %ne3A_206, %ne3A_209 : i1
      %sub3A_211 = arith.constant 1 : i32
      %sub3A_212 = arith.subi %div3A_191, %sub3A_211 : i32
      %select_n3A_213 = arith.select %and3A_210, %sub3A_212, %div3A_191 : i32
      %mul3A_214 = arith.constant 16 : i32
      %mul3A_215 = arith.muli %select_n3A_213, %mul3A_214 : i32
      %sub3A_216 = arith.subi %get3A_143, %mul3A_215 : i32
      %get3A_217 = arith.index_cast %mul3A_215 : i32 to index
      %get3A_218 = tpu.vector_load %arg10[%get3A_217] {strides = array<i32>} : memref<1040xi32, #tpu.memory_space<vmem>>, vector<16xi32>,
      %get3A_219 = vector.shape_cast %get3A_218 : vector<16xi32> to vector<16xi32>
      %eq3A_220 = vector.broadcast %sub3A_216 : i32 to vector<16xi32>
      %eq3A_221 = arith.cmpi eq, %iota3A, %eq3A_220 : vector<16xi32>
      %broadcast_in_dim3A_222 = vector.broadcast %squeeze3A_189 : i32 to vector<16xi32>
      %select_n3A_223 = arith.select %eq3A_221, %broadcast_in_dim3A_222, %get3A_219 : vector<16xi1>, vector<16xi32>
      %swap3A_224 = arith.index_cast %mul3A_215 : i32 to index
      %swap3A_225 = tpu.vector_load %arg10[%swap3A_224] {strides = array<i32>} : memref<1040xi32, #tpu.memory_space<vmem>>, vector<16xi32>,
      %swap3A_226 = vector.shape_cast %swap3A_225 : vector<16xi32> to vector<16xi32>
      %swap3A_227 = vector.shape_cast %select_n3A_223 : vector<16xi32> to vector<16xi32>
      tpu.vector_store %arg10[%swap3A_224], %swap3A_227 {strides = array<i32>} : memref<1040xi32, #tpu.memory_space<vmem>>, vector<16xi32>,
      %slice3A_228 = vector.extract_strided_slice %select_n3A_59 {offsets = [2], sizes = [1], strides = [1]} : vector<16xi32> to vector<1xi32>
      %squeeze3A_229 = vector.extract %slice3A_228[0] : i32 from vector<1xi32>
      %get3A_230 = arith.index_cast %squeeze3A_229 : i32 to index
      %get3A_231 = memref.load %arg16[%get3A_230] : memref<18xi32, #tpu.memory_space<smem>>
      %add3A_232 = arith.constant 1 : i32
      %add3A_233 = arith.addi %get3A_231, %add3A_232 : i32
      %swap3A_234 = arith.index_cast %squeeze3A_229 : i32 to index
      %swap3A_235 = memref.load %arg16[%swap3A_234] : memref<18xi32, #tpu.memory_space<smem>>
      memref.store %add3A_233, %arg16[%swap3A_234] : memref<18xi32, #tpu.memory_space<smem>>
      %slice3A_236 = vector.extract_strided_slice %get3A_41 {offsets = [2], sizes = [1], strides = [1]} : vector<16xi32> to vector<1xi32>
      %squeeze3A_237 = vector.extract %slice3A_236[0] : i32 from vector<1xi32>
      %jit3A_238 = arith.constant 16 : i32
      %div3A_239 = arith.divsi %get3A_231, %jit3A_238 : i32
      %sign3A_240 = arith.constant 0 : i32
      %sign3A_241 = arith.cmpi sgt, %get3A_231, %sign3A_240 : i32
      %sign3A_242 = arith.extui %sign3A_241 : i1 to i32
      %sign3A_243 = arith.constant 0 : i32
      %sign3A_244 = arith.cmpi slt, %get3A_231, %sign3A_243 : i32
      %sign3A_245 = arith.extui %sign3A_244 : i1 to i32
      %sign3A_246 = arith.subi %sign3A_242, %sign3A_245 : i32
      %sign3A_247 = arith.constant 0 : i32
      %sign3A_248 = arith.cmpi sgt, %jit3A_238, %sign3A_247 : i32
      %sign3A_249 = arith.extui %sign3A_248 : i1 to i32
      %sign3A_250 = arith.constant 0 : i32
      %sign3A_251 = arith.cmpi slt, %jit3A_238, %sign3A_250 : i32
      %sign3A_252 = arith.extui %sign3A_251 : i1 to i32
      %sign3A_253 = arith.subi %sign3A_249, %sign3A_252 : i32
      %ne3A_254 = arith.cmpi ne, %sign3A_246, %sign3A_253 : i32
      %rem3A_255 = arith.remsi %get3A_231, %jit3A_238 : i32
      %ne3A_256 = arith.constant 0 : i32
      %ne3A_257 = arith.cmpi ne, %rem3A_255, %ne3A_256 : i32
      %and3A_258 = arith.andi %ne3A_254, %ne3A_257 : i1
      %sub3A_259 = arith.constant 1 : i32
      %sub3A_260 = arith.subi %div3A_239, %sub3A_259 : i32
      %select_n3A_261 = arith.select %and3A_258, %sub3A_260, %div3A_239 : i32
      %mul3A_262 = arith.constant 16 : i32
      %mul3A_263 = arith.muli %select_n3A_261, %mul3A_262 : i32
      %sub3A_264 = arith.subi %get3A_231, %mul3A_263 : i32
      %get3A_265 = arith.index_cast %mul3A_263 : i32 to index
      %get3A_266 = tpu.vector_load %arg9[%get3A_265] {strides = array<i32>} : memref<1040xi32, #tpu.memory_space<vmem>>, vector<16xi32>,
      %get3A_267 = vector.shape_cast %get3A_266 : vector<16xi32> to vector<16xi32>
      %eq3A_268 = vector.broadcast %sub3A_264 : i32 to vector<16xi32>
      %eq3A_269 = arith.cmpi eq, %iota3A, %eq3A_268 : vector<16xi32>
      %broadcast_in_dim3A_270 = vector.broadcast %squeeze3A_237 : i32 to vector<16xi32>
      %select_n3A_271 = arith.select %eq3A_269, %broadcast_in_dim3A_270, %get3A_267 : vector<16xi1>, vector<16xi32>
      %swap3A_272 = arith.index_cast %mul3A_263 : i32 to index
      %swap3A_273 = tpu.vector_load %arg9[%swap3A_272] {strides = array<i32>} : memref<1040xi32, #tpu.memory_space<vmem>>, vector<16xi32>,
      %swap3A_274 = vector.shape_cast %swap3A_273 : vector<16xi32> to vector<16xi32>
      %swap3A_275 = vector.shape_cast %select_n3A_271 : vector<16xi32> to vector<16xi32>
      tpu.vector_store %arg9[%swap3A_272], %swap3A_275 {strides = array<i32>} : memref<1040xi32, #tpu.memory_space<vmem>>, vector<16xi32>,
      %slice3A_276 = vector.extract_strided_slice %get3A_46 {offsets = [2], sizes = [1], strides = [1]} : vector<16xi32> to vector<1xi32>
      %squeeze3A_277 = vector.extract %slice3A_276[0] : i32 from vector<1xi32>
      %jit3A_278 = arith.constant 16 : i32
      %div3A_279 = arith.divsi %get3A_231, %jit3A_278 : i32
      %sign3A_280 = arith.constant 0 : i32
      %sign3A_281 = arith.cmpi sgt, %get3A_231, %sign3A_280 : i32
      %sign3A_282 = arith.extui %sign3A_281 : i1 to i32
      %sign3A_283 = arith.constant 0 : i32
      %sign3A_284 = arith.cmpi slt, %get3A_231, %sign3A_283 : i32
      %sign3A_285 = arith.extui %sign3A_284 : i1 to i32
      %sign3A_286 = arith.subi %sign3A_282, %sign3A_285 : i32
      %sign3A_287 = arith.constant 0 : i32
      %sign3A_288 = arith.cmpi sgt, %jit3A_278, %sign3A_287 : i32
      %sign3A_289 = arith.extui %sign3A_288 : i1 to i32
      %sign3A_290 = arith.constant 0 : i32
      %sign3A_291 = arith.cmpi slt, %jit3A_278, %sign3A_290 : i32
      %sign3A_292 = arith.extui %sign3A_291 : i1 to i32
      %sign3A_293 = arith.subi %sign3A_289, %sign3A_292 : i32
      %ne3A_294 = arith.cmpi ne, %sign3A_286, %sign3A_293 : i32
      %rem3A_295 = arith.remsi %get3A_231, %jit3A_278 : i32
      %ne3A_296 = arith.constant 0 : i32
      %ne3A_297 = arith.cmpi ne, %rem3A_295, %ne3A_296 : i32
      %and3A_298 = arith.andi %ne3A_294, %ne3A_297 : i1
      %sub3A_299 = arith.constant 1 : i32
      %sub3A_300 = arith.subi %div3A_279, %sub3A_299 : i32
      %select_n3A_301 = arith.select %and3A_298, %sub3A_300, %div3A_279 : i32
      %mul3A_302 = arith.constant 16 : i32
      %mul3A_303 = arith.muli %select_n3A_301, %mul3A_302 : i32
      %sub3A_304 = arith.subi %get3A_231, %mul3A_303 : i32
      %get3A_305 = arith.index_cast %mul3A_303 : i32 to index
      %get3A_306 = tpu.vector_load %arg10[%get3A_305] {strides = array<i32>} : memref<1040xi32, #tpu.memory_space<vmem>>, vector<16xi32>,
      %get3A_307 = vector.shape_cast %get3A_306 : vector<16xi32> to vector<16xi32>
      %eq3A_308 = vector.broadcast %sub3A_304 : i32 to vector<16xi32>
      %eq3A_309 = arith.cmpi eq, %iota3A, %eq3A_308 : vector<16xi32>
      %broadcast_in_dim3A_310 = vector.broadcast %squeeze3A_277 : i32 to vector<16xi32>
      %select_n3A_311 = arith.select %eq3A_309, %broadcast_in_dim3A_310, %get3A_307 : vector<16xi1>, vector<16xi32>
      %swap3A_312 = arith.index_cast %mul3A_303 : i32 to index
      %swap3A_313 = tpu.vector_load %arg10[%swap3A_312] {strides = array<i32>} : memref<1040xi32, #tpu.memory_space<vmem>>, vector<16xi32>,
      %swap3A_314 = vector.shape_cast %swap3A_313 : vector<16xi32> to vector<16xi32>
      %swap3A_315 = vector.shape_cast %select_n3A_311 : vector<16xi32> to vector<16xi32>
      tpu.vector_store %arg10[%swap3A_312], %swap3A_315 {strides = array<i32>} : memref<1040xi32, #tpu.memory_space<vmem>>, vector<16xi32>,
      %slice3A_316 = vector.extract_strided_slice %select_n3A_59 {offsets = [3], sizes = [1], strides = [1]} : vector<16xi32> to vector<1xi32>
      %squeeze3A_317 = vector.extract %slice3A_316[0] : i32 from vector<1xi32>
      %get3A_318 = arith.index_cast %squeeze3A_317 : i32 to index
      %get3A_319 = memref.load %arg16[%get3A_318] : memref<18xi32, #tpu.memory_space<smem>>
      %add3A_320 = arith.constant 1 : i32
      %add3A_321 = arith.addi %get3A_319, %add3A_320 : i32
      %swap3A_322 = arith.index_cast %squeeze3A_317 : i32 to index
      %swap3A_323 = memref.load %arg16[%swap3A_322] : memref<18xi32, #tpu.memory_space<smem>>
      memref.store %add3A_321, %arg16[%swap3A_322] : memref<18xi32, #tpu.memory_space<smem>>
      %slice3A_324 = vector.extract_strided_slice %get3A_41 {offsets = [3], sizes = [1], strides = [1]} : vector<16xi32> to vector<1xi32>
      %squeeze3A_325 = vector.extract %slice3A_324[0] : i32 from vector<1xi32>
      %jit3A_326 = arith.constant 16 : i32
      %div3A_327 = arith.divsi %get3A_319, %jit3A_326 : i32
      %sign3A_328 = arith.constant 0 : i32
      %sign3A_329 = arith.cmpi sgt, %get3A_319, %sign3A_328 : i32
      %sign3A_330 = arith.extui %sign3A_329 : i1 to i32
      %sign3A_331 = arith.constant 0 : i32
      %sign3A_332 = arith.cmpi slt, %get3A_319, %sign3A_331 : i32
      %sign3A_333 = arith.extui %sign3A_332 : i1 to i32
      %sign3A_334 = arith.subi %sign3A_330, %sign3A_333 : i32
      %sign3A_335 = arith.constant 0 : i32
      %sign3A_336 = arith.cmpi sgt, %jit3A_326, %sign3A_335 : i32
      %sign3A_337 = arith.extui %sign3A_336 : i1 to i32
      %sign3A_338 = arith.constant 0 : i32
      %sign3A_339 = arith.cmpi slt, %jit3A_326, %sign3A_338 : i32
      %sign3A_340 = arith.extui %sign3A_339 : i1 to i32
      %sign3A_341 = arith.subi %sign3A_337, %sign3A_340 : i32
      %ne3A_342 = arith.cmpi ne, %sign3A_334, %sign3A_341 : i32
      %rem3A_343 = arith.remsi %get3A_319, %jit3A_326 : i32
      %ne3A_344 = arith.constant 0 : i32
      %ne3A_345 = arith.cmpi ne, %rem3A_343, %ne3A_344 : i32
      %and3A_346 = arith.andi %ne3A_342, %ne3A_345 : i1
      %sub3A_347 = arith.constant 1 : i32
      %sub3A_348 = arith.subi %div3A_327, %sub3A_347 : i32
      %select_n3A_349 = arith.select %and3A_346, %sub3A_348, %div3A_327 : i32
      %mul3A_350 = arith.constant 16 : i32
      %mul3A_351 = arith.muli %select_n3A_349, %mul3A_350 : i32
      %sub3A_352 = arith.subi %get3A_319, %mul3A_351 : i32
      %get3A_353 = arith.index_cast %mul3A_351 : i32 to index
      %get3A_354 = tpu.vector_load %arg9[%get3A_353] {strides = array<i32>} : memref<1040xi32, #tpu.memory_space<vmem>>, vector<16xi32>,
      %get3A_355 = vector.shape_cast %get3A_354 : vector<16xi32> to vector<16xi32>
      %eq3A_356 = vector.broadcast %sub3A_352 : i32 to vector<16xi32>
      %eq3A_357 = arith.cmpi eq, %iota3A, %eq3A_356 : vector<16xi32>
      %broadcast_in_dim3A_358 = vector.broadcast %squeeze3A_325 : i32 to vector<16xi32>
      %select_n3A_359 = arith.select %eq3A_357, %broadcast_in_dim3A_358, %get3A_355 : vector<16xi1>, vector<16xi32>
      %swap3A_360 = arith.index_cast %mul3A_351 : i32 to index
      %swap3A_361 = tpu.vector_load %arg9[%swap3A_360] {strides = array<i32>} : memref<1040xi32, #tpu.memory_space<vmem>>, vector<16xi32>,
      %swap3A_362 = vector.shape_cast %swap3A_361 : vector<16xi32> to vector<16xi32>
      %swap3A_363 = vector.shape_cast %select_n3A_359 : vector<16xi32> to vector<16xi32>
      tpu.vector_store %arg9[%swap3A_360], %swap3A_363 {strides = array<i32>} : memref<1040xi32, #tpu.memory_space<vmem>>, vector<16xi32>,
      %slice3A_364 = vector.extract_strided_slice %get3A_46 {offsets = [3], sizes = [1], strides = [1]} : vector<16xi32> to vector<1xi32>
      %squeeze3A_365 = vector.extract %slice3A_364[0] : i32 from vector<1xi32>
      %jit3A_366 = arith.constant 16 : i32
      %div3A_367 = arith.divsi %get3A_319, %jit3A_366 : i32
      %sign3A_368 = arith.constant 0 : i32
      %sign3A_369 = arith.cmpi sgt, %get3A_319, %sign3A_368 : i32
      %sign3A_370 = arith.extui %sign3A_369 : i1 to i32
      %sign3A_371 = arith.constant 0 : i32
      %sign3A_372 = arith.cmpi slt, %get3A_319, %sign3A_371 : i32
      %sign3A_373 = arith.extui %sign3A_372 : i1 to i32
      %sign3A_374 = arith.subi %sign3A_370, %sign3A_373 : i32
      %sign3A_375 = arith.constant 0 : i32
      %sign3A_376 = arith.cmpi sgt, %jit3A_366, %sign3A_375 : i32
      %sign3A_377 = arith.extui %sign3A_376 : i1 to i32
      %sign3A_378 = arith.constant 0 : i32
      %sign3A_379 = arith.cmpi slt, %jit3A_366, %sign3A_378 : i32
      %sign3A_380 = arith.extui %sign3A_379 : i1 to i32
      %sign3A_381 = arith.subi %sign3A_377, %sign3A_380 : i32
      %ne3A_382 = arith.cmpi ne, %sign3A_374, %sign3A_381 : i32
      %rem3A_383 = arith.remsi %get3A_319, %jit3A_366 : i32
      %ne3A_384 = arith.constant 0 : i32
      %ne3A_385 = arith.cmpi ne, %rem3A_383, %ne3A_384 : i32
      %and3A_386 = arith.andi %ne3A_382, %ne3A_385 : i1
      %sub3A_387 = arith.constant 1 : i32
      %sub3A_388 = arith.subi %div3A_367, %sub3A_387 : i32
      %select_n3A_389 = arith.select %and3A_386, %sub3A_388, %div3A_367 : i32
      %mul3A_390 = arith.constant 16 : i32
      %mul3A_391 = arith.muli %select_n3A_389, %mul3A_390 : i32
      %sub3A_392 = arith.subi %get3A_319, %mul3A_391 : i32
      %get3A_393 = arith.index_cast %mul3A_391 : i32 to index
      %get3A_394 = tpu.vector_load %arg10[%get3A_393] {strides = array<i32>} : memref<1040xi32, #tpu.memory_space<vmem>>, vector<16xi32>,
      %get3A_395 = vector.shape_cast %get3A_394 : vector<16xi32> to vector<16xi32>
      %eq3A_396 = vector.broadcast %sub3A_392 : i32 to vector<16xi32>
      %eq3A_397 = arith.cmpi eq, %iota3A, %eq3A_396 : vector<16xi32>
      %broadcast_in_dim3A_398 = vector.broadcast %squeeze3A_365 : i32 to vector<16xi32>
      %select_n3A_399 = arith.select %eq3A_397, %broadcast_in_dim3A_398, %get3A_395 : vector<16xi1>, vector<16xi32>
      %swap3A_400 = arith.index_cast %mul3A_391 : i32 to index
      %swap3A_401 = tpu.vector_load %arg10[%swap3A_400] {strides = array<i32>} : memref<1040xi32, #tpu.memory_space<vmem>>, vector<16xi32>,
      %swap3A_402 = vector.shape_cast %swap3A_401 : vector<16xi32> to vector<16xi32>
      %swap3A_403 = vector.shape_cast %select_n3A_399 : vector<16xi32> to vector<16xi32>
      tpu.vector_store %arg10[%swap3A_400], %swap3A_403 {strides = array<i32>} : memref<1040xi32, #tpu.memory_space<vmem>>, vector<16xi32>,
      %slice3A_404 = vector.extract_strided_slice %select_n3A_59 {offsets = [4], sizes = [1], strides = [1]} : vector<16xi32> to vector<1xi32>
      %squeeze3A_405 = vector.extract %slice3A_404[0] : i32 from vector<1xi32>
      %get3A_406 = arith.index_cast %squeeze3A_405 : i32 to index
      %get3A_407 = memref.load %arg16[%get3A_406] : memref<18xi32, #tpu.memory_space<smem>>
      %add3A_408 = arith.constant 1 : i32
      %add3A_409 = arith.addi %get3A_407, %add3A_408 : i32
      %swap3A_410 = arith.index_cast %squeeze3A_405 : i32 to index
      %swap3A_411 = memref.load %arg16[%swap3A_410] : memref<18xi32, #tpu.memory_space<smem>>
      memref.store %add3A_409, %arg16[%swap3A_410] : memref<18xi32, #tpu.memory_space<smem>>
      %slice3A_412 = vector.extract_strided_slice %get3A_41 {offsets = [4], sizes = [1], strides = [1]} : vector<16xi32> to vector<1xi32>
      %squeeze3A_413 = vector.extract %slice3A_412[0] : i32 from vector<1xi32>
      %jit3A_414 = arith.constant 16 : i32
      %div3A_415 = arith.divsi %get3A_407, %jit3A_414 : i32
      %sign3A_416 = arith.constant 0 : i32
      %sign3A_417 = arith.cmpi sgt, %get3A_407, %sign3A_416 : i32
      %sign3A_418 = arith.extui %sign3A_417 : i1 to i32
      %sign3A_419 = arith.constant 0 : i32
      %sign3A_420 = arith.cmpi slt, %get3A_407, %sign3A_419 : i32
      %sign3A_421 = arith.extui %sign3A_420 : i1 to i32
      %sign3A_422 = arith.subi %sign3A_418, %sign3A_421 : i32
      %sign3A_423 = arith.constant 0 : i32
      %sign3A_424 = arith.cmpi sgt, %jit3A_414, %sign3A_423 : i32
      %sign3A_425 = arith.extui %sign3A_424 : i1 to i32
      %sign3A_426 = arith.constant 0 : i32
      %sign3A_427 = arith.cmpi slt, %jit3A_414, %sign3A_426 : i32
      %sign3A_428 = arith.extui %sign3A_427 : i1 to i32
      %sign3A_429 = arith.subi %sign3A_425, %sign3A_428 : i32
      %ne3A_430 = arith.cmpi ne, %sign3A_422, %sign3A_429 : i32
      %rem3A_431 = arith.remsi %get3A_407, %jit3A_414 : i32
      %ne3A_432 = arith.constant 0 : i32
      %ne3A_433 = arith.cmpi ne, %rem3A_431, %ne3A_432 : i32
      %and3A_434 = arith.andi %ne3A_430, %ne3A_433 : i1
      %sub3A_435 = arith.constant 1 : i32
      %sub3A_436 = arith.subi %div3A_415, %sub3A_435 : i32
      %select_n3A_437 = arith.select %and3A_434, %sub3A_436, %div3A_415 : i32
      %mul3A_438 = arith.constant 16 : i32
      %mul3A_439 = arith.muli %select_n3A_437, %mul3A_438 : i32
      %sub3A_440 = arith.subi %get3A_407, %mul3A_439 : i32
      %get3A_441 = arith.index_cast %mul3A_439 : i32 to index
      %get3A_442 = tpu.vector_load %arg9[%get3A_441] {strides = array<i32>} : memref<1040xi32, #tpu.memory_space<vmem>>, vector<16xi32>,
      %get3A_443 = vector.shape_cast %get3A_442 : vector<16xi32> to vector<16xi32>
      %eq3A_444 = vector.broadcast %sub3A_440 : i32 to vector<16xi32>
      %eq3A_445 = arith.cmpi eq, %iota3A, %eq3A_444 : vector<16xi32>
      %broadcast_in_dim3A_446 = vector.broadcast %squeeze3A_413 : i32 to vector<16xi32>
      %select_n3A_447 = arith.select %eq3A_445, %broadcast_in_dim3A_446, %get3A_443 : vector<16xi1>, vector<16xi32>
      %swap3A_448 = arith.index_cast %mul3A_439 : i32 to index
      %swap3A_449 = tpu.vector_load %arg9[%swap3A_448] {strides = array<i32>} : memref<1040xi32, #tpu.memory_space<vmem>>, vector<16xi32>,
      %swap3A_450 = vector.shape_cast %swap3A_449 : vector<16xi32> to vector<16xi32>
      %swap3A_451 = vector.shape_cast %select_n3A_447 : vector<16xi32> to vector<16xi32>
      tpu.vector_store %arg9[%swap3A_448], %swap3A_451 {strides = array<i32>} : memref<1040xi32, #tpu.memory_space<vmem>>, vector<16xi32>,
      %slice3A_452 = vector.extract_strided_slice %get3A_46 {offsets = [4], sizes = [1], strides = [1]} : vector<16xi32> to vector<1xi32>
      %squeeze3A_453 = vector.extract %slice3A_452[0] : i32 from vector<1xi32>
      %jit3A_454 = arith.constant 16 : i32
      %div3A_455 = arith.divsi %get3A_407, %jit3A_454 : i32
      %sign3A_456 = arith.constant 0 : i32
      %sign3A_457 = arith.cmpi sgt, %get3A_407, %sign3A_456 : i32
      %sign3A_458 = arith.extui %sign3A_457 : i1 to i32
      %sign3A_459 = arith.constant 0 : i32
      %sign3A_460 = arith.cmpi slt, %get3A_407, %sign3A_459 : i32
      %sign3A_461 = arith.extui %sign3A_460 : i1 to i32
      %sign3A_462 = arith.subi %sign3A_458, %sign3A_461 : i32
      %sign3A_463 = arith.constant 0 : i32
      %sign3A_464 = arith.cmpi sgt, %jit3A_454, %sign3A_463 : i32
      %sign3A_465 = arith.extui %sign3A_464 : i1 to i32
      %sign3A_466 = arith.constant 0 : i32
      %sign3A_467 = arith.cmpi slt, %jit3A_454, %sign3A_466 : i32
      %sign3A_468 = arith.extui %sign3A_467 : i1 to i32
      %sign3A_469 = arith.subi %sign3A_465, %sign3A_468 : i32
      %ne3A_470 = arith.cmpi ne, %sign3A_462, %sign3A_469 : i32
      %rem3A_471 = arith.remsi %get3A_407, %jit3A_454 : i32
      %ne3A_472 = arith.constant 0 : i32
      %ne3A_473 = arith.cmpi ne, %rem3A_471, %ne3A_472 : i32
      %and3A_474 = arith.andi %ne3A_470, %ne3A_473 : i1
      %sub3A_475 = arith.constant 1 : i32
      %sub3A_476 = arith.subi %div3A_455, %sub3A_475 : i32
      %select_n3A_477 = arith.select %and3A_474, %sub3A_476, %div3A_455 : i32
      %mul3A_478 = arith.constant 16 : i32
      %mul3A_479 = arith.muli %select_n3A_477, %mul3A_478 : i32
      %sub3A_480 = arith.subi %get3A_407, %mul3A_479 : i32
      %get3A_481 = arith.index_cast %mul3A_479 : i32 to index
      %get3A_482 = tpu.vector_load %arg10[%get3A_481] {strides = array<i32>} : memref<1040xi32, #tpu.memory_space<vmem>>, vector<16xi32>,
      %get3A_483 = vector.shape_cast %get3A_482 : vector<16xi32> to vector<16xi32>
      %eq3A_484 = vector.broadcast %sub3A_480 : i32 to vector<16xi32>
      %eq3A_485 = arith.cmpi eq, %iota3A, %eq3A_484 : vector<16xi32>
      %broadcast_in_dim3A_486 = vector.broadcast %squeeze3A_453 : i32 to vector<16xi32>
      %select_n3A_487 = arith.select %eq3A_485, %broadcast_in_dim3A_486, %get3A_483 : vector<16xi1>, vector<16xi32>
      %swap3A_488 = arith.index_cast %mul3A_479 : i32 to index
      %swap3A_489 = tpu.vector_load %arg10[%swap3A_488] {strides = array<i32>} : memref<1040xi32, #tpu.memory_space<vmem>>, vector<16xi32>,
      %swap3A_490 = vector.shape_cast %swap3A_489 : vector<16xi32> to vector<16xi32>
      %swap3A_491 = vector.shape_cast %select_n3A_487 : vector<16xi32> to vector<16xi32>
      tpu.vector_store %arg10[%swap3A_488], %swap3A_491 {strides = array<i32>} : memref<1040xi32, #tpu.memory_space<vmem>>, vector<16xi32>,
      %slice3A_492 = vector.extract_strided_slice %select_n3A_59 {offsets = [5], sizes = [1], strides = [1]} : vector<16xi32> to vector<1xi32>
      %squeeze3A_493 = vector.extract %slice3A_492[0] : i32 from vector<1xi32>
      %get3A_494 = arith.index_cast %squeeze3A_493 : i32 to index
      %get3A_495 = memref.load %arg16[%get3A_494] : memref<18xi32, #tpu.memory_space<smem>>
      %add3A_496 = arith.constant 1 : i32
      %add3A_497 = arith.addi %get3A_495, %add3A_496 : i32
      %swap3A_498 = arith.index_cast %squeeze3A_493 : i32 to index
      %swap3A_499 = memref.load %arg16[%swap3A_498] : memref<18xi32, #tpu.memory_space<smem>>
      memref.store %add3A_497, %arg16[%swap3A_498] : memref<18xi32, #tpu.memory_space<smem>>
      %slice3A_500 = vector.extract_strided_slice %get3A_41 {offsets = [5], sizes = [1], strides = [1]} : vector<16xi32> to vector<1xi32>
      %squeeze3A_501 = vector.extract %slice3A_500[0] : i32 from vector<1xi32>
      %jit3A_502 = arith.constant 16 : i32
      %div3A_503 = arith.divsi %get3A_495, %jit3A_502 : i32
      %sign3A_504 = arith.constant 0 : i32
      %sign3A_505 = arith.cmpi sgt, %get3A_495, %sign3A_504 : i32
      %sign3A_506 = arith.extui %sign3A_505 : i1 to i32
      %sign3A_507 = arith.constant 0 : i32
      %sign3A_508 = arith.cmpi slt, %get3A_495, %sign3A_507 : i32
      %sign3A_509 = arith.extui %sign3A_508 : i1 to i32
      %sign3A_510 = arith.subi %sign3A_506, %sign3A_509 : i32
      %sign3A_511 = arith.constant 0 : i32
      %sign3A_512 = arith.cmpi sgt, %jit3A_502, %sign3A_511 : i32
      %sign3A_513 = arith.extui %sign3A_512 : i1 to i32
      %sign3A_514 = arith.constant 0 : i32
      %sign3A_515 = arith.cmpi slt, %jit3A_502, %sign3A_514 : i32
      %sign3A_516 = arith.extui %sign3A_515 : i1 to i32
      %sign3A_517 = arith.subi %sign3A_513, %sign3A_516 : i32
      %ne3A_518 = arith.cmpi ne, %sign3A_510, %sign3A_517 : i32
      %rem3A_519 = arith.remsi %get3A_495, %jit3A_502 : i32
      %ne3A_520 = arith.constant 0 : i32
      %ne3A_521 = arith.cmpi ne, %rem3A_519, %ne3A_520 : i32
      %and3A_522 = arith.andi %ne3A_518, %ne3A_521 : i1
      %sub3A_523 = arith.constant 1 : i32
      %sub3A_524 = arith.subi %div3A_503, %sub3A_523 : i32
      %select_n3A_525 = arith.select %and3A_522, %sub3A_524, %div3A_503 : i32
      %mul3A_526 = arith.constant 16 : i32
      %mul3A_527 = arith.muli %select_n3A_525, %mul3A_526 : i32
      %sub3A_528 = arith.subi %get3A_495, %mul3A_527 : i32
      %get3A_529 = arith.index_cast %mul3A_527 : i32 to index
      %get3A_530 = tpu.vector_load %arg9[%get3A_529] {strides = array<i32>} : memref<1040xi32, #tpu.memory_space<vmem>>, vector<16xi32>,
      %get3A_531 = vector.shape_cast %get3A_530 : vector<16xi32> to vector<16xi32>
      %eq3A_532 = vector.broadcast %sub3A_528 : i32 to vector<16xi32>
      %eq3A_533 = arith.cmpi eq, %iota3A, %eq3A_532 : vector<16xi32>
      %broadcast_in_dim3A_534 = vector.broadcast %squeeze3A_501 : i32 to vector<16xi32>
      %select_n3A_535 = arith.select %eq3A_533, %broadcast_in_dim3A_534, %get3A_531 : vector<16xi1>, vector<16xi32>
      %swap3A_536 = arith.index_cast %mul3A_527 : i32 to index
      %swap3A_537 = tpu.vector_load %arg9[%swap3A_536] {strides = array<i32>} : memref<1040xi32, #tpu.memory_space<vmem>>, vector<16xi32>,
      %swap3A_538 = vector.shape_cast %swap3A_537 : vector<16xi32> to vector<16xi32>
      %swap3A_539 = vector.shape_cast %select_n3A_535 : vector<16xi32> to vector<16xi32>
      tpu.vector_store %arg9[%swap3A_536], %swap3A_539 {strides = array<i32>} : memref<1040xi32, #tpu.memory_space<vmem>>, vector<16xi32>,
      %slice3A_540 = vector.extract_strided_slice %get3A_46 {offsets = [5], sizes = [1], strides = [1]} : vector<16xi32> to vector<1xi32>
      %squeeze3A_541 = vector.extract %slice3A_540[0] : i32 from vector<1xi32>
      %jit3A_542 = arith.constant 16 : i32
      %div3A_543 = arith.divsi %get3A_495, %jit3A_542 : i32
      %sign3A_544 = arith.constant 0 : i32
      %sign3A_545 = arith.cmpi sgt, %get3A_495, %sign3A_544 : i32
      %sign3A_546 = arith.extui %sign3A_545 : i1 to i32
      %sign3A_547 = arith.constant 0 : i32
      %sign3A_548 = arith.cmpi slt, %get3A_495, %sign3A_547 : i32
      %sign3A_549 = arith.extui %sign3A_548 : i1 to i32
      %sign3A_550 = arith.subi %sign3A_546, %sign3A_549 : i32
      %sign3A_551 = arith.constant 0 : i32
      %sign3A_552 = arith.cmpi sgt, %jit3A_542, %sign3A_551 : i32
      %sign3A_553 = arith.extui %sign3A_552 : i1 to i32
      %sign3A_554 = arith.constant 0 : i32
      %sign3A_555 = arith.cmpi slt, %jit3A_542, %sign3A_554 : i32
      %sign3A_556 = arith.extui %sign3A_555 : i1 to i32
      %sign3A_557 = arith.subi %sign3A_553, %sign3A_556 : i32
      %ne3A_558 = arith.cmpi ne, %sign3A_550, %sign3A_557 : i32
      %rem3A_559 = arith.remsi %get3A_495, %jit3A_542 : i32
      %ne3A_560 = arith.constant 0 : i32
      %ne3A_561 = arith.cmpi ne, %rem3A_559, %ne3A_560 : i32
      %and3A_562 = arith.andi %ne3A_558, %ne3A_561 : i1
      %sub3A_563 = arith.constant 1 : i32
      %sub3A_564 = arith.subi %div3A_543, %sub3A_563 : i32
      %select_n3A_565 = arith.select %and3A_562, %sub3A_564, %div3A_543 : i32
      %mul3A_566 = arith.constant 16 : i32
      %mul3A_567 = arith.muli %select_n3A_565, %mul3A_566 : i32
      %sub3A_568 = arith.subi %get3A_495, %mul3A_567 : i32
      %get3A_569 = arith.index_cast %mul3A_567 : i32 to index
      %get3A_570 = tpu.vector_load %arg10[%get3A_569] {strides = array<i32>} : memref<1040xi32, #tpu.memory_space<vmem>>, vector<16xi32>,
      %get3A_571 = vector.shape_cast %get3A_570 : vector<16xi32> to vector<16xi32>
      %eq3A_572 = vector.broadcast %sub3A_568 : i32 to vector<16xi32>
      %eq3A_573 = arith.cmpi eq, %iota3A, %eq3A_572 : vector<16xi32>
      %broadcast_in_dim3A_574 = vector.broadcast %squeeze3A_541 : i32 to vector<16xi32>
      %select_n3A_575 = arith.select %eq3A_573, %broadcast_in_dim3A_574, %get3A_571 : vector<16xi1>, vector<16xi32>
      %swap3A_576 = arith.index_cast %mul3A_567 : i32 to index
      %swap3A_577 = tpu.vector_load %arg10[%swap3A_576] {strides = array<i32>} : memref<1040xi32, #tpu.memory_space<vmem>>, vector<16xi32>,
      %swap3A_578 = vector.shape_cast %swap3A_577 : vector<16xi32> to vector<16xi32>
      %swap3A_579 = vector.shape_cast %select_n3A_575 : vector<16xi32> to vector<16xi32>
      tpu.vector_store %arg10[%swap3A_576], %swap3A_579 {strides = array<i32>} : memref<1040xi32, #tpu.memory_space<vmem>>, vector<16xi32>,
      %slice3A_580 = vector.extract_strided_slice %select_n3A_59 {offsets = [6], sizes = [1], strides = [1]} : vector<16xi32> to vector<1xi32>
      %squeeze3A_581 = vector.extract %slice3A_580[0] : i32 from vector<1xi32>
      %get3A_582 = arith.index_cast %squeeze3A_581 : i32 to index
      %get3A_583 = memref.load %arg16[%get3A_582] : memref<18xi32, #tpu.memory_space<smem>>
      %add3A_584 = arith.constant 1 : i32
      %add3A_585 = arith.addi %get3A_583, %add3A_584 : i32
      %swap3A_586 = arith.index_cast %squeeze3A_581 : i32 to index
      %swap3A_587 = memref.load %arg16[%swap3A_586] : memref<18xi32, #tpu.memory_space<smem>>
      memref.store %add3A_585, %arg16[%swap3A_586] : memref<18xi32, #tpu.memory_space<smem>>
      %slice3A_588 = vector.extract_strided_slice %get3A_41 {offsets = [6], sizes = [1], strides = [1]} : vector<16xi32> to vector<1xi32>
      %squeeze3A_589 = vector.extract %slice3A_588[0] : i32 from vector<1xi32>
      %jit3A_590 = arith.constant 16 : i32
      %div3A_591 = arith.divsi %get3A_583, %jit3A_590 : i32
      %sign3A_592 = arith.constant 0 : i32
      %sign3A_593 = arith.cmpi sgt, %get3A_583, %sign3A_592 : i32
      %sign3A_594 = arith.extui %sign3A_593 : i1 to i32
      %sign3A_595 = arith.constant 0 : i32
      %sign3A_596 = arith.cmpi slt, %get3A_583, %sign3A_595 : i32
      %sign3A_597 = arith.extui %sign3A_596 : i1 to i32
      %sign3A_598 = arith.subi %sign3A_594, %sign3A_597 : i32
      %sign3A_599 = arith.constant 0 : i32
      %sign3A_600 = arith.cmpi sgt, %jit3A_590, %sign3A_599 : i32
      %sign3A_601 = arith.extui %sign3A_600 : i1 to i32
      %sign3A_602 = arith.constant 0 : i32
      %sign3A_603 = arith.cmpi slt, %jit3A_590, %sign3A_602 : i32
      %sign3A_604 = arith.extui %sign3A_603 : i1 to i32
      %sign3A_605 = arith.subi %sign3A_601, %sign3A_604 : i32
      %ne3A_606 = arith.cmpi ne, %sign3A_598, %sign3A_605 : i32
      %rem3A_607 = arith.remsi %get3A_583, %jit3A_590 : i32
      %ne3A_608 = arith.constant 0 : i32
      %ne3A_609 = arith.cmpi ne, %rem3A_607, %ne3A_608 : i32
      %and3A_610 = arith.andi %ne3A_606, %ne3A_609 : i1
      %sub3A_611 = arith.constant 1 : i32
      %sub3A_612 = arith.subi %div3A_591, %sub3A_611 : i32
      %select_n3A_613 = arith.select %and3A_610, %sub3A_612, %div3A_591 : i32
      %mul3A_614 = arith.constant 16 : i32
      %mul3A_615 = arith.muli %select_n3A_613, %mul3A_614 : i32
      %sub3A_616 = arith.subi %get3A_583, %mul3A_615 : i32
      %get3A_617 = arith.index_cast %mul3A_615 : i32 to index
      %get3A_618 = tpu.vector_load %arg9[%get3A_617] {strides = array<i32>} : memref<1040xi32, #tpu.memory_space<vmem>>, vector<16xi32>,
      %get3A_619 = vector.shape_cast %get3A_618 : vector<16xi32> to vector<16xi32>
      %eq3A_620 = vector.broadcast %sub3A_616 : i32 to vector<16xi32>
      %eq3A_621 = arith.cmpi eq, %iota3A, %eq3A_620 : vector<16xi32>
      %broadcast_in_dim3A_622 = vector.broadcast %squeeze3A_589 : i32 to vector<16xi32>
      %select_n3A_623 = arith.select %eq3A_621, %broadcast_in_dim3A_622, %get3A_619 : vector<16xi1>, vector<16xi32>
      %swap3A_624 = arith.index_cast %mul3A_615 : i32 to index
      %swap3A_625 = tpu.vector_load %arg9[%swap3A_624] {strides = array<i32>} : memref<1040xi32, #tpu.memory_space<vmem>>, vector<16xi32>,
      %swap3A_626 = vector.shape_cast %swap3A_625 : vector<16xi32> to vector<16xi32>
      %swap3A_627 = vector.shape_cast %select_n3A_623 : vector<16xi32> to vector<16xi32>
      tpu.vector_store %arg9[%swap3A_624], %swap3A_627 {strides = array<i32>} : memref<1040xi32, #tpu.memory_space<vmem>>, vector<16xi32>,
      %slice3A_628 = vector.extract_strided_slice %get3A_46 {offsets = [6], sizes = [1], strides = [1]} : vector<16xi32> to vector<1xi32>
      %squeeze3A_629 = vector.extract %slice3A_628[0] : i32 from vector<1xi32>
      %jit3A_630 = arith.constant 16 : i32
      %div3A_631 = arith.divsi %get3A_583, %jit3A_630 : i32
      %sign3A_632 = arith.constant 0 : i32
      %sign3A_633 = arith.cmpi sgt, %get3A_583, %sign3A_632 : i32
      %sign3A_634 = arith.extui %sign3A_633 : i1 to i32
      %sign3A_635 = arith.constant 0 : i32
      %sign3A_636 = arith.cmpi slt, %get3A_583, %sign3A_635 : i32
      %sign3A_637 = arith.extui %sign3A_636 : i1 to i32
      %sign3A_638 = arith.subi %sign3A_634, %sign3A_637 : i32
      %sign3A_639 = arith.constant 0 : i32
      %sign3A_640 = arith.cmpi sgt, %jit3A_630, %sign3A_639 : i32
      %sign3A_641 = arith.extui %sign3A_640 : i1 to i32
      %sign3A_642 = arith.constant 0 : i32
      %sign3A_643 = arith.cmpi slt, %jit3A_630, %sign3A_642 : i32
      %sign3A_644 = arith.extui %sign3A_643 : i1 to i32
      %sign3A_645 = arith.subi %sign3A_641, %sign3A_644 : i32
      %ne3A_646 = arith.cmpi ne, %sign3A_638, %sign3A_645 : i32
      %rem3A_647 = arith.remsi %get3A_583, %jit3A_630 : i32
      %ne3A_648 = arith.constant 0 : i32
      %ne3A_649 = arith.cmpi ne, %rem3A_647, %ne3A_648 : i32
      %and3A_650 = arith.andi %ne3A_646, %ne3A_649 : i1
      %sub3A_651 = arith.constant 1 : i32
      %sub3A_652 = arith.subi %div3A_631, %sub3A_651 : i32
      %select_n3A_653 = arith.select %and3A_650, %sub3A_652, %div3A_631 : i32
      %mul3A_654 = arith.constant 16 : i32
      %mul3A_655 = arith.muli %select_n3A_653, %mul3A_654 : i32
      %sub3A_656 = arith.subi %get3A_583, %mul3A_655 : i32
      %get3A_657 = arith.index_cast %mul3A_655 : i32 to index
      %get3A_658 = tpu.vector_load %arg10[%get3A_657] {strides = array<i32>} : memref<1040xi32, #tpu.memory_space<vmem>>, vector<16xi32>,
      %get3A_659 = vector.shape_cast %get3A_658 : vector<16xi32> to vector<16xi32>
      %eq3A_660 = vector.broadcast %sub3A_656 : i32 to vector<16xi32>
      %eq3A_661 = arith.cmpi eq, %iota3A, %eq3A_660 : vector<16xi32>
      %broadcast_in_dim3A_662 = vector.broadcast %squeeze3A_629 : i32 to vector<16xi32>
      %select_n3A_663 = arith.select %eq3A_661, %broadcast_in_dim3A_662, %get3A_659 : vector<16xi1>, vector<16xi32>
      %swap3A_664 = arith.index_cast %mul3A_655 : i32 to index
      %swap3A_665 = tpu.vector_load %arg10[%swap3A_664] {strides = array<i32>} : memref<1040xi32, #tpu.memory_space<vmem>>, vector<16xi32>,
      %swap3A_666 = vector.shape_cast %swap3A_665 : vector<16xi32> to vector<16xi32>
      %swap3A_667 = vector.shape_cast %select_n3A_663 : vector<16xi32> to vector<16xi32>
      tpu.vector_store %arg10[%swap3A_664], %swap3A_667 {strides = array<i32>} : memref<1040xi32, #tpu.memory_space<vmem>>, vector<16xi32>,
      %slice3A_668 = vector.extract_strided_slice %select_n3A_59 {offsets = [7], sizes = [1], strides = [1]} : vector<16xi32> to vector<1xi32>
      %squeeze3A_669 = vector.extract %slice3A_668[0] : i32 from vector<1xi32>
      %get3A_670 = arith.index_cast %squeeze3A_669 : i32 to index
      %get3A_671 = memref.load %arg16[%get3A_670] : memref<18xi32, #tpu.memory_space<smem>>
      %add3A_672 = arith.constant 1 : i32
      %add3A_673 = arith.addi %get3A_671, %add3A_672 : i32
      %swap3A_674 = arith.index_cast %squeeze3A_669 : i32 to index
      %swap3A_675 = memref.load %arg16[%swap3A_674] : memref<18xi32, #tpu.memory_space<smem>>
      memref.store %add3A_673, %arg16[%swap3A_674] : memref<18xi32, #tpu.memory_space<smem>>
      %slice3A_676 = vector.extract_strided_slice %get3A_41 {offsets = [7], sizes = [1], strides = [1]} : vector<16xi32> to vector<1xi32>
      %squeeze3A_677 = vector.extract %slice3A_676[0] : i32 from vector<1xi32>
      %jit3A_678 = arith.constant 16 : i32
      %div3A_679 = arith.divsi %get3A_671, %jit3A_678 : i32
      %sign3A_680 = arith.constant 0 : i32
      %sign3A_681 = arith.cmpi sgt, %get3A_671, %sign3A_680 : i32
      %sign3A_682 = arith.extui %sign3A_681 : i1 to i32
      %sign3A_683 = arith.constant 0 : i32
      %sign3A_684 = arith.cmpi slt, %get3A_671, %sign3A_683 : i32
      %sign3A_685 = arith.extui %sign3A_684 : i1 to i32
      %sign3A_686 = arith.subi %sign3A_682, %sign3A_685 : i32
      %sign3A_687 = arith.constant 0 : i32
      %sign3A_688 = arith.cmpi sgt, %jit3A_678, %sign3A_687 : i32
      %sign3A_689 = arith.extui %sign3A_688 : i1 to i32
      %sign3A_690 = arith.constant 0 : i32
      %sign3A_691 = arith.cmpi slt, %jit3A_678, %sign3A_690 : i32
      %sign3A_692 = arith.extui %sign3A_691 : i1 to i32
      %sign3A_693 = arith.subi %sign3A_689, %sign3A_692 : i32
      %ne3A_694 = arith.cmpi ne, %sign3A_686, %sign3A_693 : i32
      %rem3A_695 = arith.remsi %get3A_671, %jit3A_678 : i32
      %ne3A_696 = arith.constant 0 : i32
      %ne3A_697 = arith.cmpi ne, %rem3A_695, %ne3A_696 : i32
      %and3A_698 = arith.andi %ne3A_694, %ne3A_697 : i1
      %sub3A_699 = arith.constant 1 : i32
      %sub3A_700 = arith.subi %div3A_679, %sub3A_699 : i32
      %select_n3A_701 = arith.select %and3A_698, %sub3A_700, %div3A_679 : i32
      %mul3A_702 = arith.constant 16 : i32
      %mul3A_703 = arith.muli %select_n3A_701, %mul3A_702 : i32
      %sub3A_704 = arith.subi %get3A_671, %mul3A_703 : i32
      %get3A_705 = arith.index_cast %mul3A_703 : i32 to index
      %get3A_706 = tpu.vector_load %arg9[%get3A_705] {strides = array<i32>} : memref<1040xi32, #tpu.memory_space<vmem>>, vector<16xi32>,
      %get3A_707 = vector.shape_cast %get3A_706 : vector<16xi32> to vector<16xi32>
      %eq3A_708 = vector.broadcast %sub3A_704 : i32 to vector<16xi32>
      %eq3A_709 = arith.cmpi eq, %iota3A, %eq3A_708 : vector<16xi32>
      %broadcast_in_dim3A_710 = vector.broadcast %squeeze3A_677 : i32 to vector<16xi32>
      %select_n3A_711 = arith.select %eq3A_709, %broadcast_in_dim3A_710, %get3A_707 : vector<16xi1>, vector<16xi32>
      %swap3A_712 = arith.index_cast %mul3A_703 : i32 to index
      %swap3A_713 = tpu.vector_load %arg9[%swap3A_712] {strides = array<i32>} : memref<1040xi32, #tpu.memory_space<vmem>>, vector<16xi32>,
      %swap3A_714 = vector.shape_cast %swap3A_713 : vector<16xi32> to vector<16xi32>
      %swap3A_715 = vector.shape_cast %select_n3A_711 : vector<16xi32> to vector<16xi32>
      tpu.vector_store %arg9[%swap3A_712], %swap3A_715 {strides = array<i32>} : memref<1040xi32, #tpu.memory_space<vmem>>, vector<16xi32>,
      %slice3A_716 = vector.extract_strided_slice %get3A_46 {offsets = [7], sizes = [1], strides = [1]} : vector<16xi32> to vector<1xi32>
      %squeeze3A_717 = vector.extract %slice3A_716[0] : i32 from vector<1xi32>
      %jit3A_718 = arith.constant 16 : i32
      %div3A_719 = arith.divsi %get3A_671, %jit3A_718 : i32
      %sign3A_720 = arith.constant 0 : i32
      %sign3A_721 = arith.cmpi sgt, %get3A_671, %sign3A_720 : i32
      %sign3A_722 = arith.extui %sign3A_721 : i1 to i32
      %sign3A_723 = arith.constant 0 : i32
      %sign3A_724 = arith.cmpi slt, %get3A_671, %sign3A_723 : i32
      %sign3A_725 = arith.extui %sign3A_724 : i1 to i32
      %sign3A_726 = arith.subi %sign3A_722, %sign3A_725 : i32
      %sign3A_727 = arith.constant 0 : i32
      %sign3A_728 = arith.cmpi sgt, %jit3A_718, %sign3A_727 : i32
      %sign3A_729 = arith.extui %sign3A_728 : i1 to i32
      %sign3A_730 = arith.constant 0 : i32
      %sign3A_731 = arith.cmpi slt, %jit3A_718, %sign3A_730 : i32
      %sign3A_732 = arith.extui %sign3A_731 : i1 to i32
      %sign3A_733 = arith.subi %sign3A_729, %sign3A_732 : i32
      %ne3A_734 = arith.cmpi ne, %sign3A_726, %sign3A_733 : i32
      %rem3A_735 = arith.remsi %get3A_671, %jit3A_718 : i32
      %ne3A_736 = arith.constant 0 : i32
      %ne3A_737 = arith.cmpi ne, %rem3A_735, %ne3A_736 : i32
      %and3A_738 = arith.andi %ne3A_734, %ne3A_737 : i1
      %sub3A_739 = arith.constant 1 : i32
      %sub3A_740 = arith.subi %div3A_719, %sub3A_739 : i32
      %select_n3A_741 = arith.select %and3A_738, %sub3A_740, %div3A_719 : i32
      %mul3A_742 = arith.constant 16 : i32
      %mul3A_743 = arith.muli %select_n3A_741, %mul3A_742 : i32
      %sub3A_744 = arith.subi %get3A_671, %mul3A_743 : i32
      %get3A_745 = arith.index_cast %mul3A_743 : i32 to index
      %get3A_746 = tpu.vector_load %arg10[%get3A_745] {strides = array<i32>} : memref<1040xi32, #tpu.memory_space<vmem>>, vector<16xi32>,
      %get3A_747 = vector.shape_cast %get3A_746 : vector<16xi32> to vector<16xi32>
      %eq3A_748 = vector.broadcast %sub3A_744 : i32 to vector<16xi32>
      %eq3A_749 = arith.cmpi eq, %iota3A, %eq3A_748 : vector<16xi32>
      %broadcast_in_dim3A_750 = vector.broadcast %squeeze3A_717 : i32 to vector<16xi32>
      %select_n3A_751 = arith.select %eq3A_749, %broadcast_in_dim3A_750, %get3A_747 : vector<16xi1>, vector<16xi32>
      %swap3A_752 = arith.index_cast %mul3A_743 : i32 to index
      %swap3A_753 = tpu.vector_load %arg10[%swap3A_752] {strides = array<i32>} : memref<1040xi32, #tpu.memory_space<vmem>>, vector<16xi32>,
      %swap3A_754 = vector.shape_cast %swap3A_753 : vector<16xi32> to vector<16xi32>
      %swap3A_755 = vector.shape_cast %select_n3A_751 : vector<16xi32> to vector<16xi32>
      tpu.vector_store %arg10[%swap3A_752], %swap3A_755 {strides = array<i32>} : memref<1040xi32, #tpu.memory_space<vmem>>, vector<16xi32>,
      %slice3A_756 = vector.extract_strided_slice %select_n3A_59 {offsets = [8], sizes = [1], strides = [1]} : vector<16xi32> to vector<1xi32>
      %squeeze3A_757 = vector.extract %slice3A_756[0] : i32 from vector<1xi32>
      %get3A_758 = arith.index_cast %squeeze3A_757 : i32 to index
      %get3A_759 = memref.load %arg16[%get3A_758] : memref<18xi32, #tpu.memory_space<smem>>
      %add3A_760 = arith.constant 1 : i32
      %add3A_761 = arith.addi %get3A_759, %add3A_760 : i32
      %swap3A_762 = arith.index_cast %squeeze3A_757 : i32 to index
      %swap3A_763 = memref.load %arg16[%swap3A_762] : memref<18xi32, #tpu.memory_space<smem>>
      memref.store %add3A_761, %arg16[%swap3A_762] : memref<18xi32, #tpu.memory_space<smem>>
      %slice3A_764 = vector.extract_strided_slice %get3A_41 {offsets = [8], sizes = [1], strides = [1]} : vector<16xi32> to vector<1xi32>
      %squeeze3A_765 = vector.extract %slice3A_764[0] : i32 from vector<1xi32>
      %jit3A_766 = arith.constant 16 : i32
      %div3A_767 = arith.divsi %get3A_759, %jit3A_766 : i32
      %sign3A_768 = arith.constant 0 : i32
      %sign3A_769 = arith.cmpi sgt, %get3A_759, %sign3A_768 : i32
      %sign3A_770 = arith.extui %sign3A_769 : i1 to i32
      %sign3A_771 = arith.constant 0 : i32
      %sign3A_772 = arith.cmpi slt, %get3A_759, %sign3A_771 : i32
      %sign3A_773 = arith.extui %sign3A_772 : i1 to i32
      %sign3A_774 = arith.subi %sign3A_770, %sign3A_773 : i32
      %sign3A_775 = arith.constant 0 : i32
      %sign3A_776 = arith.cmpi sgt, %jit3A_766, %sign3A_775 : i32
      %sign3A_777 = arith.extui %sign3A_776 : i1 to i32
      %sign3A_778 = arith.constant 0 : i32
      %sign3A_779 = arith.cmpi slt, %jit3A_766, %sign3A_778 : i32
      %sign3A_780 = arith.extui %sign3A_779 : i1 to i32
      %sign3A_781 = arith.subi %sign3A_777, %sign3A_780 : i32
      %ne3A_782 = arith.cmpi ne, %sign3A_774, %sign3A_781 : i32
      %rem3A_783 = arith.remsi %get3A_759, %jit3A_766 : i32
      %ne3A_784 = arith.constant 0 : i32
      %ne3A_785 = arith.cmpi ne, %rem3A_783, %ne3A_784 : i32
      %and3A_786 = arith.andi %ne3A_782, %ne3A_785 : i1
      %sub3A_787 = arith.constant 1 : i32
      %sub3A_788 = arith.subi %div3A_767, %sub3A_787 : i32
      %select_n3A_789 = arith.select %and3A_786, %sub3A_788, %div3A_767 : i32
      %mul3A_790 = arith.constant 16 : i32
      %mul3A_791 = arith.muli %select_n3A_789, %mul3A_790 : i32
      %sub3A_792 = arith.subi %get3A_759, %mul3A_791 : i32
      %get3A_793 = arith.index_cast %mul3A_791 : i32 to index
      %get3A_794 = tpu.vector_load %arg9[%get3A_793] {strides = array<i32>} : memref<1040xi32, #tpu.memory_space<vmem>>, vector<16xi32>,
      %get3A_795 = vector.shape_cast %get3A_794 : vector<16xi32> to vector<16xi32>
      %eq3A_796 = vector.broadcast %sub3A_792 : i32 to vector<16xi32>
      %eq3A_797 = arith.cmpi eq, %iota3A, %eq3A_796 : vector<16xi32>
      %broadcast_in_dim3A_798 = vector.broadcast %squeeze3A_765 : i32 to vector<16xi32>
      %select_n3A_799 = arith.select %eq3A_797, %broadcast_in_dim3A_798, %get3A_795 : vector<16xi1>, vector<16xi32>
      %swap3A_800 = arith.index_cast %mul3A_791 : i32 to index
      %swap3A_801 = tpu.vector_load %arg9[%swap3A_800] {strides = array<i32>} : memref<1040xi32, #tpu.memory_space<vmem>>, vector<16xi32>,
      %swap3A_802 = vector.shape_cast %swap3A_801 : vector<16xi32> to vector<16xi32>
      %swap3A_803 = vector.shape_cast %select_n3A_799 : vector<16xi32> to vector<16xi32>
      tpu.vector_store %arg9[%swap3A_800], %swap3A_803 {strides = array<i32>} : memref<1040xi32, #tpu.memory_space<vmem>>, vector<16xi32>,
      %slice3A_804 = vector.extract_strided_slice %get3A_46 {offsets = [8], sizes = [1], strides = [1]} : vector<16xi32> to vector<1xi32>
      %squeeze3A_805 = vector.extract %slice3A_804[0] : i32 from vector<1xi32>
      %jit3A_806 = arith.constant 16 : i32
      %div3A_807 = arith.divsi %get3A_759, %jit3A_806 : i32
      %sign3A_808 = arith.constant 0 : i32
      %sign3A_809 = arith.cmpi sgt, %get3A_759, %sign3A_808 : i32
      %sign3A_810 = arith.extui %sign3A_809 : i1 to i32
      %sign3A_811 = arith.constant 0 : i32
      %sign3A_812 = arith.cmpi slt, %get3A_759, %sign3A_811 : i32
      %sign3A_813 = arith.extui %sign3A_812 : i1 to i32
      %sign3A_814 = arith.subi %sign3A_810, %sign3A_813 : i32
      %sign3A_815 = arith.constant 0 : i32
      %sign3A_816 = arith.cmpi sgt, %jit3A_806, %sign3A_815 : i32
      %sign3A_817 = arith.extui %sign3A_816 : i1 to i32
      %sign3A_818 = arith.constant 0 : i32
      %sign3A_819 = arith.cmpi slt, %jit3A_806, %sign3A_818 : i32
      %sign3A_820 = arith.extui %sign3A_819 : i1 to i32
      %sign3A_821 = arith.subi %sign3A_817, %sign3A_820 : i32
      %ne3A_822 = arith.cmpi ne, %sign3A_814, %sign3A_821 : i32
      %rem3A_823 = arith.remsi %get3A_759, %jit3A_806 : i32
      %ne3A_824 = arith.constant 0 : i32
      %ne3A_825 = arith.cmpi ne, %rem3A_823, %ne3A_824 : i32
      %and3A_826 = arith.andi %ne3A_822, %ne3A_825 : i1
      %sub3A_827 = arith.constant 1 : i32
      %sub3A_828 = arith.subi %div3A_807, %sub3A_827 : i32
      %select_n3A_829 = arith.select %and3A_826, %sub3A_828, %div3A_807 : i32
      %mul3A_830 = arith.constant 16 : i32
      %mul3A_831 = arith.muli %select_n3A_829, %mul3A_830 : i32
      %sub3A_832 = arith.subi %get3A_759, %mul3A_831 : i32
      %get3A_833 = arith.index_cast %mul3A_831 : i32 to index
      %get3A_834 = tpu.vector_load %arg10[%get3A_833] {strides = array<i32>} : memref<1040xi32, #tpu.memory_space<vmem>>, vector<16xi32>,
      %get3A_835 = vector.shape_cast %get3A_834 : vector<16xi32> to vector<16xi32>
      %eq3A_836 = vector.broadcast %sub3A_832 : i32 to vector<16xi32>
      %eq3A_837 = arith.cmpi eq, %iota3A, %eq3A_836 : vector<16xi32>
      %broadcast_in_dim3A_838 = vector.broadcast %squeeze3A_805 : i32 to vector<16xi32>
      %select_n3A_839 = arith.select %eq3A_837, %broadcast_in_dim3A_838, %get3A_835 : vector<16xi1>, vector<16xi32>
      %swap3A_840 = arith.index_cast %mul3A_831 : i32 to index
      %swap3A_841 = tpu.vector_load %arg10[%swap3A_840] {strides = array<i32>} : memref<1040xi32, #tpu.memory_space<vmem>>, vector<16xi32>,
      %swap3A_842 = vector.shape_cast %swap3A_841 : vector<16xi32> to vector<16xi32>
      %swap3A_843 = vector.shape_cast %select_n3A_839 : vector<16xi32> to vector<16xi32>
      tpu.vector_store %arg10[%swap3A_840], %swap3A_843 {strides = array<i32>} : memref<1040xi32, #tpu.memory_space<vmem>>, vector<16xi32>,
      %slice3A_844 = vector.extract_strided_slice %select_n3A_59 {offsets = [9], sizes = [1], strides = [1]} : vector<16xi32> to vector<1xi32>
      %squeeze3A_845 = vector.extract %slice3A_844[0] : i32 from vector<1xi32>
      %get3A_846 = arith.index_cast %squeeze3A_845 : i32 to index
      %get3A_847 = memref.load %arg16[%get3A_846] : memref<18xi32, #tpu.memory_space<smem>>
      %add3A_848 = arith.constant 1 : i32
      %add3A_849 = arith.addi %get3A_847, %add3A_848 : i32
      %swap3A_850 = arith.index_cast %squeeze3A_845 : i32 to index
      %swap3A_851 = memref.load %arg16[%swap3A_850] : memref<18xi32, #tpu.memory_space<smem>>
      memref.store %add3A_849, %arg16[%swap3A_850] : memref<18xi32, #tpu.memory_space<smem>>
      %slice3A_852 = vector.extract_strided_slice %get3A_41 {offsets = [9], sizes = [1], strides = [1]} : vector<16xi32> to vector<1xi32>
      %squeeze3A_853 = vector.extract %slice3A_852[0] : i32 from vector<1xi32>
      %jit3A_854 = arith.constant 16 : i32
      %div3A_855 = arith.divsi %get3A_847, %jit3A_854 : i32
      %sign3A_856 = arith.constant 0 : i32
      %sign3A_857 = arith.cmpi sgt, %get3A_847, %sign3A_856 : i32
      %sign3A_858 = arith.extui %sign3A_857 : i1 to i32
      %sign3A_859 = arith.constant 0 : i32
      %sign3A_860 = arith.cmpi slt, %get3A_847, %sign3A_859 : i32
      %sign3A_861 = arith.extui %sign3A_860 : i1 to i32
      %sign3A_862 = arith.subi %sign3A_858, %sign3A_861 : i32
      %sign3A_863 = arith.constant 0 : i32
      %sign3A_864 = arith.cmpi sgt, %jit3A_854, %sign3A_863 : i32
      %sign3A_865 = arith.extui %sign3A_864 : i1 to i32
      %sign3A_866 = arith.constant 0 : i32
      %sign3A_867 = arith.cmpi slt, %jit3A_854, %sign3A_866 : i32
      %sign3A_868 = arith.extui %sign3A_867 : i1 to i32
      %sign3A_869 = arith.subi %sign3A_865, %sign3A_868 : i32
      %ne3A_870 = arith.cmpi ne, %sign3A_862, %sign3A_869 : i32
      %rem3A_871 = arith.remsi %get3A_847, %jit3A_854 : i32
      %ne3A_872 = arith.constant 0 : i32
      %ne3A_873 = arith.cmpi ne, %rem3A_871, %ne3A_872 : i32
      %and3A_874 = arith.andi %ne3A_870, %ne3A_873 : i1
      %sub3A_875 = arith.constant 1 : i32
      %sub3A_876 = arith.subi %div3A_855, %sub3A_875 : i32
      %select_n3A_877 = arith.select %and3A_874, %sub3A_876, %div3A_855 : i32
      %mul3A_878 = arith.constant 16 : i32
      %mul3A_879 = arith.muli %select_n3A_877, %mul3A_878 : i32
      %sub3A_880 = arith.subi %get3A_847, %mul3A_879 : i32
      %get3A_881 = arith.index_cast %mul3A_879 : i32 to index
      %get3A_882 = tpu.vector_load %arg9[%get3A_881] {strides = array<i32>} : memref<1040xi32, #tpu.memory_space<vmem>>, vector<16xi32>,
      %get3A_883 = vector.shape_cast %get3A_882 : vector<16xi32> to vector<16xi32>
      %eq3A_884 = vector.broadcast %sub3A_880 : i32 to vector<16xi32>
      %eq3A_885 = arith.cmpi eq, %iota3A, %eq3A_884 : vector<16xi32>
      %broadcast_in_dim3A_886 = vector.broadcast %squeeze3A_853 : i32 to vector<16xi32>
      %select_n3A_887 = arith.select %eq3A_885, %broadcast_in_dim3A_886, %get3A_883 : vector<16xi1>, vector<16xi32>
      %swap3A_888 = arith.index_cast %mul3A_879 : i32 to index
      %swap3A_889 = tpu.vector_load %arg9[%swap3A_888] {strides = array<i32>} : memref<1040xi32, #tpu.memory_space<vmem>>, vector<16xi32>,
      %swap3A_890 = vector.shape_cast %swap3A_889 : vector<16xi32> to vector<16xi32>
      %swap3A_891 = vector.shape_cast %select_n3A_887 : vector<16xi32> to vector<16xi32>
      tpu.vector_store %arg9[%swap3A_888], %swap3A_891 {strides = array<i32>} : memref<1040xi32, #tpu.memory_space<vmem>>, vector<16xi32>,
      %slice3A_892 = vector.extract_strided_slice %get3A_46 {offsets = [9], sizes = [1], strides = [1]} : vector<16xi32> to vector<1xi32>
      %squeeze3A_893 = vector.extract %slice3A_892[0] : i32 from vector<1xi32>
      %jit3A_894 = arith.constant 16 : i32
      %div3A_895 = arith.divsi %get3A_847, %jit3A_894 : i32
      %sign3A_896 = arith.constant 0 : i32
      %sign3A_897 = arith.cmpi sgt, %get3A_847, %sign3A_896 : i32
      %sign3A_898 = arith.extui %sign3A_897 : i1 to i32
      %sign3A_899 = arith.constant 0 : i32
      %sign3A_900 = arith.cmpi slt, %get3A_847, %sign3A_899 : i32
      %sign3A_901 = arith.extui %sign3A_900 : i1 to i32
      %sign3A_902 = arith.subi %sign3A_898, %sign3A_901 : i32
      %sign3A_903 = arith.constant 0 : i32
      %sign3A_904 = arith.cmpi sgt, %jit3A_894, %sign3A_903 : i32
      %sign3A_905 = arith.extui %sign3A_904 : i1 to i32
      %sign3A_906 = arith.constant 0 : i32
      %sign3A_907 = arith.cmpi slt, %jit3A_894, %sign3A_906 : i32
      %sign3A_908 = arith.extui %sign3A_907 : i1 to i32
      %sign3A_909 = arith.subi %sign3A_905, %sign3A_908 : i32
      %ne3A_910 = arith.cmpi ne, %sign3A_902, %sign3A_909 : i32
      %rem3A_911 = arith.remsi %get3A_847, %jit3A_894 : i32
      %ne3A_912 = arith.constant 0 : i32
      %ne3A_913 = arith.cmpi ne, %rem3A_911, %ne3A_912 : i32
      %and3A_914 = arith.andi %ne3A_910, %ne3A_913 : i1
      %sub3A_915 = arith.constant 1 : i32
      %sub3A_916 = arith.subi %div3A_895, %sub3A_915 : i32
      %select_n3A_917 = arith.select %and3A_914, %sub3A_916, %div3A_895 : i32
      %mul3A_918 = arith.constant 16 : i32
      %mul3A_919 = arith.muli %select_n3A_917, %mul3A_918 : i32
      %sub3A_920 = arith.subi %get3A_847, %mul3A_919 : i32
      %get3A_921 = arith.index_cast %mul3A_919 : i32 to index
      %get3A_922 = tpu.vector_load %arg10[%get3A_921] {strides = array<i32>} : memref<1040xi32, #tpu.memory_space<vmem>>, vector<16xi32>,
      %get3A_923 = vector.shape_cast %get3A_922 : vector<16xi32> to vector<16xi32>
      %eq3A_924 = vector.broadcast %sub3A_920 : i32 to vector<16xi32>
      %eq3A_925 = arith.cmpi eq, %iota3A, %eq3A_924 : vector<16xi32>
      %broadcast_in_dim3A_926 = vector.broadcast %squeeze3A_893 : i32 to vector<16xi32>
      %select_n3A_927 = arith.select %eq3A_925, %broadcast_in_dim3A_926, %get3A_923 : vector<16xi1>, vector<16xi32>
      %swap3A_928 = arith.index_cast %mul3A_919 : i32 to index
      %swap3A_929 = tpu.vector_load %arg10[%swap3A_928] {strides = array<i32>} : memref<1040xi32, #tpu.memory_space<vmem>>, vector<16xi32>,
      %swap3A_930 = vector.shape_cast %swap3A_929 : vector<16xi32> to vector<16xi32>
      %swap3A_931 = vector.shape_cast %select_n3A_927 : vector<16xi32> to vector<16xi32>
      tpu.vector_store %arg10[%swap3A_928], %swap3A_931 {strides = array<i32>} : memref<1040xi32, #tpu.memory_space<vmem>>, vector<16xi32>,
      %slice3A_932 = vector.extract_strided_slice %select_n3A_59 {offsets = [10], sizes = [1], strides = [1]} : vector<16xi32> to vector<1xi32>
      %squeeze3A_933 = vector.extract %slice3A_932[0] : i32 from vector<1xi32>
      %get3A_934 = arith.index_cast %squeeze3A_933 : i32 to index
      %get3A_935 = memref.load %arg16[%get3A_934] : memref<18xi32, #tpu.memory_space<smem>>
      %add3A_936 = arith.constant 1 : i32
      %add3A_937 = arith.addi %get3A_935, %add3A_936 : i32
      %swap3A_938 = arith.index_cast %squeeze3A_933 : i32 to index
      %swap3A_939 = memref.load %arg16[%swap3A_938] : memref<18xi32, #tpu.memory_space<smem>>
      memref.store %add3A_937, %arg16[%swap3A_938] : memref<18xi32, #tpu.memory_space<smem>>
      %slice3A_940 = vector.extract_strided_slice %get3A_41 {offsets = [10], sizes = [1], strides = [1]} : vector<16xi32> to vector<1xi32>
      %squeeze3A_941 = vector.extract %slice3A_940[0] : i32 from vector<1xi32>
      %jit3A_942 = arith.constant 16 : i32
      %div3A_943 = arith.divsi %get3A_935, %jit3A_942 : i32
      %sign3A_944 = arith.constant 0 : i32
      %sign3A_945 = arith.cmpi sgt, %get3A_935, %sign3A_944 : i32
      %sign3A_946 = arith.extui %sign3A_945 : i1 to i32
      %sign3A_947 = arith.constant 0 : i32
      %sign3A_948 = arith.cmpi slt, %get3A_935, %sign3A_947 : i32
      %sign3A_949 = arith.extui %sign3A_948 : i1 to i32
      %sign3A_950 = arith.subi %sign3A_946, %sign3A_949 : i32
      %sign3A_951 = arith.constant 0 : i32
      %sign3A_952 = arith.cmpi sgt, %jit3A_942, %sign3A_951 : i32
      %sign3A_953 = arith.extui %sign3A_952 : i1 to i32
      %sign3A_954 = arith.constant 0 : i32
      %sign3A_955 = arith.cmpi slt, %jit3A_942, %sign3A_954 : i32
      %sign3A_956 = arith.extui %sign3A_955 : i1 to i32
      %sign3A_957 = arith.subi %sign3A_953, %sign3A_956 : i32
      %ne3A_958 = arith.cmpi ne, %sign3A_950, %sign3A_957 : i32
      %rem3A_959 = arith.remsi %get3A_935, %jit3A_942 : i32
      %ne3A_960 = arith.constant 0 : i32
      %ne3A_961 = arith.cmpi ne, %rem3A_959, %ne3A_960 : i32
      %and3A_962 = arith.andi %ne3A_958, %ne3A_961 : i1
      %sub3A_963 = arith.constant 1 : i32
      %sub3A_964 = arith.subi %div3A_943, %sub3A_963 : i32
      %select_n3A_965 = arith.select %and3A_962, %sub3A_964, %div3A_943 : i32
      %mul3A_966 = arith.constant 16 : i32
      %mul3A_967 = arith.muli %select_n3A_965, %mul3A_966 : i32
      %sub3A_968 = arith.subi %get3A_935, %mul3A_967 : i32
      %get3A_969 = arith.index_cast %mul3A_967 : i32 to index
      %get3A_970 = tpu.vector_load %arg9[%get3A_969] {strides = array<i32>} : memref<1040xi32, #tpu.memory_space<vmem>>, vector<16xi32>,
      %get3A_971 = vector.shape_cast %get3A_970 : vector<16xi32> to vector<16xi32>
      %eq3A_972 = vector.broadcast %sub3A_968 : i32 to vector<16xi32>
      %eq3A_973 = arith.cmpi eq, %iota3A, %eq3A_972 : vector<16xi32>
      %broadcast_in_dim3A_974 = vector.broadcast %squeeze3A_941 : i32 to vector<16xi32>
      %select_n3A_975 = arith.select %eq3A_973, %broadcast_in_dim3A_974, %get3A_971 : vector<16xi1>, vector<16xi32>
      %swap3A_976 = arith.index_cast %mul3A_967 : i32 to index
      %swap3A_977 = tpu.vector_load %arg9[%swap3A_976] {strides = array<i32>} : memref<1040xi32, #tpu.memory_space<vmem>>, vector<16xi32>,
      %swap3A_978 = vector.shape_cast %swap3A_977 : vector<16xi32> to vector<16xi32>
      %swap3A_979 = vector.shape_cast %select_n3A_975 : vector<16xi32> to vector<16xi32>
      tpu.vector_store %arg9[%swap3A_976], %swap3A_979 {strides = array<i32>} : memref<1040xi32, #tpu.memory_space<vmem>>, vector<16xi32>,
      %slice3A_980 = vector.extract_strided_slice %get3A_46 {offsets = [10], sizes = [1], strides = [1]} : vector<16xi32> to vector<1xi32>
      %squeeze3A_981 = vector.extract %slice3A_980[0] : i32 from vector<1xi32>
      %jit3A_982 = arith.constant 16 : i32
      %div3A_983 = arith.divsi %get3A_935, %jit3A_982 : i32
      %sign3A_984 = arith.constant 0 : i32
      %sign3A_985 = arith.cmpi sgt, %get3A_935, %sign3A_984 : i32
      %sign3A_986 = arith.extui %sign3A_985 : i1 to i32
      %sign3A_987 = arith.constant 0 : i32
      %sign3A_988 = arith.cmpi slt, %get3A_935, %sign3A_987 : i32
      %sign3A_989 = arith.extui %sign3A_988 : i1 to i32
      %sign3A_990 = arith.subi %sign3A_986, %sign3A_989 : i32
      %sign3A_991 = arith.constant 0 : i32
      %sign3A_992 = arith.cmpi sgt, %jit3A_982, %sign3A_991 : i32
      %sign3A_993 = arith.extui %sign3A_992 : i1 to i32
      %sign3A_994 = arith.constant 0 : i32
      %sign3A_995 = arith.cmpi slt, %jit3A_982, %sign3A_994 : i32
      %sign3A_996 = arith.extui %sign3A_995 : i1 to i32
      %sign3A_997 = arith.subi %sign3A_993, %sign3A_996 : i32
      %ne3A_998 = arith.cmpi ne, %sign3A_990, %sign3A_997 : i32
      %rem3A_999 = arith.remsi %get3A_935, %jit3A_982 : i32
      %ne3A_1000 = arith.constant 0 : i32
      %ne3A_1001 = arith.cmpi ne, %rem3A_999, %ne3A_1000 : i32
      %and3A_1002 = arith.andi %ne3A_998, %ne3A_1001 : i1
      %sub3A_1003 = arith.constant 1 : i32
      %sub3A_1004 = arith.subi %div3A_983, %sub3A_1003 : i32
      %select_n3A_1005 = arith.select %and3A_1002, %sub3A_1004, %div3A_983 : i32
      %mul3A_1006 = arith.constant 16 : i32
      %mul3A_1007 = arith.muli %select_n3A_1005, %mul3A_1006 : i32
      %sub3A_1008 = arith.subi %get3A_935, %mul3A_1007 : i32
      %get3A_1009 = arith.index_cast %mul3A_1007 : i32 to index
      %get3A_1010 = tpu.vector_load %arg10[%get3A_1009] {strides = array<i32>} : memref<1040xi32, #tpu.memory_space<vmem>>, vector<16xi32>,
      %get3A_1011 = vector.shape_cast %get3A_1010 : vector<16xi32> to vector<16xi32>
      %eq3A_1012 = vector.broadcast %sub3A_1008 : i32 to vector<16xi32>
      %eq3A_1013 = arith.cmpi eq, %iota3A, %eq3A_1012 : vector<16xi32>
      %broadcast_in_dim3A_1014 = vector.broadcast %squeeze3A_981 : i32 to vector<16xi32>
      %select_n3A_1015 = arith.select %eq3A_1013, %broadcast_in_dim3A_1014, %get3A_1011 : vector<16xi1>, vector<16xi32>
      %swap3A_1016 = arith.index_cast %mul3A_1007 : i32 to index
      %swap3A_1017 = tpu.vector_load %arg10[%swap3A_1016] {strides = array<i32>} : memref<1040xi32, #tpu.memory_space<vmem>>, vector<16xi32>,
      %swap3A_1018 = vector.shape_cast %swap3A_1017 : vector<16xi32> to vector<16xi32>
      %swap3A_1019 = vector.shape_cast %select_n3A_1015 : vector<16xi32> to vector<16xi32>
      tpu.vector_store %arg10[%swap3A_1016], %swap3A_1019 {strides = array<i32>} : memref<1040xi32, #tpu.memory_space<vmem>>, vector<16xi32>,
      %slice3A_1020 = vector.extract_strided_slice %select_n3A_59 {offsets = [11], sizes = [1], strides = [1]} : vector<16xi32> to vector<1xi32>
      %squeeze3A_1021 = vector.extract %slice3A_1020[0] : i32 from vector<1xi32>
      %get3A_1022 = arith.index_cast %squeeze3A_1021 : i32 to index
      %get3A_1023 = memref.load %arg16[%get3A_1022] : memref<18xi32, #tpu.memory_space<smem>>
      %add3A_1024 = arith.constant 1 : i32
      %add3A_1025 = arith.addi %get3A_1023, %add3A_1024 : i32
      %swap3A_1026 = arith.index_cast %squeeze3A_1021 : i32 to index
      %swap3A_1027 = memref.load %arg16[%swap3A_1026] : memref<18xi32, #tpu.memory_space<smem>>
      memref.store %add3A_1025, %arg16[%swap3A_1026] : memref<18xi32, #tpu.memory_space<smem>>
      %slice3A_1028 = vector.extract_strided_slice %get3A_41 {offsets = [11], sizes = [1], strides = [1]} : vector<16xi32> to vector<1xi32>
      %squeeze3A_1029 = vector.extract %slice3A_1028[0] : i32 from vector<1xi32>
      %jit3A_1030 = arith.constant 16 : i32
      %div3A_1031 = arith.divsi %get3A_1023, %jit3A_1030 : i32
      %sign3A_1032 = arith.constant 0 : i32
      %sign3A_1033 = arith.cmpi sgt, %get3A_1023, %sign3A_1032 : i32
      %sign3A_1034 = arith.extui %sign3A_1033 : i1 to i32
      %sign3A_1035 = arith.constant 0 : i32
      %sign3A_1036 = arith.cmpi slt, %get3A_1023, %sign3A_1035 : i32
      %sign3A_1037 = arith.extui %sign3A_1036 : i1 to i32
      %sign3A_1038 = arith.subi %sign3A_1034, %sign3A_1037 : i32
      %sign3A_1039 = arith.constant 0 : i32
      %sign3A_1040 = arith.cmpi sgt, %jit3A_1030, %sign3A_1039 : i32
      %sign3A_1041 = arith.extui %sign3A_1040 : i1 to i32
      %sign3A_1042 = arith.constant 0 : i32
      %sign3A_1043 = arith.cmpi slt, %jit3A_1030, %sign3A_1042 : i32
      %sign3A_1044 = arith.extui %sign3A_1043 : i1 to i32
      %sign3A_1045 = arith.subi %sign3A_1041, %sign3A_1044 : i32
      %ne3A_1046 = arith.cmpi ne, %sign3A_1038, %sign3A_1045 : i32
      %rem3A_1047 = arith.remsi %get3A_1023, %jit3A_1030 : i32
      %ne3A_1048 = arith.constant 0 : i32
      %ne3A_1049 = arith.cmpi ne, %rem3A_1047, %ne3A_1048 : i32
      %and3A_1050 = arith.andi %ne3A_1046, %ne3A_1049 : i1
      %sub3A_1051 = arith.constant 1 : i32
      %sub3A_1052 = arith.subi %div3A_1031, %sub3A_1051 : i32
      %select_n3A_1053 = arith.select %and3A_1050, %sub3A_1052, %div3A_1031 : i32
      %mul3A_1054 = arith.constant 16 : i32
      %mul3A_1055 = arith.muli %select_n3A_1053, %mul3A_1054 : i32
      %sub3A_1056 = arith.subi %get3A_1023, %mul3A_1055 : i32
      %get3A_1057 = arith.index_cast %mul3A_1055 : i32 to index
      %get3A_1058 = tpu.vector_load %arg9[%get3A_1057] {strides = array<i32>} : memref<1040xi32, #tpu.memory_space<vmem>>, vector<16xi32>,
      %get3A_1059 = vector.shape_cast %get3A_1058 : vector<16xi32> to vector<16xi32>
      %eq3A_1060 = vector.broadcast %sub3A_1056 : i32 to vector<16xi32>
      %eq3A_1061 = arith.cmpi eq, %iota3A, %eq3A_1060 : vector<16xi32>
      %broadcast_in_dim3A_1062 = vector.broadcast %squeeze3A_1029 : i32 to vector<16xi32>
      %select_n3A_1063 = arith.select %eq3A_1061, %broadcast_in_dim3A_1062, %get3A_1059 : vector<16xi1>, vector<16xi32>
      %swap3A_1064 = arith.index_cast %mul3A_1055 : i32 to index
      %swap3A_1065 = tpu.vector_load %arg9[%swap3A_1064] {strides = array<i32>} : memref<1040xi32, #tpu.memory_space<vmem>>, vector<16xi32>,
      %swap3A_1066 = vector.shape_cast %swap3A_1065 : vector<16xi32> to vector<16xi32>
      %swap3A_1067 = vector.shape_cast %select_n3A_1063 : vector<16xi32> to vector<16xi32>
      tpu.vector_store %arg9[%swap3A_1064], %swap3A_1067 {strides = array<i32>} : memref<1040xi32, #tpu.memory_space<vmem>>, vector<16xi32>,
      %slice3A_1068 = vector.extract_strided_slice %get3A_46 {offsets = [11], sizes = [1], strides = [1]} : vector<16xi32> to vector<1xi32>
      %squeeze3A_1069 = vector.extract %slice3A_1068[0] : i32 from vector<1xi32>
      %jit3A_1070 = arith.constant 16 : i32
      %div3A_1071 = arith.divsi %get3A_1023, %jit3A_1070 : i32
      %sign3A_1072 = arith.constant 0 : i32
      %sign3A_1073 = arith.cmpi sgt, %get3A_1023, %sign3A_1072 : i32
      %sign3A_1074 = arith.extui %sign3A_1073 : i1 to i32
      %sign3A_1075 = arith.constant 0 : i32
      %sign3A_1076 = arith.cmpi slt, %get3A_1023, %sign3A_1075 : i32
      %sign3A_1077 = arith.extui %sign3A_1076 : i1 to i32
      %sign3A_1078 = arith.subi %sign3A_1074, %sign3A_1077 : i32
      %sign3A_1079 = arith.constant 0 : i32
      %sign3A_1080 = arith.cmpi sgt, %jit3A_1070, %sign3A_1079 : i32
      %sign3A_1081 = arith.extui %sign3A_1080 : i1 to i32
      %sign3A_1082 = arith.constant 0 : i32
      %sign3A_1083 = arith.cmpi slt, %jit3A_1070, %sign3A_1082 : i32
      %sign3A_1084 = arith.extui %sign3A_1083 : i1 to i32
      %sign3A_1085 = arith.subi %sign3A_1081, %sign3A_1084 : i32
      %ne3A_1086 = arith.cmpi ne, %sign3A_1078, %sign3A_1085 : i32
      %rem3A_1087 = arith.remsi %get3A_1023, %jit3A_1070 : i32
      %ne3A_1088 = arith.constant 0 : i32
      %ne3A_1089 = arith.cmpi ne, %rem3A_1087, %ne3A_1088 : i32
      %and3A_1090 = arith.andi %ne3A_1086, %ne3A_1089 : i1
      %sub3A_1091 = arith.constant 1 : i32
      %sub3A_1092 = arith.subi %div3A_1071, %sub3A_1091 : i32
      %select_n3A_1093 = arith.select %and3A_1090, %sub3A_1092, %div3A_1071 : i32
      %mul3A_1094 = arith.constant 16 : i32
      %mul3A_1095 = arith.muli %select_n3A_1093, %mul3A_1094 : i32
      %sub3A_1096 = arith.subi %get3A_1023, %mul3A_1095 : i32
      %get3A_1097 = arith.index_cast %mul3A_1095 : i32 to index
      %get3A_1098 = tpu.vector_load %arg10[%get3A_1097] {strides = array<i32>} : memref<1040xi32, #tpu.memory_space<vmem>>, vector<16xi32>,
      %get3A_1099 = vector.shape_cast %get3A_1098 : vector<16xi32> to vector<16xi32>
      %eq3A_1100 = vector.broadcast %sub3A_1096 : i32 to vector<16xi32>
      %eq3A_1101 = arith.cmpi eq, %iota3A, %eq3A_1100 : vector<16xi32>
      %broadcast_in_dim3A_1102 = vector.broadcast %squeeze3A_1069 : i32 to vector<16xi32>
      %select_n3A_1103 = arith.select %eq3A_1101, %broadcast_in_dim3A_1102, %get3A_1099 : vector<16xi1>, vector<16xi32>
      %swap3A_1104 = arith.index_cast %mul3A_1095 : i32 to index
      %swap3A_1105 = tpu.vector_load %arg10[%swap3A_1104] {strides = array<i32>} : memref<1040xi32, #tpu.memory_space<vmem>>, vector<16xi32>,
      %swap3A_1106 = vector.shape_cast %swap3A_1105 : vector<16xi32> to vector<16xi32>
      %swap3A_1107 = vector.shape_cast %select_n3A_1103 : vector<16xi32> to vector<16xi32>
      tpu.vector_store %arg10[%swap3A_1104], %swap3A_1107 {strides = array<i32>} : memref<1040xi32, #tpu.memory_space<vmem>>, vector<16xi32>,
      %slice3A_1108 = vector.extract_strided_slice %select_n3A_59 {offsets = [12], sizes = [1], strides = [1]} : vector<16xi32> to vector<1xi32>
      %squeeze3A_1109 = vector.extract %slice3A_1108[0] : i32 from vector<1xi32>
      %get3A_1110 = arith.index_cast %squeeze3A_1109 : i32 to index
      %get3A_1111 = memref.load %arg16[%get3A_1110] : memref<18xi32, #tpu.memory_space<smem>>
      %add3A_1112 = arith.constant 1 : i32
      %add3A_1113 = arith.addi %get3A_1111, %add3A_1112 : i32
      %swap3A_1114 = arith.index_cast %squeeze3A_1109 : i32 to index
      %swap3A_1115 = memref.load %arg16[%swap3A_1114] : memref<18xi32, #tpu.memory_space<smem>>
      memref.store %add3A_1113, %arg16[%swap3A_1114] : memref<18xi32, #tpu.memory_space<smem>>
      %slice3A_1116 = vector.extract_strided_slice %get3A_41 {offsets = [12], sizes = [1], strides = [1]} : vector<16xi32> to vector<1xi32>
      %squeeze3A_1117 = vector.extract %slice3A_1116[0] : i32 from vector<1xi32>
      %jit3A_1118 = arith.constant 16 : i32
      %div3A_1119 = arith.divsi %get3A_1111, %jit3A_1118 : i32
      %sign3A_1120 = arith.constant 0 : i32
      %sign3A_1121 = arith.cmpi sgt, %get3A_1111, %sign3A_1120 : i32
      %sign3A_1122 = arith.extui %sign3A_1121 : i1 to i32
      %sign3A_1123 = arith.constant 0 : i32
      %sign3A_1124 = arith.cmpi slt, %get3A_1111, %sign3A_1123 : i32
      %sign3A_1125 = arith.extui %sign3A_1124 : i1 to i32
      %sign3A_1126 = arith.subi %sign3A_1122, %sign3A_1125 : i32
      %sign3A_1127 = arith.constant 0 : i32
      %sign3A_1128 = arith.cmpi sgt, %jit3A_1118, %sign3A_1127 : i32
      %sign3A_1129 = arith.extui %sign3A_1128 : i1 to i32
      %sign3A_1130 = arith.constant 0 : i32
      %sign3A_1131 = arith.cmpi slt, %jit3A_1118, %sign3A_1130 : i32
      %sign3A_1132 = arith.extui %sign3A_1131 : i1 to i32
      %sign3A_1133 = arith.subi %sign3A_1129, %sign3A_1132 : i32
      %ne3A_1134 = arith.cmpi ne, %sign3A_1126, %sign3A_1133 : i32
      %rem3A_1135 = arith.remsi %get3A_1111, %jit3A_1118 : i32
      %ne3A_1136 = arith.constant 0 : i32
      %ne3A_1137 = arith.cmpi ne, %rem3A_1135, %ne3A_1136 : i32
      %and3A_1138 = arith.andi %ne3A_1134, %ne3A_1137 : i1
      %sub3A_1139 = arith.constant 1 : i32
      %sub3A_1140 = arith.subi %div3A_1119, %sub3A_1139 : i32
      %select_n3A_1141 = arith.select %and3A_1138, %sub3A_1140, %div3A_1119 : i32
      %mul3A_1142 = arith.constant 16 : i32
      %mul3A_1143 = arith.muli %select_n3A_1141, %mul3A_1142 : i32
      %sub3A_1144 = arith.subi %get3A_1111, %mul3A_1143 : i32
      %get3A_1145 = arith.index_cast %mul3A_1143 : i32 to index
      %get3A_1146 = tpu.vector_load %arg9[%get3A_1145] {strides = array<i32>} : memref<1040xi32, #tpu.memory_space<vmem>>, vector<16xi32>,
      %get3A_1147 = vector.shape_cast %get3A_1146 : vector<16xi32> to vector<16xi32>
      %eq3A_1148 = vector.broadcast %sub3A_1144 : i32 to vector<16xi32>
      %eq3A_1149 = arith.cmpi eq, %iota3A, %eq3A_1148 : vector<16xi32>
      %broadcast_in_dim3A_1150 = vector.broadcast %squeeze3A_1117 : i32 to vector<16xi32>
      %select_n3A_1151 = arith.select %eq3A_1149, %broadcast_in_dim3A_1150, %get3A_1147 : vector<16xi1>, vector<16xi32>
      %swap3A_1152 = arith.index_cast %mul3A_1143 : i32 to index
      %swap3A_1153 = tpu.vector_load %arg9[%swap3A_1152] {strides = array<i32>} : memref<1040xi32, #tpu.memory_space<vmem>>, vector<16xi32>,
      %swap3A_1154 = vector.shape_cast %swap3A_1153 : vector<16xi32> to vector<16xi32>
      %swap3A_1155 = vector.shape_cast %select_n3A_1151 : vector<16xi32> to vector<16xi32>
      tpu.vector_store %arg9[%swap3A_1152], %swap3A_1155 {strides = array<i32>} : memref<1040xi32, #tpu.memory_space<vmem>>, vector<16xi32>,
      %slice3A_1156 = vector.extract_strided_slice %get3A_46 {offsets = [12], sizes = [1], strides = [1]} : vector<16xi32> to vector<1xi32>
      %squeeze3A_1157 = vector.extract %slice3A_1156[0] : i32 from vector<1xi32>
      %jit3A_1158 = arith.constant 16 : i32
      %div3A_1159 = arith.divsi %get3A_1111, %jit3A_1158 : i32
      %sign3A_1160 = arith.constant 0 : i32
      %sign3A_1161 = arith.cmpi sgt, %get3A_1111, %sign3A_1160 : i32
      %sign3A_1162 = arith.extui %sign3A_1161 : i1 to i32
      %sign3A_1163 = arith.constant 0 : i32
      %sign3A_1164 = arith.cmpi slt, %get3A_1111, %sign3A_1163 : i32
      %sign3A_1165 = arith.extui %sign3A_1164 : i1 to i32
      %sign3A_1166 = arith.subi %sign3A_1162, %sign3A_1165 : i32
      %sign3A_1167 = arith.constant 0 : i32
      %sign3A_1168 = arith.cmpi sgt, %jit3A_1158, %sign3A_1167 : i32
      %sign3A_1169 = arith.extui %sign3A_1168 : i1 to i32
      %sign3A_1170 = arith.constant 0 : i32
      %sign3A_1171 = arith.cmpi slt, %jit3A_1158, %sign3A_1170 : i32
      %sign3A_1172 = arith.extui %sign3A_1171 : i1 to i32
      %sign3A_1173 = arith.subi %sign3A_1169, %sign3A_1172 : i32
      %ne3A_1174 = arith.cmpi ne, %sign3A_1166, %sign3A_1173 : i32
      %rem3A_1175 = arith.remsi %get3A_1111, %jit3A_1158 : i32
      %ne3A_1176 = arith.constant 0 : i32
      %ne3A_1177 = arith.cmpi ne, %rem3A_1175, %ne3A_1176 : i32
      %and3A_1178 = arith.andi %ne3A_1174, %ne3A_1177 : i1
      %sub3A_1179 = arith.constant 1 : i32
      %sub3A_1180 = arith.subi %div3A_1159, %sub3A_1179 : i32
      %select_n3A_1181 = arith.select %and3A_1178, %sub3A_1180, %div3A_1159 : i32
      %mul3A_1182 = arith.constant 16 : i32
      %mul3A_1183 = arith.muli %select_n3A_1181, %mul3A_1182 : i32
      %sub3A_1184 = arith.subi %get3A_1111, %mul3A_1183 : i32
      %get3A_1185 = arith.index_cast %mul3A_1183 : i32 to index
      %get3A_1186 = tpu.vector_load %arg10[%get3A_1185] {strides = array<i32>} : memref<1040xi32, #tpu.memory_space<vmem>>, vector<16xi32>,
      %get3A_1187 = vector.shape_cast %get3A_1186 : vector<16xi32> to vector<16xi32>
      %eq3A_1188 = vector.broadcast %sub3A_1184 : i32 to vector<16xi32>
      %eq3A_1189 = arith.cmpi eq, %iota3A, %eq3A_1188 : vector<16xi32>
      %broadcast_in_dim3A_1190 = vector.broadcast %squeeze3A_1157 : i32 to vector<16xi32>
      %select_n3A_1191 = arith.select %eq3A_1189, %broadcast_in_dim3A_1190, %get3A_1187 : vector<16xi1>, vector<16xi32>
      %swap3A_1192 = arith.index_cast %mul3A_1183 : i32 to index
      %swap3A_1193 = tpu.vector_load %arg10[%swap3A_1192] {strides = array<i32>} : memref<1040xi32, #tpu.memory_space<vmem>>, vector<16xi32>,
      %swap3A_1194 = vector.shape_cast %swap3A_1193 : vector<16xi32> to vector<16xi32>
      %swap3A_1195 = vector.shape_cast %select_n3A_1191 : vector<16xi32> to vector<16xi32>
      tpu.vector_store %arg10[%swap3A_1192], %swap3A_1195 {strides = array<i32>} : memref<1040xi32, #tpu.memory_space<vmem>>, vector<16xi32>,
      %slice3A_1196 = vector.extract_strided_slice %select_n3A_59 {offsets = [13], sizes = [1], strides = [1]} : vector<16xi32> to vector<1xi32>
      %squeeze3A_1197 = vector.extract %slice3A_1196[0] : i32 from vector<1xi32>
      %get3A_1198 = arith.index_cast %squeeze3A_1197 : i32 to index
      %get3A_1199 = memref.load %arg16[%get3A_1198] : memref<18xi32, #tpu.memory_space<smem>>
      %add3A_1200 = arith.constant 1 : i32
      %add3A_1201 = arith.addi %get3A_1199, %add3A_1200 : i32
      %swap3A_1202 = arith.index_cast %squeeze3A_1197 : i32 to index
      %swap3A_1203 = memref.load %arg16[%swap3A_1202] : memref<18xi32, #tpu.memory_space<smem>>
      memref.store %add3A_1201, %arg16[%swap3A_1202] : memref<18xi32, #tpu.memory_space<smem>>
      %slice3A_1204 = vector.extract_strided_slice %get3A_41 {offsets = [13], sizes = [1], strides = [1]} : vector<16xi32> to vector<1xi32>
      %squeeze3A_1205 = vector.extract %slice3A_1204[0] : i32 from vector<1xi32>
      %jit3A_1206 = arith.constant 16 : i32
      %div3A_1207 = arith.divsi %get3A_1199, %jit3A_1206 : i32
      %sign3A_1208 = arith.constant 0 : i32
      %sign3A_1209 = arith.cmpi sgt, %get3A_1199, %sign3A_1208 : i32
      %sign3A_1210 = arith.extui %sign3A_1209 : i1 to i32
      %sign3A_1211 = arith.constant 0 : i32
      %sign3A_1212 = arith.cmpi slt, %get3A_1199, %sign3A_1211 : i32
      %sign3A_1213 = arith.extui %sign3A_1212 : i1 to i32
      %sign3A_1214 = arith.subi %sign3A_1210, %sign3A_1213 : i32
      %sign3A_1215 = arith.constant 0 : i32
      %sign3A_1216 = arith.cmpi sgt, %jit3A_1206, %sign3A_1215 : i32
      %sign3A_1217 = arith.extui %sign3A_1216 : i1 to i32
      %sign3A_1218 = arith.constant 0 : i32
      %sign3A_1219 = arith.cmpi slt, %jit3A_1206, %sign3A_1218 : i32
      %sign3A_1220 = arith.extui %sign3A_1219 : i1 to i32
      %sign3A_1221 = arith.subi %sign3A_1217, %sign3A_1220 : i32
      %ne3A_1222 = arith.cmpi ne, %sign3A_1214, %sign3A_1221 : i32
      %rem3A_1223 = arith.remsi %get3A_1199, %jit3A_1206 : i32
      %ne3A_1224 = arith.constant 0 : i32
      %ne3A_1225 = arith.cmpi ne, %rem3A_1223, %ne3A_1224 : i32
      %and3A_1226 = arith.andi %ne3A_1222, %ne3A_1225 : i1
      %sub3A_1227 = arith.constant 1 : i32
      %sub3A_1228 = arith.subi %div3A_1207, %sub3A_1227 : i32
      %select_n3A_1229 = arith.select %and3A_1226, %sub3A_1228, %div3A_1207 : i32
      %mul3A_1230 = arith.constant 16 : i32
      %mul3A_1231 = arith.muli %select_n3A_1229, %mul3A_1230 : i32
      %sub3A_1232 = arith.subi %get3A_1199, %mul3A_1231 : i32
      %get3A_1233 = arith.index_cast %mul3A_1231 : i32 to index
      %get3A_1234 = tpu.vector_load %arg9[%get3A_1233] {strides = array<i32>} : memref<1040xi32, #tpu.memory_space<vmem>>, vector<16xi32>,
      %get3A_1235 = vector.shape_cast %get3A_1234 : vector<16xi32> to vector<16xi32>
      %eq3A_1236 = vector.broadcast %sub3A_1232 : i32 to vector<16xi32>
      %eq3A_1237 = arith.cmpi eq, %iota3A, %eq3A_1236 : vector<16xi32>
      %broadcast_in_dim3A_1238 = vector.broadcast %squeeze3A_1205 : i32 to vector<16xi32>
      %select_n3A_1239 = arith.select %eq3A_1237, %broadcast_in_dim3A_1238, %get3A_1235 : vector<16xi1>, vector<16xi32>
      %swap3A_1240 = arith.index_cast %mul3A_1231 : i32 to index
      %swap3A_1241 = tpu.vector_load %arg9[%swap3A_1240] {strides = array<i32>} : memref<1040xi32, #tpu.memory_space<vmem>>, vector<16xi32>,
      %swap3A_1242 = vector.shape_cast %swap3A_1241 : vector<16xi32> to vector<16xi32>
      %swap3A_1243 = vector.shape_cast %select_n3A_1239 : vector<16xi32> to vector<16xi32>
      tpu.vector_store %arg9[%swap3A_1240], %swap3A_1243 {strides = array<i32>} : memref<1040xi32, #tpu.memory_space<vmem>>, vector<16xi32>,
      %slice3A_1244 = vector.extract_strided_slice %get3A_46 {offsets = [13], sizes = [1], strides = [1]} : vector<16xi32> to vector<1xi32>
      %squeeze3A_1245 = vector.extract %slice3A_1244[0] : i32 from vector<1xi32>
      %jit3A_1246 = arith.constant 16 : i32
      %div3A_1247 = arith.divsi %get3A_1199, %jit3A_1246 : i32
      %sign3A_1248 = arith.constant 0 : i32
      %sign3A_1249 = arith.cmpi sgt, %get3A_1199, %sign3A_1248 : i32
      %sign3A_1250 = arith.extui %sign3A_1249 : i1 to i32
      %sign3A_1251 = arith.constant 0 : i32
      %sign3A_1252 = arith.cmpi slt, %get3A_1199, %sign3A_1251 : i32
      %sign3A_1253 = arith.extui %sign3A_1252 : i1 to i32
      %sign3A_1254 = arith.subi %sign3A_1250, %sign3A_1253 : i32
      %sign3A_1255 = arith.constant 0 : i32
      %sign3A_1256 = arith.cmpi sgt, %jit3A_1246, %sign3A_1255 : i32
      %sign3A_1257 = arith.extui %sign3A_1256 : i1 to i32
      %sign3A_1258 = arith.constant 0 : i32
      %sign3A_1259 = arith.cmpi slt, %jit3A_1246, %sign3A_1258 : i32
      %sign3A_1260 = arith.extui %sign3A_1259 : i1 to i32
      %sign3A_1261 = arith.subi %sign3A_1257, %sign3A_1260 : i32
      %ne3A_1262 = arith.cmpi ne, %sign3A_1254, %sign3A_1261 : i32
      %rem3A_1263 = arith.remsi %get3A_1199, %jit3A_1246 : i32
      %ne3A_1264 = arith.constant 0 : i32
      %ne3A_1265 = arith.cmpi ne, %rem3A_1263, %ne3A_1264 : i32
      %and3A_1266 = arith.andi %ne3A_1262, %ne3A_1265 : i1
      %sub3A_1267 = arith.constant 1 : i32
      %sub3A_1268 = arith.subi %div3A_1247, %sub3A_1267 : i32
      %select_n3A_1269 = arith.select %and3A_1266, %sub3A_1268, %div3A_1247 : i32
      %mul3A_1270 = arith.constant 16 : i32
      %mul3A_1271 = arith.muli %select_n3A_1269, %mul3A_1270 : i32
      %sub3A_1272 = arith.subi %get3A_1199, %mul3A_1271 : i32
      %get3A_1273 = arith.index_cast %mul3A_1271 : i32 to index
      %get3A_1274 = tpu.vector_load %arg10[%get3A_1273] {strides = array<i32>} : memref<1040xi32, #tpu.memory_space<vmem>>, vector<16xi32>,
      %get3A_1275 = vector.shape_cast %get3A_1274 : vector<16xi32> to vector<16xi32>
      %eq3A_1276 = vector.broadcast %sub3A_1272 : i32 to vector<16xi32>
      %eq3A_1277 = arith.cmpi eq, %iota3A, %eq3A_1276 : vector<16xi32>
      %broadcast_in_dim3A_1278 = vector.broadcast %squeeze3A_1245 : i32 to vector<16xi32>
      %select_n3A_1279 = arith.select %eq3A_1277, %broadcast_in_dim3A_1278, %get3A_1275 : vector<16xi1>, vector<16xi32>
      %swap3A_1280 = arith.index_cast %mul3A_1271 : i32 to index
      %swap3A_1281 = tpu.vector_load %arg10[%swap3A_1280] {strides = array<i32>} : memref<1040xi32, #tpu.memory_space<vmem>>, vector<16xi32>,
      %swap3A_1282 = vector.shape_cast %swap3A_1281 : vector<16xi32> to vector<16xi32>
      %swap3A_1283 = vector.shape_cast %select_n3A_1279 : vector<16xi32> to vector<16xi32>
      tpu.vector_store %arg10[%swap3A_1280], %swap3A_1283 {strides = array<i32>} : memref<1040xi32, #tpu.memory_space<vmem>>, vector<16xi32>,
      %slice3A_1284 = vector.extract_strided_slice %select_n3A_59 {offsets = [14], sizes = [1], strides = [1]} : vector<16xi32> to vector<1xi32>
      %squeeze3A_1285 = vector.extract %slice3A_1284[0] : i32 from vector<1xi32>
      %get3A_1286 = arith.index_cast %squeeze3A_1285 : i32 to index
      %get3A_1287 = memref.load %arg16[%get3A_1286] : memref<18xi32, #tpu.memory_space<smem>>
      %add3A_1288 = arith.constant 1 : i32
      %add3A_1289 = arith.addi %get3A_1287, %add3A_1288 : i32
      %swap3A_1290 = arith.index_cast %squeeze3A_1285 : i32 to index
      %swap3A_1291 = memref.load %arg16[%swap3A_1290] : memref<18xi32, #tpu.memory_space<smem>>
      memref.store %add3A_1289, %arg16[%swap3A_1290] : memref<18xi32, #tpu.memory_space<smem>>
      %slice3A_1292 = vector.extract_strided_slice %get3A_41 {offsets = [14], sizes = [1], strides = [1]} : vector<16xi32> to vector<1xi32>
      %squeeze3A_1293 = vector.extract %slice3A_1292[0] : i32 from vector<1xi32>
      %jit3A_1294 = arith.constant 16 : i32
      %div3A_1295 = arith.divsi %get3A_1287, %jit3A_1294 : i32
      %sign3A_1296 = arith.constant 0 : i32
      %sign3A_1297 = arith.cmpi sgt, %get3A_1287, %sign3A_1296 : i32
      %sign3A_1298 = arith.extui %sign3A_1297 : i1 to i32
      %sign3A_1299 = arith.constant 0 : i32
      %sign3A_1300 = arith.cmpi slt, %get3A_1287, %sign3A_1299 : i32
      %sign3A_1301 = arith.extui %sign3A_1300 : i1 to i32
      %sign3A_1302 = arith.subi %sign3A_1298, %sign3A_1301 : i32
      %sign3A_1303 = arith.constant 0 : i32
      %sign3A_1304 = arith.cmpi sgt, %jit3A_1294, %sign3A_1303 : i32
      %sign3A_1305 = arith.extui %sign3A_1304 : i1 to i32
      %sign3A_1306 = arith.constant 0 : i32
      %sign3A_1307 = arith.cmpi slt, %jit3A_1294, %sign3A_1306 : i32
      %sign3A_1308 = arith.extui %sign3A_1307 : i1 to i32
      %sign3A_1309 = arith.subi %sign3A_1305, %sign3A_1308 : i32
      %ne3A_1310 = arith.cmpi ne, %sign3A_1302, %sign3A_1309 : i32
      %rem3A_1311 = arith.remsi %get3A_1287, %jit3A_1294 : i32
      %ne3A_1312 = arith.constant 0 : i32
      %ne3A_1313 = arith.cmpi ne, %rem3A_1311, %ne3A_1312 : i32
      %and3A_1314 = arith.andi %ne3A_1310, %ne3A_1313 : i1
      %sub3A_1315 = arith.constant 1 : i32
      %sub3A_1316 = arith.subi %div3A_1295, %sub3A_1315 : i32
      %select_n3A_1317 = arith.select %and3A_1314, %sub3A_1316, %div3A_1295 : i32
      %mul3A_1318 = arith.constant 16 : i32
      %mul3A_1319 = arith.muli %select_n3A_1317, %mul3A_1318 : i32
      %sub3A_1320 = arith.subi %get3A_1287, %mul3A_1319 : i32
      %get3A_1321 = arith.index_cast %mul3A_1319 : i32 to index
      %get3A_1322 = tpu.vector_load %arg9[%get3A_1321] {strides = array<i32>} : memref<1040xi32, #tpu.memory_space<vmem>>, vector<16xi32>,
      %get3A_1323 = vector.shape_cast %get3A_1322 : vector<16xi32> to vector<16xi32>
      %eq3A_1324 = vector.broadcast %sub3A_1320 : i32 to vector<16xi32>
      %eq3A_1325 = arith.cmpi eq, %iota3A, %eq3A_1324 : vector<16xi32>
      %broadcast_in_dim3A_1326 = vector.broadcast %squeeze3A_1293 : i32 to vector<16xi32>
      %select_n3A_1327 = arith.select %eq3A_1325, %broadcast_in_dim3A_1326, %get3A_1323 : vector<16xi1>, vector<16xi32>
      %swap3A_1328 = arith.index_cast %mul3A_1319 : i32 to index
      %swap3A_1329 = tpu.vector_load %arg9[%swap3A_1328] {strides = array<i32>} : memref<1040xi32, #tpu.memory_space<vmem>>, vector<16xi32>,
      %swap3A_1330 = vector.shape_cast %swap3A_1329 : vector<16xi32> to vector<16xi32>
      %swap3A_1331 = vector.shape_cast %select_n3A_1327 : vector<16xi32> to vector<16xi32>
      tpu.vector_store %arg9[%swap3A_1328], %swap3A_1331 {strides = array<i32>} : memref<1040xi32, #tpu.memory_space<vmem>>, vector<16xi32>,
      %slice3A_1332 = vector.extract_strided_slice %get3A_46 {offsets = [14], sizes = [1], strides = [1]} : vector<16xi32> to vector<1xi32>
      %squeeze3A_1333 = vector.extract %slice3A_1332[0] : i32 from vector<1xi32>
      %jit3A_1334 = arith.constant 16 : i32
      %div3A_1335 = arith.divsi %get3A_1287, %jit3A_1334 : i32
      %sign3A_1336 = arith.constant 0 : i32
      %sign3A_1337 = arith.cmpi sgt, %get3A_1287, %sign3A_1336 : i32
      %sign3A_1338 = arith.extui %sign3A_1337 : i1 to i32
      %sign3A_1339 = arith.constant 0 : i32
      %sign3A_1340 = arith.cmpi slt, %get3A_1287, %sign3A_1339 : i32
      %sign3A_1341 = arith.extui %sign3A_1340 : i1 to i32
      %sign3A_1342 = arith.subi %sign3A_1338, %sign3A_1341 : i32
      %sign3A_1343 = arith.constant 0 : i32
      %sign3A_1344 = arith.cmpi sgt, %jit3A_1334, %sign3A_1343 : i32
      %sign3A_1345 = arith.extui %sign3A_1344 : i1 to i32
      %sign3A_1346 = arith.constant 0 : i32
      %sign3A_1347 = arith.cmpi slt, %jit3A_1334, %sign3A_1346 : i32
      %sign3A_1348 = arith.extui %sign3A_1347 : i1 to i32
      %sign3A_1349 = arith.subi %sign3A_1345, %sign3A_1348 : i32
      %ne3A_1350 = arith.cmpi ne, %sign3A_1342, %sign3A_1349 : i32
      %rem3A_1351 = arith.remsi %get3A_1287, %jit3A_1334 : i32
      %ne3A_1352 = arith.constant 0 : i32
      %ne3A_1353 = arith.cmpi ne, %rem3A_1351, %ne3A_1352 : i32
      %and3A_1354 = arith.andi %ne3A_1350, %ne3A_1353 : i1
      %sub3A_1355 = arith.constant 1 : i32
      %sub3A_1356 = arith.subi %div3A_1335, %sub3A_1355 : i32
      %select_n3A_1357 = arith.select %and3A_1354, %sub3A_1356, %div3A_1335 : i32
      %mul3A_1358 = arith.constant 16 : i32
      %mul3A_1359 = arith.muli %select_n3A_1357, %mul3A_1358 : i32
      %sub3A_1360 = arith.subi %get3A_1287, %mul3A_1359 : i32
      %get3A_1361 = arith.index_cast %mul3A_1359 : i32 to index
      %get3A_1362 = tpu.vector_load %arg10[%get3A_1361] {strides = array<i32>} : memref<1040xi32, #tpu.memory_space<vmem>>, vector<16xi32>,
      %get3A_1363 = vector.shape_cast %get3A_1362 : vector<16xi32> to vector<16xi32>
      %eq3A_1364 = vector.broadcast %sub3A_1360 : i32 to vector<16xi32>
      %eq3A_1365 = arith.cmpi eq, %iota3A, %eq3A_1364 : vector<16xi32>
      %broadcast_in_dim3A_1366 = vector.broadcast %squeeze3A_1333 : i32 to vector<16xi32>
      %select_n3A_1367 = arith.select %eq3A_1365, %broadcast_in_dim3A_1366, %get3A_1363 : vector<16xi1>, vector<16xi32>
      %swap3A_1368 = arith.index_cast %mul3A_1359 : i32 to index
      %swap3A_1369 = tpu.vector_load %arg10[%swap3A_1368] {strides = array<i32>} : memref<1040xi32, #tpu.memory_space<vmem>>, vector<16xi32>,
      %swap3A_1370 = vector.shape_cast %swap3A_1369 : vector<16xi32> to vector<16xi32>
      %swap3A_1371 = vector.shape_cast %select_n3A_1367 : vector<16xi32> to vector<16xi32>
      tpu.vector_store %arg10[%swap3A_1368], %swap3A_1371 {strides = array<i32>} : memref<1040xi32, #tpu.memory_space<vmem>>, vector<16xi32>,
      %slice3A_1372 = vector.extract_strided_slice %select_n3A_59 {offsets = [15], sizes = [1], strides = [1]} : vector<16xi32> to vector<1xi32>
      %squeeze3A_1373 = vector.extract %slice3A_1372[0] : i32 from vector<1xi32>
      %get3A_1374 = arith.index_cast %squeeze3A_1373 : i32 to index
      %get3A_1375 = memref.load %arg16[%get3A_1374] : memref<18xi32, #tpu.memory_space<smem>>
      %add3A_1376 = arith.constant 1 : i32
      %add3A_1377 = arith.addi %get3A_1375, %add3A_1376 : i32
      %swap3A_1378 = arith.index_cast %squeeze3A_1373 : i32 to index
      %swap3A_1379 = memref.load %arg16[%swap3A_1378] : memref<18xi32, #tpu.memory_space<smem>>
      memref.store %add3A_1377, %arg16[%swap3A_1378] : memref<18xi32, #tpu.memory_space<smem>>
      %slice3A_1380 = vector.extract_strided_slice %get3A_41 {offsets = [15], sizes = [1], strides = [1]} : vector<16xi32> to vector<1xi32>
      %squeeze3A_1381 = vector.extract %slice3A_1380[0] : i32 from vector<1xi32>
      %jit3A_1382 = arith.constant 16 : i32
      %div3A_1383 = arith.divsi %get3A_1375, %jit3A_1382 : i32
      %sign3A_1384 = arith.constant 0 : i32
      %sign3A_1385 = arith.cmpi sgt, %get3A_1375, %sign3A_1384 : i32
      %sign3A_1386 = arith.extui %sign3A_1385 : i1 to i32
      %sign3A_1387 = arith.constant 0 : i32
      %sign3A_1388 = arith.cmpi slt, %get3A_1375, %sign3A_1387 : i32
      %sign3A_1389 = arith.extui %sign3A_1388 : i1 to i32
      %sign3A_1390 = arith.subi %sign3A_1386, %sign3A_1389 : i32
      %sign3A_1391 = arith.constant 0 : i32
      %sign3A_1392 = arith.cmpi sgt, %jit3A_1382, %sign3A_1391 : i32
      %sign3A_1393 = arith.extui %sign3A_1392 : i1 to i32
      %sign3A_1394 = arith.constant 0 : i32
      %sign3A_1395 = arith.cmpi slt, %jit3A_1382, %sign3A_1394 : i32
      %sign3A_1396 = arith.extui %sign3A_1395 : i1 to i32
      %sign3A_1397 = arith.subi %sign3A_1393, %sign3A_1396 : i32
      %ne3A_1398 = arith.cmpi ne, %sign3A_1390, %sign3A_1397 : i32
      %rem3A_1399 = arith.remsi %get3A_1375, %jit3A_1382 : i32
      %ne3A_1400 = arith.constant 0 : i32
      %ne3A_1401 = arith.cmpi ne, %rem3A_1399, %ne3A_1400 : i32
      %and3A_1402 = arith.andi %ne3A_1398, %ne3A_1401 : i1
      %sub3A_1403 = arith.constant 1 : i32
      %sub3A_1404 = arith.subi %div3A_1383, %sub3A_1403 : i32
      %select_n3A_1405 = arith.select %and3A_1402, %sub3A_1404, %div3A_1383 : i32
      %mul3A_1406 = arith.constant 16 : i32
      %mul3A_1407 = arith.muli %select_n3A_1405, %mul3A_1406 : i32
      %sub3A_1408 = arith.subi %get3A_1375, %mul3A_1407 : i32
      %get3A_1409 = arith.index_cast %mul3A_1407 : i32 to index
      %get3A_1410 = tpu.vector_load %arg9[%get3A_1409] {strides = array<i32>} : memref<1040xi32, #tpu.memory_space<vmem>>, vector<16xi32>,
      %get3A_1411 = vector.shape_cast %get3A_1410 : vector<16xi32> to vector<16xi32>
      %eq3A_1412 = vector.broadcast %sub3A_1408 : i32 to vector<16xi32>
      %eq3A_1413 = arith.cmpi eq, %iota3A, %eq3A_1412 : vector<16xi32>
      %broadcast_in_dim3A_1414 = vector.broadcast %squeeze3A_1381 : i32 to vector<16xi32>
      %select_n3A_1415 = arith.select %eq3A_1413, %broadcast_in_dim3A_1414, %get3A_1411 : vector<16xi1>, vector<16xi32>
      %swap3A_1416 = arith.index_cast %mul3A_1407 : i32 to index
      %swap3A_1417 = tpu.vector_load %arg9[%swap3A_1416] {strides = array<i32>} : memref<1040xi32, #tpu.memory_space<vmem>>, vector<16xi32>,
      %swap3A_1418 = vector.shape_cast %swap3A_1417 : vector<16xi32> to vector<16xi32>
      %swap3A_1419 = vector.shape_cast %select_n3A_1415 : vector<16xi32> to vector<16xi32>
      tpu.vector_store %arg9[%swap3A_1416], %swap3A_1419 {strides = array<i32>} : memref<1040xi32, #tpu.memory_space<vmem>>, vector<16xi32>,
      %slice3A_1420 = vector.extract_strided_slice %get3A_46 {offsets = [15], sizes = [1], strides = [1]} : vector<16xi32> to vector<1xi32>
      %squeeze3A_1421 = vector.extract %slice3A_1420[0] : i32 from vector<1xi32>
      %jit3A_1422 = arith.constant 16 : i32
      %div3A_1423 = arith.divsi %get3A_1375, %jit3A_1422 : i32
      %sign3A_1424 = arith.constant 0 : i32
      %sign3A_1425 = arith.cmpi sgt, %get3A_1375, %sign3A_1424 : i32
      %sign3A_1426 = arith.extui %sign3A_1425 : i1 to i32
      %sign3A_1427 = arith.constant 0 : i32
      %sign3A_1428 = arith.cmpi slt, %get3A_1375, %sign3A_1427 : i32
      %sign3A_1429 = arith.extui %sign3A_1428 : i1 to i32
      %sign3A_1430 = arith.subi %sign3A_1426, %sign3A_1429 : i32
      %sign3A_1431 = arith.constant 0 : i32
      %sign3A_1432 = arith.cmpi sgt, %jit3A_1422, %sign3A_1431 : i32
      %sign3A_1433 = arith.extui %sign3A_1432 : i1 to i32
      %sign3A_1434 = arith.constant 0 : i32
      %sign3A_1435 = arith.cmpi slt, %jit3A_1422, %sign3A_1434 : i32
      %sign3A_1436 = arith.extui %sign3A_1435 : i1 to i32
      %sign3A_1437 = arith.subi %sign3A_1433, %sign3A_1436 : i32
      %ne3A_1438 = arith.cmpi ne, %sign3A_1430, %sign3A_1437 : i32
      %rem3A_1439 = arith.remsi %get3A_1375, %jit3A_1422 : i32
      %ne3A_1440 = arith.constant 0 : i32
      %ne3A_1441 = arith.cmpi ne, %rem3A_1439, %ne3A_1440 : i32
      %and3A_1442 = arith.andi %ne3A_1438, %ne3A_1441 : i1
      %sub3A_1443 = arith.constant 1 : i32
      %sub3A_1444 = arith.subi %div3A_1423, %sub3A_1443 : i32
      %select_n3A_1445 = arith.select %and3A_1442, %sub3A_1444, %div3A_1423 : i32
      %mul3A_1446 = arith.constant 16 : i32
      %mul3A_1447 = arith.muli %select_n3A_1445, %mul3A_1446 : i32
      %sub3A_1448 = arith.subi %get3A_1375, %mul3A_1447 : i32
      %get3A_1449 = arith.index_cast %mul3A_1447 : i32 to index
      %get3A_1450 = tpu.vector_load %arg10[%get3A_1449] {strides = array<i32>} : memref<1040xi32, #tpu.memory_space<vmem>>, vector<16xi32>,
      %get3A_1451 = vector.shape_cast %get3A_1450 : vector<16xi32> to vector<16xi32>
      %eq3A_1452 = vector.broadcast %sub3A_1448 : i32 to vector<16xi32>
      %eq3A_1453 = arith.cmpi eq, %iota3A, %eq3A_1452 : vector<16xi32>
      %broadcast_in_dim3A_1454 = vector.broadcast %squeeze3A_1421 : i32 to vector<16xi32>
      %select_n3A_1455 = arith.select %eq3A_1453, %broadcast_in_dim3A_1454, %get3A_1451 : vector<16xi1>, vector<16xi32>
      %swap3A_1456 = arith.index_cast %mul3A_1447 : i32 to index
      %swap3A_1457 = tpu.vector_load %arg10[%swap3A_1456] {strides = array<i32>} : memref<1040xi32, #tpu.memory_space<vmem>>, vector<16xi32>,
      %swap3A_1458 = vector.shape_cast %swap3A_1457 : vector<16xi32> to vector<16xi32>
      %swap3A_1459 = vector.shape_cast %select_n3A_1455 : vector<16xi32> to vector<16xi32>
      tpu.vector_store %arg10[%swap3A_1456], %swap3A_1459 {strides = array<i32>} : memref<1040xi32, #tpu.memory_space<vmem>>, vector<16xi32>,
    }
    %scan3A_30 = arith.constant 64 : i32
    %scan3A_31 = arith.constant 0 : i32
    %scan3A_32 = arith.constant 0 : i32
    %scan3A_33 = arith.constant 16 : i32
    %scan3A_34 = arith.addi %scan3A_32, %scan3A_33 : i32
    %scan3A_35 = arith.constant 1 : i32
    scf.for %scan3A_37 = %scan3A_32 to %scan3A_34 step %scan3A_35  : i32 {
      %mul3A_38 = arith.constant 32768 : i32
      %mul3A_39 = arith.muli %scan3A_37, %mul3A_38 : i32
      %min3A = arith.constant 467232 : i32
      %min3A_40 = arith.minsi %mul3A_39, %min3A : i32
      %add3A = arith.addi %mul3A_0, %min3A_40 : i32
      %jit3A = arith.constant 4 : i32
      %div3A = arith.divsi %add3A, %jit3A : i32
      %sign3A = arith.constant 0 : i32
      %sign3A_41 = arith.cmpi sgt, %add3A, %sign3A : i32
      %sign3A_42 = arith.extui %sign3A_41 : i1 to i32
      %sign3A_43 = arith.constant 0 : i32
      %sign3A_44 = arith.cmpi slt, %add3A, %sign3A_43 : i32
      %sign3A_45 = arith.extui %sign3A_44 : i1 to i32
      %sign3A_46 = arith.subi %sign3A_42, %sign3A_45 : i32
      %sign3A_47 = arith.constant 0 : i32
      %sign3A_48 = arith.cmpi sgt, %jit3A, %sign3A_47 : i32
      %sign3A_49 = arith.extui %sign3A_48 : i1 to i32
      %sign3A_50 = arith.constant 0 : i32
      %sign3A_51 = arith.cmpi slt, %jit3A, %sign3A_50 : i32
      %sign3A_52 = arith.extui %sign3A_51 : i1 to i32
      %sign3A_53 = arith.subi %sign3A_49, %sign3A_52 : i32
      %ne3A = arith.cmpi ne, %sign3A_46, %sign3A_53 : i32
      %rem3A = arith.remsi %add3A, %jit3A : i32
      %ne3A_54 = arith.constant 0 : i32
      %ne3A_55 = arith.cmpi ne, %rem3A, %ne3A_54 : i32
      %and3A = arith.andi %ne3A, %ne3A_55 : i1
      %sub3A = arith.constant 1 : i32
      %sub3A_56 = arith.subi %div3A, %sub3A : i32
      %select_n3A = arith.select %and3A, %sub3A_56, %div3A : i32
      %get3A = arith.index_cast %scan3A_37 : i32 to index
      %get3A_57 = memref.load %arg15[%get3A] : memref<18xi32, #tpu.memory_space<smem>>
      %add3A_58 = arith.constant 1 : i32
      %add3A_59 = arith.addi %scan3A_37, %add3A_58 : i32
      %get3A_60 = arith.index_cast %add3A_59 : i32 to index
      %get3A_61 = memref.load %arg15[%get3A_60] : memref<18xi32, #tpu.memory_space<smem>>
      %sub3A_62 = arith.subi %get3A_61, %get3A_57 : i32
      %add3A_63 = arith.constant 127 : i32
      %add3A_64 = arith.addi %sub3A_62, %add3A_63 : i32
      %jit3A_65 = arith.constant 128 : i32
      %div3A_66 = arith.divsi %add3A_64, %jit3A_65 : i32
      %sign3A_67 = arith.constant 0 : i32
      %sign3A_68 = arith.cmpi sgt, %add3A_64, %sign3A_67 : i32
      %sign3A_69 = arith.extui %sign3A_68 : i1 to i32
      %sign3A_70 = arith.constant 0 : i32
      %sign3A_71 = arith.cmpi slt, %add3A_64, %sign3A_70 : i32
      %sign3A_72 = arith.extui %sign3A_71 : i1 to i32
      %sign3A_73 = arith.subi %sign3A_69, %sign3A_72 : i32
      %sign3A_74 = arith.constant 0 : i32
      %sign3A_75 = arith.cmpi sgt, %jit3A_65, %sign3A_74 : i32
      %sign3A_76 = arith.extui %sign3A_75 : i1 to i32
      %sign3A_77 = arith.constant 0 : i32
      %sign3A_78 = arith.cmpi slt, %jit3A_65, %sign3A_77 : i32
      %sign3A_79 = arith.extui %sign3A_78 : i1 to i32
      %sign3A_80 = arith.subi %sign3A_76, %sign3A_79 : i32
      %ne3A_81 = arith.cmpi ne, %sign3A_73, %sign3A_80 : i32
      %rem3A_82 = arith.remsi %add3A_64, %jit3A_65 : i32
      %ne3A_83 = arith.constant 0 : i32
      %ne3A_84 = arith.cmpi ne, %rem3A_82, %ne3A_83 : i32
      %and3A_85 = arith.andi %ne3A_81, %ne3A_84 : i1
      %sub3A_86 = arith.constant 1 : i32
      %sub3A_87 = arith.subi %div3A_66, %sub3A_86 : i32
      %select_n3A_88 = arith.select %and3A_85, %sub3A_87, %div3A_66 : i32
      %scan3A_89 = arith.constant 0 : i32
      %scan3A_90 = arith.constant 0 : i32
      %scan3A_91 = arith.constant 8 : i32
      %scan3A_92 = arith.addi %scan3A_90, %scan3A_91 : i32
      %scan3A_93 = arith.constant 1 : i32
      scf.for %scan3A_462 = %scan3A_90 to %scan3A_92 step %scan3A_93  : i32 {
        %mul3A_463 = arith.constant 16 : i32
        %mul3A_464 = arith.muli %scan3A_462, %mul3A_463 : i32
        %add3A_465 = arith.addi %get3A_57, %mul3A_464 : i32
        %add3A_466 = vector.broadcast %add3A_465 : i32 to vector<16xi32>
        %add3A_467 = arith.addi %add3A_466, %iota3A : vector<16xi32>
        %lt3A = vector.broadcast %get3A_61 : i32 to vector<16xi32>
        %lt3A_468 = arith.cmpi slt, %add3A_467, %lt3A : vector<16xi32>
        %get3A_469 = arith.index_cast %add3A_465 : i32 to index
        %get3A_470 = tpu.vector_load %arg9[%get3A_469] {strides = array<i32>} : memref<1040xi32, #tpu.memory_space<vmem>>, vector<16xi32>,
        %get3A_471 = vector.shape_cast %get3A_470 : vector<16xi32> to vector<16xi32>
        %get3A_472 = arith.index_cast %add3A_465 : i32 to index
        %get3A_473 = tpu.vector_load %arg10[%get3A_472] {strides = array<i32>} : memref<1040xi32, #tpu.memory_space<vmem>>, vector<16xi32>,
        %get3A_474 = vector.shape_cast %get3A_473 : vector<16xi32> to vector<16xi32>
        %mul3A_475 = arith.constant 16 : i32
        %mul3A_476 = arith.muli %scan3A_462, %mul3A_475 : i32
        %add3A_477 = vector.broadcast %mul3A_476 : i32 to vector<16xi32>
        %add3A_478 = arith.addi %iota3A, %add3A_477 : vector<16xi32>
        %jit3A_479 = arith.constant 64 : i32
        %eq3A = arith.constant 0 : i32
        %eq3A_480 = arith.cmpi eq, %jit3A_479, %eq3A : i32
        %jit3A_481 = arith.constant 1 : i32
        %select_n3A_482 = arith.select %eq3A_480, %jit3A_481, %jit3A_479 : i32
        %rem3A_483 = vector.broadcast %select_n3A_482 : i32 to vector<16xi32>
        %rem3A_484 = arith.remsi %add3A_478, %rem3A_483 : vector<16xi32>
        %ne3A_485 = arith.constant 0 : i32
        %ne3A_486 = vector.broadcast %ne3A_485 : i32 to vector<16xi32>
        %ne3A_487 = arith.cmpi ne, %rem3A_484, %ne3A_486 : vector<16xi32>
        %lt3A_488 = arith.constant 0 : i32
        %lt3A_489 = vector.broadcast %lt3A_488 : i32 to vector<16xi32>
        %lt3A_490 = arith.cmpi slt, %rem3A_484, %lt3A_489 : vector<16xi32>
        %lt3A_491 = arith.constant 0 : i32
        %lt3A_492 = arith.cmpi slt, %select_n3A_482, %lt3A_491 : i32
        %ne3A_493 = vector.broadcast %lt3A_492 : i1 to vector<16xi1>
        %ne3A_494 = vector.broadcast %ne3A_493 : vector<16xi1> to vector<16xi1>
        %ne3A_495 = arith.xori %lt3A_490, %ne3A_494 : vector<16xi1>
        %and3A_496 = arith.andi %ne3A_495, %ne3A_487 : vector<16xi1>
        %add3A_497 = vector.broadcast %select_n3A_482 : i32 to vector<16xi32>
        %add3A_498 = arith.addi %rem3A_484, %add3A_497 : vector<16xi32>
        %select_n3A_499 = arith.select %and3A_496, %add3A_498, %rem3A_484 : vector<16xi1>, vector<16xi32>
        %add3A_500 = arith.constant 8192 : i32
        %add3A_501 = vector.broadcast %add3A_500 : i32 to vector<16xi32>
        %add3A_502 = arith.addi %add3A_501, %select_n3A_499 : vector<16xi32>
        %shift_right_arithmetic3A = arith.constant 2 : i32
        %shift_right_arithmetic3A_503 = vector.broadcast %shift_right_arithmetic3A : i32 to vector<16xi32>
        %shift_right_arithmetic3A_504 = arith.shrsi %get3A_471, %shift_right_arithmetic3A_503 : vector<16xi32>
        %sub3A_505 = vector.broadcast %select_n3A : i32 to vector<16xi32>
        %sub3A_506 = arith.subi %shift_right_arithmetic3A_504, %sub3A_505 : vector<16xi32>
        %select_n3A_507 = arith.select %lt3A_468, %sub3A_506, %add3A_502 : vector<16xi1>, vector<16xi32>
        %jit3A_508 = arith.constant 2 : i32
        %div3A_509 = arith.divsi %scan3A_462, %jit3A_508 : i32
        %sign3A_510 = arith.constant 0 : i32
        %sign3A_511 = arith.cmpi sgt, %scan3A_462, %sign3A_510 : i32
        %sign3A_512 = arith.extui %sign3A_511 : i1 to i32
        %sign3A_513 = arith.constant 0 : i32
        %sign3A_514 = arith.cmpi slt, %scan3A_462, %sign3A_513 : i32
        %sign3A_515 = arith.extui %sign3A_514 : i1 to i32
        %sign3A_516 = arith.subi %sign3A_512, %sign3A_515 : i32
        %sign3A_517 = arith.constant 0 : i32
        %sign3A_518 = arith.cmpi sgt, %jit3A_508, %sign3A_517 : i32
        %sign3A_519 = arith.extui %sign3A_518 : i1 to i32
        %sign3A_520 = arith.constant 0 : i32
        %sign3A_521 = arith.cmpi slt, %jit3A_508, %sign3A_520 : i32
        %sign3A_522 = arith.extui %sign3A_521 : i1 to i32
        %sign3A_523 = arith.subi %sign3A_519, %sign3A_522 : i32
        %ne3A_524 = arith.cmpi ne, %sign3A_516, %sign3A_523 : i32
        %rem3A_525 = arith.remsi %scan3A_462, %jit3A_508 : i32
        %ne3A_526 = arith.constant 0 : i32
        %ne3A_527 = arith.cmpi ne, %rem3A_525, %ne3A_526 : i32
        %and3A_528 = arith.andi %ne3A_524, %ne3A_527 : i1
        %sub3A_529 = arith.constant 1 : i32
        %sub3A_530 = arith.subi %div3A_509, %sub3A_529 : i32
        %select_n3A_531 = arith.select %and3A_528, %sub3A_530, %div3A_509 : i32
        %jit3A_532 = arith.constant 2 : i32
        %eq3A_533 = arith.constant 0 : i32
        %eq3A_534 = arith.cmpi eq, %jit3A_532, %eq3A_533 : i32
        %jit3A_535 = arith.constant 1 : i32
        %select_n3A_536 = arith.select %eq3A_534, %jit3A_535, %jit3A_532 : i32
        %rem3A_537 = arith.remsi %scan3A_462, %select_n3A_536 : i32
        %ne3A_538 = arith.constant 0 : i32
        %ne3A_539 = arith.cmpi ne, %rem3A_537, %ne3A_538 : i32
        %lt3A_540 = arith.constant 0 : i32
        %lt3A_541 = arith.cmpi slt, %rem3A_537, %lt3A_540 : i32
        %lt3A_542 = arith.constant 0 : i32
        %lt3A_543 = arith.cmpi slt, %select_n3A_536, %lt3A_542 : i32
        %ne3A_544 = arith.xori %lt3A_541, %lt3A_543 : i1
        %and3A_545 = arith.andi %ne3A_544, %ne3A_539 : i1
        %add3A_546 = arith.addi %rem3A_537, %select_n3A_536 : i32
        %select_n3A_547 = arith.select %and3A_545, %add3A_546, %rem3A_537 : i32
        %mul3A_548 = arith.constant 16 : i32
        %mul3A_549 = arith.muli %select_n3A_547, %mul3A_548 : i32
        %swap3A_550 = arith.index_cast %select_n3A_531 : i32 to index
        %swap3A_551 = arith.index_cast %mul3A_549 : i32 to index
        %swap3A_552 = tpu.vector_load %arg11[%swap3A_550, %swap3A_551] {strides = array<i32>} : memref<4x32xi32, #tpu.memory_space<vmem>>, vector<1x16xi32>,
        %swap3A_553 = vector.shape_cast %swap3A_552 : vector<1x16xi32> to vector<16xi32>
        %swap3A_554 = vector.shape_cast %select_n3A_507 : vector<16xi32> to vector<1x16xi32>
        tpu.vector_store %arg11[%swap3A_550, %swap3A_551], %swap3A_554 {strides = array<i32>} : memref<4x32xi32, #tpu.memory_space<vmem>>, vector<1x16xi32>,
        %and3A_555 = arith.constant 3 : i32
        %and3A_556 = vector.broadcast %and3A_555 : i32 to vector<16xi32>
        %and3A_557 = arith.andi %get3A_471, %and3A_556 : vector<16xi32>
        %shift_left3A = arith.constant 14 : i32
        %shift_left3A_558 = vector.broadcast %shift_left3A : i32 to vector<16xi32>
        %shift_left3A_559 = arith.shli %and3A_557, %shift_left3A_558 : vector<16xi32>
        %add3A_560 = arith.addi %get3A_474, %shift_left3A_559 : vector<16xi32>
        %jit3A_561 = arith.constant 0 : i32
        %broadcast_in_dim3A = vector.broadcast %jit3A_561 : i32 to vector<16xi32>
        %select_n3A_562 = arith.select %lt3A_468, %add3A_560, %broadcast_in_dim3A : vector<16xi1>, vector<16xi32>
        %jit3A_563 = arith.constant 2 : i32
        %div3A_564 = arith.divsi %scan3A_462, %jit3A_563 : i32
        %sign3A_565 = arith.constant 0 : i32
        %sign3A_566 = arith.cmpi sgt, %scan3A_462, %sign3A_565 : i32
        %sign3A_567 = arith.extui %sign3A_566 : i1 to i32
        %sign3A_568 = arith.constant 0 : i32
        %sign3A_569 = arith.cmpi slt, %scan3A_462, %sign3A_568 : i32
        %sign3A_570 = arith.extui %sign3A_569 : i1 to i32
        %sign3A_571 = arith.subi %sign3A_567, %sign3A_570 : i32
        %sign3A_572 = arith.constant 0 : i32
        %sign3A_573 = arith.cmpi sgt, %jit3A_563, %sign3A_572 : i32
        %sign3A_574 = arith.extui %sign3A_573 : i1 to i32
        %sign3A_575 = arith.constant 0 : i32
        %sign3A_576 = arith.cmpi slt, %jit3A_563, %sign3A_575 : i32
        %sign3A_577 = arith.extui %sign3A_576 : i1 to i32
        %sign3A_578 = arith.subi %sign3A_574, %sign3A_577 : i32
        %ne3A_579 = arith.cmpi ne, %sign3A_571, %sign3A_578 : i32
        %rem3A_580 = arith.remsi %scan3A_462, %jit3A_563 : i32
        %ne3A_581 = arith.constant 0 : i32
        %ne3A_582 = arith.cmpi ne, %rem3A_580, %ne3A_581 : i32
        %and3A_583 = arith.andi %ne3A_579, %ne3A_582 : i1
        %sub3A_584 = arith.constant 1 : i32
        %sub3A_585 = arith.subi %div3A_564, %sub3A_584 : i32
        %select_n3A_586 = arith.select %and3A_583, %sub3A_585, %div3A_564 : i32
        %jit3A_587 = arith.constant 2 : i32
        %eq3A_588 = arith.constant 0 : i32
        %eq3A_589 = arith.cmpi eq, %jit3A_587, %eq3A_588 : i32
        %jit3A_590 = arith.constant 1 : i32
        %select_n3A_591 = arith.select %eq3A_589, %jit3A_590, %jit3A_587 : i32
        %rem3A_592 = arith.remsi %scan3A_462, %select_n3A_591 : i32
        %ne3A_593 = arith.constant 0 : i32
        %ne3A_594 = arith.cmpi ne, %rem3A_592, %ne3A_593 : i32
        %lt3A_595 = arith.constant 0 : i32
        %lt3A_596 = arith.cmpi slt, %rem3A_592, %lt3A_595 : i32
        %lt3A_597 = arith.constant 0 : i32
        %lt3A_598 = arith.cmpi slt, %select_n3A_591, %lt3A_597 : i32
        %ne3A_599 = arith.xori %lt3A_596, %lt3A_598 : i1
        %and3A_600 = arith.andi %ne3A_599, %ne3A_594 : i1
        %add3A_601 = arith.addi %rem3A_592, %select_n3A_591 : i32
        %select_n3A_602 = arith.select %and3A_600, %add3A_601, %rem3A_592 : i32
        %mul3A_603 = arith.constant 16 : i32
        %mul3A_604 = arith.muli %select_n3A_602, %mul3A_603 : i32
        %swap3A_605 = arith.index_cast %select_n3A_586 : i32 to index
        %swap3A_606 = arith.index_cast %mul3A_604 : i32 to index
        %swap3A_607 = tpu.vector_load %arg12[%swap3A_605, %swap3A_606] {strides = array<i32>} : memref<4x32xi32, #tpu.memory_space<vmem>>, vector<1x16xi32>,
        %swap3A_608 = vector.shape_cast %swap3A_607 : vector<1x16xi32> to vector<16xi32>
        %swap3A_609 = vector.shape_cast %select_n3A_562 : vector<16xi32> to vector<1x16xi32>
        tpu.vector_store %arg12[%swap3A_605, %swap3A_606], %swap3A_609 {strides = array<i32>} : memref<4x32xi32, #tpu.memory_space<vmem>>, vector<1x16xi32>,
      }
      %scan3A_94 = arith.constant 8 : i32
      %dma_start3A = arith.constant 0 : i32
      %dma_start3A_95 = arith.constant 0 : i32
      %dma_start3A_96 = arith.constant 0 : i32
      %dma_start3A_97 = tpu.memref_slice %arg13[%dma_start3A_95, %dma_start3A_96] : memref<128x128xf32, #tpu.memory_space<vmem>> -> memref<32x128xf32, #tpu.memory_space<vmem>>
      %dma_start3A_98 = arith.constant 0 : i32
      %dma_start3A_99 = tpu.memref_slice %arg12[%dma_start3A, %dma_start3A_98] : memref<4x32xi32, #tpu.memory_space<vmem>> -> memref<1x32xi32, #tpu.memory_space<vmem>>
      %dma_start3A_100 = tpu.memref_squeeze %dma_start3A_99 : memref<1x32xi32, #tpu.memory_space<vmem>> -> memref<32xi32, #tpu.memory_space<vmem>>
      %dma_start3A_101 = arith.constant 0 : i32
      %dma_start3A_102 = arith.constant 0 : i32
      %dma_start3A_103 = tpu.memref_slice %arg5[%dma_start3A_101, %dma_start3A_102] : memref<65536x128xf32, #tpu.memory_space<hbm>> -> memref<65536x128xf32, #tpu.memory_space<hbm>>
      tpu.enqueue_indirect_dma source(%dma_start3A_103 : memref<65536x128xf32, #tpu.memory_space<hbm>>) target(%dma_start3A_97 : memref<32x128xf32, #tpu.memory_space<vmem>>) offsets(%dma_start3A_100 : memref<32xi32, #tpu.memory_space<vmem>>) semaphore(%arg19 : memref<!tpu.dma_semaphore, #tpu.memory_space<semaphore_mem>>)
      %dma_start3A_104 = arith.constant 1 : i32
      %dma_start3A_105 = arith.constant 32 : i32
      %dma_start3A_106 = arith.constant 0 : i32
      %dma_start3A_107 = tpu.memref_slice %arg13[%dma_start3A_105, %dma_start3A_106] : memref<128x128xf32, #tpu.memory_space<vmem>> -> memref<32x128xf32, #tpu.memory_space<vmem>>
      %dma_start3A_108 = arith.constant 0 : i32
      %dma_start3A_109 = tpu.memref_slice %arg12[%dma_start3A_104, %dma_start3A_108] : memref<4x32xi32, #tpu.memory_space<vmem>> -> memref<1x32xi32, #tpu.memory_space<vmem>>
      %dma_start3A_110 = tpu.memref_squeeze %dma_start3A_109 : memref<1x32xi32, #tpu.memory_space<vmem>> -> memref<32xi32, #tpu.memory_space<vmem>>
      %dma_start3A_111 = arith.constant 0 : i32
      %dma_start3A_112 = arith.constant 0 : i32
      %dma_start3A_113 = tpu.memref_slice %arg5[%dma_start3A_111, %dma_start3A_112] : memref<65536x128xf32, #tpu.memory_space<hbm>> -> memref<65536x128xf32, #tpu.memory_space<hbm>>
      tpu.enqueue_indirect_dma source(%dma_start3A_113 : memref<65536x128xf32, #tpu.memory_space<hbm>>) target(%dma_start3A_107 : memref<32x128xf32, #tpu.memory_space<vmem>>) offsets(%dma_start3A_110 : memref<32xi32, #tpu.memory_space<vmem>>) semaphore(%arg19 : memref<!tpu.dma_semaphore, #tpu.memory_space<semaphore_mem>>)
      %dma_start3A_114 = arith.constant 2 : i32
      %dma_start3A_115 = arith.constant 64 : i32
      %dma_start3A_116 = arith.constant 0 : i32
      %dma_start3A_117 = tpu.memref_slice %arg13[%dma_start3A_115, %dma_start3A_116] : memref<128x128xf32, #tpu.memory_space<vmem>> -> memref<32x128xf32, #tpu.memory_space<vmem>>
      %dma_start3A_118 = arith.constant 0 : i32
      %dma_start3A_119 = tpu.memref_slice %arg12[%dma_start3A_114, %dma_start3A_118] : memref<4x32xi32, #tpu.memory_space<vmem>> -> memref<1x32xi32, #tpu.memory_space<vmem>>
      %dma_start3A_120 = tpu.memref_squeeze %dma_start3A_119 : memref<1x32xi32, #tpu.memory_space<vmem>> -> memref<32xi32, #tpu.memory_space<vmem>>
      %dma_start3A_121 = arith.constant 0 : i32
      %dma_start3A_122 = arith.constant 0 : i32
      %dma_start3A_123 = tpu.memref_slice %arg5[%dma_start3A_121, %dma_start3A_122] : memref<65536x128xf32, #tpu.memory_space<hbm>> -> memref<65536x128xf32, #tpu.memory_space<hbm>>
      tpu.enqueue_indirect_dma source(%dma_start3A_123 : memref<65536x128xf32, #tpu.memory_space<hbm>>) target(%dma_start3A_117 : memref<32x128xf32, #tpu.memory_space<vmem>>) offsets(%dma_start3A_120 : memref<32xi32, #tpu.memory_space<vmem>>) semaphore(%arg19 : memref<!tpu.dma_semaphore, #tpu.memory_space<semaphore_mem>>)
      %dma_start3A_124 = arith.constant 3 : i32
      %dma_start3A_125 = arith.constant 96 : i32
      %dma_start3A_126 = arith.constant 0 : i32
      %dma_start3A_127 = tpu.memref_slice %arg13[%dma_start3A_125, %dma_start3A_126] : memref<128x128xf32, #tpu.memory_space<vmem>> -> memref<32x128xf32, #tpu.memory_space<vmem>>
      %dma_start3A_128 = arith.constant 0 : i32
      %dma_start3A_129 = tpu.memref_slice %arg12[%dma_start3A_124, %dma_start3A_128] : memref<4x32xi32, #tpu.memory_space<vmem>> -> memref<1x32xi32, #tpu.memory_space<vmem>>
      %dma_start3A_130 = tpu.memref_squeeze %dma_start3A_129 : memref<1x32xi32, #tpu.memory_space<vmem>> -> memref<32xi32, #tpu.memory_space<vmem>>
      %dma_start3A_131 = arith.constant 0 : i32
      %dma_start3A_132 = arith.constant 0 : i32
      %dma_start3A_133 = tpu.memref_slice %arg5[%dma_start3A_131, %dma_start3A_132] : memref<65536x128xf32, #tpu.memory_space<hbm>> -> memref<65536x128xf32, #tpu.memory_space<hbm>>
      tpu.enqueue_indirect_dma source(%dma_start3A_133 : memref<65536x128xf32, #tpu.memory_space<hbm>>) target(%dma_start3A_127 : memref<32x128xf32, #tpu.memory_space<vmem>>) offsets(%dma_start3A_130 : memref<32xi32, #tpu.memory_space<vmem>>) semaphore(%arg19 : memref<!tpu.dma_semaphore, #tpu.memory_space<semaphore_mem>>)
      %mul3A_134 = arith.constant 512 : i32
      %mul3A_135 = arith.muli %arg1, %mul3A_134 : i32
      %add3A_136 = arith.addi %select_n3A, %mul3A_135 : i32
      %multiple_of3A = tpu.assume_multiple %add3A_136, 8 : i32
      %mul3A_137 = arith.constant 512 : i32
      %mul3A_138 = arith.muli %arg1, %mul3A_137 : i32
      %multiple_of3A_139 = tpu.assume_multiple %mul3A_138, 8 : i32
      %add3A_140 = arith.constant 0 : i32
      %add3A_141 = arith.addi %multiple_of3A, %add3A_140 : i32
      %add3A_142 = arith.constant 0 : i32
      %add3A_143 = arith.addi %multiple_of3A_139, %add3A_142 : i32
      %dma_start3A_144 = arith.constant 0 : i32
      %dma_start3A_145 = tpu.memref_slice %arg17[%add3A_143, %dma_start3A_144] : memref<8256x128xf32, #tpu.memory_space<vmem_shared>> -> memref<64x128xf32, #tpu.memory_space<vmem_shared>>
      %dma_start3A_146 = arith.constant 0 : i32
      %dma_start3A_147 = tpu.memref_slice %arg2[%add3A_141, %dma_start3A_146] : memref<250000x128xf32, #tpu.memory_space<hbm>> -> memref<64x128xf32, #tpu.memory_space<hbm>>
      tpu.enqueue_dma source(%dma_start3A_147 : memref<64x128xf32, #tpu.memory_space<hbm>>) target(%dma_start3A_145 : memref<64x128xf32, #tpu.memory_space<vmem_shared>>) target_semaphore(%arg18 : memref<!tpu.dma_semaphore, #tpu.memory_space<semaphore_mem>>)
      %add3A_148 = arith.constant 64 : i32
      %add3A_149 = arith.addi %multiple_of3A, %add3A_148 : i32
      %add3A_150 = arith.constant 64 : i32
      %add3A_151 = arith.addi %multiple_of3A_139, %add3A_150 : i32
      %dma_start3A_152 = arith.constant 0 : i32
      %dma_start3A_153 = tpu.memref_slice %arg17[%add3A_151, %dma_start3A_152] : memref<8256x128xf32, #tpu.memory_space<vmem_shared>> -> memref<64x128xf32, #tpu.memory_space<vmem_shared>>
      %dma_start3A_154 = arith.constant 0 : i32
      %dma_start3A_155 = tpu.memref_slice %arg2[%add3A_149, %dma_start3A_154] : memref<250000x128xf32, #tpu.memory_space<hbm>> -> memref<64x128xf32, #tpu.memory_space<hbm>>
      tpu.enqueue_dma source(%dma_start3A_155 : memref<64x128xf32, #tpu.memory_space<hbm>>) target(%dma_start3A_153 : memref<64x128xf32, #tpu.memory_space<vmem_shared>>) target_semaphore(%arg18 : memref<!tpu.dma_semaphore, #tpu.memory_space<semaphore_mem>>)
      %add3A_156 = arith.constant 128 : i32
      %add3A_157 = arith.addi %multiple_of3A, %add3A_156 : i32
      %add3A_158 = arith.constant 128 : i32
      %add3A_159 = arith.addi %multiple_of3A_139, %add3A_158 : i32
      %dma_start3A_160 = arith.constant 0 : i32
      %dma_start3A_161 = tpu.memref_slice %arg17[%add3A_159, %dma_start3A_160] : memref<8256x128xf32, #tpu.memory_space<vmem_shared>> -> memref<64x128xf32, #tpu.memory_space<vmem_shared>>
      %dma_start3A_162 = arith.constant 0 : i32
      %dma_start3A_163 = tpu.memref_slice %arg2[%add3A_157, %dma_start3A_162] : memref<250000x128xf32, #tpu.memory_space<hbm>> -> memref<64x128xf32, #tpu.memory_space<hbm>>
      tpu.enqueue_dma source(%dma_start3A_163 : memref<64x128xf32, #tpu.memory_space<hbm>>) target(%dma_start3A_161 : memref<64x128xf32, #tpu.memory_space<vmem_shared>>) target_semaphore(%arg18 : memref<!tpu.dma_semaphore, #tpu.memory_space<semaphore_mem>>)
      %add3A_164 = arith.constant 192 : i32
      %add3A_165 = arith.addi %multiple_of3A, %add3A_164 : i32
      %add3A_166 = arith.constant 192 : i32
      %add3A_167 = arith.addi %multiple_of3A_139, %add3A_166 : i32
      %dma_start3A_168 = arith.constant 0 : i32
      %dma_start3A_169 = tpu.memref_slice %arg17[%add3A_167, %dma_start3A_168] : memref<8256x128xf32, #tpu.memory_space<vmem_shared>> -> memref<64x128xf32, #tpu.memory_space<vmem_shared>>
      %dma_start3A_170 = arith.constant 0 : i32
      %dma_start3A_171 = tpu.memref_slice %arg2[%add3A_165, %dma_start3A_170] : memref<250000x128xf32, #tpu.memory_space<hbm>> -> memref<64x128xf32, #tpu.memory_space<hbm>>
      tpu.enqueue_dma source(%dma_start3A_171 : memref<64x128xf32, #tpu.memory_space<hbm>>) target(%dma_start3A_169 : memref<64x128xf32, #tpu.memory_space<vmem_shared>>) target_semaphore(%arg18 : memref<!tpu.dma_semaphore, #tpu.memory_space<semaphore_mem>>)
      %add3A_172 = arith.constant 256 : i32
      %add3A_173 = arith.addi %multiple_of3A, %add3A_172 : i32
      %add3A_174 = arith.constant 256 : i32
      %add3A_175 = arith.addi %multiple_of3A_139, %add3A_174 : i32
      %dma_start3A_176 = arith.constant 0 : i32
      %dma_start3A_177 = tpu.memref_slice %arg17[%add3A_175, %dma_start3A_176] : memref<8256x128xf32, #tpu.memory_space<vmem_shared>> -> memref<64x128xf32, #tpu.memory_space<vmem_shared>>
      %dma_start3A_178 = arith.constant 0 : i32
      %dma_start3A_179 = tpu.memref_slice %arg2[%add3A_173, %dma_start3A_178] : memref<250000x128xf32, #tpu.memory_space<hbm>> -> memref<64x128xf32, #tpu.memory_space<hbm>>
      tpu.enqueue_dma source(%dma_start3A_179 : memref<64x128xf32, #tpu.memory_space<hbm>>) target(%dma_start3A_177 : memref<64x128xf32, #tpu.memory_space<vmem_shared>>) target_semaphore(%arg18 : memref<!tpu.dma_semaphore, #tpu.memory_space<semaphore_mem>>)
      %add3A_180 = arith.constant 320 : i32
      %add3A_181 = arith.addi %multiple_of3A, %add3A_180 : i32
      %add3A_182 = arith.constant 320 : i32
      %add3A_183 = arith.addi %multiple_of3A_139, %add3A_182 : i32
      %dma_start3A_184 = arith.constant 0 : i32
      %dma_start3A_185 = tpu.memref_slice %arg17[%add3A_183, %dma_start3A_184] : memref<8256x128xf32, #tpu.memory_space<vmem_shared>> -> memref<64x128xf32, #tpu.memory_space<vmem_shared>>
      %dma_start3A_186 = arith.constant 0 : i32
      %dma_start3A_187 = tpu.memref_slice %arg2[%add3A_181, %dma_start3A_186] : memref<250000x128xf32, #tpu.memory_space<hbm>> -> memref<64x128xf32, #tpu.memory_space<hbm>>
      tpu.enqueue_dma source(%dma_start3A_187 : memref<64x128xf32, #tpu.memory_space<hbm>>) target(%dma_start3A_185 : memref<64x128xf32, #tpu.memory_space<vmem_shared>>) target_semaphore(%arg18 : memref<!tpu.dma_semaphore, #tpu.memory_space<semaphore_mem>>)
      %add3A_188 = arith.constant 384 : i32
      %add3A_189 = arith.addi %multiple_of3A, %add3A_188 : i32
      %add3A_190 = arith.constant 384 : i32
      %add3A_191 = arith.addi %multiple_of3A_139, %add3A_190 : i32
      %dma_start3A_192 = arith.constant 0 : i32
      %dma_start3A_193 = tpu.memref_slice %arg17[%add3A_191, %dma_start3A_192] : memref<8256x128xf32, #tpu.memory_space<vmem_shared>> -> memref<64x128xf32, #tpu.memory_space<vmem_shared>>
      %dma_start3A_194 = arith.constant 0 : i32
      %dma_start3A_195 = tpu.memref_slice %arg2[%add3A_189, %dma_start3A_194] : memref<250000x128xf32, #tpu.memory_space<hbm>> -> memref<64x128xf32, #tpu.memory_space<hbm>>
      tpu.enqueue_dma source(%dma_start3A_195 : memref<64x128xf32, #tpu.memory_space<hbm>>) target(%dma_start3A_193 : memref<64x128xf32, #tpu.memory_space<vmem_shared>>) target_semaphore(%arg18 : memref<!tpu.dma_semaphore, #tpu.memory_space<semaphore_mem>>)
      %add3A_196 = arith.constant 448 : i32
      %add3A_197 = arith.addi %multiple_of3A, %add3A_196 : i32
      %add3A_198 = arith.constant 448 : i32
      %add3A_199 = arith.addi %multiple_of3A_139, %add3A_198 : i32
      %dma_start3A_200 = arith.constant 0 : i32
      %dma_start3A_201 = tpu.memref_slice %arg17[%add3A_199, %dma_start3A_200] : memref<8256x128xf32, #tpu.memory_space<vmem_shared>> -> memref<64x128xf32, #tpu.memory_space<vmem_shared>>
      %dma_start3A_202 = arith.constant 0 : i32
      %dma_start3A_203 = tpu.memref_slice %arg2[%add3A_197, %dma_start3A_202] : memref<250000x128xf32, #tpu.memory_space<hbm>> -> memref<64x128xf32, #tpu.memory_space<hbm>>
      tpu.enqueue_dma source(%dma_start3A_203 : memref<64x128xf32, #tpu.memory_space<hbm>>) target(%dma_start3A_201 : memref<64x128xf32, #tpu.memory_space<vmem_shared>>) target_semaphore(%arg18 : memref<!tpu.dma_semaphore, #tpu.memory_space<semaphore_mem>>)
      %dma_wait3A = arith.constant 0 : i32
      %dma_wait3A_204 = tpu.memref_slice %arg17[%add3A_143, %dma_wait3A] : memref<8256x128xf32, #tpu.memory_space<vmem_shared>> -> memref<64x128xf32, #tpu.memory_space<vmem_shared>>
      %dma_wait3A_205 = arith.constant 0 : i32
      %dma_wait3A_206 = tpu.memref_slice %arg2[%add3A_141, %dma_wait3A_205] : memref<250000x128xf32, #tpu.memory_space<hbm>> -> memref<64x128xf32, #tpu.memory_space<hbm>>
      tpu.wait_dma2 semaphore(%arg18 : memref<!tpu.dma_semaphore, #tpu.memory_space<semaphore_mem>>) src(%dma_wait3A_206 : memref<64x128xf32, #tpu.memory_space<hbm>>) dst(%dma_wait3A_204 : memref<64x128xf32, #tpu.memory_space<vmem_shared>>)
      %dma_wait3A_207 = arith.constant 0 : i32
      %dma_wait3A_208 = tpu.memref_slice %arg17[%add3A_151, %dma_wait3A_207] : memref<8256x128xf32, #tpu.memory_space<vmem_shared>> -> memref<64x128xf32, #tpu.memory_space<vmem_shared>>
      %dma_wait3A_209 = arith.constant 0 : i32
      %dma_wait3A_210 = tpu.memref_slice %arg2[%add3A_149, %dma_wait3A_209] : memref<250000x128xf32, #tpu.memory_space<hbm>> -> memref<64x128xf32, #tpu.memory_space<hbm>>
      tpu.wait_dma2 semaphore(%arg18 : memref<!tpu.dma_semaphore, #tpu.memory_space<semaphore_mem>>) src(%dma_wait3A_210 : memref<64x128xf32, #tpu.memory_space<hbm>>) dst(%dma_wait3A_208 : memref<64x128xf32, #tpu.memory_space<vmem_shared>>)
      %dma_wait3A_211 = arith.constant 0 : i32
      %dma_wait3A_212 = tpu.memref_slice %arg17[%add3A_159, %dma_wait3A_211] : memref<8256x128xf32, #tpu.memory_space<vmem_shared>> -> memref<64x128xf32, #tpu.memory_space<vmem_shared>>
      %dma_wait3A_213 = arith.constant 0 : i32
      %dma_wait3A_214 = tpu.memref_slice %arg2[%add3A_157, %dma_wait3A_213] : memref<250000x128xf32, #tpu.memory_space<hbm>> -> memref<64x128xf32, #tpu.memory_space<hbm>>
      tpu.wait_dma2 semaphore(%arg18 : memref<!tpu.dma_semaphore, #tpu.memory_space<semaphore_mem>>) src(%dma_wait3A_214 : memref<64x128xf32, #tpu.memory_space<hbm>>) dst(%dma_wait3A_212 : memref<64x128xf32, #tpu.memory_space<vmem_shared>>)
      %dma_wait3A_215 = arith.constant 0 : i32
      %dma_wait3A_216 = tpu.memref_slice %arg17[%add3A_167, %dma_wait3A_215] : memref<8256x128xf32, #tpu.memory_space<vmem_shared>> -> memref<64x128xf32, #tpu.memory_space<vmem_shared>>
      %dma_wait3A_217 = arith.constant 0 : i32
      %dma_wait3A_218 = tpu.memref_slice %arg2[%add3A_165, %dma_wait3A_217] : memref<250000x128xf32, #tpu.memory_space<hbm>> -> memref<64x128xf32, #tpu.memory_space<hbm>>
      tpu.wait_dma2 semaphore(%arg18 : memref<!tpu.dma_semaphore, #tpu.memory_space<semaphore_mem>>) src(%dma_wait3A_218 : memref<64x128xf32, #tpu.memory_space<hbm>>) dst(%dma_wait3A_216 : memref<64x128xf32, #tpu.memory_space<vmem_shared>>)
      %dma_wait3A_219 = arith.constant 0 : i32
      %dma_wait3A_220 = tpu.memref_slice %arg17[%add3A_175, %dma_wait3A_219] : memref<8256x128xf32, #tpu.memory_space<vmem_shared>> -> memref<64x128xf32, #tpu.memory_space<vmem_shared>>
      %dma_wait3A_221 = arith.constant 0 : i32
      %dma_wait3A_222 = tpu.memref_slice %arg2[%add3A_173, %dma_wait3A_221] : memref<250000x128xf32, #tpu.memory_space<hbm>> -> memref<64x128xf32, #tpu.memory_space<hbm>>
      tpu.wait_dma2 semaphore(%arg18 : memref<!tpu.dma_semaphore, #tpu.memory_space<semaphore_mem>>) src(%dma_wait3A_222 : memref<64x128xf32, #tpu.memory_space<hbm>>) dst(%dma_wait3A_220 : memref<64x128xf32, #tpu.memory_space<vmem_shared>>)
      %dma_wait3A_223 = arith.constant 0 : i32
      %dma_wait3A_224 = tpu.memref_slice %arg17[%add3A_183, %dma_wait3A_223] : memref<8256x128xf32, #tpu.memory_space<vmem_shared>> -> memref<64x128xf32, #tpu.memory_space<vmem_shared>>
      %dma_wait3A_225 = arith.constant 0 : i32
      %dma_wait3A_226 = tpu.memref_slice %arg2[%add3A_181, %dma_wait3A_225] : memref<250000x128xf32, #tpu.memory_space<hbm>> -> memref<64x128xf32, #tpu.memory_space<hbm>>
      tpu.wait_dma2 semaphore(%arg18 : memref<!tpu.dma_semaphore, #tpu.memory_space<semaphore_mem>>) src(%dma_wait3A_226 : memref<64x128xf32, #tpu.memory_space<hbm>>) dst(%dma_wait3A_224 : memref<64x128xf32, #tpu.memory_space<vmem_shared>>)
      %dma_wait3A_227 = arith.constant 0 : i32
      %dma_wait3A_228 = tpu.memref_slice %arg17[%add3A_191, %dma_wait3A_227] : memref<8256x128xf32, #tpu.memory_space<vmem_shared>> -> memref<64x128xf32, #tpu.memory_space<vmem_shared>>
      %dma_wait3A_229 = arith.constant 0 : i32
      %dma_wait3A_230 = tpu.memref_slice %arg2[%add3A_189, %dma_wait3A_229] : memref<250000x128xf32, #tpu.memory_space<hbm>> -> memref<64x128xf32, #tpu.memory_space<hbm>>
      tpu.wait_dma2 semaphore(%arg18 : memref<!tpu.dma_semaphore, #tpu.memory_space<semaphore_mem>>) src(%dma_wait3A_230 : memref<64x128xf32, #tpu.memory_space<hbm>>) dst(%dma_wait3A_228 : memref<64x128xf32, #tpu.memory_space<vmem_shared>>)
      %dma_wait3A_231 = arith.constant 0 : i32
      %dma_wait3A_232 = tpu.memref_slice %arg17[%add3A_199, %dma_wait3A_231] : memref<8256x128xf32, #tpu.memory_space<vmem_shared>> -> memref<64x128xf32, #tpu.memory_space<vmem_shared>>
      %dma_wait3A_233 = arith.constant 0 : i32
      %dma_wait3A_234 = tpu.memref_slice %arg2[%add3A_197, %dma_wait3A_233] : memref<250000x128xf32, #tpu.memory_space<hbm>> -> memref<64x128xf32, #tpu.memory_space<hbm>>
      tpu.wait_dma2 semaphore(%arg18 : memref<!tpu.dma_semaphore, #tpu.memory_space<semaphore_mem>>) src(%dma_wait3A_234 : memref<64x128xf32, #tpu.memory_space<hbm>>) dst(%dma_wait3A_232 : memref<64x128xf32, #tpu.memory_space<vmem_shared>>)
      %barrier3A = arith.constant 0 : index
      tpu.barrier barrier_id(%barrier3A)
      %dma_wait3A_235 = arith.constant 0 : i32
      %dma_wait3A_236 = arith.constant 0 : i32
      %dma_wait3A_237 = arith.constant 0 : i32
      %dma_wait3A_238 = tpu.memref_slice %arg13[%dma_wait3A_236, %dma_wait3A_237] : memref<128x128xf32, #tpu.memory_space<vmem>> -> memref<32x128xf32, #tpu.memory_space<vmem>>
      %dma_wait3A_239 = arith.constant 0 : i32
      %dma_wait3A_240 = tpu.memref_slice %arg12[%dma_wait3A_235, %dma_wait3A_239] : memref<4x32xi32, #tpu.memory_space<vmem>> -> memref<1x32xi32, #tpu.memory_space<vmem>>
      %dma_wait3A_241 = tpu.memref_squeeze %dma_wait3A_240 : memref<1x32xi32, #tpu.memory_space<vmem>> -> memref<32xi32, #tpu.memory_space<vmem>>
      %dma_wait3A_242 = arith.constant 0 : i32
      %dma_wait3A_243 = arith.constant 0 : i32
      %dma_wait3A_244 = tpu.memref_slice %arg5[%dma_wait3A_242, %dma_wait3A_243] : memref<65536x128xf32, #tpu.memory_space<hbm>> -> memref<65536x128xf32, #tpu.memory_space<hbm>>
      tpu.wait_indirect_dma semaphore(%arg19 : memref<!tpu.dma_semaphore, #tpu.memory_space<semaphore_mem>>) src(%dma_wait3A_244 : memref<65536x128xf32, #tpu.memory_space<hbm>>) dst(%dma_wait3A_238 : memref<32x128xf32, #tpu.memory_space<vmem>>)
      %dma_wait3A_245 = arith.constant 1 : i32
      %dma_wait3A_246 = arith.constant 32 : i32
      %dma_wait3A_247 = arith.constant 0 : i32
      %dma_wait3A_248 = tpu.memref_slice %arg13[%dma_wait3A_246, %dma_wait3A_247] : memref<128x128xf32, #tpu.memory_space<vmem>> -> memref<32x128xf32, #tpu.memory_space<vmem>>
      %dma_wait3A_249 = arith.constant 0 : i32
      %dma_wait3A_250 = tpu.memref_slice %arg12[%dma_wait3A_245, %dma_wait3A_249] : memref<4x32xi32, #tpu.memory_space<vmem>> -> memref<1x32xi32, #tpu.memory_space<vmem>>
      %dma_wait3A_251 = tpu.memref_squeeze %dma_wait3A_250 : memref<1x32xi32, #tpu.memory_space<vmem>> -> memref<32xi32, #tpu.memory_space<vmem>>
      %dma_wait3A_252 = arith.constant 0 : i32
      %dma_wait3A_253 = arith.constant 0 : i32
      %dma_wait3A_254 = tpu.memref_slice %arg5[%dma_wait3A_252, %dma_wait3A_253] : memref<65536x128xf32, #tpu.memory_space<hbm>> -> memref<65536x128xf32, #tpu.memory_space<hbm>>
      tpu.wait_indirect_dma semaphore(%arg19 : memref<!tpu.dma_semaphore, #tpu.memory_space<semaphore_mem>>) src(%dma_wait3A_254 : memref<65536x128xf32, #tpu.memory_space<hbm>>) dst(%dma_wait3A_248 : memref<32x128xf32, #tpu.memory_space<vmem>>)
      %dma_wait3A_255 = arith.constant 2 : i32
      %dma_wait3A_256 = arith.constant 64 : i32
      %dma_wait3A_257 = arith.constant 0 : i32
      %dma_wait3A_258 = tpu.memref_slice %arg13[%dma_wait3A_256, %dma_wait3A_257] : memref<128x128xf32, #tpu.memory_space<vmem>> -> memref<32x128xf32, #tpu.memory_space<vmem>>
      %dma_wait3A_259 = arith.constant 0 : i32
      %dma_wait3A_260 = tpu.memref_slice %arg12[%dma_wait3A_255, %dma_wait3A_259] : memref<4x32xi32, #tpu.memory_space<vmem>> -> memref<1x32xi32, #tpu.memory_space<vmem>>
      %dma_wait3A_261 = tpu.memref_squeeze %dma_wait3A_260 : memref<1x32xi32, #tpu.memory_space<vmem>> -> memref<32xi32, #tpu.memory_space<vmem>>
      %dma_wait3A_262 = arith.constant 0 : i32
      %dma_wait3A_263 = arith.constant 0 : i32
      %dma_wait3A_264 = tpu.memref_slice %arg5[%dma_wait3A_262, %dma_wait3A_263] : memref<65536x128xf32, #tpu.memory_space<hbm>> -> memref<65536x128xf32, #tpu.memory_space<hbm>>
      tpu.wait_indirect_dma semaphore(%arg19 : memref<!tpu.dma_semaphore, #tpu.memory_space<semaphore_mem>>) src(%dma_wait3A_264 : memref<65536x128xf32, #tpu.memory_space<hbm>>) dst(%dma_wait3A_258 : memref<32x128xf32, #tpu.memory_space<vmem>>)
      %dma_wait3A_265 = arith.constant 3 : i32
      %dma_wait3A_266 = arith.constant 96 : i32
      %dma_wait3A_267 = arith.constant 0 : i32
      %dma_wait3A_268 = tpu.memref_slice %arg13[%dma_wait3A_266, %dma_wait3A_267] : memref<128x128xf32, #tpu.memory_space<vmem>> -> memref<32x128xf32, #tpu.memory_space<vmem>>
      %dma_wait3A_269 = arith.constant 0 : i32
      %dma_wait3A_270 = tpu.memref_slice %arg12[%dma_wait3A_265, %dma_wait3A_269] : memref<4x32xi32, #tpu.memory_space<vmem>> -> memref<1x32xi32, #tpu.memory_space<vmem>>
      %dma_wait3A_271 = tpu.memref_squeeze %dma_wait3A_270 : memref<1x32xi32, #tpu.memory_space<vmem>> -> memref<32xi32, #tpu.memory_space<vmem>>
      %dma_wait3A_272 = arith.constant 0 : i32
      %dma_wait3A_273 = arith.constant 0 : i32
      %dma_wait3A_274 = tpu.memref_slice %arg5[%dma_wait3A_272, %dma_wait3A_273] : memref<65536x128xf32, #tpu.memory_space<hbm>> -> memref<65536x128xf32, #tpu.memory_space<hbm>>
      tpu.wait_indirect_dma semaphore(%arg19 : memref<!tpu.dma_semaphore, #tpu.memory_space<semaphore_mem>>) src(%dma_wait3A_274 : memref<65536x128xf32, #tpu.memory_space<hbm>>) dst(%dma_wait3A_268 : memref<32x128xf32, #tpu.memory_space<vmem>>)
      %dma_start3A_275 = arith.constant 0 : i32
      %dma_start3A_276 = arith.constant 0 : i32
      %dma_start3A_277 = arith.constant 0 : i32
      %dma_start3A_278 = tpu.memref_slice %arg13[%dma_start3A_276, %dma_start3A_277] : memref<128x128xf32, #tpu.memory_space<vmem>> -> memref<32x128xf32, #tpu.memory_space<vmem>>
      %dma_start3A_279 = arith.constant 0 : i32
      %dma_start3A_280 = tpu.memref_slice %arg11[%dma_start3A_275, %dma_start3A_279] : memref<4x32xi32, #tpu.memory_space<vmem>> -> memref<1x32xi32, #tpu.memory_space<vmem>>
      %dma_start3A_281 = tpu.memref_squeeze %dma_start3A_280 : memref<1x32xi32, #tpu.memory_space<vmem>> -> memref<32xi32, #tpu.memory_space<vmem>>
      %dma_start3A_282 = arith.constant 0 : i32
      %dma_start3A_283 = arith.constant 0 : i32
      %dma_start3A_284 = tpu.memref_slice %arg17[%dma_start3A_282, %dma_start3A_283] : memref<8256x128xf32, #tpu.memory_space<vmem_shared>> -> memref<8256x128xf32, #tpu.memory_space<vmem_shared>>
      tpu.enqueue_indirect_dma source(%dma_start3A_278 : memref<32x128xf32, #tpu.memory_space<vmem>>) target(%dma_start3A_284 : memref<8256x128xf32, #tpu.memory_space<vmem_shared>>) offsets(%dma_start3A_281 : memref<32xi32, #tpu.memory_space<vmem>>) semaphore(%arg19 : memref<!tpu.dma_semaphore, #tpu.memory_space<semaphore_mem>>) {add = true}
      %dma_start3A_285 = arith.constant 1 : i32
      %dma_start3A_286 = arith.constant 32 : i32
      %dma_start3A_287 = arith.constant 0 : i32
      %dma_start3A_288 = tpu.memref_slice %arg13[%dma_start3A_286, %dma_start3A_287] : memref<128x128xf32, #tpu.memory_space<vmem>> -> memref<32x128xf32, #tpu.memory_space<vmem>>
      %dma_start3A_289 = arith.constant 0 : i32
      %dma_start3A_290 = tpu.memref_slice %arg11[%dma_start3A_285, %dma_start3A_289] : memref<4x32xi32, #tpu.memory_space<vmem>> -> memref<1x32xi32, #tpu.memory_space<vmem>>
      %dma_start3A_291 = tpu.memref_squeeze %dma_start3A_290 : memref<1x32xi32, #tpu.memory_space<vmem>> -> memref<32xi32, #tpu.memory_space<vmem>>
      %dma_start3A_292 = arith.constant 0 : i32
      %dma_start3A_293 = arith.constant 0 : i32
      %dma_start3A_294 = tpu.memref_slice %arg17[%dma_start3A_292, %dma_start3A_293] : memref<8256x128xf32, #tpu.memory_space<vmem_shared>> -> memref<8256x128xf32, #tpu.memory_space<vmem_shared>>
      tpu.enqueue_indirect_dma source(%dma_start3A_288 : memref<32x128xf32, #tpu.memory_space<vmem>>) target(%dma_start3A_294 : memref<8256x128xf32, #tpu.memory_space<vmem_shared>>) offsets(%dma_start3A_291 : memref<32xi32, #tpu.memory_space<vmem>>) semaphore(%arg19 : memref<!tpu.dma_semaphore, #tpu.memory_space<semaphore_mem>>) {add = true}
      %dma_start3A_295 = arith.constant 2 : i32
      %dma_start3A_296 = arith.constant 64 : i32
      %dma_start3A_297 = arith.constant 0 : i32
      %dma_start3A_298 = tpu.memref_slice %arg13[%dma_start3A_296, %dma_start3A_297] : memref<128x128xf32, #tpu.memory_space<vmem>> -> memref<32x128xf32, #tpu.memory_space<vmem>>
      %dma_start3A_299 = arith.constant 0 : i32
      %dma_start3A_300 = tpu.memref_slice %arg11[%dma_start3A_295, %dma_start3A_299] : memref<4x32xi32, #tpu.memory_space<vmem>> -> memref<1x32xi32, #tpu.memory_space<vmem>>
      %dma_start3A_301 = tpu.memref_squeeze %dma_start3A_300 : memref<1x32xi32, #tpu.memory_space<vmem>> -> memref<32xi32, #tpu.memory_space<vmem>>
      %dma_start3A_302 = arith.constant 0 : i32
      %dma_start3A_303 = arith.constant 0 : i32
      %dma_start3A_304 = tpu.memref_slice %arg17[%dma_start3A_302, %dma_start3A_303] : memref<8256x128xf32, #tpu.memory_space<vmem_shared>> -> memref<8256x128xf32, #tpu.memory_space<vmem_shared>>
      tpu.enqueue_indirect_dma source(%dma_start3A_298 : memref<32x128xf32, #tpu.memory_space<vmem>>) target(%dma_start3A_304 : memref<8256x128xf32, #tpu.memory_space<vmem_shared>>) offsets(%dma_start3A_301 : memref<32xi32, #tpu.memory_space<vmem>>) semaphore(%arg19 : memref<!tpu.dma_semaphore, #tpu.memory_space<semaphore_mem>>) {add = true}
      %dma_start3A_305 = arith.constant 3 : i32
      %dma_start3A_306 = arith.constant 96 : i32
      %dma_start3A_307 = arith.constant 0 : i32
      %dma_start3A_308 = tpu.memref_slice %arg13[%dma_start3A_306, %dma_start3A_307] : memref<128x128xf32, #tpu.memory_space<vmem>> -> memref<32x128xf32, #tpu.memory_space<vmem>>
      %dma_start3A_309 = arith.constant 0 : i32
      %dma_start3A_310 = tpu.memref_slice %arg11[%dma_start3A_305, %dma_start3A_309] : memref<4x32xi32, #tpu.memory_space<vmem>> -> memref<1x32xi32, #tpu.memory_space<vmem>>
      %dma_start3A_311 = tpu.memref_squeeze %dma_start3A_310 : memref<1x32xi32, #tpu.memory_space<vmem>> -> memref<32xi32, #tpu.memory_space<vmem>>
      %dma_start3A_312 = arith.constant 0 : i32
      %dma_start3A_313 = arith.constant 0 : i32
      %dma_start3A_314 = tpu.memref_slice %arg17[%dma_start3A_312, %dma_start3A_313] : memref<8256x128xf32, #tpu.memory_space<vmem_shared>> -> memref<8256x128xf32, #tpu.memory_space<vmem_shared>>
      tpu.enqueue_indirect_dma source(%dma_start3A_308 : memref<32x128xf32, #tpu.memory_space<vmem>>) target(%dma_start3A_314 : memref<8256x128xf32, #tpu.memory_space<vmem_shared>>) offsets(%dma_start3A_311 : memref<32xi32, #tpu.memory_space<vmem>>) semaphore(%arg19 : memref<!tpu.dma_semaphore, #tpu.memory_space<semaphore_mem>>) {add = true}
      %dma_wait3A_315 = arith.constant 0 : i32
      %dma_wait3A_316 = arith.constant 0 : i32
      %dma_wait3A_317 = arith.constant 0 : i32
      %dma_wait3A_318 = tpu.memref_slice %arg13[%dma_wait3A_316, %dma_wait3A_317] : memref<128x128xf32, #tpu.memory_space<vmem>> -> memref<32x128xf32, #tpu.memory_space<vmem>>
      %dma_wait3A_319 = arith.constant 0 : i32
      %dma_wait3A_320 = tpu.memref_slice %arg11[%dma_wait3A_315, %dma_wait3A_319] : memref<4x32xi32, #tpu.memory_space<vmem>> -> memref<1x32xi32, #tpu.memory_space<vmem>>
      %dma_wait3A_321 = tpu.memref_squeeze %dma_wait3A_320 : memref<1x32xi32, #tpu.memory_space<vmem>> -> memref<32xi32, #tpu.memory_space<vmem>>
      %dma_wait3A_322 = arith.constant 0 : i32
      %dma_wait3A_323 = arith.constant 0 : i32
      %dma_wait3A_324 = tpu.memref_slice %arg17[%dma_wait3A_322, %dma_wait3A_323] : memref<8256x128xf32, #tpu.memory_space<vmem_shared>> -> memref<8256x128xf32, #tpu.memory_space<vmem_shared>>
      tpu.wait_indirect_dma semaphore(%arg19 : memref<!tpu.dma_semaphore, #tpu.memory_space<semaphore_mem>>) src(%dma_wait3A_318 : memref<32x128xf32, #tpu.memory_space<vmem>>) dst(%dma_wait3A_324 : memref<8256x128xf32, #tpu.memory_space<vmem_shared>>)
      %dma_wait3A_325 = arith.constant 1 : i32
      %dma_wait3A_326 = arith.constant 32 : i32
      %dma_wait3A_327 = arith.constant 0 : i32
      %dma_wait3A_328 = tpu.memref_slice %arg13[%dma_wait3A_326, %dma_wait3A_327] : memref<128x128xf32, #tpu.memory_space<vmem>> -> memref<32x128xf32, #tpu.memory_space<vmem>>
      %dma_wait3A_329 = arith.constant 0 : i32
      %dma_wait3A_330 = tpu.memref_slice %arg11[%dma_wait3A_325, %dma_wait3A_329] : memref<4x32xi32, #tpu.memory_space<vmem>> -> memref<1x32xi32, #tpu.memory_space<vmem>>
      %dma_wait3A_331 = tpu.memref_squeeze %dma_wait3A_330 : memref<1x32xi32, #tpu.memory_space<vmem>> -> memref<32xi32, #tpu.memory_space<vmem>>
      %dma_wait3A_332 = arith.constant 0 : i32
      %dma_wait3A_333 = arith.constant 0 : i32
      %dma_wait3A_334 = tpu.memref_slice %arg17[%dma_wait3A_332, %dma_wait3A_333] : memref<8256x128xf32, #tpu.memory_space<vmem_shared>> -> memref<8256x128xf32, #tpu.memory_space<vmem_shared>>
      tpu.wait_indirect_dma semaphore(%arg19 : memref<!tpu.dma_semaphore, #tpu.memory_space<semaphore_mem>>) src(%dma_wait3A_328 : memref<32x128xf32, #tpu.memory_space<vmem>>) dst(%dma_wait3A_334 : memref<8256x128xf32, #tpu.memory_space<vmem_shared>>)
      %dma_wait3A_335 = arith.constant 2 : i32
      %dma_wait3A_336 = arith.constant 64 : i32
      %dma_wait3A_337 = arith.constant 0 : i32
      %dma_wait3A_338 = tpu.memref_slice %arg13[%dma_wait3A_336, %dma_wait3A_337] : memref<128x128xf32, #tpu.memory_space<vmem>> -> memref<32x128xf32, #tpu.memory_space<vmem>>
      %dma_wait3A_339 = arith.constant 0 : i32
      %dma_wait3A_340 = tpu.memref_slice %arg11[%dma_wait3A_335, %dma_wait3A_339] : memref<4x32xi32, #tpu.memory_space<vmem>> -> memref<1x32xi32, #tpu.memory_space<vmem>>
      %dma_wait3A_341 = tpu.memref_squeeze %dma_wait3A_340 : memref<1x32xi32, #tpu.memory_space<vmem>> -> memref<32xi32, #tpu.memory_space<vmem>>
      %dma_wait3A_342 = arith.constant 0 : i32
      %dma_wait3A_343 = arith.constant 0 : i32
      %dma_wait3A_344 = tpu.memref_slice %arg17[%dma_wait3A_342, %dma_wait3A_343] : memref<8256x128xf32, #tpu.memory_space<vmem_shared>> -> memref<8256x128xf32, #tpu.memory_space<vmem_shared>>
      tpu.wait_indirect_dma semaphore(%arg19 : memref<!tpu.dma_semaphore, #tpu.memory_space<semaphore_mem>>) src(%dma_wait3A_338 : memref<32x128xf32, #tpu.memory_space<vmem>>) dst(%dma_wait3A_344 : memref<8256x128xf32, #tpu.memory_space<vmem_shared>>)
      %dma_wait3A_345 = arith.constant 3 : i32
      %dma_wait3A_346 = arith.constant 96 : i32
      %dma_wait3A_347 = arith.constant 0 : i32
      %dma_wait3A_348 = tpu.memref_slice %arg13[%dma_wait3A_346, %dma_wait3A_347] : memref<128x128xf32, #tpu.memory_space<vmem>> -> memref<32x128xf32, #tpu.memory_space<vmem>>
      %dma_wait3A_349 = arith.constant 0 : i32
      %dma_wait3A_350 = tpu.memref_slice %arg11[%dma_wait3A_345, %dma_wait3A_349] : memref<4x32xi32, #tpu.memory_space<vmem>> -> memref<1x32xi32, #tpu.memory_space<vmem>>
      %dma_wait3A_351 = tpu.memref_squeeze %dma_wait3A_350 : memref<1x32xi32, #tpu.memory_space<vmem>> -> memref<32xi32, #tpu.memory_space<vmem>>
      %dma_wait3A_352 = arith.constant 0 : i32
      %dma_wait3A_353 = arith.constant 0 : i32
      %dma_wait3A_354 = tpu.memref_slice %arg17[%dma_wait3A_352, %dma_wait3A_353] : memref<8256x128xf32, #tpu.memory_space<vmem_shared>> -> memref<8256x128xf32, #tpu.memory_space<vmem_shared>>
      tpu.wait_indirect_dma semaphore(%arg19 : memref<!tpu.dma_semaphore, #tpu.memory_space<semaphore_mem>>) src(%dma_wait3A_348 : memref<32x128xf32, #tpu.memory_space<vmem>>) dst(%dma_wait3A_354 : memref<8256x128xf32, #tpu.memory_space<vmem_shared>>)
      %max3A = arith.constant 1 : i32
      %max3A_355 = arith.maxsi %select_n3A_88, %max3A : i32
      %while3A = arith.constant 0 : i32
      %while3A_356 = arith.constant 1 : i32
      %while3A_357 = arith.subi %max3A_355, %while3A_356 : i32
      %while3A_358 = arith.addi %while3A_356, %while3A_357 : i32
      %while3A_359 = arith.constant 1 : i32
      %while3A_360 = arith.divsi %while3A_357, %while3A_359 : i32
      %while3A_361 = arith.muli %while3A_360, %while3A_359 : i32
      %while3A_362 = arith.addi %while3A_356, %while3A_361 : i32
      %while3A_363 = arith.constant 1 : i32
      scf.for %while3A_462 = %while3A_356 to %while3A_362 step %while3A_363  : i32 {
        %mul3A_463 = arith.constant 128 : i32
        %mul3A_464 = arith.muli %while3A_462, %mul3A_463 : i32
        %add3A_465 = arith.addi %get3A_57, %mul3A_464 : i32
        %scan3A_466 = arith.constant 0 : i32
        %scan3A_467 = arith.constant 0 : i32
        %scan3A_468 = arith.constant 8 : i32
        %scan3A_469 = arith.addi %scan3A_467, %scan3A_468 : i32
        %scan3A_470 = arith.constant 1 : i32
        scf.for %scan3A_632 = %scan3A_467 to %scan3A_469 step %scan3A_470  : i32 {
          %mul3A_633 = arith.constant 16 : i32
          %mul3A_634 = arith.muli %scan3A_632, %mul3A_633 : i32
          %add3A_635 = arith.addi %add3A_465, %mul3A_634 : i32
          %add3A_636 = vector.broadcast %add3A_635 : i32 to vector<16xi32>
          %add3A_637 = arith.addi %add3A_636, %iota3A : vector<16xi32>
          %lt3A = vector.broadcast %get3A_61 : i32 to vector<16xi32>
          %lt3A_638 = arith.cmpi slt, %add3A_637, %lt3A : vector<16xi32>
          %get3A_639 = arith.index_cast %add3A_635 : i32 to index
          %get3A_640 = tpu.vector_load %arg9[%get3A_639] {strides = array<i32>} : memref<1040xi32, #tpu.memory_space<vmem>>, vector<16xi32>,
          %get3A_641 = vector.shape_cast %get3A_640 : vector<16xi32> to vector<16xi32>
          %get3A_642 = arith.index_cast %add3A_635 : i32 to index
          %get3A_643 = tpu.vector_load %arg10[%get3A_642] {strides = array<i32>} : memref<1040xi32, #tpu.memory_space<vmem>>, vector<16xi32>,
          %get3A_644 = vector.shape_cast %get3A_643 : vector<16xi32> to vector<16xi32>
          %mul3A_645 = arith.constant 16 : i32
          %mul3A_646 = arith.muli %scan3A_632, %mul3A_645 : i32
          %add3A_647 = vector.broadcast %mul3A_646 : i32 to vector<16xi32>
          %add3A_648 = arith.addi %iota3A, %add3A_647 : vector<16xi32>
          %jit3A_649 = arith.constant 64 : i32
          %eq3A = arith.constant 0 : i32
          %eq3A_650 = arith.cmpi eq, %jit3A_649, %eq3A : i32
          %jit3A_651 = arith.constant 1 : i32
          %select_n3A_652 = arith.select %eq3A_650, %jit3A_651, %jit3A_649 : i32
          %rem3A_653 = vector.broadcast %select_n3A_652 : i32 to vector<16xi32>
          %rem3A_654 = arith.remsi %add3A_648, %rem3A_653 : vector<16xi32>
          %ne3A_655 = arith.constant 0 : i32
          %ne3A_656 = vector.broadcast %ne3A_655 : i32 to vector<16xi32>
          %ne3A_657 = arith.cmpi ne, %rem3A_654, %ne3A_656 : vector<16xi32>
          %lt3A_658 = arith.constant 0 : i32
          %lt3A_659 = vector.broadcast %lt3A_658 : i32 to vector<16xi32>
          %lt3A_660 = arith.cmpi slt, %rem3A_654, %lt3A_659 : vector<16xi32>
          %lt3A_661 = arith.constant 0 : i32
          %lt3A_662 = arith.cmpi slt, %select_n3A_652, %lt3A_661 : i32
          %ne3A_663 = vector.broadcast %lt3A_662 : i1 to vector<16xi1>
          %ne3A_664 = vector.broadcast %ne3A_663 : vector<16xi1> to vector<16xi1>
          %ne3A_665 = arith.xori %lt3A_660, %ne3A_664 : vector<16xi1>
          %and3A_666 = arith.andi %ne3A_665, %ne3A_657 : vector<16xi1>
          %add3A_667 = vector.broadcast %select_n3A_652 : i32 to vector<16xi32>
          %add3A_668 = arith.addi %rem3A_654, %add3A_667 : vector<16xi32>
          %select_n3A_669 = arith.select %and3A_666, %add3A_668, %rem3A_654 : vector<16xi1>, vector<16xi32>
          %add3A_670 = arith.constant 8192 : i32
          %add3A_671 = vector.broadcast %add3A_670 : i32 to vector<16xi32>
          %add3A_672 = arith.addi %add3A_671, %select_n3A_669 : vector<16xi32>
          %shift_right_arithmetic3A = arith.constant 2 : i32
          %shift_right_arithmetic3A_673 = vector.broadcast %shift_right_arithmetic3A : i32 to vector<16xi32>
          %shift_right_arithmetic3A_674 = arith.shrsi %get3A_641, %shift_right_arithmetic3A_673 : vector<16xi32>
          %sub3A_675 = vector.broadcast %select_n3A : i32 to vector<16xi32>
          %sub3A_676 = arith.subi %shift_right_arithmetic3A_674, %sub3A_675 : vector<16xi32>
          %select_n3A_677 = arith.select %lt3A_638, %sub3A_676, %add3A_672 : vector<16xi1>, vector<16xi32>
          %jit3A_678 = arith.constant 2 : i32
          %div3A_679 = arith.divsi %scan3A_632, %jit3A_678 : i32
          %sign3A_680 = arith.constant 0 : i32
          %sign3A_681 = arith.cmpi sgt, %scan3A_632, %sign3A_680 : i32
          %sign3A_682 = arith.extui %sign3A_681 : i1 to i32
          %sign3A_683 = arith.constant 0 : i32
          %sign3A_684 = arith.cmpi slt, %scan3A_632, %sign3A_683 : i32
          %sign3A_685 = arith.extui %sign3A_684 : i1 to i32
          %sign3A_686 = arith.subi %sign3A_682, %sign3A_685 : i32
          %sign3A_687 = arith.constant 0 : i32
          %sign3A_688 = arith.cmpi sgt, %jit3A_678, %sign3A_687 : i32
          %sign3A_689 = arith.extui %sign3A_688 : i1 to i32
          %sign3A_690 = arith.constant 0 : i32
          %sign3A_691 = arith.cmpi slt, %jit3A_678, %sign3A_690 : i32
          %sign3A_692 = arith.extui %sign3A_691 : i1 to i32
          %sign3A_693 = arith.subi %sign3A_689, %sign3A_692 : i32
          %ne3A_694 = arith.cmpi ne, %sign3A_686, %sign3A_693 : i32
          %rem3A_695 = arith.remsi %scan3A_632, %jit3A_678 : i32
          %ne3A_696 = arith.constant 0 : i32
          %ne3A_697 = arith.cmpi ne, %rem3A_695, %ne3A_696 : i32
          %and3A_698 = arith.andi %ne3A_694, %ne3A_697 : i1
          %sub3A_699 = arith.constant 1 : i32
          %sub3A_700 = arith.subi %div3A_679, %sub3A_699 : i32
          %select_n3A_701 = arith.select %and3A_698, %sub3A_700, %div3A_679 : i32
          %jit3A_702 = arith.constant 2 : i32
          %eq3A_703 = arith.constant 0 : i32
          %eq3A_704 = arith.cmpi eq, %jit3A_702, %eq3A_703 : i32
          %jit3A_705 = arith.constant 1 : i32
          %select_n3A_706 = arith.select %eq3A_704, %jit3A_705, %jit3A_702 : i32
          %rem3A_707 = arith.remsi %scan3A_632, %select_n3A_706 : i32
          %ne3A_708 = arith.constant 0 : i32
          %ne3A_709 = arith.cmpi ne, %rem3A_707, %ne3A_708 : i32
          %lt3A_710 = arith.constant 0 : i32
          %lt3A_711 = arith.cmpi slt, %rem3A_707, %lt3A_710 : i32
          %lt3A_712 = arith.constant 0 : i32
          %lt3A_713 = arith.cmpi slt, %select_n3A_706, %lt3A_712 : i32
          %ne3A_714 = arith.xori %lt3A_711, %lt3A_713 : i1
          %and3A_715 = arith.andi %ne3A_714, %ne3A_709 : i1
          %add3A_716 = arith.addi %rem3A_707, %select_n3A_706 : i32
          %select_n3A_717 = arith.select %and3A_715, %add3A_716, %rem3A_707 : i32
          %mul3A_718 = arith.constant 16 : i32
          %mul3A_719 = arith.muli %select_n3A_717, %mul3A_718 : i32
          %swap3A_720 = arith.index_cast %select_n3A_701 : i32 to index
          %swap3A_721 = arith.index_cast %mul3A_719 : i32 to index
          %swap3A_722 = tpu.vector_load %arg11[%swap3A_720, %swap3A_721] {strides = array<i32>} : memref<4x32xi32, #tpu.memory_space<vmem>>, vector<1x16xi32>,
          %swap3A_723 = vector.shape_cast %swap3A_722 : vector<1x16xi32> to vector<16xi32>
          %swap3A_724 = vector.shape_cast %select_n3A_677 : vector<16xi32> to vector<1x16xi32>
          tpu.vector_store %arg11[%swap3A_720, %swap3A_721], %swap3A_724 {strides = array<i32>} : memref<4x32xi32, #tpu.memory_space<vmem>>, vector<1x16xi32>,
          %and3A_725 = arith.constant 3 : i32
          %and3A_726 = vector.broadcast %and3A_725 : i32 to vector<16xi32>
          %and3A_727 = arith.andi %get3A_641, %and3A_726 : vector<16xi32>
          %shift_left3A = arith.constant 14 : i32
          %shift_left3A_728 = vector.broadcast %shift_left3A : i32 to vector<16xi32>
          %shift_left3A_729 = arith.shli %and3A_727, %shift_left3A_728 : vector<16xi32>
          %add3A_730 = arith.addi %get3A_644, %shift_left3A_729 : vector<16xi32>
          %jit3A_731 = arith.constant 0 : i32
          %broadcast_in_dim3A = vector.broadcast %jit3A_731 : i32 to vector<16xi32>
          %select_n3A_732 = arith.select %lt3A_638, %add3A_730, %broadcast_in_dim3A : vector<16xi1>, vector<16xi32>
          %jit3A_733 = arith.constant 2 : i32
          %div3A_734 = arith.divsi %scan3A_632, %jit3A_733 : i32
          %sign3A_735 = arith.constant 0 : i32
          %sign3A_736 = arith.cmpi sgt, %scan3A_632, %sign3A_735 : i32
          %sign3A_737 = arith.extui %sign3A_736 : i1 to i32
          %sign3A_738 = arith.constant 0 : i32
          %sign3A_739 = arith.cmpi slt, %scan3A_632, %sign3A_738 : i32
          %sign3A_740 = arith.extui %sign3A_739 : i1 to i32
          %sign3A_741 = arith.subi %sign3A_737, %sign3A_740 : i32
          %sign3A_742 = arith.constant 0 : i32
          %sign3A_743 = arith.cmpi sgt, %jit3A_733, %sign3A_742 : i32
          %sign3A_744 = arith.extui %sign3A_743 : i1 to i32
          %sign3A_745 = arith.constant 0 : i32
          %sign3A_746 = arith.cmpi slt, %jit3A_733, %sign3A_745 : i32
          %sign3A_747 = arith.extui %sign3A_746 : i1 to i32
          %sign3A_748 = arith.subi %sign3A_744, %sign3A_747 : i32
          %ne3A_749 = arith.cmpi ne, %sign3A_741, %sign3A_748 : i32
          %rem3A_750 = arith.remsi %scan3A_632, %jit3A_733 : i32
          %ne3A_751 = arith.constant 0 : i32
          %ne3A_752 = arith.cmpi ne, %rem3A_750, %ne3A_751 : i32
          %and3A_753 = arith.andi %ne3A_749, %ne3A_752 : i1
          %sub3A_754 = arith.constant 1 : i32
          %sub3A_755 = arith.subi %div3A_734, %sub3A_754 : i32
          %select_n3A_756 = arith.select %and3A_753, %sub3A_755, %div3A_734 : i32
          %jit3A_757 = arith.constant 2 : i32
          %eq3A_758 = arith.constant 0 : i32
          %eq3A_759 = arith.cmpi eq, %jit3A_757, %eq3A_758 : i32
          %jit3A_760 = arith.constant 1 : i32
          %select_n3A_761 = arith.select %eq3A_759, %jit3A_760, %jit3A_757 : i32
          %rem3A_762 = arith.remsi %scan3A_632, %select_n3A_761 : i32
          %ne3A_763 = arith.constant 0 : i32
          %ne3A_764 = arith.cmpi ne, %rem3A_762, %ne3A_763 : i32
          %lt3A_765 = arith.constant 0 : i32
          %lt3A_766 = arith.cmpi slt, %rem3A_762, %lt3A_765 : i32
          %lt3A_767 = arith.constant 0 : i32
          %lt3A_768 = arith.cmpi slt, %select_n3A_761, %lt3A_767 : i32
          %ne3A_769 = arith.xori %lt3A_766, %lt3A_768 : i1
          %and3A_770 = arith.andi %ne3A_769, %ne3A_764 : i1
          %add3A_771 = arith.addi %rem3A_762, %select_n3A_761 : i32
          %select_n3A_772 = arith.select %and3A_770, %add3A_771, %rem3A_762 : i32
          %mul3A_773 = arith.constant 16 : i32
          %mul3A_774 = arith.muli %select_n3A_772, %mul3A_773 : i32
          %swap3A_775 = arith.index_cast %select_n3A_756 : i32 to index
          %swap3A_776 = arith.index_cast %mul3A_774 : i32 to index
          %swap3A_777 = tpu.vector_load %arg12[%swap3A_775, %swap3A_776] {strides = array<i32>} : memref<4x32xi32, #tpu.memory_space<vmem>>, vector<1x16xi32>,
          %swap3A_778 = vector.shape_cast %swap3A_777 : vector<1x16xi32> to vector<16xi32>
          %swap3A_779 = vector.shape_cast %select_n3A_732 : vector<16xi32> to vector<1x16xi32>
          tpu.vector_store %arg12[%swap3A_775, %swap3A_776], %swap3A_779 {strides = array<i32>} : memref<4x32xi32, #tpu.memory_space<vmem>>, vector<1x16xi32>,
        }
        %scan3A_471 = arith.constant 8 : i32
        %dma_start3A_472 = arith.constant 0 : i32
        %dma_start3A_473 = arith.constant 0 : i32
        %dma_start3A_474 = arith.constant 0 : i32
        %dma_start3A_475 = tpu.memref_slice %arg13[%dma_start3A_473, %dma_start3A_474] : memref<128x128xf32, #tpu.memory_space<vmem>> -> memref<32x128xf32, #tpu.memory_space<vmem>>
        %dma_start3A_476 = arith.constant 0 : i32
        %dma_start3A_477 = tpu.memref_slice %arg12[%dma_start3A_472, %dma_start3A_476] : memref<4x32xi32, #tpu.memory_space<vmem>> -> memref<1x32xi32, #tpu.memory_space<vmem>>
        %dma_start3A_478 = tpu.memref_squeeze %dma_start3A_477 : memref<1x32xi32, #tpu.memory_space<vmem>> -> memref<32xi32, #tpu.memory_space<vmem>>
        %dma_start3A_479 = arith.constant 0 : i32
        %dma_start3A_480 = arith.constant 0 : i32
        %dma_start3A_481 = tpu.memref_slice %arg5[%dma_start3A_479, %dma_start3A_480] : memref<65536x128xf32, #tpu.memory_space<hbm>> -> memref<65536x128xf32, #tpu.memory_space<hbm>>
        tpu.enqueue_indirect_dma source(%dma_start3A_481 : memref<65536x128xf32, #tpu.memory_space<hbm>>) target(%dma_start3A_475 : memref<32x128xf32, #tpu.memory_space<vmem>>) offsets(%dma_start3A_478 : memref<32xi32, #tpu.memory_space<vmem>>) semaphore(%arg19 : memref<!tpu.dma_semaphore, #tpu.memory_space<semaphore_mem>>)
        %dma_start3A_482 = arith.constant 1 : i32
        %dma_start3A_483 = arith.constant 32 : i32
        %dma_start3A_484 = arith.constant 0 : i32
        %dma_start3A_485 = tpu.memref_slice %arg13[%dma_start3A_483, %dma_start3A_484] : memref<128x128xf32, #tpu.memory_space<vmem>> -> memref<32x128xf32, #tpu.memory_space<vmem>>
        %dma_start3A_486 = arith.constant 0 : i32
        %dma_start3A_487 = tpu.memref_slice %arg12[%dma_start3A_482, %dma_start3A_486] : memref<4x32xi32, #tpu.memory_space<vmem>> -> memref<1x32xi32, #tpu.memory_space<vmem>>
        %dma_start3A_488 = tpu.memref_squeeze %dma_start3A_487 : memref<1x32xi32, #tpu.memory_space<vmem>> -> memref<32xi32, #tpu.memory_space<vmem>>
        %dma_start3A_489 = arith.constant 0 : i32
        %dma_start3A_490 = arith.constant 0 : i32
        %dma_start3A_491 = tpu.memref_slice %arg5[%dma_start3A_489, %dma_start3A_490] : memref<65536x128xf32, #tpu.memory_space<hbm>> -> memref<65536x128xf32, #tpu.memory_space<hbm>>
        tpu.enqueue_indirect_dma source(%dma_start3A_491 : memref<65536x128xf32, #tpu.memory_space<hbm>>) target(%dma_start3A_485 : memref<32x128xf32, #tpu.memory_space<vmem>>) offsets(%dma_start3A_488 : memref<32xi32, #tpu.memory_space<vmem>>) semaphore(%arg19 : memref<!tpu.dma_semaphore, #tpu.memory_space<semaphore_mem>>)
        %dma_start3A_492 = arith.constant 2 : i32
        %dma_start3A_493 = arith.constant 64 : i32
        %dma_start3A_494 = arith.constant 0 : i32
        %dma_start3A_495 = tpu.memref_slice %arg13[%dma_start3A_493, %dma_start3A_494] : memref<128x128xf32, #tpu.memory_space<vmem>> -> memref<32x128xf32, #tpu.memory_space<vmem>>
        %dma_start3A_496 = arith.constant 0 : i32
        %dma_start3A_497 = tpu.memref_slice %arg12[%dma_start3A_492, %dma_start3A_496] : memref<4x32xi32, #tpu.memory_space<vmem>> -> memref<1x32xi32, #tpu.memory_space<vmem>>
        %dma_start3A_498 = tpu.memref_squeeze %dma_start3A_497 : memref<1x32xi32, #tpu.memory_space<vmem>> -> memref<32xi32, #tpu.memory_space<vmem>>
        %dma_start3A_499 = arith.constant 0 : i32
        %dma_start3A_500 = arith.constant 0 : i32
        %dma_start3A_501 = tpu.memref_slice %arg5[%dma_start3A_499, %dma_start3A_500] : memref<65536x128xf32, #tpu.memory_space<hbm>> -> memref<65536x128xf32, #tpu.memory_space<hbm>>
        tpu.enqueue_indirect_dma source(%dma_start3A_501 : memref<65536x128xf32, #tpu.memory_space<hbm>>) target(%dma_start3A_495 : memref<32x128xf32, #tpu.memory_space<vmem>>) offsets(%dma_start3A_498 : memref<32xi32, #tpu.memory_space<vmem>>) semaphore(%arg19 : memref<!tpu.dma_semaphore, #tpu.memory_space<semaphore_mem>>)
        %dma_start3A_502 = arith.constant 3 : i32
        %dma_start3A_503 = arith.constant 96 : i32
        %dma_start3A_504 = arith.constant 0 : i32
        %dma_start3A_505 = tpu.memref_slice %arg13[%dma_start3A_503, %dma_start3A_504] : memref<128x128xf32, #tpu.memory_space<vmem>> -> memref<32x128xf32, #tpu.memory_space<vmem>>
        %dma_start3A_506 = arith.constant 0 : i32
        %dma_start3A_507 = tpu.memref_slice %arg12[%dma_start3A_502, %dma_start3A_506] : memref<4x32xi32, #tpu.memory_space<vmem>> -> memref<1x32xi32, #tpu.memory_space<vmem>>
        %dma_start3A_508 = tpu.memref_squeeze %dma_start3A_507 : memref<1x32xi32, #tpu.memory_space<vmem>> -> memref<32xi32, #tpu.memory_space<vmem>>
        %dma_start3A_509 = arith.constant 0 : i32
        %dma_start3A_510 = arith.constant 0 : i32
        %dma_start3A_511 = tpu.memref_slice %arg5[%dma_start3A_509, %dma_start3A_510] : memref<65536x128xf32, #tpu.memory_space<hbm>> -> memref<65536x128xf32, #tpu.memory_space<hbm>>
        tpu.enqueue_indirect_dma source(%dma_start3A_511 : memref<65536x128xf32, #tpu.memory_space<hbm>>) target(%dma_start3A_505 : memref<32x128xf32, #tpu.memory_space<vmem>>) offsets(%dma_start3A_508 : memref<32xi32, #tpu.memory_space<vmem>>) semaphore(%arg19 : memref<!tpu.dma_semaphore, #tpu.memory_space<semaphore_mem>>)
        %dma_wait3A_512 = arith.constant 0 : i32
        %dma_wait3A_513 = arith.constant 0 : i32
        %dma_wait3A_514 = arith.constant 0 : i32
        %dma_wait3A_515 = tpu.memref_slice %arg13[%dma_wait3A_513, %dma_wait3A_514] : memref<128x128xf32, #tpu.memory_space<vmem>> -> memref<32x128xf32, #tpu.memory_space<vmem>>
        %dma_wait3A_516 = arith.constant 0 : i32
        %dma_wait3A_517 = tpu.memref_slice %arg12[%dma_wait3A_512, %dma_wait3A_516] : memref<4x32xi32, #tpu.memory_space<vmem>> -> memref<1x32xi32, #tpu.memory_space<vmem>>
        %dma_wait3A_518 = tpu.memref_squeeze %dma_wait3A_517 : memref<1x32xi32, #tpu.memory_space<vmem>> -> memref<32xi32, #tpu.memory_space<vmem>>
        %dma_wait3A_519 = arith.constant 0 : i32
        %dma_wait3A_520 = arith.constant 0 : i32
        %dma_wait3A_521 = tpu.memref_slice %arg5[%dma_wait3A_519, %dma_wait3A_520] : memref<65536x128xf32, #tpu.memory_space<hbm>> -> memref<65536x128xf32, #tpu.memory_space<hbm>>
        tpu.wait_indirect_dma semaphore(%arg19 : memref<!tpu.dma_semaphore, #tpu.memory_space<semaphore_mem>>) src(%dma_wait3A_521 : memref<65536x128xf32, #tpu.memory_space<hbm>>) dst(%dma_wait3A_515 : memref<32x128xf32, #tpu.memory_space<vmem>>)
        %dma_wait3A_522 = arith.constant 1 : i32
        %dma_wait3A_523 = arith.constant 32 : i32
        %dma_wait3A_524 = arith.constant 0 : i32
        %dma_wait3A_525 = tpu.memref_slice %arg13[%dma_wait3A_523, %dma_wait3A_524] : memref<128x128xf32, #tpu.memory_space<vmem>> -> memref<32x128xf32, #tpu.memory_space<vmem>>
        %dma_wait3A_526 = arith.constant 0 : i32
        %dma_wait3A_527 = tpu.memref_slice %arg12[%dma_wait3A_522, %dma_wait3A_526] : memref<4x32xi32, #tpu.memory_space<vmem>> -> memref<1x32xi32, #tpu.memory_space<vmem>>
        %dma_wait3A_528 = tpu.memref_squeeze %dma_wait3A_527 : memref<1x32xi32, #tpu.memory_space<vmem>> -> memref<32xi32, #tpu.memory_space<vmem>>
        %dma_wait3A_529 = arith.constant 0 : i32
        %dma_wait3A_530 = arith.constant 0 : i32
        %dma_wait3A_531 = tpu.memref_slice %arg5[%dma_wait3A_529, %dma_wait3A_530] : memref<65536x128xf32, #tpu.memory_space<hbm>> -> memref<65536x128xf32, #tpu.memory_space<hbm>>
        tpu.wait_indirect_dma semaphore(%arg19 : memref<!tpu.dma_semaphore, #tpu.memory_space<semaphore_mem>>) src(%dma_wait3A_531 : memref<65536x128xf32, #tpu.memory_space<hbm>>) dst(%dma_wait3A_525 : memref<32x128xf32, #tpu.memory_space<vmem>>)
        %dma_wait3A_532 = arith.constant 2 : i32
        %dma_wait3A_533 = arith.constant 64 : i32
        %dma_wait3A_534 = arith.constant 0 : i32
        %dma_wait3A_535 = tpu.memref_slice %arg13[%dma_wait3A_533, %dma_wait3A_534] : memref<128x128xf32, #tpu.memory_space<vmem>> -> memref<32x128xf32, #tpu.memory_space<vmem>>
        %dma_wait3A_536 = arith.constant 0 : i32
        %dma_wait3A_537 = tpu.memref_slice %arg12[%dma_wait3A_532, %dma_wait3A_536] : memref<4x32xi32, #tpu.memory_space<vmem>> -> memref<1x32xi32, #tpu.memory_space<vmem>>
        %dma_wait3A_538 = tpu.memref_squeeze %dma_wait3A_537 : memref<1x32xi32, #tpu.memory_space<vmem>> -> memref<32xi32, #tpu.memory_space<vmem>>
        %dma_wait3A_539 = arith.constant 0 : i32
        %dma_wait3A_540 = arith.constant 0 : i32
        %dma_wait3A_541 = tpu.memref_slice %arg5[%dma_wait3A_539, %dma_wait3A_540] : memref<65536x128xf32, #tpu.memory_space<hbm>> -> memref<65536x128xf32, #tpu.memory_space<hbm>>
        tpu.wait_indirect_dma semaphore(%arg19 : memref<!tpu.dma_semaphore, #tpu.memory_space<semaphore_mem>>) src(%dma_wait3A_541 : memref<65536x128xf32, #tpu.memory_space<hbm>>) dst(%dma_wait3A_535 : memref<32x128xf32, #tpu.memory_space<vmem>>)
        %dma_wait3A_542 = arith.constant 3 : i32
        %dma_wait3A_543 = arith.constant 96 : i32
        %dma_wait3A_544 = arith.constant 0 : i32
        %dma_wait3A_545 = tpu.memref_slice %arg13[%dma_wait3A_543, %dma_wait3A_544] : memref<128x128xf32, #tpu.memory_space<vmem>> -> memref<32x128xf32, #tpu.memory_space<vmem>>
        %dma_wait3A_546 = arith.constant 0 : i32
        %dma_wait3A_547 = tpu.memref_slice %arg12[%dma_wait3A_542, %dma_wait3A_546] : memref<4x32xi32, #tpu.memory_space<vmem>> -> memref<1x32xi32, #tpu.memory_space<vmem>>
        %dma_wait3A_548 = tpu.memref_squeeze %dma_wait3A_547 : memref<1x32xi32, #tpu.memory_space<vmem>> -> memref<32xi32, #tpu.memory_space<vmem>>
        %dma_wait3A_549 = arith.constant 0 : i32
        %dma_wait3A_550 = arith.constant 0 : i32
        %dma_wait3A_551 = tpu.memref_slice %arg5[%dma_wait3A_549, %dma_wait3A_550] : memref<65536x128xf32, #tpu.memory_space<hbm>> -> memref<65536x128xf32, #tpu.memory_space<hbm>>
        tpu.wait_indirect_dma semaphore(%arg19 : memref<!tpu.dma_semaphore, #tpu.memory_space<semaphore_mem>>) src(%dma_wait3A_551 : memref<65536x128xf32, #tpu.memory_space<hbm>>) dst(%dma_wait3A_545 : memref<32x128xf32, #tpu.memory_space<vmem>>)
        %dma_start3A_552 = arith.constant 0 : i32
        %dma_start3A_553 = arith.constant 0 : i32
        %dma_start3A_554 = arith.constant 0 : i32
        %dma_start3A_555 = tpu.memref_slice %arg13[%dma_start3A_553, %dma_start3A_554] : memref<128x128xf32, #tpu.memory_space<vmem>> -> memref<32x128xf32, #tpu.memory_space<vmem>>
        %dma_start3A_556 = arith.constant 0 : i32
        %dma_start3A_557 = tpu.memref_slice %arg11[%dma_start3A_552, %dma_start3A_556] : memref<4x32xi32, #tpu.memory_space<vmem>> -> memref<1x32xi32, #tpu.memory_space<vmem>>
        %dma_start3A_558 = tpu.memref_squeeze %dma_start3A_557 : memref<1x32xi32, #tpu.memory_space<vmem>> -> memref<32xi32, #tpu.memory_space<vmem>>
        %dma_start3A_559 = arith.constant 0 : i32
        %dma_start3A_560 = arith.constant 0 : i32
        %dma_start3A_561 = tpu.memref_slice %arg17[%dma_start3A_559, %dma_start3A_560] : memref<8256x128xf32, #tpu.memory_space<vmem_shared>> -> memref<8256x128xf32, #tpu.memory_space<vmem_shared>>
        tpu.enqueue_indirect_dma source(%dma_start3A_555 : memref<32x128xf32, #tpu.memory_space<vmem>>) target(%dma_start3A_561 : memref<8256x128xf32, #tpu.memory_space<vmem_shared>>) offsets(%dma_start3A_558 : memref<32xi32, #tpu.memory_space<vmem>>) semaphore(%arg19 : memref<!tpu.dma_semaphore, #tpu.memory_space<semaphore_mem>>) {add = true}
        %dma_start3A_562 = arith.constant 1 : i32
        %dma_start3A_563 = arith.constant 32 : i32
        %dma_start3A_564 = arith.constant 0 : i32
        %dma_start3A_565 = tpu.memref_slice %arg13[%dma_start3A_563, %dma_start3A_564] : memref<128x128xf32, #tpu.memory_space<vmem>> -> memref<32x128xf32, #tpu.memory_space<vmem>>
        %dma_start3A_566 = arith.constant 0 : i32
        %dma_start3A_567 = tpu.memref_slice %arg11[%dma_start3A_562, %dma_start3A_566] : memref<4x32xi32, #tpu.memory_space<vmem>> -> memref<1x32xi32, #tpu.memory_space<vmem>>
        %dma_start3A_568 = tpu.memref_squeeze %dma_start3A_567 : memref<1x32xi32, #tpu.memory_space<vmem>> -> memref<32xi32, #tpu.memory_space<vmem>>
        %dma_start3A_569 = arith.constant 0 : i32
        %dma_start3A_570 = arith.constant 0 : i32
        %dma_start3A_571 = tpu.memref_slice %arg17[%dma_start3A_569, %dma_start3A_570] : memref<8256x128xf32, #tpu.memory_space<vmem_shared>> -> memref<8256x128xf32, #tpu.memory_space<vmem_shared>>
        tpu.enqueue_indirect_dma source(%dma_start3A_565 : memref<32x128xf32, #tpu.memory_space<vmem>>) target(%dma_start3A_571 : memref<8256x128xf32, #tpu.memory_space<vmem_shared>>) offsets(%dma_start3A_568 : memref<32xi32, #tpu.memory_space<vmem>>) semaphore(%arg19 : memref<!tpu.dma_semaphore, #tpu.memory_space<semaphore_mem>>) {add = true}
        %dma_start3A_572 = arith.constant 2 : i32
        %dma_start3A_573 = arith.constant 64 : i32
        %dma_start3A_574 = arith.constant 0 : i32
        %dma_start3A_575 = tpu.memref_slice %arg13[%dma_start3A_573, %dma_start3A_574] : memref<128x128xf32, #tpu.memory_space<vmem>> -> memref<32x128xf32, #tpu.memory_space<vmem>>
        %dma_start3A_576 = arith.constant 0 : i32
        %dma_start3A_577 = tpu.memref_slice %arg11[%dma_start3A_572, %dma_start3A_576] : memref<4x32xi32, #tpu.memory_space<vmem>> -> memref<1x32xi32, #tpu.memory_space<vmem>>
        %dma_start3A_578 = tpu.memref_squeeze %dma_start3A_577 : memref<1x32xi32, #tpu.memory_space<vmem>> -> memref<32xi32, #tpu.memory_space<vmem>>
        %dma_start3A_579 = arith.constant 0 : i32
        %dma_start3A_580 = arith.constant 0 : i32
        %dma_start3A_581 = tpu.memref_slice %arg17[%dma_start3A_579, %dma_start3A_580] : memref<8256x128xf32, #tpu.memory_space<vmem_shared>> -> memref<8256x128xf32, #tpu.memory_space<vmem_shared>>
        tpu.enqueue_indirect_dma source(%dma_start3A_575 : memref<32x128xf32, #tpu.memory_space<vmem>>) target(%dma_start3A_581 : memref<8256x128xf32, #tpu.memory_space<vmem_shared>>) offsets(%dma_start3A_578 : memref<32xi32, #tpu.memory_space<vmem>>) semaphore(%arg19 : memref<!tpu.dma_semaphore, #tpu.memory_space<semaphore_mem>>) {add = true}
        %dma_start3A_582 = arith.constant 3 : i32
        %dma_start3A_583 = arith.constant 96 : i32
        %dma_start3A_584 = arith.constant 0 : i32
        %dma_start3A_585 = tpu.memref_slice %arg13[%dma_start3A_583, %dma_start3A_584] : memref<128x128xf32, #tpu.memory_space<vmem>> -> memref<32x128xf32, #tpu.memory_space<vmem>>
        %dma_start3A_586 = arith.constant 0 : i32
        %dma_start3A_587 = tpu.memref_slice %arg11[%dma_start3A_582, %dma_start3A_586] : memref<4x32xi32, #tpu.memory_space<vmem>> -> memref<1x32xi32, #tpu.memory_space<vmem>>
        %dma_start3A_588 = tpu.memref_squeeze %dma_start3A_587 : memref<1x32xi32, #tpu.memory_space<vmem>> -> memref<32xi32, #tpu.memory_space<vmem>>
        %dma_start3A_589 = arith.constant 0 : i32
        %dma_start3A_590 = arith.constant 0 : i32
        %dma_start3A_591 = tpu.memref_slice %arg17[%dma_start3A_589, %dma_start3A_590] : memref<8256x128xf32, #tpu.memory_space<vmem_shared>> -> memref<8256x128xf32, #tpu.memory_space<vmem_shared>>
        tpu.enqueue_indirect_dma source(%dma_start3A_585 : memref<32x128xf32, #tpu.memory_space<vmem>>) target(%dma_start3A_591 : memref<8256x128xf32, #tpu.memory_space<vmem_shared>>) offsets(%dma_start3A_588 : memref<32xi32, #tpu.memory_space<vmem>>) semaphore(%arg19 : memref<!tpu.dma_semaphore, #tpu.memory_space<semaphore_mem>>) {add = true}
        %dma_wait3A_592 = arith.constant 0 : i32
        %dma_wait3A_593 = arith.constant 0 : i32
        %dma_wait3A_594 = arith.constant 0 : i32
        %dma_wait3A_595 = tpu.memref_slice %arg13[%dma_wait3A_593, %dma_wait3A_594] : memref<128x128xf32, #tpu.memory_space<vmem>> -> memref<32x128xf32, #tpu.memory_space<vmem>>
        %dma_wait3A_596 = arith.constant 0 : i32
        %dma_wait3A_597 = tpu.memref_slice %arg11[%dma_wait3A_592, %dma_wait3A_596] : memref<4x32xi32, #tpu.memory_space<vmem>> -> memref<1x32xi32, #tpu.memory_space<vmem>>
        %dma_wait3A_598 = tpu.memref_squeeze %dma_wait3A_597 : memref<1x32xi32, #tpu.memory_space<vmem>> -> memref<32xi32, #tpu.memory_space<vmem>>
        %dma_wait3A_599 = arith.constant 0 : i32
        %dma_wait3A_600 = arith.constant 0 : i32
        %dma_wait3A_601 = tpu.memref_slice %arg17[%dma_wait3A_599, %dma_wait3A_600] : memref<8256x128xf32, #tpu.memory_space<vmem_shared>> -> memref<8256x128xf32, #tpu.memory_space<vmem_shared>>
        tpu.wait_indirect_dma semaphore(%arg19 : memref<!tpu.dma_semaphore, #tpu.memory_space<semaphore_mem>>) src(%dma_wait3A_595 : memref<32x128xf32, #tpu.memory_space<vmem>>) dst(%dma_wait3A_601 : memref<8256x128xf32, #tpu.memory_space<vmem_shared>>)
        %dma_wait3A_602 = arith.constant 1 : i32
        %dma_wait3A_603 = arith.constant 32 : i32
        %dma_wait3A_604 = arith.constant 0 : i32
        %dma_wait3A_605 = tpu.memref_slice %arg13[%dma_wait3A_603, %dma_wait3A_604] : memref<128x128xf32, #tpu.memory_space<vmem>> -> memref<32x128xf32, #tpu.memory_space<vmem>>
        %dma_wait3A_606 = arith.constant 0 : i32
        %dma_wait3A_607 = tpu.memref_slice %arg11[%dma_wait3A_602, %dma_wait3A_606] : memref<4x32xi32, #tpu.memory_space<vmem>> -> memref<1x32xi32, #tpu.memory_space<vmem>>
        %dma_wait3A_608 = tpu.memref_squeeze %dma_wait3A_607 : memref<1x32xi32, #tpu.memory_space<vmem>> -> memref<32xi32, #tpu.memory_space<vmem>>
        %dma_wait3A_609 = arith.constant 0 : i32
        %dma_wait3A_610 = arith.constant 0 : i32
        %dma_wait3A_611 = tpu.memref_slice %arg17[%dma_wait3A_609, %dma_wait3A_610] : memref<8256x128xf32, #tpu.memory_space<vmem_shared>> -> memref<8256x128xf32, #tpu.memory_space<vmem_shared>>
        tpu.wait_indirect_dma semaphore(%arg19 : memref<!tpu.dma_semaphore, #tpu.memory_space<semaphore_mem>>) src(%dma_wait3A_605 : memref<32x128xf32, #tpu.memory_space<vmem>>) dst(%dma_wait3A_611 : memref<8256x128xf32, #tpu.memory_space<vmem_shared>>)
        %dma_wait3A_612 = arith.constant 2 : i32
        %dma_wait3A_613 = arith.constant 64 : i32
        %dma_wait3A_614 = arith.constant 0 : i32
        %dma_wait3A_615 = tpu.memref_slice %arg13[%dma_wait3A_613, %dma_wait3A_614] : memref<128x128xf32, #tpu.memory_space<vmem>> -> memref<32x128xf32, #tpu.memory_space<vmem>>
        %dma_wait3A_616 = arith.constant 0 : i32
        %dma_wait3A_617 = tpu.memref_slice %arg11[%dma_wait3A_612, %dma_wait3A_616] : memref<4x32xi32, #tpu.memory_space<vmem>> -> memref<1x32xi32, #tpu.memory_space<vmem>>
        %dma_wait3A_618 = tpu.memref_squeeze %dma_wait3A_617 : memref<1x32xi32, #tpu.memory_space<vmem>> -> memref<32xi32, #tpu.memory_space<vmem>>
        %dma_wait3A_619 = arith.constant 0 : i32
        %dma_wait3A_620 = arith.constant 0 : i32
        %dma_wait3A_621 = tpu.memref_slice %arg17[%dma_wait3A_619, %dma_wait3A_620] : memref<8256x128xf32, #tpu.memory_space<vmem_shared>> -> memref<8256x128xf32, #tpu.memory_space<vmem_shared>>
        tpu.wait_indirect_dma semaphore(%arg19 : memref<!tpu.dma_semaphore, #tpu.memory_space<semaphore_mem>>) src(%dma_wait3A_615 : memref<32x128xf32, #tpu.memory_space<vmem>>) dst(%dma_wait3A_621 : memref<8256x128xf32, #tpu.memory_space<vmem_shared>>)
        %dma_wait3A_622 = arith.constant 3 : i32
        %dma_wait3A_623 = arith.constant 96 : i32
        %dma_wait3A_624 = arith.constant 0 : i32
        %dma_wait3A_625 = tpu.memref_slice %arg13[%dma_wait3A_623, %dma_wait3A_624] : memref<128x128xf32, #tpu.memory_space<vmem>> -> memref<32x128xf32, #tpu.memory_space<vmem>>
        %dma_wait3A_626 = arith.constant 0 : i32
        %dma_wait3A_627 = tpu.memref_slice %arg11[%dma_wait3A_622, %dma_wait3A_626] : memref<4x32xi32, #tpu.memory_space<vmem>> -> memref<1x32xi32, #tpu.memory_space<vmem>>
        %dma_wait3A_628 = tpu.memref_squeeze %dma_wait3A_627 : memref<1x32xi32, #tpu.memory_space<vmem>> -> memref<32xi32, #tpu.memory_space<vmem>>
        %dma_wait3A_629 = arith.constant 0 : i32
        %dma_wait3A_630 = arith.constant 0 : i32
        %dma_wait3A_631 = tpu.memref_slice %arg17[%dma_wait3A_629, %dma_wait3A_630] : memref<8256x128xf32, #tpu.memory_space<vmem_shared>> -> memref<8256x128xf32, #tpu.memory_space<vmem_shared>>
        tpu.wait_indirect_dma semaphore(%arg19 : memref<!tpu.dma_semaphore, #tpu.memory_space<semaphore_mem>>) src(%dma_wait3A_625 : memref<32x128xf32, #tpu.memory_space<vmem>>) dst(%dma_wait3A_631 : memref<8256x128xf32, #tpu.memory_space<vmem_shared>>)
      }
      %while3A_364 = arith.constant 1 : i32
      scf.for %while3A_462 = %while3A_362 to %while3A_358 step %while3A_364  : i32 {
        %mul3A_463 = arith.constant 128 : i32
        %mul3A_464 = arith.muli %while3A_462, %mul3A_463 : i32
        %add3A_465 = arith.addi %get3A_57, %mul3A_464 : i32
        %scan3A_466 = arith.constant 0 : i32
        %scan3A_467 = arith.constant 0 : i32
        %scan3A_468 = arith.constant 8 : i32
        %scan3A_469 = arith.addi %scan3A_467, %scan3A_468 : i32
        %scan3A_470 = arith.constant 1 : i32
        scf.for %scan3A_632 = %scan3A_467 to %scan3A_469 step %scan3A_470  : i32 {
          %mul3A_633 = arith.constant 16 : i32
          %mul3A_634 = arith.muli %scan3A_632, %mul3A_633 : i32
          %add3A_635 = arith.addi %add3A_465, %mul3A_634 : i32
          %add3A_636 = vector.broadcast %add3A_635 : i32 to vector<16xi32>
          %add3A_637 = arith.addi %add3A_636, %iota3A : vector<16xi32>
          %lt3A = vector.broadcast %get3A_61 : i32 to vector<16xi32>
          %lt3A_638 = arith.cmpi slt, %add3A_637, %lt3A : vector<16xi32>
          %get3A_639 = arith.index_cast %add3A_635 : i32 to index
          %get3A_640 = tpu.vector_load %arg9[%get3A_639] {strides = array<i32>} : memref<1040xi32, #tpu.memory_space<vmem>>, vector<16xi32>,
          %get3A_641 = vector.shape_cast %get3A_640 : vector<16xi32> to vector<16xi32>
          %get3A_642 = arith.index_cast %add3A_635 : i32 to index
          %get3A_643 = tpu.vector_load %arg10[%get3A_642] {strides = array<i32>} : memref<1040xi32, #tpu.memory_space<vmem>>, vector<16xi32>,
          %get3A_644 = vector.shape_cast %get3A_643 : vector<16xi32> to vector<16xi32>
          %mul3A_645 = arith.constant 16 : i32
          %mul3A_646 = arith.muli %scan3A_632, %mul3A_645 : i32
          %add3A_647 = vector.broadcast %mul3A_646 : i32 to vector<16xi32>
          %add3A_648 = arith.addi %iota3A, %add3A_647 : vector<16xi32>
          %jit3A_649 = arith.constant 64 : i32
          %eq3A = arith.constant 0 : i32
          %eq3A_650 = arith.cmpi eq, %jit3A_649, %eq3A : i32
          %jit3A_651 = arith.constant 1 : i32
          %select_n3A_652 = arith.select %eq3A_650, %jit3A_651, %jit3A_649 : i32
          %rem3A_653 = vector.broadcast %select_n3A_652 : i32 to vector<16xi32>
          %rem3A_654 = arith.remsi %add3A_648, %rem3A_653 : vector<16xi32>
          %ne3A_655 = arith.constant 0 : i32
          %ne3A_656 = vector.broadcast %ne3A_655 : i32 to vector<16xi32>
          %ne3A_657 = arith.cmpi ne, %rem3A_654, %ne3A_656 : vector<16xi32>
          %lt3A_658 = arith.constant 0 : i32
          %lt3A_659 = vector.broadcast %lt3A_658 : i32 to vector<16xi32>
          %lt3A_660 = arith.cmpi slt, %rem3A_654, %lt3A_659 : vector<16xi32>
          %lt3A_661 = arith.constant 0 : i32
          %lt3A_662 = arith.cmpi slt, %select_n3A_652, %lt3A_661 : i32
          %ne3A_663 = vector.broadcast %lt3A_662 : i1 to vector<16xi1>
          %ne3A_664 = vector.broadcast %ne3A_663 : vector<16xi1> to vector<16xi1>
          %ne3A_665 = arith.xori %lt3A_660, %ne3A_664 : vector<16xi1>
          %and3A_666 = arith.andi %ne3A_665, %ne3A_657 : vector<16xi1>
          %add3A_667 = vector.broadcast %select_n3A_652 : i32 to vector<16xi32>
          %add3A_668 = arith.addi %rem3A_654, %add3A_667 : vector<16xi32>
          %select_n3A_669 = arith.select %and3A_666, %add3A_668, %rem3A_654 : vector<16xi1>, vector<16xi32>
          %add3A_670 = arith.constant 8192 : i32
          %add3A_671 = vector.broadcast %add3A_670 : i32 to vector<16xi32>
          %add3A_672 = arith.addi %add3A_671, %select_n3A_669 : vector<16xi32>
          %shift_right_arithmetic3A = arith.constant 2 : i32
          %shift_right_arithmetic3A_673 = vector.broadcast %shift_right_arithmetic3A : i32 to vector<16xi32>
          %shift_right_arithmetic3A_674 = arith.shrsi %get3A_641, %shift_right_arithmetic3A_673 : vector<16xi32>
          %sub3A_675 = vector.broadcast %select_n3A : i32 to vector<16xi32>
          %sub3A_676 = arith.subi %shift_right_arithmetic3A_674, %sub3A_675 : vector<16xi32>
          %select_n3A_677 = arith.select %lt3A_638, %sub3A_676, %add3A_672 : vector<16xi1>, vector<16xi32>
          %jit3A_678 = arith.constant 2 : i32
          %div3A_679 = arith.divsi %scan3A_632, %jit3A_678 : i32
          %sign3A_680 = arith.constant 0 : i32
          %sign3A_681 = arith.cmpi sgt, %scan3A_632, %sign3A_680 : i32
          %sign3A_682 = arith.extui %sign3A_681 : i1 to i32
          %sign3A_683 = arith.constant 0 : i32
          %sign3A_684 = arith.cmpi slt, %scan3A_632, %sign3A_683 : i32
          %sign3A_685 = arith.extui %sign3A_684 : i1 to i32
          %sign3A_686 = arith.subi %sign3A_682, %sign3A_685 : i32
          %sign3A_687 = arith.constant 0 : i32
          %sign3A_688 = arith.cmpi sgt, %jit3A_678, %sign3A_687 : i32
          %sign3A_689 = arith.extui %sign3A_688 : i1 to i32
          %sign3A_690 = arith.constant 0 : i32
          %sign3A_691 = arith.cmpi slt, %jit3A_678, %sign3A_690 : i32
          %sign3A_692 = arith.extui %sign3A_691 : i1 to i32
          %sign3A_693 = arith.subi %sign3A_689, %sign3A_692 : i32
          %ne3A_694 = arith.cmpi ne, %sign3A_686, %sign3A_693 : i32
          %rem3A_695 = arith.remsi %scan3A_632, %jit3A_678 : i32
          %ne3A_696 = arith.constant 0 : i32
          %ne3A_697 = arith.cmpi ne, %rem3A_695, %ne3A_696 : i32
          %and3A_698 = arith.andi %ne3A_694, %ne3A_697 : i1
          %sub3A_699 = arith.constant 1 : i32
          %sub3A_700 = arith.subi %div3A_679, %sub3A_699 : i32
          %select_n3A_701 = arith.select %and3A_698, %sub3A_700, %div3A_679 : i32
          %jit3A_702 = arith.constant 2 : i32
          %eq3A_703 = arith.constant 0 : i32
          %eq3A_704 = arith.cmpi eq, %jit3A_702, %eq3A_703 : i32
          %jit3A_705 = arith.constant 1 : i32
          %select_n3A_706 = arith.select %eq3A_704, %jit3A_705, %jit3A_702 : i32
          %rem3A_707 = arith.remsi %scan3A_632, %select_n3A_706 : i32
          %ne3A_708 = arith.constant 0 : i32
          %ne3A_709 = arith.cmpi ne, %rem3A_707, %ne3A_708 : i32
          %lt3A_710 = arith.constant 0 : i32
          %lt3A_711 = arith.cmpi slt, %rem3A_707, %lt3A_710 : i32
          %lt3A_712 = arith.constant 0 : i32
          %lt3A_713 = arith.cmpi slt, %select_n3A_706, %lt3A_712 : i32
          %ne3A_714 = arith.xori %lt3A_711, %lt3A_713 : i1
          %and3A_715 = arith.andi %ne3A_714, %ne3A_709 : i1
          %add3A_716 = arith.addi %rem3A_707, %select_n3A_706 : i32
          %select_n3A_717 = arith.select %and3A_715, %add3A_716, %rem3A_707 : i32
          %mul3A_718 = arith.constant 16 : i32
          %mul3A_719 = arith.muli %select_n3A_717, %mul3A_718 : i32
          %swap3A_720 = arith.index_cast %select_n3A_701 : i32 to index
          %swap3A_721 = arith.index_cast %mul3A_719 : i32 to index
          %swap3A_722 = tpu.vector_load %arg11[%swap3A_720, %swap3A_721] {strides = array<i32>} : memref<4x32xi32, #tpu.memory_space<vmem>>, vector<1x16xi32>,
          %swap3A_723 = vector.shape_cast %swap3A_722 : vector<1x16xi32> to vector<16xi32>
          %swap3A_724 = vector.shape_cast %select_n3A_677 : vector<16xi32> to vector<1x16xi32>
          tpu.vector_store %arg11[%swap3A_720, %swap3A_721], %swap3A_724 {strides = array<i32>} : memref<4x32xi32, #tpu.memory_space<vmem>>, vector<1x16xi32>,
          %and3A_725 = arith.constant 3 : i32
          %and3A_726 = vector.broadcast %and3A_725 : i32 to vector<16xi32>
          %and3A_727 = arith.andi %get3A_641, %and3A_726 : vector<16xi32>
          %shift_left3A = arith.constant 14 : i32
          %shift_left3A_728 = vector.broadcast %shift_left3A : i32 to vector<16xi32>
          %shift_left3A_729 = arith.shli %and3A_727, %shift_left3A_728 : vector<16xi32>
          %add3A_730 = arith.addi %get3A_644, %shift_left3A_729 : vector<16xi32>
          %jit3A_731 = arith.constant 0 : i32
          %broadcast_in_dim3A = vector.broadcast %jit3A_731 : i32 to vector<16xi32>
          %select_n3A_732 = arith.select %lt3A_638, %add3A_730, %broadcast_in_dim3A : vector<16xi1>, vector<16xi32>
          %jit3A_733 = arith.constant 2 : i32
          %div3A_734 = arith.divsi %scan3A_632, %jit3A_733 : i32
          %sign3A_735 = arith.constant 0 : i32
          %sign3A_736 = arith.cmpi sgt, %scan3A_632, %sign3A_735 : i32
          %sign3A_737 = arith.extui %sign3A_736 : i1 to i32
          %sign3A_738 = arith.constant 0 : i32
          %sign3A_739 = arith.cmpi slt, %scan3A_632, %sign3A_738 : i32
          %sign3A_740 = arith.extui %sign3A_739 : i1 to i32
          %sign3A_741 = arith.subi %sign3A_737, %sign3A_740 : i32
          %sign3A_742 = arith.constant 0 : i32
          %sign3A_743 = arith.cmpi sgt, %jit3A_733, %sign3A_742 : i32
          %sign3A_744 = arith.extui %sign3A_743 : i1 to i32
          %sign3A_745 = arith.constant 0 : i32
          %sign3A_746 = arith.cmpi slt, %jit3A_733, %sign3A_745 : i32
          %sign3A_747 = arith.extui %sign3A_746 : i1 to i32
          %sign3A_748 = arith.subi %sign3A_744, %sign3A_747 : i32
          %ne3A_749 = arith.cmpi ne, %sign3A_741, %sign3A_748 : i32
          %rem3A_750 = arith.remsi %scan3A_632, %jit3A_733 : i32
          %ne3A_751 = arith.constant 0 : i32
          %ne3A_752 = arith.cmpi ne, %rem3A_750, %ne3A_751 : i32
          %and3A_753 = arith.andi %ne3A_749, %ne3A_752 : i1
          %sub3A_754 = arith.constant 1 : i32
          %sub3A_755 = arith.subi %div3A_734, %sub3A_754 : i32
          %select_n3A_756 = arith.select %and3A_753, %sub3A_755, %div3A_734 : i32
          %jit3A_757 = arith.constant 2 : i32
          %eq3A_758 = arith.constant 0 : i32
          %eq3A_759 = arith.cmpi eq, %jit3A_757, %eq3A_758 : i32
          %jit3A_760 = arith.constant 1 : i32
          %select_n3A_761 = arith.select %eq3A_759, %jit3A_760, %jit3A_757 : i32
          %rem3A_762 = arith.remsi %scan3A_632, %select_n3A_761 : i32
          %ne3A_763 = arith.constant 0 : i32
          %ne3A_764 = arith.cmpi ne, %rem3A_762, %ne3A_763 : i32
          %lt3A_765 = arith.constant 0 : i32
          %lt3A_766 = arith.cmpi slt, %rem3A_762, %lt3A_765 : i32
          %lt3A_767 = arith.constant 0 : i32
          %lt3A_768 = arith.cmpi slt, %select_n3A_761, %lt3A_767 : i32
          %ne3A_769 = arith.xori %lt3A_766, %lt3A_768 : i1
          %and3A_770 = arith.andi %ne3A_769, %ne3A_764 : i1
          %add3A_771 = arith.addi %rem3A_762, %select_n3A_761 : i32
          %select_n3A_772 = arith.select %and3A_770, %add3A_771, %rem3A_762 : i32
          %mul3A_773 = arith.constant 16 : i32
          %mul3A_774 = arith.muli %select_n3A_772, %mul3A_773 : i32
          %swap3A_775 = arith.index_cast %select_n3A_756 : i32 to index
          %swap3A_776 = arith.index_cast %mul3A_774 : i32 to index
          %swap3A_777 = tpu.vector_load %arg12[%swap3A_775, %swap3A_776] {strides = array<i32>} : memref<4x32xi32, #tpu.memory_space<vmem>>, vector<1x16xi32>,
          %swap3A_778 = vector.shape_cast %swap3A_777 : vector<1x16xi32> to vector<16xi32>
          %swap3A_779 = vector.shape_cast %select_n3A_732 : vector<16xi32> to vector<1x16xi32>
          tpu.vector_store %arg12[%swap3A_775, %swap3A_776], %swap3A_779 {strides = array<i32>} : memref<4x32xi32, #tpu.memory_space<vmem>>, vector<1x16xi32>,
        }
        %scan3A_471 = arith.constant 8 : i32
        %dma_start3A_472 = arith.constant 0 : i32
        %dma_start3A_473 = arith.constant 0 : i32
        %dma_start3A_474 = arith.constant 0 : i32
        %dma_start3A_475 = tpu.memref_slice %arg13[%dma_start3A_473, %dma_start3A_474] : memref<128x128xf32, #tpu.memory_space<vmem>> -> memref<32x128xf32, #tpu.memory_space<vmem>>
        %dma_start3A_476 = arith.constant 0 : i32
        %dma_start3A_477 = tpu.memref_slice %arg12[%dma_start3A_472, %dma_start3A_476] : memref<4x32xi32, #tpu.memory_space<vmem>> -> memref<1x32xi32, #tpu.memory_space<vmem>>
        %dma_start3A_478 = tpu.memref_squeeze %dma_start3A_477 : memref<1x32xi32, #tpu.memory_space<vmem>> -> memref<32xi32, #tpu.memory_space<vmem>>
        %dma_start3A_479 = arith.constant 0 : i32
        %dma_start3A_480 = arith.constant 0 : i32
        %dma_start3A_481 = tpu.memref_slice %arg5[%dma_start3A_479, %dma_start3A_480] : memref<65536x128xf32, #tpu.memory_space<hbm>> -> memref<65536x128xf32, #tpu.memory_space<hbm>>
        tpu.enqueue_indirect_dma source(%dma_start3A_481 : memref<65536x128xf32, #tpu.memory_space<hbm>>) target(%dma_start3A_475 : memref<32x128xf32, #tpu.memory_space<vmem>>) offsets(%dma_start3A_478 : memref<32xi32, #tpu.memory_space<vmem>>) semaphore(%arg19 : memref<!tpu.dma_semaphore, #tpu.memory_space<semaphore_mem>>)
        %dma_start3A_482 = arith.constant 1 : i32
        %dma_start3A_483 = arith.constant 32 : i32
        %dma_start3A_484 = arith.constant 0 : i32
        %dma_start3A_485 = tpu.memref_slice %arg13[%dma_start3A_483, %dma_start3A_484] : memref<128x128xf32, #tpu.memory_space<vmem>> -> memref<32x128xf32, #tpu.memory_space<vmem>>
        %dma_start3A_486 = arith.constant 0 : i32
        %dma_start3A_487 = tpu.memref_slice %arg12[%dma_start3A_482, %dma_start3A_486] : memref<4x32xi32, #tpu.memory_space<vmem>> -> memref<1x32xi32, #tpu.memory_space<vmem>>
        %dma_start3A_488 = tpu.memref_squeeze %dma_start3A_487 : memref<1x32xi32, #tpu.memory_space<vmem>> -> memref<32xi32, #tpu.memory_space<vmem>>
        %dma_start3A_489 = arith.constant 0 : i32
        %dma_start3A_490 = arith.constant 0 : i32
        %dma_start3A_491 = tpu.memref_slice %arg5[%dma_start3A_489, %dma_start3A_490] : memref<65536x128xf32, #tpu.memory_space<hbm>> -> memref<65536x128xf32, #tpu.memory_space<hbm>>
        tpu.enqueue_indirect_dma source(%dma_start3A_491 : memref<65536x128xf32, #tpu.memory_space<hbm>>) target(%dma_start3A_485 : memref<32x128xf32, #tpu.memory_space<vmem>>) offsets(%dma_start3A_488 : memref<32xi32, #tpu.memory_space<vmem>>) semaphore(%arg19 : memref<!tpu.dma_semaphore, #tpu.memory_space<semaphore_mem>>)
        %dma_start3A_492 = arith.constant 2 : i32
        %dma_start3A_493 = arith.constant 64 : i32
        %dma_start3A_494 = arith.constant 0 : i32
        %dma_start3A_495 = tpu.memref_slice %arg13[%dma_start3A_493, %dma_start3A_494] : memref<128x128xf32, #tpu.memory_space<vmem>> -> memref<32x128xf32, #tpu.memory_space<vmem>>
        %dma_start3A_496 = arith.constant 0 : i32
        %dma_start3A_497 = tpu.memref_slice %arg12[%dma_start3A_492, %dma_start3A_496] : memref<4x32xi32, #tpu.memory_space<vmem>> -> memref<1x32xi32, #tpu.memory_space<vmem>>
        %dma_start3A_498 = tpu.memref_squeeze %dma_start3A_497 : memref<1x32xi32, #tpu.memory_space<vmem>> -> memref<32xi32, #tpu.memory_space<vmem>>
        %dma_start3A_499 = arith.constant 0 : i32
        %dma_start3A_500 = arith.constant 0 : i32
        %dma_start3A_501 = tpu.memref_slice %arg5[%dma_start3A_499, %dma_start3A_500] : memref<65536x128xf32, #tpu.memory_space<hbm>> -> memref<65536x128xf32, #tpu.memory_space<hbm>>
        tpu.enqueue_indirect_dma source(%dma_start3A_501 : memref<65536x128xf32, #tpu.memory_space<hbm>>) target(%dma_start3A_495 : memref<32x128xf32, #tpu.memory_space<vmem>>) offsets(%dma_start3A_498 : memref<32xi32, #tpu.memory_space<vmem>>) semaphore(%arg19 : memref<!tpu.dma_semaphore, #tpu.memory_space<semaphore_mem>>)
        %dma_start3A_502 = arith.constant 3 : i32
        %dma_start3A_503 = arith.constant 96 : i32
        %dma_start3A_504 = arith.constant 0 : i32
        %dma_start3A_505 = tpu.memref_slice %arg13[%dma_start3A_503, %dma_start3A_504] : memref<128x128xf32, #tpu.memory_space<vmem>> -> memref<32x128xf32, #tpu.memory_space<vmem>>
        %dma_start3A_506 = arith.constant 0 : i32
        %dma_start3A_507 = tpu.memref_slice %arg12[%dma_start3A_502, %dma_start3A_506] : memref<4x32xi32, #tpu.memory_space<vmem>> -> memref<1x32xi32, #tpu.memory_space<vmem>>
        %dma_start3A_508 = tpu.memref_squeeze %dma_start3A_507 : memref<1x32xi32, #tpu.memory_space<vmem>> -> memref<32xi32, #tpu.memory_space<vmem>>
        %dma_start3A_509 = arith.constant 0 : i32
        %dma_start3A_510 = arith.constant 0 : i32
        %dma_start3A_511 = tpu.memref_slice %arg5[%dma_start3A_509, %dma_start3A_510] : memref<65536x128xf32, #tpu.memory_space<hbm>> -> memref<65536x128xf32, #tpu.memory_space<hbm>>
        tpu.enqueue_indirect_dma source(%dma_start3A_511 : memref<65536x128xf32, #tpu.memory_space<hbm>>) target(%dma_start3A_505 : memref<32x128xf32, #tpu.memory_space<vmem>>) offsets(%dma_start3A_508 : memref<32xi32, #tpu.memory_space<vmem>>) semaphore(%arg19 : memref<!tpu.dma_semaphore, #tpu.memory_space<semaphore_mem>>)
        %dma_wait3A_512 = arith.constant 0 : i32
        %dma_wait3A_513 = arith.constant 0 : i32
        %dma_wait3A_514 = arith.constant 0 : i32
        %dma_wait3A_515 = tpu.memref_slice %arg13[%dma_wait3A_513, %dma_wait3A_514] : memref<128x128xf32, #tpu.memory_space<vmem>> -> memref<32x128xf32, #tpu.memory_space<vmem>>
        %dma_wait3A_516 = arith.constant 0 : i32
        %dma_wait3A_517 = tpu.memref_slice %arg12[%dma_wait3A_512, %dma_wait3A_516] : memref<4x32xi32, #tpu.memory_space<vmem>> -> memref<1x32xi32, #tpu.memory_space<vmem>>
        %dma_wait3A_518 = tpu.memref_squeeze %dma_wait3A_517 : memref<1x32xi32, #tpu.memory_space<vmem>> -> memref<32xi32, #tpu.memory_space<vmem>>
        %dma_wait3A_519 = arith.constant 0 : i32
        %dma_wait3A_520 = arith.constant 0 : i32
        %dma_wait3A_521 = tpu.memref_slice %arg5[%dma_wait3A_519, %dma_wait3A_520] : memref<65536x128xf32, #tpu.memory_space<hbm>> -> memref<65536x128xf32, #tpu.memory_space<hbm>>
        tpu.wait_indirect_dma semaphore(%arg19 : memref<!tpu.dma_semaphore, #tpu.memory_space<semaphore_mem>>) src(%dma_wait3A_521 : memref<65536x128xf32, #tpu.memory_space<hbm>>) dst(%dma_wait3A_515 : memref<32x128xf32, #tpu.memory_space<vmem>>)
        %dma_wait3A_522 = arith.constant 1 : i32
        %dma_wait3A_523 = arith.constant 32 : i32
        %dma_wait3A_524 = arith.constant 0 : i32
        %dma_wait3A_525 = tpu.memref_slice %arg13[%dma_wait3A_523, %dma_wait3A_524] : memref<128x128xf32, #tpu.memory_space<vmem>> -> memref<32x128xf32, #tpu.memory_space<vmem>>
        %dma_wait3A_526 = arith.constant 0 : i32
        %dma_wait3A_527 = tpu.memref_slice %arg12[%dma_wait3A_522, %dma_wait3A_526] : memref<4x32xi32, #tpu.memory_space<vmem>> -> memref<1x32xi32, #tpu.memory_space<vmem>>
        %dma_wait3A_528 = tpu.memref_squeeze %dma_wait3A_527 : memref<1x32xi32, #tpu.memory_space<vmem>> -> memref<32xi32, #tpu.memory_space<vmem>>
        %dma_wait3A_529 = arith.constant 0 : i32
        %dma_wait3A_530 = arith.constant 0 : i32
        %dma_wait3A_531 = tpu.memref_slice %arg5[%dma_wait3A_529, %dma_wait3A_530] : memref<65536x128xf32, #tpu.memory_space<hbm>> -> memref<65536x128xf32, #tpu.memory_space<hbm>>
        tpu.wait_indirect_dma semaphore(%arg19 : memref<!tpu.dma_semaphore, #tpu.memory_space<semaphore_mem>>) src(%dma_wait3A_531 : memref<65536x128xf32, #tpu.memory_space<hbm>>) dst(%dma_wait3A_525 : memref<32x128xf32, #tpu.memory_space<vmem>>)
        %dma_wait3A_532 = arith.constant 2 : i32
        %dma_wait3A_533 = arith.constant 64 : i32
        %dma_wait3A_534 = arith.constant 0 : i32
        %dma_wait3A_535 = tpu.memref_slice %arg13[%dma_wait3A_533, %dma_wait3A_534] : memref<128x128xf32, #tpu.memory_space<vmem>> -> memref<32x128xf32, #tpu.memory_space<vmem>>
        %dma_wait3A_536 = arith.constant 0 : i32
        %dma_wait3A_537 = tpu.memref_slice %arg12[%dma_wait3A_532, %dma_wait3A_536] : memref<4x32xi32, #tpu.memory_space<vmem>> -> memref<1x32xi32, #tpu.memory_space<vmem>>
        %dma_wait3A_538 = tpu.memref_squeeze %dma_wait3A_537 : memref<1x32xi32, #tpu.memory_space<vmem>> -> memref<32xi32, #tpu.memory_space<vmem>>
        %dma_wait3A_539 = arith.constant 0 : i32
        %dma_wait3A_540 = arith.constant 0 : i32
        %dma_wait3A_541 = tpu.memref_slice %arg5[%dma_wait3A_539, %dma_wait3A_540] : memref<65536x128xf32, #tpu.memory_space<hbm>> -> memref<65536x128xf32, #tpu.memory_space<hbm>>
        tpu.wait_indirect_dma semaphore(%arg19 : memref<!tpu.dma_semaphore, #tpu.memory_space<semaphore_mem>>) src(%dma_wait3A_541 : memref<65536x128xf32, #tpu.memory_space<hbm>>) dst(%dma_wait3A_535 : memref<32x128xf32, #tpu.memory_space<vmem>>)
        %dma_wait3A_542 = arith.constant 3 : i32
        %dma_wait3A_543 = arith.constant 96 : i32
        %dma_wait3A_544 = arith.constant 0 : i32
        %dma_wait3A_545 = tpu.memref_slice %arg13[%dma_wait3A_543, %dma_wait3A_544] : memref<128x128xf32, #tpu.memory_space<vmem>> -> memref<32x128xf32, #tpu.memory_space<vmem>>
        %dma_wait3A_546 = arith.constant 0 : i32
        %dma_wait3A_547 = tpu.memref_slice %arg12[%dma_wait3A_542, %dma_wait3A_546] : memref<4x32xi32, #tpu.memory_space<vmem>> -> memref<1x32xi32, #tpu.memory_space<vmem>>
        %dma_wait3A_548 = tpu.memref_squeeze %dma_wait3A_547 : memref<1x32xi32, #tpu.memory_space<vmem>> -> memref<32xi32, #tpu.memory_space<vmem>>
        %dma_wait3A_549 = arith.constant 0 : i32
        %dma_wait3A_550 = arith.constant 0 : i32
        %dma_wait3A_551 = tpu.memref_slice %arg5[%dma_wait3A_549, %dma_wait3A_550] : memref<65536x128xf32, #tpu.memory_space<hbm>> -> memref<65536x128xf32, #tpu.memory_space<hbm>>
        tpu.wait_indirect_dma semaphore(%arg19 : memref<!tpu.dma_semaphore, #tpu.memory_space<semaphore_mem>>) src(%dma_wait3A_551 : memref<65536x128xf32, #tpu.memory_space<hbm>>) dst(%dma_wait3A_545 : memref<32x128xf32, #tpu.memory_space<vmem>>)
        %dma_start3A_552 = arith.constant 0 : i32
        %dma_start3A_553 = arith.constant 0 : i32
        %dma_start3A_554 = arith.constant 0 : i32
        %dma_start3A_555 = tpu.memref_slice %arg13[%dma_start3A_553, %dma_start3A_554] : memref<128x128xf32, #tpu.memory_space<vmem>> -> memref<32x128xf32, #tpu.memory_space<vmem>>
        %dma_start3A_556 = arith.constant 0 : i32
        %dma_start3A_557 = tpu.memref_slice %arg11[%dma_start3A_552, %dma_start3A_556] : memref<4x32xi32, #tpu.memory_space<vmem>> -> memref<1x32xi32, #tpu.memory_space<vmem>>
        %dma_start3A_558 = tpu.memref_squeeze %dma_start3A_557 : memref<1x32xi32, #tpu.memory_space<vmem>> -> memref<32xi32, #tpu.memory_space<vmem>>
        %dma_start3A_559 = arith.constant 0 : i32
        %dma_start3A_560 = arith.constant 0 : i32
        %dma_start3A_561 = tpu.memref_slice %arg17[%dma_start3A_559, %dma_start3A_560] : memref<8256x128xf32, #tpu.memory_space<vmem_shared>> -> memref<8256x128xf32, #tpu.memory_space<vmem_shared>>
        tpu.enqueue_indirect_dma source(%dma_start3A_555 : memref<32x128xf32, #tpu.memory_space<vmem>>) target(%dma_start3A_561 : memref<8256x128xf32, #tpu.memory_space<vmem_shared>>) offsets(%dma_start3A_558 : memref<32xi32, #tpu.memory_space<vmem>>) semaphore(%arg19 : memref<!tpu.dma_semaphore, #tpu.memory_space<semaphore_mem>>) {add = true}
        %dma_start3A_562 = arith.constant 1 : i32
        %dma_start3A_563 = arith.constant 32 : i32
        %dma_start3A_564 = arith.constant 0 : i32
        %dma_start3A_565 = tpu.memref_slice %arg13[%dma_start3A_563, %dma_start3A_564] : memref<128x128xf32, #tpu.memory_space<vmem>> -> memref<32x128xf32, #tpu.memory_space<vmem>>
        %dma_start3A_566 = arith.constant 0 : i32
        %dma_start3A_567 = tpu.memref_slice %arg11[%dma_start3A_562, %dma_start3A_566] : memref<4x32xi32, #tpu.memory_space<vmem>> -> memref<1x32xi32, #tpu.memory_space<vmem>>
        %dma_start3A_568 = tpu.memref_squeeze %dma_start3A_567 : memref<1x32xi32, #tpu.memory_space<vmem>> -> memref<32xi32, #tpu.memory_space<vmem>>
        %dma_start3A_569 = arith.constant 0 : i32
        %dma_start3A_570 = arith.constant 0 : i32
        %dma_start3A_571 = tpu.memref_slice %arg17[%dma_start3A_569, %dma_start3A_570] : memref<8256x128xf32, #tpu.memory_space<vmem_shared>> -> memref<8256x128xf32, #tpu.memory_space<vmem_shared>>
        tpu.enqueue_indirect_dma source(%dma_start3A_565 : memref<32x128xf32, #tpu.memory_space<vmem>>) target(%dma_start3A_571 : memref<8256x128xf32, #tpu.memory_space<vmem_shared>>) offsets(%dma_start3A_568 : memref<32xi32, #tpu.memory_space<vmem>>) semaphore(%arg19 : memref<!tpu.dma_semaphore, #tpu.memory_space<semaphore_mem>>) {add = true}
        %dma_start3A_572 = arith.constant 2 : i32
        %dma_start3A_573 = arith.constant 64 : i32
        %dma_start3A_574 = arith.constant 0 : i32
        %dma_start3A_575 = tpu.memref_slice %arg13[%dma_start3A_573, %dma_start3A_574] : memref<128x128xf32, #tpu.memory_space<vmem>> -> memref<32x128xf32, #tpu.memory_space<vmem>>
        %dma_start3A_576 = arith.constant 0 : i32
        %dma_start3A_577 = tpu.memref_slice %arg11[%dma_start3A_572, %dma_start3A_576] : memref<4x32xi32, #tpu.memory_space<vmem>> -> memref<1x32xi32, #tpu.memory_space<vmem>>
        %dma_start3A_578 = tpu.memref_squeeze %dma_start3A_577 : memref<1x32xi32, #tpu.memory_space<vmem>> -> memref<32xi32, #tpu.memory_space<vmem>>
        %dma_start3A_579 = arith.constant 0 : i32
        %dma_start3A_580 = arith.constant 0 : i32
        %dma_start3A_581 = tpu.memref_slice %arg17[%dma_start3A_579, %dma_start3A_580] : memref<8256x128xf32, #tpu.memory_space<vmem_shared>> -> memref<8256x128xf32, #tpu.memory_space<vmem_shared>>
        tpu.enqueue_indirect_dma source(%dma_start3A_575 : memref<32x128xf32, #tpu.memory_space<vmem>>) target(%dma_start3A_581 : memref<8256x128xf32, #tpu.memory_space<vmem_shared>>) offsets(%dma_start3A_578 : memref<32xi32, #tpu.memory_space<vmem>>) semaphore(%arg19 : memref<!tpu.dma_semaphore, #tpu.memory_space<semaphore_mem>>) {add = true}
        %dma_start3A_582 = arith.constant 3 : i32
        %dma_start3A_583 = arith.constant 96 : i32
        %dma_start3A_584 = arith.constant 0 : i32
        %dma_start3A_585 = tpu.memref_slice %arg13[%dma_start3A_583, %dma_start3A_584] : memref<128x128xf32, #tpu.memory_space<vmem>> -> memref<32x128xf32, #tpu.memory_space<vmem>>
        %dma_start3A_586 = arith.constant 0 : i32
        %dma_start3A_587 = tpu.memref_slice %arg11[%dma_start3A_582, %dma_start3A_586] : memref<4x32xi32, #tpu.memory_space<vmem>> -> memref<1x32xi32, #tpu.memory_space<vmem>>
        %dma_start3A_588 = tpu.memref_squeeze %dma_start3A_587 : memref<1x32xi32, #tpu.memory_space<vmem>> -> memref<32xi32, #tpu.memory_space<vmem>>
        %dma_start3A_589 = arith.constant 0 : i32
        %dma_start3A_590 = arith.constant 0 : i32
        %dma_start3A_591 = tpu.memref_slice %arg17[%dma_start3A_589, %dma_start3A_590] : memref<8256x128xf32, #tpu.memory_space<vmem_shared>> -> memref<8256x128xf32, #tpu.memory_space<vmem_shared>>
        tpu.enqueue_indirect_dma source(%dma_start3A_585 : memref<32x128xf32, #tpu.memory_space<vmem>>) target(%dma_start3A_591 : memref<8256x128xf32, #tpu.memory_space<vmem_shared>>) offsets(%dma_start3A_588 : memref<32xi32, #tpu.memory_space<vmem>>) semaphore(%arg19 : memref<!tpu.dma_semaphore, #tpu.memory_space<semaphore_mem>>) {add = true}
        %dma_wait3A_592 = arith.constant 0 : i32
        %dma_wait3A_593 = arith.constant 0 : i32
        %dma_wait3A_594 = arith.constant 0 : i32
        %dma_wait3A_595 = tpu.memref_slice %arg13[%dma_wait3A_593, %dma_wait3A_594] : memref<128x128xf32, #tpu.memory_space<vmem>> -> memref<32x128xf32, #tpu.memory_space<vmem>>
        %dma_wait3A_596 = arith.constant 0 : i32
        %dma_wait3A_597 = tpu.memref_slice %arg11[%dma_wait3A_592, %dma_wait3A_596] : memref<4x32xi32, #tpu.memory_space<vmem>> -> memref<1x32xi32, #tpu.memory_space<vmem>>
        %dma_wait3A_598 = tpu.memref_squeeze %dma_wait3A_597 : memref<1x32xi32, #tpu.memory_space<vmem>> -> memref<32xi32, #tpu.memory_space<vmem>>
        %dma_wait3A_599 = arith.constant 0 : i32
        %dma_wait3A_600 = arith.constant 0 : i32
        %dma_wait3A_601 = tpu.memref_slice %arg17[%dma_wait3A_599, %dma_wait3A_600] : memref<8256x128xf32, #tpu.memory_space<vmem_shared>> -> memref<8256x128xf32, #tpu.memory_space<vmem_shared>>
        tpu.wait_indirect_dma semaphore(%arg19 : memref<!tpu.dma_semaphore, #tpu.memory_space<semaphore_mem>>) src(%dma_wait3A_595 : memref<32x128xf32, #tpu.memory_space<vmem>>) dst(%dma_wait3A_601 : memref<8256x128xf32, #tpu.memory_space<vmem_shared>>)
        %dma_wait3A_602 = arith.constant 1 : i32
        %dma_wait3A_603 = arith.constant 32 : i32
        %dma_wait3A_604 = arith.constant 0 : i32
        %dma_wait3A_605 = tpu.memref_slice %arg13[%dma_wait3A_603, %dma_wait3A_604] : memref<128x128xf32, #tpu.memory_space<vmem>> -> memref<32x128xf32, #tpu.memory_space<vmem>>
        %dma_wait3A_606 = arith.constant 0 : i32
        %dma_wait3A_607 = tpu.memref_slice %arg11[%dma_wait3A_602, %dma_wait3A_606] : memref<4x32xi32, #tpu.memory_space<vmem>> -> memref<1x32xi32, #tpu.memory_space<vmem>>
        %dma_wait3A_608 = tpu.memref_squeeze %dma_wait3A_607 : memref<1x32xi32, #tpu.memory_space<vmem>> -> memref<32xi32, #tpu.memory_space<vmem>>
        %dma_wait3A_609 = arith.constant 0 : i32
        %dma_wait3A_610 = arith.constant 0 : i32
        %dma_wait3A_611 = tpu.memref_slice %arg17[%dma_wait3A_609, %dma_wait3A_610] : memref<8256x128xf32, #tpu.memory_space<vmem_shared>> -> memref<8256x128xf32, #tpu.memory_space<vmem_shared>>
        tpu.wait_indirect_dma semaphore(%arg19 : memref<!tpu.dma_semaphore, #tpu.memory_space<semaphore_mem>>) src(%dma_wait3A_605 : memref<32x128xf32, #tpu.memory_space<vmem>>) dst(%dma_wait3A_611 : memref<8256x128xf32, #tpu.memory_space<vmem_shared>>)
        %dma_wait3A_612 = arith.constant 2 : i32
        %dma_wait3A_613 = arith.constant 64 : i32
        %dma_wait3A_614 = arith.constant 0 : i32
        %dma_wait3A_615 = tpu.memref_slice %arg13[%dma_wait3A_613, %dma_wait3A_614] : memref<128x128xf32, #tpu.memory_space<vmem>> -> memref<32x128xf32, #tpu.memory_space<vmem>>
        %dma_wait3A_616 = arith.constant 0 : i32
        %dma_wait3A_617 = tpu.memref_slice %arg11[%dma_wait3A_612, %dma_wait3A_616] : memref<4x32xi32, #tpu.memory_space<vmem>> -> memref<1x32xi32, #tpu.memory_space<vmem>>
        %dma_wait3A_618 = tpu.memref_squeeze %dma_wait3A_617 : memref<1x32xi32, #tpu.memory_space<vmem>> -> memref<32xi32, #tpu.memory_space<vmem>>
        %dma_wait3A_619 = arith.constant 0 : i32
        %dma_wait3A_620 = arith.constant 0 : i32
        %dma_wait3A_621 = tpu.memref_slice %arg17[%dma_wait3A_619, %dma_wait3A_620] : memref<8256x128xf32, #tpu.memory_space<vmem_shared>> -> memref<8256x128xf32, #tpu.memory_space<vmem_shared>>
        tpu.wait_indirect_dma semaphore(%arg19 : memref<!tpu.dma_semaphore, #tpu.memory_space<semaphore_mem>>) src(%dma_wait3A_615 : memref<32x128xf32, #tpu.memory_space<vmem>>) dst(%dma_wait3A_621 : memref<8256x128xf32, #tpu.memory_space<vmem_shared>>)
        %dma_wait3A_622 = arith.constant 3 : i32
        %dma_wait3A_623 = arith.constant 96 : i32
        %dma_wait3A_624 = arith.constant 0 : i32
        %dma_wait3A_625 = tpu.memref_slice %arg13[%dma_wait3A_623, %dma_wait3A_624] : memref<128x128xf32, #tpu.memory_space<vmem>> -> memref<32x128xf32, #tpu.memory_space<vmem>>
        %dma_wait3A_626 = arith.constant 0 : i32
        %dma_wait3A_627 = tpu.memref_slice %arg11[%dma_wait3A_622, %dma_wait3A_626] : memref<4x32xi32, #tpu.memory_space<vmem>> -> memref<1x32xi32, #tpu.memory_space<vmem>>
        %dma_wait3A_628 = tpu.memref_squeeze %dma_wait3A_627 : memref<1x32xi32, #tpu.memory_space<vmem>> -> memref<32xi32, #tpu.memory_space<vmem>>
        %dma_wait3A_629 = arith.constant 0 : i32
        %dma_wait3A_630 = arith.constant 0 : i32
        %dma_wait3A_631 = tpu.memref_slice %arg17[%dma_wait3A_629, %dma_wait3A_630] : memref<8256x128xf32, #tpu.memory_space<vmem_shared>> -> memref<8256x128xf32, #tpu.memory_space<vmem_shared>>
        tpu.wait_indirect_dma semaphore(%arg19 : memref<!tpu.dma_semaphore, #tpu.memory_space<semaphore_mem>>) src(%dma_wait3A_625 : memref<32x128xf32, #tpu.memory_space<vmem>>) dst(%dma_wait3A_631 : memref<8256x128xf32, #tpu.memory_space<vmem_shared>>)
      }
      %barrier3A_365 = arith.constant 0 : index
      tpu.barrier barrier_id(%barrier3A_365)
      %add3A_366 = arith.constant 0 : i32
      %add3A_367 = arith.addi %multiple_of3A_139, %add3A_366 : i32
      %add3A_368 = arith.constant 0 : i32
      %add3A_369 = arith.addi %multiple_of3A, %add3A_368 : i32
      %dma_start3A_370 = arith.constant 0 : i32
      %dma_start3A_371 = tpu.memref_slice %arg6[%add3A_369, %dma_start3A_370] : memref<250000x128xf32, #tpu.memory_space<hbm>> -> memref<64x128xf32, #tpu.memory_space<hbm>>
      %dma_start3A_372 = arith.constant 0 : i32
      %dma_start3A_373 = tpu.memref_slice %arg17[%add3A_367, %dma_start3A_372] : memref<8256x128xf32, #tpu.memory_space<vmem_shared>> -> memref<64x128xf32, #tpu.memory_space<vmem_shared>>
      tpu.enqueue_dma source(%dma_start3A_373 : memref<64x128xf32, #tpu.memory_space<vmem_shared>>) target(%dma_start3A_371 : memref<64x128xf32, #tpu.memory_space<hbm>>) target_semaphore(%arg18 : memref<!tpu.dma_semaphore, #tpu.memory_space<semaphore_mem>>)
      %add3A_374 = arith.constant 64 : i32
      %add3A_375 = arith.addi %multiple_of3A_139, %add3A_374 : i32
      %add3A_376 = arith.constant 64 : i32
      %add3A_377 = arith.addi %multiple_of3A, %add3A_376 : i32
      %dma_start3A_378 = arith.constant 0 : i32
      %dma_start3A_379 = tpu.memref_slice %arg6[%add3A_377, %dma_start3A_378] : memref<250000x128xf32, #tpu.memory_space<hbm>> -> memref<64x128xf32, #tpu.memory_space<hbm>>
      %dma_start3A_380 = arith.constant 0 : i32
      %dma_start3A_381 = tpu.memref_slice %arg17[%add3A_375, %dma_start3A_380] : memref<8256x128xf32, #tpu.memory_space<vmem_shared>> -> memref<64x128xf32, #tpu.memory_space<vmem_shared>>
      tpu.enqueue_dma source(%dma_start3A_381 : memref<64x128xf32, #tpu.memory_space<vmem_shared>>) target(%dma_start3A_379 : memref<64x128xf32, #tpu.memory_space<hbm>>) target_semaphore(%arg18 : memref<!tpu.dma_semaphore, #tpu.memory_space<semaphore_mem>>)
      %add3A_382 = arith.constant 128 : i32
      %add3A_383 = arith.addi %multiple_of3A_139, %add3A_382 : i32
      %add3A_384 = arith.constant 128 : i32
      %add3A_385 = arith.addi %multiple_of3A, %add3A_384 : i32
      %dma_start3A_386 = arith.constant 0 : i32
      %dma_start3A_387 = tpu.memref_slice %arg6[%add3A_385, %dma_start3A_386] : memref<250000x128xf32, #tpu.memory_space<hbm>> -> memref<64x128xf32, #tpu.memory_space<hbm>>
      %dma_start3A_388 = arith.constant 0 : i32
      %dma_start3A_389 = tpu.memref_slice %arg17[%add3A_383, %dma_start3A_388] : memref<8256x128xf32, #tpu.memory_space<vmem_shared>> -> memref<64x128xf32, #tpu.memory_space<vmem_shared>>
      tpu.enqueue_dma source(%dma_start3A_389 : memref<64x128xf32, #tpu.memory_space<vmem_shared>>) target(%dma_start3A_387 : memref<64x128xf32, #tpu.memory_space<hbm>>) target_semaphore(%arg18 : memref<!tpu.dma_semaphore, #tpu.memory_space<semaphore_mem>>)
      %add3A_390 = arith.constant 192 : i32
      %add3A_391 = arith.addi %multiple_of3A_139, %add3A_390 : i32
      %add3A_392 = arith.constant 192 : i32
      %add3A_393 = arith.addi %multiple_of3A, %add3A_392 : i32
      %dma_start3A_394 = arith.constant 0 : i32
      %dma_start3A_395 = tpu.memref_slice %arg6[%add3A_393, %dma_start3A_394] : memref<250000x128xf32, #tpu.memory_space<hbm>> -> memref<64x128xf32, #tpu.memory_space<hbm>>
      %dma_start3A_396 = arith.constant 0 : i32
      %dma_start3A_397 = tpu.memref_slice %arg17[%add3A_391, %dma_start3A_396] : memref<8256x128xf32, #tpu.memory_space<vmem_shared>> -> memref<64x128xf32, #tpu.memory_space<vmem_shared>>
      tpu.enqueue_dma source(%dma_start3A_397 : memref<64x128xf32, #tpu.memory_space<vmem_shared>>) target(%dma_start3A_395 : memref<64x128xf32, #tpu.memory_space<hbm>>) target_semaphore(%arg18 : memref<!tpu.dma_semaphore, #tpu.memory_space<semaphore_mem>>)
      %add3A_398 = arith.constant 256 : i32
      %add3A_399 = arith.addi %multiple_of3A_139, %add3A_398 : i32
      %add3A_400 = arith.constant 256 : i32
      %add3A_401 = arith.addi %multiple_of3A, %add3A_400 : i32
      %dma_start3A_402 = arith.constant 0 : i32
      %dma_start3A_403 = tpu.memref_slice %arg6[%add3A_401, %dma_start3A_402] : memref<250000x128xf32, #tpu.memory_space<hbm>> -> memref<64x128xf32, #tpu.memory_space<hbm>>
      %dma_start3A_404 = arith.constant 0 : i32
      %dma_start3A_405 = tpu.memref_slice %arg17[%add3A_399, %dma_start3A_404] : memref<8256x128xf32, #tpu.memory_space<vmem_shared>> -> memref<64x128xf32, #tpu.memory_space<vmem_shared>>
      tpu.enqueue_dma source(%dma_start3A_405 : memref<64x128xf32, #tpu.memory_space<vmem_shared>>) target(%dma_start3A_403 : memref<64x128xf32, #tpu.memory_space<hbm>>) target_semaphore(%arg18 : memref<!tpu.dma_semaphore, #tpu.memory_space<semaphore_mem>>)
      %add3A_406 = arith.constant 320 : i32
      %add3A_407 = arith.addi %multiple_of3A_139, %add3A_406 : i32
      %add3A_408 = arith.constant 320 : i32
      %add3A_409 = arith.addi %multiple_of3A, %add3A_408 : i32
      %dma_start3A_410 = arith.constant 0 : i32
      %dma_start3A_411 = tpu.memref_slice %arg6[%add3A_409, %dma_start3A_410] : memref<250000x128xf32, #tpu.memory_space<hbm>> -> memref<64x128xf32, #tpu.memory_space<hbm>>
      %dma_start3A_412 = arith.constant 0 : i32
      %dma_start3A_413 = tpu.memref_slice %arg17[%add3A_407, %dma_start3A_412] : memref<8256x128xf32, #tpu.memory_space<vmem_shared>> -> memref<64x128xf32, #tpu.memory_space<vmem_shared>>
      tpu.enqueue_dma source(%dma_start3A_413 : memref<64x128xf32, #tpu.memory_space<vmem_shared>>) target(%dma_start3A_411 : memref<64x128xf32, #tpu.memory_space<hbm>>) target_semaphore(%arg18 : memref<!tpu.dma_semaphore, #tpu.memory_space<semaphore_mem>>)
      %add3A_414 = arith.constant 384 : i32
      %add3A_415 = arith.addi %multiple_of3A_139, %add3A_414 : i32
      %add3A_416 = arith.constant 384 : i32
      %add3A_417 = arith.addi %multiple_of3A, %add3A_416 : i32
      %dma_start3A_418 = arith.constant 0 : i32
      %dma_start3A_419 = tpu.memref_slice %arg6[%add3A_417, %dma_start3A_418] : memref<250000x128xf32, #tpu.memory_space<hbm>> -> memref<64x128xf32, #tpu.memory_space<hbm>>
      %dma_start3A_420 = arith.constant 0 : i32
      %dma_start3A_421 = tpu.memref_slice %arg17[%add3A_415, %dma_start3A_420] : memref<8256x128xf32, #tpu.memory_space<vmem_shared>> -> memref<64x128xf32, #tpu.memory_space<vmem_shared>>
      tpu.enqueue_dma source(%dma_start3A_421 : memref<64x128xf32, #tpu.memory_space<vmem_shared>>) target(%dma_start3A_419 : memref<64x128xf32, #tpu.memory_space<hbm>>) target_semaphore(%arg18 : memref<!tpu.dma_semaphore, #tpu.memory_space<semaphore_mem>>)
      %add3A_422 = arith.constant 448 : i32
      %add3A_423 = arith.addi %multiple_of3A_139, %add3A_422 : i32
      %add3A_424 = arith.constant 448 : i32
      %add3A_425 = arith.addi %multiple_of3A, %add3A_424 : i32
      %dma_start3A_426 = arith.constant 0 : i32
      %dma_start3A_427 = tpu.memref_slice %arg6[%add3A_425, %dma_start3A_426] : memref<250000x128xf32, #tpu.memory_space<hbm>> -> memref<64x128xf32, #tpu.memory_space<hbm>>
      %dma_start3A_428 = arith.constant 0 : i32
      %dma_start3A_429 = tpu.memref_slice %arg17[%add3A_423, %dma_start3A_428] : memref<8256x128xf32, #tpu.memory_space<vmem_shared>> -> memref<64x128xf32, #tpu.memory_space<vmem_shared>>
      tpu.enqueue_dma source(%dma_start3A_429 : memref<64x128xf32, #tpu.memory_space<vmem_shared>>) target(%dma_start3A_427 : memref<64x128xf32, #tpu.memory_space<hbm>>) target_semaphore(%arg18 : memref<!tpu.dma_semaphore, #tpu.memory_space<semaphore_mem>>)
      %dma_wait3A_430 = arith.constant 0 : i32
      %dma_wait3A_431 = tpu.memref_slice %arg6[%add3A_369, %dma_wait3A_430] : memref<250000x128xf32, #tpu.memory_space<hbm>> -> memref<64x128xf32, #tpu.memory_space<hbm>>
      %dma_wait3A_432 = arith.constant 0 : i32
      %dma_wait3A_433 = tpu.memref_slice %arg17[%add3A_367, %dma_wait3A_432] : memref<8256x128xf32, #tpu.memory_space<vmem_shared>> -> memref<64x128xf32, #tpu.memory_space<vmem_shared>>
      tpu.wait_dma2 semaphore(%arg18 : memref<!tpu.dma_semaphore, #tpu.memory_space<semaphore_mem>>) src(%dma_wait3A_433 : memref<64x128xf32, #tpu.memory_space<vmem_shared>>) dst(%dma_wait3A_431 : memref<64x128xf32, #tpu.memory_space<hbm>>)
      %dma_wait3A_434 = arith.constant 0 : i32
      %dma_wait3A_435 = tpu.memref_slice %arg6[%add3A_377, %dma_wait3A_434] : memref<250000x128xf32, #tpu.memory_space<hbm>> -> memref<64x128xf32, #tpu.memory_space<hbm>>
      %dma_wait3A_436 = arith.constant 0 : i32
      %dma_wait3A_437 = tpu.memref_slice %arg17[%add3A_375, %dma_wait3A_436] : memref<8256x128xf32, #tpu.memory_space<vmem_shared>> -> memref<64x128xf32, #tpu.memory_space<vmem_shared>>
      tpu.wait_dma2 semaphore(%arg18 : memref<!tpu.dma_semaphore, #tpu.memory_space<semaphore_mem>>) src(%dma_wait3A_437 : memref<64x128xf32, #tpu.memory_space<vmem_shared>>) dst(%dma_wait3A_435 : memref<64x128xf32, #tpu.memory_space<hbm>>)
      %dma_wait3A_438 = arith.constant 0 : i32
      %dma_wait3A_439 = tpu.memref_slice %arg6[%add3A_385, %dma_wait3A_438] : memref<250000x128xf32, #tpu.memory_space<hbm>> -> memref<64x128xf32, #tpu.memory_space<hbm>>
      %dma_wait3A_440 = arith.constant 0 : i32
      %dma_wait3A_441 = tpu.memref_slice %arg17[%add3A_383, %dma_wait3A_440] : memref<8256x128xf32, #tpu.memory_space<vmem_shared>> -> memref<64x128xf32, #tpu.memory_space<vmem_shared>>
      tpu.wait_dma2 semaphore(%arg18 : memref<!tpu.dma_semaphore, #tpu.memory_space<semaphore_mem>>) src(%dma_wait3A_441 : memref<64x128xf32, #tpu.memory_space<vmem_shared>>) dst(%dma_wait3A_439 : memref<64x128xf32, #tpu.memory_space<hbm>>)
      %dma_wait3A_442 = arith.constant 0 : i32
      %dma_wait3A_443 = tpu.memref_slice %arg6[%add3A_393, %dma_wait3A_442] : memref<250000x128xf32, #tpu.memory_space<hbm>> -> memref<64x128xf32, #tpu.memory_space<hbm>>
      %dma_wait3A_444 = arith.constant 0 : i32
      %dma_wait3A_445 = tpu.memref_slice %arg17[%add3A_391, %dma_wait3A_444] : memref<8256x128xf32, #tpu.memory_space<vmem_shared>> -> memref<64x128xf32, #tpu.memory_space<vmem_shared>>
      tpu.wait_dma2 semaphore(%arg18 : memref<!tpu.dma_semaphore, #tpu.memory_space<semaphore_mem>>) src(%dma_wait3A_445 : memref<64x128xf32, #tpu.memory_space<vmem_shared>>) dst(%dma_wait3A_443 : memref<64x128xf32, #tpu.memory_space<hbm>>)
      %dma_wait3A_446 = arith.constant 0 : i32
      %dma_wait3A_447 = tpu.memref_slice %arg6[%add3A_401, %dma_wait3A_446] : memref<250000x128xf32, #tpu.memory_space<hbm>> -> memref<64x128xf32, #tpu.memory_space<hbm>>
      %dma_wait3A_448 = arith.constant 0 : i32
      %dma_wait3A_449 = tpu.memref_slice %arg17[%add3A_399, %dma_wait3A_448] : memref<8256x128xf32, #tpu.memory_space<vmem_shared>> -> memref<64x128xf32, #tpu.memory_space<vmem_shared>>
      tpu.wait_dma2 semaphore(%arg18 : memref<!tpu.dma_semaphore, #tpu.memory_space<semaphore_mem>>) src(%dma_wait3A_449 : memref<64x128xf32, #tpu.memory_space<vmem_shared>>) dst(%dma_wait3A_447 : memref<64x128xf32, #tpu.memory_space<hbm>>)
      %dma_wait3A_450 = arith.constant 0 : i32
      %dma_wait3A_451 = tpu.memref_slice %arg6[%add3A_409, %dma_wait3A_450] : memref<250000x128xf32, #tpu.memory_space<hbm>> -> memref<64x128xf32, #tpu.memory_space<hbm>>
      %dma_wait3A_452 = arith.constant 0 : i32
      %dma_wait3A_453 = tpu.memref_slice %arg17[%add3A_407, %dma_wait3A_452] : memref<8256x128xf32, #tpu.memory_space<vmem_shared>> -> memref<64x128xf32, #tpu.memory_space<vmem_shared>>
      tpu.wait_dma2 semaphore(%arg18 : memref<!tpu.dma_semaphore, #tpu.memory_space<semaphore_mem>>) src(%dma_wait3A_453 : memref<64x128xf32, #tpu.memory_space<vmem_shared>>) dst(%dma_wait3A_451 : memref<64x128xf32, #tpu.memory_space<hbm>>)
      %dma_wait3A_454 = arith.constant 0 : i32
      %dma_wait3A_455 = tpu.memref_slice %arg6[%add3A_417, %dma_wait3A_454] : memref<250000x128xf32, #tpu.memory_space<hbm>> -> memref<64x128xf32, #tpu.memory_space<hbm>>
      %dma_wait3A_456 = arith.constant 0 : i32
      %dma_wait3A_457 = tpu.memref_slice %arg17[%add3A_415, %dma_wait3A_456] : memref<8256x128xf32, #tpu.memory_space<vmem_shared>> -> memref<64x128xf32, #tpu.memory_space<vmem_shared>>
      tpu.wait_dma2 semaphore(%arg18 : memref<!tpu.dma_semaphore, #tpu.memory_space<semaphore_mem>>) src(%dma_wait3A_457 : memref<64x128xf32, #tpu.memory_space<vmem_shared>>) dst(%dma_wait3A_455 : memref<64x128xf32, #tpu.memory_space<hbm>>)
      %dma_wait3A_458 = arith.constant 0 : i32
      %dma_wait3A_459 = tpu.memref_slice %arg6[%add3A_425, %dma_wait3A_458] : memref<250000x128xf32, #tpu.memory_space<hbm>> -> memref<64x128xf32, #tpu.memory_space<hbm>>
      %dma_wait3A_460 = arith.constant 0 : i32
      %dma_wait3A_461 = tpu.memref_slice %arg17[%add3A_423, %dma_wait3A_460] : memref<8256x128xf32, #tpu.memory_space<vmem_shared>> -> memref<64x128xf32, #tpu.memory_space<vmem_shared>>
      tpu.wait_dma2 semaphore(%arg18 : memref<!tpu.dma_semaphore, #tpu.memory_space<semaphore_mem>>) src(%dma_wait3A_461 : memref<64x128xf32, #tpu.memory_space<vmem_shared>>) dst(%dma_wait3A_459 : memref<64x128xf32, #tpu.memory_space<hbm>>)
    }
    %scan3A_36 = arith.constant 16 : i32
    return
  }
}

</mosaic_0001>

<sc_bundles>
// kernel: _index_put.3.cloned.1.call-start
scs
__scs_entry_jumppad:
0x0: {  	(pc) =	sbr.rel $0x88, $3  }
0x1: {  	(tag) =	ssettag $0x0;
	lr =	simm.s32 $0x1  }
0x2: {  	[smem:$0x3F9D] =	sst lr;
	_ =	strace $0xD0000000  }
0x3: {  	_ = 	snop  }
0x4: {  	_ = 	snop  }
0x5: {  	_ = 	snop  }
0x6: {  	_ = 	snop  }
0x7: {  	_ = 	snop  }
__scs_overlays_trampoline_lowered:
0x8: {  	[smem:$0x3FAC] =	sst s0  }
0x9: {  	[smem:$0x3FAD] =	sst s1  }
0xa: {  	[smem:$0x3FAE] =	sst s2  }
0xb: {  	[smem:$0x3FAF] =	sst s3  }
0xc: {  	[smem:$0x3FB0] =	sst s4  }
0xd: {  	[smem:$0x3FB1] =	sst s5  }
0xe: {  	[smem:$0x3FB2] =	sst s6  }
0xf: {  	[smem:$0x3FB3] =	sst s7  }
0x10: {  	[smem:$0x3FB4] =	sst s8  }
0x11: {  	[smem:$0x3FB5] =	sst s9;
	s0 =	simm.s32 @!p0 $0x0  }
0x12: {  	s1 =	sld [smem:$0x3F9B];
	s0 =	simm.s32 @p0 $0x1  }
0x13: {  	[smem:$0x3FB6] =	sst s0;
	s0 =	simm.s32 @!p1 $0x0  }
0x14: {  	s2 =	sld [smem:$0x3F9A];
	s0 =	simm.s32 @p1 $0x1  }
0x15: {  	[smem:$0x3FB7] =	sst s0;
	s0 =	simm.s32 @!p2 $0x0  }
0x16: {  	s3 =	sld [smem:$0x3FDB];
	s0 =	simm.s32 @p2 $0x1  }
0x17: {  	s4 =	simm.s32 $0x1BF5;
	[smem:$0x3FB9] =	sst s0  }
0x18: {  	s0 =	sld [smem:$0x3F9C];
	_ =	swait.ge [sflag:s4], $0x0  }
0x19: {  	s7 =	sld [smem:$0x3F9D]  }
0x1a: {  	s8 =	sadd.s32 $0xFFFFE003, lr  }
0x1b: {  	s9 =	sadd.s32 $0xFFFFFEF7, lr;
	s5 =	simm.s32 $0xFFFFFFFF;
	p2 =	slt.u32 s8, $0xFFFFF086  }
0x1c: {  	p1 =	slt.u32 s9, $0xF7A;
	s5 =	simm.s32 @!p2 $0x0  }
0x1d: {  	s5 =	simm.s32 @p1 $0x1;
	p0 =	seq.s32 s7, s2  }
0x1e: {  	s7 =	smul.u32 @!p0 $0xF7A, s2;
	p2 =	seq.s32 @!p0 s5, $0x0  }
0x1f: {  	s9 =	smul.u32 $0xF7A, s1;
	s8 =	simm.s32 @!p0 $0x1BF5;
	p2 =	por !p2, p0  }
0x20: {  	[sflag:s8] =	ssyncset.s32 @!p0 $0xFFFFF086;
	s6 =	sadd.s32 @!p0 s3, s7;
	s7 =	simm.s32 @!p0 $0x108  }
0x21: {  	s3 =	sadd.s32 s3, s9;
	s6 =	sadd.s32 @!p0 $0x88, s6;
	s7 =	simm.s32 @p2 $0x1082  }
0x22: {  	[simem:s7], [sflag:s8] =	dma.local @!p0 [hbm:s6], $0xF7A  }
0x23: {  	s9 =	sor.u32 $0xD0000000, s2;
	s6 =	simm.s32 $0x108;
	_ =	swait.ge @!p0 [sflag:s8], $0x0  }
0x24: {  	s3 =	sadd.s32 $0x88, s3;
	s6 =	simm.s32 @!p1 $0x1082;
	[sflag:s4] =	ssyncset.s32 $0xFFFFF086  }
0x25: {  	[simem:s6], [sflag:s4] =	dma.local [hbm:s3], $0xF7A  }
0x26: {  	[smem:$0x3F9D] =	sst s1;
	(tag) =	ssettag s2;
	_ =	strace s9  }
0x27: {  	s1 =	sld [smem:$0x3FAD]  }
0x28: {  	s2 =	sld [smem:$0x3FAE]  }
0x29: {  	s4 =	sld [smem:$0x3FB0]  }
0x2a: {  	p0 =	seq.s32 s5, $0x0;
	s5 =	sld [smem:$0x3FB1]  }
0x2b: {  	s6 =	sld [smem:$0x3FB2]  }
0x2c: {  	s7 =	sld [smem:$0x3FB3]  }
0x2d: {  	s3 =	simm.s32 $0x108;
	s8 =	sld [smem:$0x3FB4]  }
0x2e: {  	s3 =	simm.s32 @!p0 $0x1082;
	s9 =	sld [smem:$0x3FB5]  }
0x2f: {  	lr =	sadd.s32 s0, s3;
	s0 =	sld [smem:$0x3FAC]  }
0x30: {  	s3 =	sld [smem:$0x3FAF]  }
0x31: {  	[smem:$0x3FB8] =	sst s10  }
0x32: {  	s10 =	sld [smem:$0x3FB6];
	_ =	sdelay $0x3  }
0x33: {  	p0 =	seq.s32 s10, $0x1;
	s10 =	sld [smem:$0x3FB8];
	_ =	sdelay $0x3  }
0x34: {  	[smem:$0x3FB8] =	sst s10  }
0x35: {  	s10 =	sld [smem:$0x3FB7];
	_ =	sdelay $0x3  }
0x36: {  	p1 =	seq.s32 s10, $0x1;
	s10 =	sld [smem:$0x3FB8];
	_ =	sdelay $0x3  }
0x37: {  	[smem:$0x3FB8] =	sst s10  }
0x38: {  	s10 =	sld [smem:$0x3FB9]  }
0x39: {  	_ = 	snop;
	(pc) =	sbr.ind lr, $3  }
0x3a: {  	_ = 	snop  }
0x3b: {  	_ = 	snop  }
0x3c: {  	p2 =	seq.s32 s10, $0x1;
	s10 =	sld [smem:$0x3FB8]  }
0x3d: {  	_ =	shalt  }
0x3e: {  	_ =	shalt  }
0x3f: {  	_ =	shalt  }
0x40: {  	_ =	shalt  }
0x41: {  	_ =	shalt  }
0x42: {  	_ =	shalt  }
0x43: {  	_ =	shalt  }
0x44: {  	_ =	shalt  }
0x45: {  	_ =	shalt  }
0x46: {  	_ =	shalt  }
0x47: {  	_ =	shalt  }
0x48: {  	_ =	shalt  }
0x49: {  	_ =	shalt  }
0x4a: {  	_ =	shalt  }
0x4b: {  	_ =	shalt  }
0x4c: {  	_ =	shalt  }
0x4d: {  	_ =	shalt  }
0x4e: {  	_ =	shalt  }
0x4f: {  	_ =	shalt  }
0x50: {  	_ =	shalt  }
0x51: {  	_ =	shalt  }
0x52: {  	_ =	shalt  }
0x53: {  	_ =	shalt  }
0x54: {  	_ =	shalt  }
0x55: {  	_ =	shalt  }
0x56: {  	_ =	shalt  }
0x57: {  	_ =	shalt  }
0x58: {  	_ =	shalt  }
0x59: {  	_ =	shalt  }
0x5a: {  	_ =	shalt  }
0x5b: {  	_ =	shalt  }
0x5c: {  	_ =	shalt  }
0x5d: {  	_ =	shalt  }
0x5e: {  	_ =	shalt  }
0x5f: {  	_ =	shalt  }
0x60: {  	_ =	shalt  }
0x61: {  	_ =	shalt  }
0x62: {  	_ =	shalt  }
0x63: {  	_ =	shalt  }
0x64: {  	_ =	shalt  }
0x65: {  	_ =	shalt  }
0x66: {  	_ =	shalt  }
0x67: {  	_ =	shalt  }
0x68: {  	_ =	shalt  }
0x69: {  	_ =	shalt  }
0x6a: {  	_ =	shalt  }
0x6b: {  	_ =	shalt  }
0x6c: {  	_ =	shalt  }
0x6d: {  	_ =	shalt  }
0x6e: {  	_ =	shalt  }
0x6f: {  	_ =	shalt  }
0x70: {  	_ =	shalt  }
0x71: {  	_ =	shalt  }
0x72: {  	_ =	shalt  }
0x73: {  	_ =	shalt  }
0x74: {  	_ =	shalt  }
0x75: {  	_ =	shalt  }
0x76: {  	_ =	shalt  }
0x77: {  	_ =	shalt  }
0x78: {  	_ =	shalt  }
0x79: {  	_ =	shalt  }
0x7a: {  	_ =	shalt  }
0x7b: {  	_ =	shalt  }
0x7c: {  	_ =	shalt  }
0x7d: {  	_ =	shalt  }
0x7e: {  	_ =	shalt  }
0x7f: {  	_ =	shalt  }
0x80: {  	_ =	shalt  }
0x81: {  	_ =	shalt  }
0x82: {  	_ =	shalt  }
0x83: {  	_ =	shalt  }
0x84: {  	_ =	shalt  }
0x85: {  	_ =	shalt  }
0x86: {  	_ =	shalt  }
0x87: {  	_ =	shalt  }
.Lfunc_end0:
.L_simem_size_0:
called_computation_lowered:
.L_overlay_start_0:
0x88: {  	s2 =	sld [smem:$0x3FD9]  }
0x89: {  	s3 =	sld [smem:$0x3FFE];
	_ =	sdelay $0x1  }
0x8a: {  	s1 =	srdreg.scid  }
0x8b: {  	s0 =	sand.u32 $0x1, s1  }
0x8c: {  	s18 =	sshll.u32 s0, $0xA;
	s2 =	sadd.s32 s3, s2  }
0x8d: {  	s2 =	sadd.s32 s2, s18  }
0x8e: {  	[smem:$0x3FC4] =	sst s2  }
0x8f: {  	_ = 	snop  }
0x90: {  	s2 =	sld [smem:$0x3FC9]  }
0x91: {  	s19 =	sld [smem:$0x3FC8]  }
0x92: {  	s4 =	sld [smem:$0x3FC7]  }
0x93: {  	s5 =	sld [smem:$0x3FC6]  }
0x94: {  	s6 =	sld [smem:$0x3FD0];
	(tm) =	ssettm $0x1  }
0x95: {  	s7 =	sld [smem:$0x3FFB];
	_ =	sdelay $0x3  }
0x96: {  	_ =	strace s7  }
0x97: {  	s7 =	sld [smem:$0x3FFC];
	_ =	sdelay $0x3  }
0x98: {  	_ =	strace s7  }
0x99: {  	s7 =	sld [smem:$0x3FFD];
	_ =	sdelay $0x3  }
0x9a: {  	_ =	strace s7  }
0x9b: {  	_ =	strace $0x8FFFFFFF  }
0x9c: {  	s20 =	sld [smem:$0x3FDB];
	_ =	sdelay $0x1  }
0x9d: {  	s8 =	simm.s32 $_scs_section_size  }
0x9e: {  	s9 =	simm.s32 $_size__tile_overlayer_lowered;
	s10 =	simm.s32 $_tile_overlayer_lowered  }
0x9f: {  	s23 =	simm.s32 $0x1BFF;
	s22 =	sshll.u32 s10, $0x1;
	s7 =	sadd.s32 s8, s20  }
0xa0: {  	s11 =	simm.s32 $0x0;
	s21 =	sshll.u32 s9, $0x1;
	s9 =	sadd.s32 s22, s7  }
0xa1: {  	[timem:s11], [sflag:s23] =	dma.local [hbm:s9], s21  }
0xa2: {  	_ =	swait.ge [sflag:s23], s21  }
0xa3: {  	s8 =	ssub.s32 $0x0, s21;
	[sflag:s23] =	ssyncset.done $0x0  }
0xa4: {  	[sflag:s23] =	ssyncadd.s32 s8;
	_ =	sdelay $0x1  }
0xa5: {  	s24 =	simm.s32 $0x1B8B  }
0xa6: {  	_ =	swait.ge [sflag:s24], $0x1  }
0xa7: {  	[sflag:s24] =	ssyncset.done $0x0  }
0xa8: {  	s25 =	simm.s32 $0x1B8E;
	[sflag:s24] =	ssyncadd.s32 $0xFFFFFFFF  }
0xa9: {  	s26 =	simm.s32 $execute0_lowered;
	[smem:$0x3FD2] =	sst s25  }
0xaa: {  	s8 =	sshll.u32 s26, $0x1;
	_ =	strace $0x80000046;
	[dreg:$0x1] =	wrdreg $0xFFFFFFFF  }
0xab: {  	s28 =	simm.s32 $_size_execute0_lowered;
	s7 =	sadd.s32 s7, s8;
	[dreg:$0x0] =	wrdreg $0x0  }
0xac: {  	s8 =	sshll.u32 s28, $0x1;
	[dreg:$0x2] =	wrdreg s7  }
0xad: {  	[dreg:$0x3] =	wrdreg s8  }
0xae: {  	[dreg:$0x4] =	wrdreg $0xC0  }
0xaf: {  	_ =	task [dreg:s11], $0x5FFFF  }
0xb0: {  	[dreg:$0x1] =	wrdreg $0xFFFFFFFF  }
0xb1: {  	[dreg:$0x0] =	wrdreg $0x60  }
0xb2: {  	[dreg:$0x2] =	wrdreg s2  }
0xb3: {  	[dreg:$0x3] =	wrdreg s19  }
0xb4: {  	[dreg:$0x4] =	wrdreg s4  }
0xb5: {  	[dreg:$0x5] =	wrdreg s5  }
0xb6: {  	[dreg:$0x6] =	wrdreg s6  }
0xb7: {  	[dreg:$0x7] =	wrdreg $0x55000  }
0xb8: {  	[dreg:$0x8] =	wrdreg $0x9  }
0xb9: {  	_ =	task.clear_ibuf [dreg:s11], $0x9FFFF;
	_ =	strace $0x90000046  }
0xba: {  	s29 =	simm.s32 $0x9;
	_ =	strace $0x80000048  }
0xbb: {  	_ =	swait.ge [sflag:s29], $0x1  }
0xbc: {  	[sflag:s29] =	ssyncadd.s32 $0xFFFFFFFF  }
0xbd: {  	_ =	strace $0x90000048  }
0xbe: {  	_ =	sfence  }
0xbf: {  	s30 =	sld [smem:$0x0];
	_ =	sdelay $0x2  }
0xc0: {  	s31 =	sshll.u32 s1, $0xD;
	s1 =	sshrl.u32 s1, $0x2  }
0xc1: {  	s3 =	sand.u32 $0x4000, s31;
	s1 =	sadd.s32 s1, s30  }
0xc2: {  	s0 =	sor.u32 s3, s0;
	s1 =	sshll.u32 s1, $0x11  }
0xc3: {  	s0 =	sor.u32 s1, s0  }
0xc4: {  	s0 =	sadd.s32 $0x8F2B, s0  }
0xc5: {  	[sflag:s0] =	ssyncadd.remote.s32 $0x1  }
0xc6: {  	_ =	sfence.sel $0xFFFF  }
0xc7: {  	[dreg:$0x0] =	wrdreg $0xFFFFFFFF;
	(pc) =	sbr.abs _section_cstart, $3  }
0xc8: {  	[dreg:$0x1] =	wrdreg $0xFFFFFFFF  }
0xc9: {  	_ =	task.clear_ibuf [dreg:s11], $0x2FFFF;
	_ =	strace $0x9FFFFFFF  }
0xca: {  	(tm) =	ssettm $0x7FFFFFFF  }
0xcb: {  	_ =	shalt  }
tec
execute0_lowered:
.L_overlay_start_1:
0x0: {  	(tag) =	ssettag $0x1  }
0x1: {  	s0 =	rddreg [dreg:$0x1]  }
0x2: {  	s1 =	rddreg [dreg:$0x2]  }
0x3: {  	s2 =	rddreg [dreg:$0x3]  }
0x4: {  	s4 =	rddreg [dreg:$0x5];
	s6 =	simm.s32 $0x0;
	s7 =	stileid.u32  }
0x5: {  	[smem:$0x7FF] =	sst s6;
	s19 =	sshll.u32 s7, $0x7;
	s23 =	sshll.u32 s7, $0xD  }
0x6: {  	_ =	strace $0x80000047;
	s0 =	sadd.s32 s0, s19;
	[dreg:$0xb] =	wrdreg s23  }
0x7: {  	s20 =	sshll.u32 s7, $0x10;
	s21 =	sadd.s32 s1, s19;
	[dreg:$0x8] =	wrdreg s0  }
0x8: {  	s22 =	sadd.s32 s20, s4;
	[dreg:$0x9] =	wrdreg s21  }
0x9: {  	s24 =	sadd.s32 $0x2000, s22;
	[dreg:$0xa] =	wrdreg s22  }
0xa: {  	s3 =	srdreg.scid;
	s25 =	sadd.s32 $0x4000, s22;
	[dreg:$0xc] =	wrdreg s24  }
0xb: {  	s3 =	sand.u32 $0x1, s3;
	s26 =	sadd.s32 $0x6000, s22;
	[dreg:$0xd] =	wrdreg s25  }
0xc: {  	s5 =	ssub.s32 $0x2, s3;
	s28 =	sadd.s32 $0x8000, s22;
	[dreg:$0xe] =	wrdreg s26  }
0xd: {  	s8 =	smul.u32 $0x7A120, s3;
	s29 =	sadd.s32 $0xA000, s22;
	[dreg:$0xf] =	wrdreg s28  }
.Ltmp0:
0xe: {  	s30 =	sadd.s32 $0xC000, s22;
	[dreg:$0x10] =	wrdreg s29;
	(pc) =	sbr.rel .LBB2_1-.Ltmp0, $4  }
0xf: {  	s18 =	sshrl.u32 s5, $0x1;
	s0 =	sadd.s32 $0xE000, s22;
	[dreg:$0x11] =	wrdreg s30  }
0x10: {  	s23 =	simm.s32 $0x20;
	s5 =	ssub.s32 s5, s18;
	[dreg:$0x12] =	wrdreg s0  }
0x11: {  	s1 =	simm.s32 $0x0;
	[dreg:$0x7] =	wrdreg s8;
	s31 =	smax.u32 s5, $0x1  }
0x12: {  	v1 =	vlaneseq.u32;
	s22 =	simm.s32 $0x1;
	s21 =	simm.s32 $0x2;
	v0 =	vmov s8;
	[dreg:$0x13] =	wrdreg s31  }
.LBB2_14:
0x13: {  	s1 =	rddreg [dreg:$0x14]  }
0x14: {  	s0 =	rddreg [dreg:$0x13];
	s1 =	sadd.s32 $0x1, s1  }
0x15: {  	p0 =	sne.s32 s1, s0  }
.Ltmp1:
0x16: {  	_ = 	snop;
	(pc) =	sbr.rel @!p0 .LBB2_15-.Ltmp1, $1  }
0x17: {  	_ =	sdelay $0x3  }
.LBB2_1:
0x18: {  	[dreg:$0x14] =	wrdreg s1  }
0x19: {  	s8 =	simm.s32 $0x0;
	s0 =	rddreg [dreg:$0x8];
	s3 =	simm.s32 $0x3  }
0x1a: {  	[tilespmem:s8], [sflag:$0x3] =	stream.linear.gather [hbm4b:s0+s8], $0x400, $0x38;
	[tilespmem:$0x15700] =	vst v63  }
0x1b: {  	_ =	swait.ge [sflag:s3], $0x400  }
0x1c: {  	[sflag:s3] =	ssyncset.done $0x0  }
0x1d: {  	s5 =	simm.s32 $0x400;
	s9 =	rddreg [dreg:$0x9];
	[sflag:s3] =	ssyncadd.s32 $0xFFFFFC00  }
0x1e: {  	[tilespmem:s5], [sflag:$0x3] =	stream.linear.gather [hbm4b:s9+s8], $0x400, $0x38;
	[tilespmem:$0x15700] =	vst v63  }
0x1f: {  	_ =	swait.ge [sflag:s3], $0x400  }
0x20: {  	[sflag:s3] =	ssyncset.done $0x0  }
0x21: {  	s10 =	simm.s32 $0x0;
	[sflag:s3] =	ssyncadd.s32 $0xFFFFFC00  }
0x22: {  	v2 =	vld [tilespmem:s10+$0x0];
	_ =	sdelay $0x4  }
0x23: {  	v2 =	vsub.s32 v2, v0  }
0x24: {  	vm0 =	vgt.s32 v2, $0x7211F;
	v3 =	vshra.s32 v2, $0xF  }
0x25: {  	vm13 =	vlt.u32 v2, $0x7A120;
	v3 =	vsel vm0, $0xF, v3  }
0x26: {  	[smem:$0x0] =	sst s8;
	v2 =	vnsel vm13, $0x10, v3  }
0x27: {  	[smem:$0x1] =	sst s8;
	(v2sf) =	vpush v2, $0x0  }
0x28: {  	[smem:$0x2] =	sst s8  }
0x29: {  	[smem:$0x3] =	sst s8  }
0x2a: {  	[smem:$0x4] =	sst s8  }
0x2b: {  	[smem:$0x5] =	sst s8;
	(v2sf) =	vpush v2, $0x3  }
0x2c: {  	[smem:$0x6] =	sst s8;
	(v2sf) =	vpush v2, $0x1  }
0x2d: {  	[smem:$0x7] =	sst s8  }
0x2e: {  	[smem:$0x8] =	sst s8  }
0x2f: {  	[smem:$0x9] =	sst s8  }
0x30: {  	[smem:$0xA] =	sst s8;
	(v2sf) =	vpush v2, $0x2  }
0x31: {  	[smem:$0xB] =	sst s8  }
0x32: {  	[smem:$0xC] =	sst s8  }
0x33: {  	[smem:$0xD] =	sst s8  }
0x34: {  	[smem:$0xE] =	sst s8  }
0x35: {  	[smem:$0xF] =	sst s8  }
0x36: {  	[smem:$0x10] =	sst s8;
	s11 =	spop (v2sf)  }
0x37: {  	s1 =	sld [smem:s11+$0x0];
	_ =	sdelay $0x2  }
0x38: {  	s12 =	spop (v2sf);
	s1 =	sadd.s32 $0x1, s1  }
0x39: {  	(v2sf) =	vpush v2, $0x4;
	s13 =	spop (v2sf);
	[smem:s11] =	sst s1  }
0x3a: {  	s1 =	sld [smem:s13+$0x0];
	_ =	sdelay $0x2  }
0x3b: {  	s14 =	spop (v2sf);
	(v2sf) =	vpush v2, $0x5;
	s1 =	sadd.s32 $0x1, s1  }
0x3c: {  	[smem:s13] =	sst s1  }
0x3d: {  	s1 =	sld [smem:s14+$0x0];
	_ =	sdelay $0x2  }
0x3e: {  	s1 =	sadd.s32 $0x1, s1  }
0x3f: {  	(v2sf) =	vpush v2, $0x6;
	[smem:s14] =	sst s1  }
0x40: {  	s0 =	sld [smem:s12+$0x0];
	_ =	sdelay $0x2  }
0x41: {  	s0 =	sadd.s32 $0x1, s0  }
0x42: {  	(v2sf) =	vpush v2, $0x7;
	s15 =	spop (v2sf);
	[smem:s12] =	sst s0  }
0x43: {  	s1 =	sld [smem:s15+$0x0];
	_ =	sdelay $0x2  }
0x44: {  	s16 =	spop (v2sf);
	(v2sf) =	vpush v2, $0x8;
	s1 =	sadd.s32 $0x1, s1  }
0x45: {  	[smem:s15] =	sst s1  }
0x46: {  	s1 =	sld [smem:s16+$0x0];
	_ =	sdelay $0x2  }
0x47: {  	s1 =	sadd.s32 $0x1, s1  }
0x48: {  	s17 =	spop (v2sf);
	(v2sf) =	vpush v2, $0x9;
	[smem:s16] =	sst s1  }
0x49: {  	s1 =	sld [smem:s17+$0x0];
	_ =	sdelay $0x2  }
0x4a: {  	s1 =	sadd.s32 $0x1, s1  }
0x4b: {  	s18 =	spop (v2sf);
	(v2sf) =	vpush v2, $0xA;
	[smem:s17] =	sst s1  }
0x4c: {  	s1 =	sld [smem:s18+$0x0];
	_ =	sdelay $0x2  }
0x4d: {  	s19 =	spop (v2sf);
	(v2sf) =	vpush v2, $0xB;
	s1 =	sadd.s32 $0x1, s1  }
0x4e: {  	[smem:s18] =	sst s1  }
0x4f: {  	s1 =	sld [smem:s19+$0x0];
	_ =	sdelay $0x2  }
0x50: {  	s1 =	sadd.s32 $0x1, s1  }
0x51: {  	s20 =	spop (v2sf);
	(v2sf) =	vpush v2, $0xC;
	[smem:s19] =	sst s1  }
0x52: {  	s1 =	sld [smem:s20+$0x0];
	_ =	sdelay $0x2  }
0x53: {  	s1 =	sadd.s32 $0x1, s1  }
0x54: {  	s24 =	spop (v2sf);
	(v2sf) =	vpush v2, $0xD;
	[smem:s20] =	sst s1  }
0x55: {  	s1 =	sld [smem:s24+$0x0];
	_ =	sdelay $0x1  }
0x56: {  	(v2sf) =	vpush v2, $0xE  }
0x57: {  	s25 =	spop (v2sf);
	(v2sf) =	vpush v2, $0xF;
	s1 =	sadd.s32 $0x1, s1  }
0x58: {  	[smem:s24] =	sst s1  }
0x59: {  	s1 =	sld [smem:s25+$0x0];
	_ =	sdelay $0x2  }
0x5a: {  	s29 =	simm.s32 $0x10;
	s1 =	sadd.s32 $0x1, s1  }
0x5b: {  	v2 =	vld [tilespmem:s29+$0x0];
	s26 =	spop (v2sf);
	[smem:s25] =	sst s1  }
0x5c: {  	s1 =	sld [smem:s26+$0x0];
	_ =	sdelay $0x2  }
0x5d: {  	s1 =	sadd.s32 $0x1, s1  }
0x5e: {  	s28 =	spop (v2sf);
	v2 =	vsub.s32 v2, v0;
	[smem:s26] =	sst s1  }
0x5f: {  	vm14 =	vgt.s32 v2, $0x7211F;
	v3 =	vshra.s32 v2, $0xF;
	s3 =	sld [smem:s28+$0x0]  }
0x60: {  	vm15 =	vlt.u32 v2, $0x7A120;
	v3 =	vsel vm14, $0xF, v3  }
0x61: {  	s31 =	spop (v2sf);
	v2 =	vnsel vm15, $0x10, v3  }
0x62: {  	s30 =	sadd.s32 $0x1, s3;
	s3 =	spop (v2sf);
	(v2sf) =	vpush v2, $0x0;
	_ =	sdelay $0x1  }
0x63: {  	(v2sf) =	vpush v2, $0x3;
	_ =	sdelay $0x2  }
0x64: {  	[smem:s28] =	sst s30  }
0x65: {  	s1 =	sld [smem:s31+$0x0];
	(v2sf) =	vpush v2, $0x1;
	_ =	sdelay $0x2  }
0x66: {  	s1 =	sadd.s32 $0x1, s1  }
0x67: {  	[smem:s31] =	sst s1  }
0x68: {  	(v2sf) =	vpush v2, $0x2;
	s0 =	sld [smem:s3+$0x0];
	_ =	sdelay $0x2  }
0x69: {  	s1 =	simm.s32 $0x80;
	s5 =	sadd.s32 $0x1, s0  }
.LBB2_2:
0x6a: {  	s6 =	spop (v2sf)  }
0x6b: {  	[smem:s3] =	sst s5;
	s3 =	smov.u32 s1;
	s0 =	sadd.s32 $0x40, s1  }
0x6c: {  	p0 =	sne.s32 s1, $0xFC0;
	s1 =	sld [smem:s6+$0x0];
	s5 =	spop (v2sf)  }
0x6d: {  	_ =	sdelay $0x1  }
0x6e: {  	s1 =	sadd.s32 $0x1, s1  }
0x6f: {  	[smem:s6] =	sst s1;
	s1 =	spop (v2sf);
	(v2sf) =	vpush v2, $0x4  }
0x70: {  	s6 =	sld [smem:s1+$0x0];
	_ =	sdelay $0x2  }
0x71: {  	s6 =	sadd.s32 $0x1, s6  }
0x72: {  	[smem:s1] =	sst s6;
	s1 =	spop (v2sf);
	(v2sf) =	vpush v2, $0x5  }
0x73: {  	s6 =	sld [smem:s1+$0x0];
	_ =	sdelay $0x2  }
0x74: {  	s6 =	sadd.s32 $0x1, s6  }
0x75: {  	[smem:s1] =	sst s6;
	(v2sf) =	vpush v2, $0x6  }
0x76: {  	s1 =	sld [smem:s5+$0x0];
	_ =	sdelay $0x2  }
0x77: {  	s1 =	sadd.s32 $0x1, s1  }
0x78: {  	[smem:s5] =	sst s1;
	s1 =	spop (v2sf);
	(v2sf) =	vpush v2, $0x7  }
0x79: {  	s5 =	sld [smem:s1+$0x0];
	_ =	sdelay $0x2  }
0x7a: {  	s5 =	sadd.s32 $0x1, s5  }
0x7b: {  	[smem:s1] =	sst s5;
	s1 =	spop (v2sf);
	(v2sf) =	vpush v2, $0x8  }
0x7c: {  	s5 =	sld [smem:s1+$0x0];
	_ =	sdelay $0x2  }
0x7d: {  	s5 =	sadd.s32 $0x1, s5  }
0x7e: {  	[smem:s1] =	sst s5;
	s1 =	spop (v2sf);
	(v2sf) =	vpush v2, $0x9  }
0x7f: {  	s5 =	sld [smem:s1+$0x0];
	_ =	sdelay $0x2  }
0x80: {  	s5 =	sadd.s32 $0x1, s5  }
0x81: {  	[smem:s1] =	sst s5;
	s1 =	spop (v2sf);
	(v2sf) =	vpush v2, $0xA  }
0x82: {  	s5 =	sld [smem:s1+$0x0];
	_ =	sdelay $0x2  }
0x83: {  	s5 =	sadd.s32 $0x1, s5  }
0x84: {  	[smem:s1] =	sst s5;
	s1 =	spop (v2sf);
	(v2sf) =	vpush v2, $0xB  }
0x85: {  	s5 =	sld [smem:s1+$0x0];
	_ =	sdelay $0x2  }
0x86: {  	s5 =	sadd.s32 $0x1, s5  }
0x87: {  	[smem:s1] =	sst s5;
	s1 =	spop (v2sf);
	(v2sf) =	vpush v2, $0xC  }
0x88: {  	s5 =	sld [smem:s1+$0x0];
	_ =	sdelay $0x2  }
0x89: {  	s5 =	sadd.s32 $0x1, s5  }
0x8a: {  	[smem:s1] =	sst s5;
	s1 =	spop (v2sf);
	(v2sf) =	vpush v2, $0xD  }
0x8b: {  	s5 =	sld [smem:s1+$0x0];
	_ =	sdelay $0x2  }
0x8c: {  	s5 =	sadd.s32 $0x1, s5  }
0x8d: {  	s3 =	sshra.s32 s3, $0x2;
	[smem:s1] =	sst s5;
	s1 =	spop (v2sf);
	(v2sf) =	vpush v2, $0xE  }
0x8e: {  	v3 =	vld [tilespmem:s3+$0x0];
	s3 =	sld [smem:s1+$0x0];
	_ =	sdelay $0x2  }
0x8f: {  	s3 =	sadd.s32 $0x1, s3;
	(v2sf) =	vpush v2, $0xF  }
0x90: {  	[smem:s1] =	sst s3;
	s1 =	spop (v2sf)  }
0x91: {  	v2 =	vsub.s32 v3, v0;
	s3 =	sld [smem:s1+$0x0]  }
0x92: {  	vm0 =	vgt.s32 v2, $0x7211F;
	v3 =	vshra.s32 v2, $0xF  }
0x93: {  	v3 =	vsel vm0, $0xF, v3;
	vm0 =	vlt.u32 v2, $0x7A120  }
0x94: {  	v2 =	vnsel vm0, $0x10, v3;
	s3 =	sadd.s32 $0x1, s3  }
0x95: {  	(v2sf) =	vpush v2, $0x0;
	[smem:s1] =	sst s3;
	s1 =	spop (v2sf)  }
0x96: {  	(v2sf) =	vpush v2, $0x3;
	s3 =	sld [smem:s1+$0x0];
	_ =	sdelay $0x2  }
0x97: {  	s3 =	sadd.s32 $0x1, s3  }
0x98: {  	(v2sf) =	vpush v2, $0x1;
	[smem:s1] =	sst s3;
	s1 =	spop (v2sf)  }
0x99: {  	s3 =	sld [smem:s1+$0x0];
	_ =	sdelay $0x2  }
0x9a: {  	s5 =	sadd.s32 $0x1, s3;
	s3 =	spop (v2sf)  }
.Ltmp2:
0x9b: {  	(v2sf) =	vpush v2, $0x2;
	[smem:s1] =	sst s5;
	(pc) =	sbr.rel @p0 .LBB2_2-.Ltmp2, $2  }
0x9c: {  	s1 =	sld [smem:s3+$0x0];
	_ =	sdelay $0x2  }
0x9d: {  	s5 =	sadd.s32 $0x1, s1;
	s1 =	smov.u32 s0  }
0x9e: {  	s0 =	spop (v2sf);
	[smem:s3] =	sst s5  }
0x9f: {  	s1 =	sld [smem:s0+$0x0];
	_ =	sdelay $0x2  }
0xa0: {  	s13 =	spop (v2sf);
	s1 =	sadd.s32 $0x1, s1  }
0xa1: {  	[smem:s0] =	sst s1;
	s14 =	spop (v2sf);
	(v2sf) =	vpush v2, $0x4  }
0xa2: {  	s1 =	sld [smem:s14+$0x0];
	_ =	sdelay $0x2  }
0xa3: {  	s1 =	sadd.s32 $0x1, s1  }
0xa4: {  	(v2sf) =	vpush v2, $0x5;
	[smem:s14] =	sst s1;
	s15 =	spop (v2sf)  }
0xa5: {  	s1 =	sld [smem:s15+$0x0];
	_ =	sdelay $0x2  }
0xa6: {  	s1 =	sadd.s32 $0x1, s1  }
0xa7: {  	(v2sf) =	vpush v2, $0x6;
	[smem:s15] =	sst s1  }
0xa8: {  	s0 =	sld [smem:s13+$0x0];
	_ =	sdelay $0x2  }
0xa9: {  	s0 =	sadd.s32 $0x1, s0  }
0xaa: {  	[smem:s13] =	sst s0;
	s16 =	spop (v2sf);
	(v2sf) =	vpush v2, $0x7  }
0xab: {  	s1 =	sld [smem:s16+$0x0];
	_ =	sdelay $0x2  }
0xac: {  	s1 =	sadd.s32 $0x1, s1  }
0xad: {  	s17 =	spop (v2sf);
	(v2sf) =	vpush v2, $0x8;
	[smem:s16] =	sst s1  }
0xae: {  	s1 =	sld [smem:s17+$0x0];
	_ =	sdelay $0x2  }
0xaf: {  	s1 =	sadd.s32 $0x1, s1  }
0xb0: {  	s18 =	spop (v2sf);
	(v2sf) =	vpush v2, $0x9;
	[smem:s17] =	sst s1  }
0xb1: {  	s1 =	sld [smem:s18+$0x0];
	_ =	sdelay $0x2  }
0xb2: {  	s1 =	sadd.s32 $0x1, s1  }
0xb3: {  	[smem:s18] =	sst s1;
	s19 =	spop (v2sf);
	(v2sf) =	vpush v2, $0xA  }
0xb4: {  	s1 =	sld [smem:s19+$0x0];
	_ =	sdelay $0x2  }
0xb5: {  	s1 =	sadd.s32 $0x1, s1  }
0xb6: {  	s20 =	spop (v2sf);
	(v2sf) =	vpush v2, $0xB;
	[smem:s19] =	sst s1  }
0xb7: {  	s1 =	sld [smem:s20+$0x0];
	_ =	sdelay $0x2  }
0xb8: {  	s1 =	sadd.s32 $0x1, s1  }
0xb9: {  	s24 =	spop (v2sf);
	(v2sf) =	vpush v2, $0xC;
	[smem:s20] =	sst s1  }
0xba: {  	s1 =	sld [smem:s24+$0x0];
	_ =	sdelay $0x2  }
0xbb: {  	s1 =	sadd.s32 $0x1, s1  }
0xbc: {  	[smem:s24] =	sst s1;
	s25 =	spop (v2sf);
	(v2sf) =	vpush v2, $0xD  }
0xbd: {  	s1 =	sld [smem:s25+$0x0];
	_ =	sdelay $0x2  }
0xbe: {  	s1 =	sadd.s32 $0x1, s1  }
0xbf: {  	s26 =	spop (v2sf);
	(v2sf) =	vpush v2, $0xE;
	[smem:s25] =	sst s1  }
0xc0: {  	s1 =	sld [smem:s26+$0x0];
	_ =	sdelay $0x2  }
0xc1: {  	s1 =	sadd.s32 $0x1, s1  }
0xc2: {  	(v2sf) =	vpush v2, $0xF;
	s28 =	spop (v2sf);
	[smem:s26] =	sst s1  }
0xc3: {  	s1 =	sld [smem:s28+$0x0];
	_ =	sdelay $0x2  }
0xc4: {  	s1 =	sadd.s32 $0x1, s1  }
0xc5: {  	[smem:s28] =	sst s1;
	s29 =	spop (v2sf)  }
0xc6: {  	s1 =	sld [smem:s29+$0x0];
	_ =	sdelay $0x2  }
0xc7: {  	s1 =	sadd.s32 $0x1, s1  }
0xc8: {  	s30 =	spop (v2sf);
	[smem:s29] =	sst s1  }
0xc9: {  	s1 =	sld [smem:s30+$0x0];
	_ =	sdelay $0x2  }
0xca: {  	s1 =	sadd.s32 $0x1, s1  }
0xcb: {  	s31 =	spop (v2sf);
	[smem:s30] =	sst s1  }
0xcc: {  	s0 =	sld [smem:s31+$0x0];
	_ =	sdelay $0x2  }
0xcd: {  	s0 =	sadd.s32 $0x1, s0  }
0xce: {  	s16 =	simm.s32 $0x0;
	[smem:s31] =	sst s0  }
0xcf: {  	[smem:$0x80] =	sst s16  }
0xd0: {  	[smem:$0x100] =	sst s16  }
0xd1: {  	s0 =	sld [smem:$0x0];
	_ =	sdelay $0x2  }
0xd2: {  	[smem:$0x81] =	sst s0  }
0xd3: {  	[smem:$0x101] =	sst s0  }
0xd4: {  	s1 =	sld [smem:$0x1];
	_ =	sdelay $0x2  }
0xd5: {  	s0 =	sadd.s32 s0, s1  }
0xd6: {  	[smem:$0x82] =	sst s0  }
0xd7: {  	[smem:$0x102] =	sst s0  }
0xd8: {  	s3 =	sld [smem:$0x2];
	_ =	sdelay $0x2  }
0xd9: {  	s0 =	sadd.s32 s0, s3  }
0xda: {  	[smem:$0x83] =	sst s0  }
0xdb: {  	[smem:$0x103] =	sst s0  }
0xdc: {  	s5 =	sld [smem:$0x3];
	_ =	sdelay $0x2  }
0xdd: {  	s0 =	sadd.s32 s0, s5  }
0xde: {  	[smem:$0x84] =	sst s0  }
0xdf: {  	[smem:$0x104] =	sst s0  }
0xe0: {  	s6 =	sld [smem:$0x4];
	_ =	sdelay $0x2  }
0xe1: {  	s0 =	sadd.s32 s0, s6  }
0xe2: {  	[smem:$0x85] =	sst s0  }
0xe3: {  	[smem:$0x105] =	sst s0  }
0xe4: {  	s7 =	sld [smem:$0x5];
	_ =	sdelay $0x2  }
0xe5: {  	s0 =	sadd.s32 s0, s7  }
0xe6: {  	[smem:$0x86] =	sst s0  }
0xe7: {  	[smem:$0x106] =	sst s0  }
0xe8: {  	s8 =	sld [smem:$0x6];
	_ =	sdelay $0x2  }
0xe9: {  	s0 =	sadd.s32 s0, s8  }
0xea: {  	[smem:$0x87] =	sst s0  }
0xeb: {  	[smem:$0x107] =	sst s0  }
0xec: {  	s9 =	sld [smem:$0x7];
	_ =	sdelay $0x2  }
0xed: {  	s0 =	sadd.s32 s0, s9  }
0xee: {  	[smem:$0x88] =	sst s0  }
0xef: {  	[smem:$0x108] =	sst s0  }
0xf0: {  	s10 =	sld [smem:$0x8];
	_ =	sdelay $0x2  }
0xf1: {  	s0 =	sadd.s32 s0, s10  }
0xf2: {  	[smem:$0x89] =	sst s0  }
0xf3: {  	[smem:$0x109] =	sst s0  }
0xf4: {  	s11 =	sld [smem:$0x9];
	_ =	sdelay $0x2  }
0xf5: {  	s0 =	sadd.s32 s0, s11  }
0xf6: {  	[smem:$0x8A] =	sst s0  }
0xf7: {  	[smem:$0x10A] =	sst s0  }
0xf8: {  	s12 =	sld [smem:$0xA];
	_ =	sdelay $0x2  }
0xf9: {  	s0 =	sadd.s32 s0, s12  }
0xfa: {  	[smem:$0x8B] =	sst s0  }
0xfb: {  	[smem:$0x10B] =	sst s0  }
0xfc: {  	s13 =	sld [smem:$0xB];
	_ =	sdelay $0x2  }
0xfd: {  	s0 =	sadd.s32 s0, s13  }
0xfe: {  	[smem:$0x8C] =	sst s0  }
0xff: {  	[smem:$0x10C] =	sst s0  }
0x100: {  	s14 =	sld [smem:$0xC];
	_ =	sdelay $0x1  }
0x101: {  	s15 =	simm.s32 $0x0  }
0x102: {  	v2 =	vld [tilespmem:s15+$0x0];
	s0 =	sadd.s32 s0, s14  }
0x103: {  	[smem:$0x8D] =	sst s0  }
0x104: {  	[smem:$0x10D] =	sst s0  }
0x105: {  	s17 =	sld [smem:$0xD];
	_ =	sdelay $0x1  }
0x106: {  	v3 =	vsub.s32 v2, v0  }
0x107: {  	vm0 =	vgt.s32 v3, $0x7211F;
	v4 =	vshra.s32 v3, $0xF;
	s0 =	sadd.s32 s0, s17  }
0x108: {  	v4 =	vsel vm0, $0xF, v4;
	vm0 =	vlt.u32 v3, $0x7A120;
	[smem:$0x8E] =	sst s0  }
0x109: {  	v3 =	vnsel vm0, $0x10, v4;
	[smem:$0x10E] =	sst s0  }
0x10a: {  	v4 =	vadd.s32 $0x100, v3;
	s18 =	sld [smem:$0xE]  }
0x10b: {  	(v2sf) =	vpush v4, $0x0;
	_ =	sdelay $0x1  }
0x10c: {  	s0 =	sadd.s32 s0, s18  }
0x10d: {  	[smem:$0x8F] =	sst s0  }
0x10e: {  	(v2sf) =	vpush v4, $0x1;
	[smem:$0x10F] =	sst s0  }
0x10f: {  	s19 =	sld [smem:$0xF];
	_ =	sdelay $0x2  }
0x110: {  	s0 =	sadd.s32 s0, s19  }
0x111: {  	[smem:$0x90] =	sst s0  }
0x112: {  	[smem:$0x110] =	sst s0  }
0x113: {  	s20 =	sld [smem:$0x10]  }
0x114: {  	(v2sf) =	vpush v4, $0x2;
	_ =	sdelay $0x1  }
0x115: {  	s0 =	sadd.s32 s0, s20  }
0x116: {  	s24 =	spop (v2sf);
	[smem:$0x91] =	sst s0  }
0x117: {  	s25 =	sld [smem:s24+$0x0];
	_ =	sdelay $0x2  }
0x118: {  	s26 =	spop (v2sf);
	s6 =	sand.u32 $0xF, s25  }
0x119: {  	(v2sf) =	vpush v4, $0x3;
	s7 =	sshra.s32 s25, $0x1F;
	p0 =	slt.s32 s25, $0x1;
	p1 =	sne.s32 s6, $0x0  }
0x11a: {  	s8 =	simm.s32 $0x1;
	s7 =	sshrl.u32 s7, $0x1C;
	p0 =	por !p0, !p1  }
0x11b: {  	s28 =	sadd.s32 $0x1, s25;
	s7 =	sadd.s32 s7, s25;
	p0 =	por !p0, !p0  }
0x11c: {  	[smem:s24] =	sst s28;
	s29 =	sshrl.u32 s7, $0x4;
	s8 =	simm.s32 @!p0 $0x0  }
0x11d: {  	s6 =	sld [smem:s26+$0x0];
	s0 =	ssub.s32 s29, s8  }
0x11e: {  	v3 =	vld [tilespmem:s15+$0x400];
	s0 =	sshll.u32 s0, $0x4  }
0x11f: {  	v5 =	vld [tilespmem:s0+$0x800]  }
0x120: {  	s30 =	spop (v2sf);
	s31 =	sshra.s32 s6, $0x1F;
	s9 =	sand.u32 $0xF, s6;
	v6 =	vld [tilespmem:s0+$0xC80]  }
0x121: {  	(v2sf) =	vpush v4, $0x4;
	p1 =	slt.s32 s6, $0x1;
	p2 =	sne.s32 s9, $0x0;
	s1 =	ssub.s32 s25, s0  }
0x122: {  	v8 =	vbroadcast v2, $0x0;
	s10 =	sadd.s32 $0x1, s6;
	s7 =	sshrl.u32 s31, $0x1C;
	p0 =	por !p1, !p2;
	v7 =	vmov s1  }
0x123: {  	v9 =	vbroadcast v3, $0x0;
	s8 =	simm.s32 $0x1;
	s7 =	sadd.s32 s7, s6;
	p0 =	por !p0, !p0;
	vm0 =	veq.s32 v7, v1  }
0x124: {  	[smem:s26] =	sst s10;
	s11 =	sshrl.u32 s7, $0x4;
	s8 =	simm.s32 @!p0 $0x0;
	v5 =	vsel vm0, v8, v5  }
0x125: {  	s5 =	sld [smem:s30+$0x0];
	s1 =	ssub.s32 s11, s8;
	[tilespmem:s0+$0x800] =	vst v5;
	v5 =	vsel vm0, v9, v6  }
0x126: {  	s12 =	sshll.u32 s1, $0x4;
	[tilespmem:s0+$0xC80] =	vst v5  }
0x127: {  	v5 =	vld [tilespmem:s12+$0x800]  }
0x128: {  	s17 =	spop (v2sf);
	s14 =	sshra.s32 s5, $0x1F;
	s15 =	sand.u32 $0xF, s5;
	v6 =	vld [tilespmem:s12+$0xC80]  }
0x129: {  	p4 =	slt.s32 s5, $0x1;
	p3 =	sne.s32 s15, $0x0;
	s6 =	ssub.s32 s6, s12  }
0x12a: {  	s13 =	sadd.s32 $0x1, s5;
	s7 =	sshrl.u32 s14, $0x1C;
	p0 =	por !p4, !p3;
	v8 =	vbroadcast v2, $0x1;
	v7 =	vmov s6  }
0x12b: {  	v63 =	vbroadcast v3, $0x1;
	s18 =	sadd.s32 s7, s5;
	s7 =	simm.s32 $0x1;
	p0 =	por !p0, !p0;
	vm0 =	veq.s32 v7, v1  }
0x12c: {  	[smem:s30] =	sst s13;
	s19 =	sshrl.u32 s18, $0x4;
	s7 =	simm.s32 @!p0 $0x0;
	v5 =	vsel vm0, v8, v5  }
0x12d: {  	(v2sf) =	vpush v4, $0x5;
	s3 =	sld [smem:s17+$0x0];
	s1 =	ssub.s32 s19, s7;
	[tilespmem:s12+$0x800] =	vst v5;
	v5 =	vsel vm0, v63, v6  }
0x12e: {  	s20 =	sshll.u32 s1, $0x4;
	[tilespmem:s12+$0xC80] =	vst v5  }
0x12f: {  	v5 =	vld [tilespmem:s20+$0x800]  }
0x130: {  	s24 =	spop (v2sf);
	s26 =	sshra.s32 s3, $0x1F;
	s9 =	sand.u32 $0xF, s3;
	v6 =	vld [tilespmem:s20+$0xC80]  }
0x131: {  	(v2sf) =	vpush v4, $0x6;
	p5 =	slt.s32 s3, $0x1;
	p6 =	sne.s32 s9, $0x0;
	s5 =	ssub.s32 s5, s20  }
0x132: {  	s6 =	simm.s32 $0x1;
	s28 =	sshrl.u32 s26, $0x1C;
	p0 =	por !p5, !p6;
	v7 =	vmov s5;
	v8 =	vbroadcast v2, $0x2  }
0x133: {  	s25 =	sadd.s32 $0x1, s3;
	s29 =	sadd.s32 s28, s3;
	p0 =	por !p0, !p0;
	vm0 =	veq.s32 v7, v1;
	v7 =	vbroadcast v3, $0x2  }
0x134: {  	[smem:s17] =	sst s25;
	s5 =	sshrl.u32 s29, $0x4;
	s6 =	simm.s32 @!p0 $0x0;
	v5 =	vsel vm0, v8, v5  }
0x135: {  	s30 =	sld [smem:s24+$0x0];
	s5 =	ssub.s32 s5, s6;
	[tilespmem:s20+$0x800] =	vst v5;
	v5 =	vsel vm0, v7, v6  }
0x136: {  	s31 =	sshll.u32 s5, $0x4;
	[tilespmem:s20+$0xC80] =	vst v5  }
0x137: {  	v5 =	vld [tilespmem:s31+$0x800]  }
0x138: {  	s8 =	simm.s32 $0x1;
	s9 =	sshra.s32 s30, $0x1F;
	s10 =	sand.u32 $0xF, s30;
	v6 =	vld [tilespmem:s31+$0xC80]  }
0x139: {  	(v2sf) =	vpush v4, $0x7;
	p1 =	slt.s32 s30, $0x1;
	p2 =	sne.s32 s10, $0x0;
	s3 =	ssub.s32 s3, s31  }
0x13a: {  	s11 =	sadd.s32 $0x1, s30;
	s5 =	sshrl.u32 s9, $0x1C;
	p0 =	por !p1, !p2;
	v8 =	vbroadcast v2, $0x3;
	v7 =	vmov s3  }
0x13b: {  	[smem:s24] =	sst s11;
	s5 =	sadd.s32 s5, s30;
	p0 =	por !p0, !p0;
	vm0 =	veq.s32 v7, v1;
	v7 =	vbroadcast v3, $0x3  }
0x13c: {  	s12 =	spop (v2sf);
	s13 =	sshrl.u32 s5, $0x4;
	s8 =	simm.s32 @!p0 $0x0;
	v5 =	vsel vm0, v8, v5  }
0x13d: {  	s14 =	sld [smem:s12+$0x0];
	s1 =	ssub.s32 s13, s8;
	[tilespmem:s31+$0x800] =	vst v5;
	v5 =	vsel vm0, v7, v6  }
0x13e: {  	s1 =	sshll.u32 s1, $0x4;
	[tilespmem:s31+$0xC80] =	vst v5  }
0x13f: {  	v5 =	vld [tilespmem:s1+$0x800]  }
0x140: {  	s17 =	spop (v2sf);
	s18 =	sand.u32 $0xF, s14;
	s19 =	sshra.s32 s14, $0x1F;
	v6 =	vld [tilespmem:s1+$0xC80]  }
0x141: {  	(v2sf) =	vpush v4, $0x8;
	p3 =	slt.s32 s14, $0x1;
	s15 =	ssub.s32 s30, s1;
	p4 =	sne.s32 s18, $0x0  }
0x142: {  	s8 =	simm.s32 $0x1;
	s24 =	sshrl.u32 s19, $0x1C;
	p0 =	por !p3, !p4;
	v8 =	vbroadcast v2, $0x4;
	v7 =	vmov s15  }
0x143: {  	s7 =	sadd.s32 s24, s14;
	p0 =	por !p0, !p0;
	s20 =	sadd.s32 $0x1, s14;
	vm0 =	veq.s32 v7, v1;
	v7 =	vbroadcast v3, $0x4  }
0x144: {  	s25 =	sshrl.u32 s7, $0x4;
	s8 =	simm.s32 @!p0 $0x0;
	[smem:s12] =	sst s20;
	v5 =	vsel vm0, v8, v5  }
0x145: {  	s0 =	ssub.s32 s25, s8;
	s3 =	sld [smem:s17+$0x0];
	[tilespmem:s1+$0x800] =	vst v5;
	v5 =	vsel vm0, v7, v6  }
0x146: {  	s0 =	sshll.u32 s0, $0x4;
	[tilespmem:s1+$0xC80] =	vst v5  }
0x147: {  	v5 =	vld [tilespmem:s0+$0x800]  }
0x148: {  	s26 =	spop (v2sf);
	s5 =	ssub.s32 s14, s0;
	s29 =	sand.u32 $0xF, s3;
	v6 =	vld [tilespmem:s0+$0xC80]  }
0x149: {  	(v2sf) =	vpush v4, $0x9;
	s28 =	sshra.s32 s3, $0x1F;
	p5 =	slt.s32 s3, $0x1;
	p6 =	sne.s32 s29, $0x0  }
0x14a: {  	s30 =	sadd.s32 $0x1, s3;
	s7 =	sshrl.u32 s28, $0x1C;
	p0 =	por !p5, !p6;
	v8 =	vbroadcast v2, $0x5;
	v7 =	vmov s5  }
0x14b: {  	s31 =	sadd.s32 s7, s3;
	p0 =	por !p0, !p0;
	s7 =	simm.s32 $0x1;
	vm0 =	veq.s32 v7, v1;
	v7 =	vbroadcast v3, $0x5  }
0x14c: {  	[smem:s17] =	sst s30;
	s7 =	simm.s32 @!p0 $0x0;
	s5 =	sshrl.u32 s31, $0x4;
	v5 =	vsel vm0, v8, v5  }
0x14d: {  	s6 =	sld [smem:s26+$0x0];
	s5 =	ssub.s32 s5, s7;
	[tilespmem:s0+$0x800] =	vst v5;
	v5 =	vsel vm0, v7, v6  }
0x14e: {  	s5 =	sshll.u32 s5, $0x4;
	[tilespmem:s0+$0xC80] =	vst v5  }
0x14f: {  	v5 =	vld [tilespmem:s5+$0x800]  }
0x150: {  	s9 =	spop (v2sf);
	s10 =	sshra.s32 s6, $0x1F;
	s11 =	sand.u32 $0xF, s6;
	v6 =	vld [tilespmem:s5+$0xC80]  }
0x151: {  	(v2sf) =	vpush v4, $0xA;
	p1 =	slt.s32 s6, $0x1;
	p2 =	sne.s32 s11, $0x0;
	s3 =	ssub.s32 s3, s5  }
0x152: {  	s12 =	sadd.s32 $0x1, s6;
	p0 =	por !p1, !p2;
	s7 =	sshrl.u32 s10, $0x1C;
	v8 =	vbroadcast v2, $0x6;
	v7 =	vmov s3  }
0x153: {  	p0 =	por !p0, !p0;
	s13 =	sadd.s32 s7, s6;
	s7 =	simm.s32 $0x1;
	vm0 =	veq.s32 v7, v1;
	v7 =	vbroadcast v3, $0x6  }
0x154: {  	[smem:s26] =	sst s12;
	s14 =	sshrl.u32 s13, $0x4;
	s7 =	simm.s32 @!p0 $0x0;
	v5 =	vsel vm0, v8, v5  }
0x155: {  	s15 =	sld [smem:s9+$0x0];
	s1 =	ssub.s32 s14, s7;
	[tilespmem:s5+$0x800] =	vst v5;
	v5 =	vsel vm0, v7, v6  }
0x156: {  	s17 =	sshll.u32 s1, $0x4;
	[tilespmem:s5+$0xC80] =	vst v5  }
0x157: {  	v5 =	vld [tilespmem:s17+$0x800]  }
0x158: {  	(v2sf) =	vpush v4, $0xB;
	s18 =	spop (v2sf);
	s19 =	sshra.s32 s15, $0x1F;
	s20 =	sand.u32 $0xF, s15;
	v6 =	vld [tilespmem:s17+$0xC80]  }
0x159: {  	p3 =	slt.s32 s15, $0x1;
	p4 =	sne.s32 s20, $0x0;
	s6 =	ssub.s32 s6, s17  }
0x15a: {  	s24 =	sadd.s32 $0x1, s15;
	p0 =	por !p3, !p4;
	s7 =	sshrl.u32 s19, $0x1C;
	v8 =	vbroadcast v2, $0x7;
	v7 =	vmov s6  }
0x15b: {  	p0 =	por !p0, !p0;
	s25 =	sadd.s32 s7, s15;
	s7 =	simm.s32 $0x1;
	vm0 =	veq.s32 v7, v1;
	v7 =	vbroadcast v3, $0x7  }
0x15c: {  	[smem:s9] =	sst s24;
	s26 =	sshrl.u32 s25, $0x4;
	s7 =	simm.s32 @!p0 $0x0;
	v5 =	vsel vm0, v8, v5  }
0x15d: {  	s28 =	sld [smem:s18+$0x0];
	s5 =	ssub.s32 s26, s7;
	[tilespmem:s17+$0x800] =	vst v5;
	v5 =	vsel vm0, v7, v6  }
0x15e: {  	s29 =	sshll.u32 s5, $0x4;
	[tilespmem:s17+$0xC80] =	vst v5  }
0x15f: {  	v5 =	vld [tilespmem:s29+$0x800]  }
0x160: {  	(v2sf) =	vpush v4, $0xC;
	s30 =	spop (v2sf);
	s10 =	sshra.s32 s28, $0x1F;
	s11 =	sand.u32 $0xF, s28;
	v6 =	vld [tilespmem:s29+$0xC80]  }
0x161: {  	p5 =	slt.s32 s28, $0x1;
	p6 =	sne.s32 s11, $0x0;
	s3 =	ssub.s32 s15, s29  }
0x162: {  	s31 =	sadd.s32 $0x1, s28;
	s8 =	sshrl.u32 s10, $0x1C;
	p0 =	por !p5, !p6;
	v8 =	vbroadcast v2, $0x8;
	v7 =	vmov s3  }
0x163: {  	s12 =	sadd.s32 s8, s28;
	p0 =	por !p0, !p0;
	s3 =	simm.s32 $0x1;
	vm0 =	veq.s32 v7, v1;
	v7 =	vbroadcast v3, $0x8  }
0x164: {  	[smem:s18] =	sst s31;
	s1 =	sshrl.u32 s12, $0x4;
	s3 =	simm.s32 @!p0 $0x0;
	v5 =	vsel vm0, v8, v5  }
0x165: {  	s7 =	sld [smem:s30+$0x0];
	s1 =	ssub.s32 s1, s3;
	[tilespmem:s29+$0x800] =	vst v5;
	v5 =	vsel vm0, v7, v6  }
0x166: {  	s13 =	sshll.u32 s1, $0x4;
	[tilespmem:s29+$0xC80] =	vst v5  }
0x167: {  	(v2sf) =	vpush v4, $0xD;
	s18 =	spop (v2sf);
	v5 =	vld [tilespmem:s13+$0x800]  }
0x168: {  	s5 =	simm.s32 $0x1;
	s14 =	sshra.s32 s7, $0x1F;
	s15 =	sand.u32 $0xF, s7;
	v6 =	vld [tilespmem:s13+$0xC80]  }
0x169: {  	p1 =	slt.s32 s7, $0x1;
	p2 =	sne.s32 s15, $0x0;
	s6 =	ssub.s32 s28, s13  }
0x16a: {  	s17 =	sadd.s32 $0x1, s7;
	p0 =	por !p1, !p2;
	s1 =	sshrl.u32 s14, $0x1C;
	v8 =	vbroadcast v2, $0x9;
	v7 =	vmov s6  }
0x16b: {  	[smem:s30] =	sst s17;
	p0 =	por !p0, !p0;
	s1 =	sadd.s32 s1, s7;
	vm0 =	veq.s32 v7, v1;
	v7 =	vbroadcast v3, $0x9  }
0x16c: {  	(v2sf) =	vpush v4, $0xE;
	s19 =	sld [smem:s18+$0x0];
	s5 =	simm.s32 @!p0 $0x0;
	s1 =	sshrl.u32 s1, $0x4;
	v5 =	vsel vm0, v8, v5  }
0x16d: {  	s1 =	ssub.s32 s1, s5;
	[tilespmem:s13+$0x800] =	vst v5;
	v5 =	vsel vm0, v7, v6  }
0x16e: {  	s25 =	sshll.u32 s1, $0x4;
	[tilespmem:s13+$0xC80] =	vst v5  }
0x16f: {  	s20 =	spop (v2sf);
	s24 =	sand.u32 $0xF, s19;
	v5 =	vld [tilespmem:s25+$0x800]  }
0x170: {  	(v2sf) =	vpush v4, $0xF;
	s26 =	sshra.s32 s19, $0x1F;
	p3 =	slt.s32 s19, $0x1;
	s28 =	sadd.s32 $0x1, s19;
	v6 =	vld [tilespmem:s25+$0xC80]  }
0x171: {  	p4 =	sne.s32 s24, $0x0;
	s1 =	sshrl.u32 s26, $0x1C;
	s29 =	ssub.s32 s7, s25  }
0x172: {  	[smem:s18] =	sst s28;
	p0 =	por !p3, !p4;
	s1 =	sadd.s32 s1, s19;
	v4 =	vmov s29;
	v7 =	vbroadcast v2, $0xA  }
0x173: {  	s8 =	sld [smem:s20+$0x0];
	p0 =	por !p0, !p0;
	s7 =	simm.s32 $0x1;
	vm0 =	veq.s32 v4, v1;
	v4 =	vbroadcast v3, $0xA  }
0x174: {  	s1 =	sshrl.u32 s1, $0x4;
	s7 =	simm.s32 @!p0 $0x0;
	v5 =	vsel vm0, v7, v5  }
0x175: {  	s1 =	ssub.s32 s1, s7;
	v4 =	vsel vm0, v4, v6;
	[tilespmem:s25+$0x800] =	vst v5  }
0x176: {  	s30 =	spop (v2sf);
	s31 =	sshra.s32 s8, $0x1F;
	s1 =	sshll.u32 s1, $0x4;
	[tilespmem:s25+$0xC80] =	vst v4  }
0x177: {  	s10 =	sand.u32 $0xF, s8;
	p5 =	slt.s32 s8, $0x1;
	s11 =	sadd.s32 $0x1, s8;
	v4 =	vld [tilespmem:s1+$0x800]  }
0x178: {  	p6 =	sne.s32 s10, $0x0;
	s7 =	sshrl.u32 s31, $0x1C;
	[smem:s20] =	sst s11;
	v5 =	vld [tilespmem:s1+$0xC80]  }
0x179: {  	p0 =	por !p5, !p6;
	s5 =	sld [smem:s30+$0x0];
	s6 =	ssub.s32 s19, s1  }
0x17a: {  	s12 =	sadd.s32 s7, s8;
	s7 =	simm.s32 $0x1;
	p0 =	por !p0, !p0;
	v6 =	vmov s6;
	v7 =	vbroadcast v2, $0xB  }
0x17b: {  	s14 =	spop (v2sf);
	s0 =	sshrl.u32 s12, $0x4;
	s7 =	simm.s32 @!p0 $0x0;
	vm0 =	veq.s32 v6, v1;
	v6 =	vbroadcast v3, $0xB  }
0x17c: {  	s15 =	sshra.s32 s5, $0x1F;
	s17 =	sadd.s32 $0x1, s5;
	p1 =	slt.s32 s5, $0x1;
	v4 =	vsel vm0, v7, v4  }
0x17d: {  	s10 =	sand.u32 $0xF, s5;
	s13 =	ssub.s32 s0, s7;
	[smem:s30] =	sst s17;
	[tilespmem:s1+$0x800] =	vst v4;
	v4 =	vsel vm0, v6, v5  }
0x17e: {  	p2 =	sne.s32 s10, $0x0;
	s0 =	sld [smem:s14+$0x0];
	s18 =	sshll.u32 s13, $0x4;
	[tilespmem:s1+$0xC80] =	vst v4  }
0x17f: {  	s11 =	spop (v2sf);
	s19 =	sshrl.u32 s15, $0x1C;
	p0 =	por !p1, !p2;
	v4 =	vld [tilespmem:s18+$0x800]  }
0x180: {  	s7 =	simm.s32 $0x1;
	s9 =	sadd.s32 s19, s5;
	p0 =	por !p0, !p0;
	v5 =	vld [tilespmem:s18+$0xC80]  }
0x181: {  	s8 =	ssub.s32 s8, s18;
	s7 =	simm.s32 @!p0 $0x0;
	s20 =	sadd.s32 $0x1, s0  }
0x182: {  	s24 =	sshra.s32 s0, $0x1F;
	s12 =	sand.u32 $0xF, s0;
	p3 =	slt.s32 s0, $0x1;
	v7 =	vbroadcast v2, $0xC;
	v6 =	vmov s8  }
0x183: {  	s10 =	sshrl.u32 s24, $0x1C;
	p2 =	sne.s32 s12, $0x0;
	[smem:s14] =	sst s20;
	vm0 =	veq.s32 v6, v1;
	v6 =	vbroadcast v3, $0xC  }
0x184: {  	s12 =	simm.s32 $0x1;
	s3 =	sld [smem:s11+$0x0];
	s25 =	sshrl.u32 s9, $0x4;
	v4 =	vsel vm0, v7, v4  }
0x185: {  	s6 =	simm.s32 $0x40;
	p4 =	por !p3, !p2;
	s7 =	ssub.s32 s25, s7;
	[tilespmem:s18+$0x800] =	vst v4;
	v4 =	vsel vm0, v6, v5  }
0x186: {  	s10 =	sadd.s32 s10, s0;
	p0 =	por !p4, !p4;
	s9 =	sshll.u32 s7, $0x4;
	[tilespmem:s18+$0xC80] =	vst v4  }
0x187: {  	s28 =	sand.u32 $0xF, s3;
	s29 =	sshra.s32 s3, $0x1F;
	s5 =	ssub.s32 s5, s9;
	v5 =	vld [tilespmem:s9+$0x800]  }
0x188: {  	p5 =	slt.s32 s3, $0x1;
	p6 =	sne.s32 s28, $0x0;
	s8 =	simm.s32 $0x1;
	v4 =	vmov s5  }
0x189: {  	s30 =	sshrl.u32 s29, $0x1C;
	s8 =	simm.s32 @!p0 $0x0;
	p0 =	por !p5, !p6;
	vm0 =	veq.s32 v4, v1;
	v4 =	vld [tilespmem:s9+$0xC80]  }
0x18a: {  	s26 =	sshrl.u32 s10, $0x4;
	s7 =	sadd.s32 s30, s3;
	p0 =	por !p0, !p0;
	v6 =	vbroadcast v2, $0xD  }
0x18b: {  	s31 =	sadd.s32 $0x1, s3;
	s7 =	sshrl.u32 s7, $0x4;
	s12 =	simm.s32 @!p0 $0x0  }
0x18c: {  	[smem:s11] =	sst s31;
	s10 =	ssub.s32 s26, s8;
	s7 =	ssub.s32 s7, s12;
	v5 =	vsel vm0, v6, v5;
	v6 =	vbroadcast v3, $0xD  }
.LBB2_4:
0x18d: {  	p0 =	sne.s32 s6, $0xFC0;
	s1 =	smov.u32 s6;
	s6 =	sadd.s32 $0x40, s6  }
0x18e: {  	[tilespmem:s9+$0x800] =	vst v5;
	v4 =	vsel vm0, v6, v4  }
0x18f: {  	s5 =	sshll.u32 s10, $0x4;
	[tilespmem:s9+$0xC80] =	vst v4  }
0x190: {  	s0 =	ssub.s32 s0, s5;
	v4 =	vld [tilespmem:s5+$0x800]  }
0x191: {  	v5 =	vmov s0;
	v6 =	vld [tilespmem:s5+$0xC80];
	_ =	sdelay $0x1  }
0x192: {  	v7 =	vbroadcast v2, $0xE  }
0x193: {  	vm0 =	veq.s32 v5, v1;
	v5 =	vbroadcast v3, $0xE  }
0x194: {  	v4 =	vsel vm0, v7, v4  }
0x195: {  	[tilespmem:s5+$0x800] =	vst v4;
	v4 =	vsel vm0, v5, v6  }
0x196: {  	[tilespmem:s5+$0xC80] =	vst v4;
	s5 =	sshll.u32 s7, $0x4  }
0x197: {  	s0 =	ssub.s32 s3, s5;
	v4 =	vld [tilespmem:s5+$0x800]  }
0x198: {  	v5 =	vmov s0;
	v6 =	vld [tilespmem:s5+$0xC80];
	_ =	sdelay $0x1  }
0x199: {  	v2 =	vbroadcast v2, $0xF  }
0x19a: {  	v3 =	vbroadcast v3, $0xF;
	vm0 =	veq.s32 v5, v1  }
0x19b: {  	v2 =	vsel vm0, v2, v4  }
0x19c: {  	[tilespmem:s5+$0x800] =	vst v2;
	v2 =	vsel vm0, v3, v6  }
0x19d: {  	s0 =	sshra.s32 s1, $0x2;
	[tilespmem:s5+$0xC80] =	vst v2  }
0x19e: {  	v2 =	vld [tilespmem:s0+$0x0];
	_ =	sdelay $0x4  }
0x19f: {  	v3 =	vsub.s32 v2, v0  }
0x1a0: {  	vm0 =	vgt.s32 v3, $0x7211F;
	v4 =	vshra.s32 v3, $0xF  }
0x1a1: {  	v4 =	vsel vm0, $0xF, v4;
	vm0 =	vlt.u32 v3, $0x7A120  }
0x1a2: {  	v3 =	vnsel vm0, $0x10, v4  }
0x1a3: {  	v4 =	vadd.s32 $0x100, v3  }
0x1a4: {  	(v2sf) =	vpush v4, $0x0;
	_ =	sdelay $0x2  }
0x1a5: {  	(v2sf) =	vpush v4, $0x1;
	_ =	sdelay $0x5  }
0x1a6: {  	(v2sf) =	vpush v4, $0x2;
	_ =	sdelay $0x5  }
0x1a7: {  	s1 =	spop (v2sf)  }
0x1a8: {  	s3 =	sld [smem:s1+$0x0];
	_ =	sdelay $0x1  }
0x1a9: {  	s5 =	spop (v2sf)  }
0x1aa: {  	s7 =	sadd.s32 $0x1, s3;
	s8 =	sshra.s32 s3, $0x1F;
	s9 =	sand.u32 $0xF, s3;
	(v2sf) =	vpush v4, $0x3  }
0x1ab: {  	p1 =	slt.s32 s3, $0x1;
	s8 =	sshrl.u32 s8, $0x1C;
	p2 =	sne.s32 s9, $0x0  }
0x1ac: {  	[smem:s1] =	sst s7;
	s1 =	sadd.s32 s8, s3;
	p1 =	por !p1, !p2  }
0x1ad: {  	s8 =	simm.s32 $0x1;
	p1 =	por !p1, !p1;
	s7 =	sld [smem:s5+$0x0]  }
0x1ae: {  	s1 =	sshrl.u32 s1, $0x4;
	s8 =	simm.s32 @!p1 $0x0;
	(v2sf) =	vpush v4, $0x4  }
0x1af: {  	v3 =	vld [tilespmem:s0+$0x400];
	s0 =	ssub.s32 s1, s8;
	s1 =	spop (v2sf)  }
0x1b0: {  	s0 =	sshll.u32 s0, $0x4;
	s8 =	sshra.s32 s7, $0x1F;
	s9 =	sand.u32 $0xF, s7  }
0x1b1: {  	p1 =	slt.s32 s7, $0x1;
	s3 =	ssub.s32 s3, s0;
	v5 =	vld [tilespmem:s0+$0x800];
	p2 =	sne.s32 s9, $0x0  }
0x1b2: {  	s8 =	sshrl.u32 s8, $0x1C;
	v6 =	vmov s3;
	v7 =	vld [tilespmem:s0+$0xC80];
	s3 =	sadd.s32 $0x1, s7;
	p1 =	por !p1, !p2  }
0x1b3: {  	[smem:s5] =	sst s3  }
0x1b4: {  	s3 =	sadd.s32 s8, s7;
	p1 =	por !p1, !p1;
	s5 =	simm.s32 $0x1  }
0x1b5: {  	v8 =	vbroadcast v2, $0x0;
	v9 =	vbroadcast v3, $0x0;
	s3 =	sshrl.u32 s3, $0x4;
	s5 =	simm.s32 @!p1 $0x0;
	s8 =	sld [smem:s1+$0x0]  }
0x1b6: {  	vm0 =	veq.s32 v6, v1;
	s3 =	ssub.s32 s3, s5  }
0x1b7: {  	v5 =	vsel vm0, v8, v5;
	s3 =	sshll.u32 s3, $0x4  }
0x1b8: {  	[tilespmem:s0+$0x800] =	vst v5;
	v5 =	vsel vm0, v9, v7;
	s5 =	sadd.s32 $0x1, s8;
	s9 =	sshra.s32 s8, $0x1F;
	s10 =	sand.u32 $0xF, s8;
	(v2sf) =	vpush v4, $0x5  }
0x1b9: {  	s7 =	ssub.s32 s7, s3;
	[tilespmem:s0+$0xC80] =	vst v5;
	s0 =	sshrl.u32 s9, $0x1C;
	p1 =	sne.s32 s10, $0x0  }
0x1ba: {  	p2 =	slt.s32 s8, $0x1;
	v5 =	vld [tilespmem:s3+$0x800];
	s9 =	spop (v2sf);
	s0 =	sadd.s32 s0, s8  }
0x1bb: {  	v6 =	vmov s7;
	p1 =	por !p2, !p1;
	v7 =	vld [tilespmem:s3+$0xC80];
	[smem:s1] =	sst s5;
	s1 =	sshrl.u32 s0, $0x4  }
0x1bc: {  	p1 =	por !p1, !p1;
	s5 =	simm.s32 $0x1;
	s0 =	sld [smem:s9+$0x0]  }
0x1bd: {  	v8 =	vbroadcast v2, $0x1;
	v9 =	vbroadcast v3, $0x1;
	(v2sf) =	vpush v4, $0x6;
	s5 =	simm.s32 @!p1 $0x0  }
0x1be: {  	vm0 =	veq.s32 v6, v1;
	s1 =	ssub.s32 s1, s5  }
0x1bf: {  	s5 =	spop (v2sf);
	s7 =	sadd.s32 $0x1, s0;
	s11 =	sand.u32 $0xF, s0  }
0x1c0: {  	v5 =	vsel vm0, v8, v5;
	s10 =	sshra.s32 s0, $0x1F;
	p1 =	slt.s32 s0, $0x1;
	p2 =	sne.s32 s11, $0x0  }
0x1c1: {  	s1 =	sshll.u32 s1, $0x4;
	[tilespmem:s3+$0x800] =	vst v5;
	v5 =	vsel vm0, v9, v7;
	[smem:s9] =	sst s7;
	p1 =	por !p1, !p2  }
0x1c2: {  	[tilespmem:s3+$0xC80] =	vst v5;
	s7 =	sld [smem:s5+$0x0];
	s3 =	ssub.s32 s8, s1;
	s8 =	sshrl.u32 s10, $0x1C  }
0x1c3: {  	v5 =	vld [tilespmem:s1+$0x800];
	p1 =	por !p1, !p1;
	(v2sf) =	vpush v4, $0x7;
	v6 =	vmov s3;
	s3 =	sadd.s32 s8, s0;
	s8 =	simm.s32 $0x1  }
0x1c4: {  	v7 =	vld [tilespmem:s1+$0xC80];
	s8 =	simm.s32 @!p1 $0x0  }
0x1c5: {  	s3 =	sshrl.u32 s3, $0x4;
	s9 =	sshra.s32 s7, $0x1F;
	s10 =	sand.u32 $0xF, s7  }
0x1c6: {  	v8 =	vbroadcast v2, $0x2;
	p1 =	slt.s32 s7, $0x1;
	s9 =	sshrl.u32 s9, $0x1C;
	p2 =	sne.s32 s10, $0x0  }
0x1c7: {  	vm0 =	veq.s32 v6, v1;
	v6 =	vbroadcast v3, $0x2;
	s3 =	ssub.s32 s3, s8;
	s8 =	sadd.s32 s9, s7;
	p1 =	por !p1, !p2  }
0x1c8: {  	s9 =	sadd.s32 $0x1, s7;
	v5 =	vsel vm0, v8, v5;
	p1 =	por !p1, !p1;
	s10 =	spop (v2sf)  }
0x1c9: {  	[smem:s5] =	sst s9;
	s5 =	sshrl.u32 s8, $0x4;
	s8 =	simm.s32 $0x1  }
0x1ca: {  	[tilespmem:s1+$0x800] =	vst v5;
	v5 =	vsel vm0, v6, v7;
	(v2sf) =	vpush v4, $0x8;
	s8 =	simm.s32 @!p1 $0x0  }
0x1cb: {  	[tilespmem:s1+$0xC80] =	vst v5;
	s1 =	sshll.u32 s3, $0x4;
	s5 =	ssub.s32 s5, s8;
	s3 =	sld [smem:s10+$0x0]  }
0x1cc: {  	s0 =	ssub.s32 s0, s1;
	v5 =	vld [tilespmem:s1+$0x800];
	s5 =	sshll.u32 s5, $0x4  }
0x1cd: {  	v6 =	vmov s0;
	s0 =	ssub.s32 s7, s5;
	s7 =	spop (v2sf)  }
0x1ce: {  	v7 =	vld [tilespmem:s1+$0xC80];
	v8 =	vmov s0;
	s0 =	sadd.s32 $0x1, s3;
	s8 =	sshra.s32 s3, $0x1F;
	s9 =	sand.u32 $0xF, s3  }
0x1cf: {  	v9 =	vbroadcast v2, $0x3;
	p1 =	slt.s32 s3, $0x1;
	s8 =	sshrl.u32 s8, $0x1C;
	p2 =	sne.s32 s9, $0x0  }
0x1d0: {  	vm0 =	veq.s32 v6, v1;
	[smem:s10] =	sst s0;
	s8 =	sadd.s32 s8, s3;
	p1 =	por !p1, !p2  }
0x1d1: {  	v6 =	vbroadcast v3, $0x3;
	s9 =	simm.s32 $0x1;
	v5 =	vsel vm0, v9, v5;
	p1 =	por !p1, !p1;
	s0 =	sld [smem:s7+$0x0];
	(v2sf) =	vpush v4, $0x9  }
0x1d2: {  	s8 =	sshrl.u32 s8, $0x4;
	[tilespmem:s1+$0x800] =	vst v5;
	s9 =	simm.s32 @!p1 $0x0  }
0x1d3: {  	v5 =	vsel vm0, v6, v7;
	s8 =	ssub.s32 s8, s9;
	s9 =	spop (v2sf)  }
0x1d4: {  	[tilespmem:s1+$0xC80] =	vst v5;
	s1 =	sadd.s32 $0x1, s0;
	s10 =	sshra.s32 s0, $0x1F;
	s11 =	sand.u32 $0xF, s0  }
0x1d5: {  	p1 =	slt.s32 s0, $0x1;
	v5 =	vld [tilespmem:s5+$0x800];
	s10 =	sshrl.u32 s10, $0x1C;
	p2 =	sne.s32 s11, $0x0  }
0x1d6: {  	v6 =	vld [tilespmem:s5+$0xC80];
	[smem:s7] =	sst s1;
	s1 =	sadd.s32 s10, s0;
	p1 =	por !p1, !p2  }
0x1d7: {  	s7 =	sld [smem:s9+$0x0]  }
0x1d8: {  	s10 =	simm.s32 $0x1;
	p1 =	por !p1, !p1;
	(v2sf) =	vpush v4, $0xA  }
0x1d9: {  	vm0 =	veq.s32 v8, v1;
	v7 =	vbroadcast v2, $0x4;
	s1 =	sshrl.u32 s1, $0x4;
	s10 =	simm.s32 @!p1 $0x0  }
0x1da: {  	v8 =	vbroadcast v3, $0x4;
	s1 =	ssub.s32 s1, s10;
	s10 =	spop (v2sf);
	s11 =	sadd.s32 $0x1, s7  }
0x1db: {  	v5 =	vsel vm0, v7, v5;
	s12 =	sshra.s32 s7, $0x1F;
	s13 =	sand.u32 $0xF, s7;
	p1 =	slt.s32 s7, $0x1  }
0x1dc: {  	[tilespmem:s5+$0x800] =	vst v5;
	v5 =	vsel vm0, v8, v6;
	s12 =	sshrl.u32 s12, $0x1C;
	p2 =	sne.s32 s13, $0x0;
	s13 =	sshll.u32 s8, $0x4  }
0x1dd: {  	s8 =	simm.s32 $0x1;
	[tilespmem:s5+$0xC80] =	vst v5;
	s5 =	sadd.s32 s12, s7;
	p1 =	por !p1, !p2  }
0x1de: {  	s3 =	ssub.s32 s3, s13;
	v5 =	vld [tilespmem:s13+$0x800];
	[smem:s9] =	sst s11;
	p1 =	por !p1, !p1  }
0x1df: {  	v6 =	vmov s3;
	s3 =	sshrl.u32 s5, $0x4;
	v7 =	vld [tilespmem:s13+$0xC80];
	s8 =	simm.s32 @!p1 $0x0;
	s5 =	sld [smem:s10+$0x0]  }
0x1e0: {  	s8 =	ssub.s32 s3, s8  }
0x1e1: {  	s1 =	sshll.u32 s1, $0x4;
	v8 =	vbroadcast v2, $0x5;
	s11 =	spop (v2sf)  }
0x1e2: {  	vm0 =	veq.s32 v6, v1;
	v6 =	vbroadcast v3, $0x5;
	s3 =	sadd.s32 $0x1, s5;
	s9 =	sshra.s32 s5, $0x1F;
	s12 =	sand.u32 $0xF, s5;
	(v2sf) =	vpush v4, $0xB  }
0x1e3: {  	p1 =	slt.s32 s5, $0x1;
	v5 =	vsel vm0, v8, v5;
	s9 =	sshrl.u32 s9, $0x1C;
	p2 =	sne.s32 s12, $0x0  }
0x1e4: {  	[tilespmem:s13+$0x800] =	vst v5;
	v5 =	vsel vm0, v6, v7;
	[smem:s10] =	sst s3;
	s9 =	sadd.s32 s9, s5;
	p1 =	por !p1, !p2  }
0x1e5: {  	s10 =	simm.s32 $0x1;
	[tilespmem:s13+$0xC80] =	vst v5;
	p1 =	por !p1, !p1;
	s3 =	sld [smem:s11+$0x0];
	(v2sf) =	vpush v4, $0xC  }
0x1e6: {  	s0 =	ssub.s32 s0, s1;
	s9 =	sshrl.u32 s9, $0x4;
	v5 =	vld [tilespmem:s1+$0x800];
	s10 =	simm.s32 @!p1 $0x0  }
0x1e7: {  	v6 =	vmov s0;
	v7 =	vld [tilespmem:s1+$0xC80];
	s9 =	ssub.s32 s9, s10;
	s10 =	spop (v2sf)  }
0x1e8: {  	s0 =	sadd.s32 $0x1, s3;
	s12 =	sshra.s32 s3, $0x1F;
	s13 =	sand.u32 $0xF, s3  }
0x1e9: {  	v8 =	vbroadcast v2, $0x6;
	p1 =	slt.s32 s3, $0x1;
	s12 =	sshrl.u32 s12, $0x1C;
	p2 =	sne.s32 s13, $0x0  }
0x1ea: {  	vm0 =	veq.s32 v6, v1;
	v6 =	vbroadcast v3, $0x6;
	[smem:s11] =	sst s0;
	s11 =	sadd.s32 s12, s3;
	p1 =	por !p1, !p2  }
0x1eb: {  	s12 =	simm.s32 $0x1;
	v5 =	vsel vm0, v8, v5;
	p1 =	por !p1, !p1;
	s0 =	sld [smem:s10+$0x0]  }
0x1ec: {  	s11 =	sshrl.u32 s11, $0x4;
	[tilespmem:s1+$0x800] =	vst v5;
	v5 =	vsel vm0, v6, v7;
	s12 =	simm.s32 @!p1 $0x0;
	(v2sf) =	vpush v4, $0xD  }
0x1ed: {  	[tilespmem:s1+$0xC80] =	vst v5;
	s1 =	sshll.u32 s8, $0x4  }
0x1ee: {  	s8 =	ssub.s32 s11, s12;
	s7 =	ssub.s32 s7, s1  }
0x1ef: {  	v5 =	vld [tilespmem:s1+$0x800];
	s11 =	sshra.s32 s0, $0x1F;
	s12 =	sand.u32 $0xF, s0;
	p1 =	slt.s32 s0, $0x1  }
0x1f0: {  	v6 =	vmov s7;
	v7 =	vld [tilespmem:s1+$0xC80];
	s7 =	sshrl.u32 s11, $0x1C;
	p2 =	sne.s32 s12, $0x0;
	s11 =	sadd.s32 $0x1, s0  }
0x1f1: {  	s12 =	simm.s32 $0x1;
	s7 =	sadd.s32 s7, s0;
	p1 =	por !p1, !p2  }
0x1f2: {  	v8 =	vbroadcast v2, $0x7;
	[smem:s10] =	sst s11;
	p1 =	por !p1, !p1;
	s10 =	spop (v2sf)  }
0x1f3: {  	vm0 =	veq.s32 v6, v1;
	v6 =	vbroadcast v3, $0x7;
	s11 =	sshrl.u32 s7, $0x4;
	s12 =	simm.s32 @!p1 $0x0;
	s7 =	sld [smem:s10+$0x0]  }
0x1f4: {  	v5 =	vsel vm0, v8, v5;
	s11 =	ssub.s32 s11, s12;
	(v2sf) =	vpush v4, $0xE  }
0x1f5: {  	[tilespmem:s1+$0x800] =	vst v5;
	v5 =	vsel vm0, v6, v7;
	s12 =	spop (v2sf)  }
0x1f6: {  	[tilespmem:s1+$0xC80] =	vst v5;
	s1 =	sshll.u32 s9, $0x4;
	s9 =	sshra.s32 s7, $0x1F;
	s13 =	sand.u32 $0xF, s7  }
0x1f7: {  	p1 =	slt.s32 s7, $0x1;
	s5 =	ssub.s32 s5, s1;
	v5 =	vld [tilespmem:s1+$0x800];
	p2 =	sne.s32 s13, $0x0  }
0x1f8: {  	s9 =	sshrl.u32 s9, $0x1C;
	v6 =	vmov s5;
	v7 =	vld [tilespmem:s1+$0xC80];
	s5 =	sadd.s32 $0x1, s7;
	p1 =	por !p1, !p2  }
0x1f9: {  	[smem:s10] =	sst s5  }
0x1fa: {  	s5 =	sadd.s32 s9, s7;
	p1 =	por !p1, !p1;
	s10 =	simm.s32 $0x1  }
0x1fb: {  	v8 =	vbroadcast v2, $0x8;
	s9 =	sshrl.u32 s5, $0x4;
	s10 =	simm.s32 @!p1 $0x0;
	s5 =	sld [smem:s12+$0x0];
	(v2sf) =	vpush v4, $0xF  }
0x1fc: {  	vm0 =	veq.s32 v6, v1;
	v4 =	vbroadcast v3, $0x8;
	s10 =	ssub.s32 s9, s10  }
0x1fd: {  	v5 =	vsel vm0, v8, v5;
	s13 =	spop (v2sf)  }
0x1fe: {  	[tilespmem:s1+$0x800] =	vst v5;
	v4 =	vsel vm0, v4, v7;
	s9 =	sadd.s32 $0x1, s5;
	s14 =	sshra.s32 s5, $0x1F;
	s15 =	sand.u32 $0xF, s5  }
0x1ff: {  	p1 =	slt.s32 s5, $0x1;
	[tilespmem:s1+$0xC80] =	vst v4;
	s1 =	sshll.u32 s8, $0x4;
	p2 =	sne.s32 s15, $0x0  }
0x200: {  	s8 =	sshrl.u32 s14, $0x1C;
	s3 =	ssub.s32 s3, s1;
	v4 =	vld [tilespmem:s1+$0x800];
	p1 =	por !p1, !p2  }
0x201: {  	[smem:s12] =	sst s9  }
0x202: {  	v5 =	vmov s3;
	v6 =	vld [tilespmem:s1+$0xC80];
	s3 =	sadd.s32 s8, s5;
	p1 =	por !p1, !p1;
	s9 =	simm.s32 $0x1  }
0x203: {  	s3 =	sshrl.u32 s3, $0x4;
	s9 =	simm.s32 @!p1 $0x0;
	s8 =	sld [smem:s13+$0x0]  }
0x204: {  	v7 =	vbroadcast v2, $0x9;
	s9 =	ssub.s32 s3, s9  }
0x205: {  	vm0 =	veq.s32 v5, v1;
	v5 =	vbroadcast v3, $0x9;
	s3 =	spop (v2sf)  }
0x206: {  	v4 =	vsel vm0, v7, v4;
	s12 =	sshra.s32 s8, $0x1F;
	p1 =	slt.s32 s8, $0x1;
	s14 =	sand.u32 $0xF, s8  }
0x207: {  	s15 =	sadd.s32 $0x1, s8;
	[tilespmem:s1+$0x800] =	vst v4;
	v4 =	vsel vm0, v5, v6;
	s12 =	sshrl.u32 s12, $0x1C;
	p2 =	sne.s32 s14, $0x0  }
0x208: {  	[tilespmem:s1+$0xC80] =	vst v4;
	s1 =	sshll.u32 s11, $0x4;
	[smem:s13] =	sst s15;
	s11 =	sadd.s32 s12, s8  }
0x209: {  	p1 =	por !p1, !p2;
	s12 =	ssub.s32 s0, s1;
	v4 =	vld [tilespmem:s1+$0x800];
	s0 =	sld [smem:s3+$0x0]  }
0x20a: {  	p1 =	por !p1, !p1;
	v5 =	vmov s12;
	v6 =	vld [tilespmem:s1+$0xC80]  }
0x20b: {  	s12 =	spop (v2sf)  }
0x20c: {  	v7 =	vbroadcast v2, $0xA;
	s13 =	sadd.s32 $0x1, s0;
	s14 =	sshra.s32 s0, $0x1F;
	s15 =	sand.u32 $0xF, s0  }
0x20d: {  	vm0 =	veq.s32 v5, v1;
	v5 =	vbroadcast v3, $0xA;
	p2 =	slt.s32 s0, $0x1;
	s14 =	sshrl.u32 s14, $0x1C;
	p3 =	sne.s32 s15, $0x0  }
0x20e: {  	v4 =	vsel vm0, v7, v4;
	[smem:s3] =	sst s13;
	s13 =	sadd.s32 s14, s0;
	p2 =	por !p2, !p3  }
0x20f: {  	[tilespmem:s1+$0x800] =	vst v4;
	v4 =	vsel vm0, v5, v6;
	p2 =	por !p2, !p2;
	s3 =	sld [smem:s12+$0x0]  }
0x210: {  	[tilespmem:s1+$0xC80] =	vst v4;
	s1 =	sshll.u32 s10, $0x4;
	s10 =	sshrl.u32 s13, $0x4;
	s13 =	simm.s32 $0x1  }
0x211: {  	s13 =	simm.s32 @!p2 $0x0  }
0x212: {  	s7 =	ssub.s32 s7, s1;
	v4 =	vld [tilespmem:s1+$0x800];
	s10 =	ssub.s32 s10, s13  }
0x213: {  	v5 =	vmov s7;
	s7 =	sadd.s32 $0x1, s3;
	s13 =	sshra.s32 s3, $0x1F;
	s14 =	sand.u32 $0xF, s3;
	v6 =	vld [tilespmem:s1+$0xC80]  }
0x214: {  	p2 =	slt.s32 s3, $0x1;
	s13 =	sshrl.u32 s13, $0x1C;
	p3 =	sne.s32 s14, $0x0  }
0x215: {  	v7 =	vbroadcast v2, $0xB;
	p2 =	por !p2, !p3;
	[smem:s12] =	sst s7;
	s7 =	sadd.s32 s13, s3  }
0x216: {  	vm0 =	veq.s32 v5, v1;
	v5 =	vbroadcast v3, $0xB;
	p2 =	por !p2, !p2;
	s12 =	simm.s32 $0x1  }
0x217: {  	s7 =	sshrl.u32 s7, $0x4;
	s12 =	simm.s32 @!p2 $0x0;
	v4 =	vsel vm0, v7, v4  }
0x218: {  	s7 =	ssub.s32 s7, s12;
	[tilespmem:s1+$0x800] =	vst v4;
	v4 =	vsel vm0, v5, v6  }
0x219: {  	[tilespmem:s1+$0xC80] =	vst v4;
	s1 =	sshll.u32 s9, $0x4  }
0x21a: {  	s5 =	ssub.s32 s5, s1;
	v4 =	vld [tilespmem:s1+$0x800]  }
0x21b: {  	v5 =	vmov s5;
	v6 =	vld [tilespmem:s1+$0xC80];
	_ =	sdelay $0x1  }
0x21c: {  	v7 =	vbroadcast v2, $0xC  }
0x21d: {  	s9 =	simm.s32 $0x1;
	vm0 =	veq.s32 v5, v1;
	v5 =	vbroadcast v3, $0xC  }
0x21e: {  	s9 =	simm.s32 @!p1 $0x0;
	s5 =	sshrl.u32 s11, $0x4;
	v4 =	vsel vm0, v7, v4  }
0x21f: {  	s5 =	ssub.s32 s5, s9;
	[tilespmem:s1+$0x800] =	vst v4;
	v4 =	vsel vm0, v5, v6  }
0x220: {  	s9 =	sshll.u32 s5, $0x4;
	[tilespmem:s1+$0xC80] =	vst v4  }
0x221: {  	s1 =	ssub.s32 s8, s9;
	v5 =	vld [tilespmem:s9+$0x800]  }
.Ltmp3:
0x222: {  	v6 =	vmov s1;
	v4 =	vld [tilespmem:s9+$0xC80];
	(pc) =	sbr.rel @p0 .LBB2_4-.Ltmp3, $4  }
0x223: {  	_ = 	snop  }
0x224: {  	v7 =	vbroadcast v2, $0xD  }
0x225: {  	vm0 =	veq.s32 v6, v1  }
0x226: {  	v6 =	vbroadcast v3, $0xD;
	v5 =	vsel vm0, v7, v5  }
0x227: {  	_ = 	snop  }
0x228: {  	[tilespmem:s9+$0x800] =	vst v5;
	v4 =	vsel vm0, v6, v4  }
0x229: {  	s1 =	sshll.u32 s10, $0x4;
	[tilespmem:s9+$0xC80] =	vst v4  }
0x22a: {  	v4 =	vld [tilespmem:s1+$0x800]  }
0x22b: {  	v5 =	vld [tilespmem:s1+$0xC80]  }
0x22c: {  	s0 =	ssub.s32 s0, s1  }
0x22d: {  	v7 =	vbroadcast v2, $0xE;
	v59 =	vmov s0  }
0x22e: {  	v60 =	vbroadcast v3, $0xE;
	vm14 =	veq.s32 v59, v1  }
0x22f: {  	v4 =	vsel vm14, v7, v4  }
0x230: {  	v61 =	vsel vm14, v60, v5;
	[tilespmem:s1+$0x800] =	vst v4  }
0x231: {  	s30 =	sshll.u32 s7, $0x4;
	[tilespmem:s1+$0xC80] =	vst v61  }
0x232: {  	v4 =	vld [tilespmem:s30+$0x800]  }
0x233: {  	v62 =	vld [tilespmem:s30+$0xC80]  }
0x234: {  	s31 =	ssub.s32 s3, s30  }
.Ltmp4:
0x235: {  	v2 =	vbroadcast v2, $0xF;
	v63 =	vmov s31;
	(pc) =	sbr.rel .LBB2_6-.Ltmp4, $4  }
0x236: {  	v3 =	vbroadcast v3, $0xF;
	vm15 =	veq.s32 v63, v1  }
0x237: {  	v2 =	vsel vm15, v2, v4  }
0x238: {  	[tilespmem:s30+$0x800] =	vst v2;
	v2 =	vsel vm15, v3, v62  }
0x239: {  	[tilespmem:s30+$0xC80] =	vst v2  }
.LBB2_13:
0x23a: {  	[bflag:$0x0] =	sbarrier.arrive $0xFFFF  }
0x23b: {  	s8 =	rddreg [dreg:$0x4]  }
0x23c: {  	s11 =	rddreg [dreg:$0x16];
	s1 =	sadd.s32 s8, s7;
	s19 =	sadd.s32 s8, s12  }
0x23d: {  	s20 =	sadd.s32 s8, s14;
	s25 =	sadd.s32 s8, s16;
	s28 =	sadd.s32 s8, s18  }
0x23e: {  	s0 =	sadd.s32 s8, s0;
	s30 =	sadd.s32 s8, s5;
	s31 =	sadd.s32 s8, s26  }
0x23f: {  	[hbm:s1], [sflag:s6] =	dma.local [spmem:s11], $0x400  }
0x240: {  	[hbm:s19], [sflag:s6] =	dma.local [spmem:s13], $0x400  }
0x241: {  	[hbm:s20], [sflag:s6] =	dma.local [spmem:s15], $0x400  }
0x242: {  	[hbm:s25], [sflag:s6] =	dma.local [spmem:s17], $0x400  }
0x243: {  	[hbm:s28], [sflag:s6] =	dma.local [spmem:s10], $0x400  }
0x244: {  	[hbm:s0], [sflag:s6] =	dma.local [spmem:s3], $0x400  }
0x245: {  	[hbm:s30], [sflag:s6] =	dma.local [spmem:s24], $0x400  }
0x246: {  	[hbm:s31], [sflag:s6] =	dma.local [spmem:s29], $0x400  }
0x247: {  	_ =	swait.ge [sflag:s22], $0x400  }
0x248: {  	[sflag:s22] =	ssyncset.done $0x0  }
0x249: {  	[sflag:s22] =	ssyncadd.s32 $0xFFFFFC00  }
0x24a: {  	_ =	swait.ge [sflag:s22], $0x400  }
0x24b: {  	[sflag:s22] =	ssyncset.done $0x0  }
0x24c: {  	[sflag:s22] =	ssyncadd.s32 $0xFFFFFC00  }
0x24d: {  	_ =	swait.ge [sflag:s22], $0x400  }
0x24e: {  	[sflag:s22] =	ssyncset.done $0x0  }
0x24f: {  	[sflag:s22] =	ssyncadd.s32 $0xFFFFFC00  }
0x250: {  	_ =	swait.ge [sflag:s22], $0x400  }
0x251: {  	[sflag:s22] =	ssyncset.done $0x0  }
0x252: {  	[sflag:s22] =	ssyncadd.s32 $0xFFFFFC00  }
0x253: {  	_ =	swait.ge [sflag:s22], $0x400  }
0x254: {  	[sflag:s22] =	ssyncset.done $0x0  }
0x255: {  	[sflag:s22] =	ssyncadd.s32 $0xFFFFFC00  }
0x256: {  	_ =	swait.ge [sflag:s22], $0x400  }
0x257: {  	[sflag:s22] =	ssyncset.done $0x0  }
0x258: {  	[sflag:s22] =	ssyncadd.s32 $0xFFFFFC00  }
0x259: {  	_ =	swait.ge [sflag:s22], $0x400  }
0x25a: {  	[sflag:s22] =	ssyncset.done $0x0  }
0x25b: {  	[sflag:s22] =	ssyncadd.s32 $0xFFFFFC00  }
0x25c: {  	_ =	swait.ge [sflag:s22], $0x400  }
0x25d: {  	s16 =	rddreg [dreg:$0x15]  }
0x25e: {  	p0 =	sne.s32 s16, $0x10  }
.Ltmp5:
0x25f: {  	_ = 	snop;
	(pc) =	sbr.rel @!p0 .LBB2_14-.Ltmp5, $3  }
0x260: {  	_ =	sdelay $0x1  }
0x261: {  	[sflag:s22] =	ssyncset.done $0x0  }
0x262: {  	[sflag:s22] =	ssyncadd.s32 $0xFFFFFC00  }
.LBB2_6:
0x263: {  	s31 =	sld [smem:s16+$0x80];
	_ =	sdelay $0x2  }
0x264: {  	s0 =	sshll.u32 s31, $0x2  }
0x265: {  	s8 =	sshra.s32 s0, $0x2  }
0x266: {  	s0 =	sadd.s32 $0x800, s8  }
0x267: {  	v4 =	vmov s0  }
0x268: {  	s25 =	sadd.s32 $0xC80, s8  }
0x269: {  	v5 =	vmov s25;
	_ =	sdelay $0x1  }
0x26a: {  	s5 =	simm.s32 $0x0  }
0x26b: {  	s26 =	sshll.u32 s16, $0xF;
	s9 =	sld [smem:s16+$0x81];
	v6 =	vld.idx.msk [tilespmem:v4+s5+$0x0 ss:$0x1], $0xffff  }
0x26c: {  	s3 =	rddreg [dreg:$0x7];
	s0 =	smin.u32 s26, $0x72120  }
0x26d: {  	s6 =	sadd.s32 $0x0, s31;
	s0 =	sadd.s32 s3, s0;
	v7 =	vld.idx.msk [tilespmem:v5+s5+$0x0 ss:$0x1], $0xffff  }
0x26e: {  	v2 =	vmov s9;
	v9 =	vadd.s32 s6, v1;
	s3 =	simm.s32 $0x0;
	s28 =	sshrl.u32 s0, $0x2  }
0x26f: {  	vm0 =	vlt.s32 v9, v2;
	v8 =	vor.u32 s3, v1;
	v3 =	vmov s28  }
0x270: {  	v8 =	vand.u32 $0x3F, v8;
	v63 =	vshra.s32 v6, $0x2;
	v6 =	vshll.u32 v6, $0xE  }
0x271: {  	s29 =	sand.u32 $0x10, s3;
	s30 =	sand.u32 $0x180, s3;
	v8 =	vor.u32 $0x2000, v8;
	v9 =	vsub.s32 v63, v3;
	v6 =	vand.u32 $0xC000, v6  }
0x272: {  	s10 =	sor.u32 s29, s30;
	v8 =	vsel vm0, v9, v8;
	v6 =	vadd.s32 v7, v6  }
0x273: {  	s1 =	sadd.s32 $0x1, s16;
	s7 =	simm.s32 $0x10;
	[tilespmem:s10+$0x1100] =	vst v8;
	v6 =	vnsel vm0, $0x0, v6  }
0x274: {  	[dreg:$0x15] =	wrdreg s1;
	s6 =	simm.s32 $0x80;
	s5 =	simm.s32 $0x40;
	[tilespmem:s10+$0x1300] =	vst v6  }
.LBB2_7:
0x275: {  	p0 =	sne.s32 s6, $0x1C0;
	v6 =	vld.idx.msk [tilespmem:v4+s7+$0x0 ss:$0x1], $0xffff;
	_ =	sdelay $0x1  }
0x276: {  	v7 =	vld.idx.msk [tilespmem:v5+s7+$0x0 ss:$0x1], $0xffff  }
0x277: {  	s3 =	sadd.s32 $0x10, s3  }
0x278: {  	s1 =	sadd.s32 s3, s31;
	v8 =	vor.u32 s3, v1  }
0x279: {  	v9 =	vadd.s32 s1, v1;
	v8 =	vand.u32 $0x3F, v8  }
.Ltmp6:
0x27a: {  	vm0 =	vlt.s32 v9, v2;
	v9 =	vshra.s32 v6, $0x2;
	v6 =	vshll.u32 v6, $0xE;
	(pc) =	sbr.rel @p0 .LBB2_7-.Ltmp6, $4  }
0x27b: {  	s1 =	sand.u32 $0x10, s3;
	s7 =	sand.u32 $0x180, s5;
	s5 =	smov.u32 s6;
	v8 =	vor.u32 $0x2000, v8;
	v9 =	vsub.s32 v9, v3;
	v6 =	vand.u32 $0xC000, v6  }
0x27c: {  	s1 =	sor.u32 s1, s7;
	v8 =	vsel vm0, v9, v8;
	v6 =	vadd.s32 v7, v6  }
0x27d: {  	v6 =	vnsel vm0, $0x0, v6;
	[tilespmem:s1+$0x1100] =	vst v8  }
0x27e: {  	s6 =	sadd.s32 $0x40, s6;
	s7 =	sshra.s32 s5, $0x2;
	[tilespmem:s1+$0x1300] =	vst v6  }
0x27f: {  	_ =	sdelay $0x3  }
0x280: {  	v4 =	vld.idx.msk [tilespmem:v4+s7+$0x0 ss:$0x1], $0xffff;
	_ =	sdelay $0x1  }
0x281: {  	v5 =	vld.idx.msk [tilespmem:v5+s7+$0x0 ss:$0x1], $0xffff;
	s1 =	sadd.s32 $0x10, s3  }
0x282: {  	s3 =	sadd.s32 s1, s31;
	v6 =	vor.u32 s1, v1  }
0x283: {  	v7 =	vadd.s32 s3, v1;
	v6 =	vand.u32 $0x3F, v6  }
0x284: {  	s10 =	sand.u32 $0x180, s5;
	vm0 =	vlt.s32 v7, v2;
	v63 =	vshra.s32 v4, $0x2;
	v4 =	vshll.u32 v4, $0xE  }
0x285: {  	s11 =	simm.s32 $0x1300;
	s20 =	simm.s32 $0x1500;
	s1 =	sand.u32 $0x10, s1;
	v6 =	vor.u32 $0x2000, v6;
	v7 =	vsub.s32 v63, v3;
	v4 =	vand.u32 $0xC000, v4  }
0x286: {  	s12 =	simm.s32 $0x1380;
	s25 =	simm.s32 $0x2500;
	s1 =	sor.u32 s1, s10;
	v6 =	vsel vm0, v7, v6;
	v4 =	vadd.s32 v5, v4  }
0x287: {  	s13 =	simm.s32 $0x1400;
	s28 =	simm.s32 $0x3500;
	s14 =	simm.s32 $0x1480;
	[tilespmem:s1+$0x1100] =	vst v6;
	v4 =	vnsel vm0, $0x0, v4  }
0x288: {  	s0 =	sshll.u32 s0, $0x2;
	s15 =	rddreg [dreg:$0xb];
	s16 =	stileid.u32;
	[tilespmem:s1+$0x1300] =	vst v4  }
0x289: {  	[tilespmem:s20], [sflag:$0x2] =	stream.indirect.gather [hbm4b:s2+s23], $0x80, s11, s23, $0xb8;
	[tilespmem:$0x15700] =	vst v63  }
0x28a: {  	s17 =	rddreg [dreg:$0xa];
	s7 =	sadd.s32 s15, s0;
	s0 =	sshll.u32 s16, $0x6  }
0x28b: {  	[tilespmem:s25], [sflag:$0x2] =	stream.indirect.gather [hbm4b:s2+s23], $0x80, s12, s23, $0xb8;
	[tilespmem:$0x15700] =	vst v63  }
0x28c: {  	s6 =	sor.u32 $0x1C01, s0;
	s0 =	sshrl.u32 s17, $0x3;
	s11 =	rddreg [dreg:$0x0]  }
0x28d: {  	[tilespmem:s28], [sflag:$0x2] =	stream.indirect.gather [hbm4b:s2+s23], $0x80, s13, s23, $0xb8;
	[tilespmem:$0x15700] =	vst v63  }
0x28e: {  	s30 =	simm.s32 $0x4500;
	[dreg:$0x16] =	wrdreg s0;
	s1 =	sadd.s32 s11, s7  }
0x28f: {  	[tilespmem:s30], [sflag:$0x2] =	stream.indirect.gather [hbm4b:s2+s23], $0x80, s14, s23, $0xb8;
	[tilespmem:$0x15700] =	vst v63  }
0x290: {  	[spmem:s0], [sflag:s6] =	dma.local [hbm:s1], $0x400  }
0x291: {  	s12 =	sadd.s32 $0x400, s7;
	s1 =	rddreg [dreg:$0xc]  }
0x292: {  	s18 =	sadd.s32 s11, s12;
	s13 =	sshrl.u32 s1, $0x3  }
0x293: {  	[spmem:s13], [sflag:s6] =	dma.local [hbm:s18], $0x400  }
0x294: {  	s14 =	sadd.s32 $0x800, s7;
	s24 =	rddreg [dreg:$0xd]  }
0x295: {  	s19 =	sadd.s32 s11, s14;
	s15 =	sshrl.u32 s24, $0x3  }
0x296: {  	[spmem:s15], [sflag:s6] =	dma.local [hbm:s19], $0x400  }
0x297: {  	s16 =	sadd.s32 $0xC00, s7;
	s3 =	rddreg [dreg:$0xe]  }
0x298: {  	s26 =	sadd.s32 s11, s16;
	s17 =	sshrl.u32 s3, $0x3  }
0x299: {  	[spmem:s17], [sflag:s6] =	dma.local [hbm:s26], $0x400  }
0x29a: {  	s18 =	sadd.s32 $0x1000, s7;
	s10 =	rddreg [dreg:$0xf]  }
0x29b: {  	s5 =	sadd.s32 s11, s18;
	s10 =	sshrl.u32 s10, $0x3  }
0x29c: {  	[spmem:s10], [sflag:s6] =	dma.local [hbm:s5], $0x400  }
0x29d: {  	s0 =	sadd.s32 $0x1400, s7;
	s24 =	rddreg [dreg:$0x10]  }
0x29e: {  	s19 =	sadd.s32 s11, s0;
	s3 =	sshrl.u32 s24, $0x3  }
0x29f: {  	[spmem:s3], [sflag:s6] =	dma.local [hbm:s19], $0x400  }
0x2a0: {  	s5 =	sadd.s32 $0x1800, s7;
	s19 =	rddreg [dreg:$0x11]  }
0x2a1: {  	s26 =	sadd.s32 s11, s5;
	s24 =	sshrl.u32 s19, $0x3  }
0x2a2: {  	[spmem:s24], [sflag:s6] =	dma.local [hbm:s26], $0x400  }
0x2a3: {  	s26 =	sadd.s32 $0x1C00, s7;
	s19 =	rddreg [dreg:$0x12]  }
0x2a4: {  	s1 =	sadd.s32 s11, s26;
	s29 =	sshrl.u32 s19, $0x3  }
0x2a5: {  	[spmem:s29], [sflag:s6] =	dma.local [hbm:s1], $0x400  }
0x2a6: {  	_ =	swait.ge [sflag:s22], $0x400  }
0x2a7: {  	[sflag:s22] =	ssyncset.done $0x0  }
0x2a8: {  	[sflag:s22] =	ssyncadd.s32 $0xFFFFFC00  }
0x2a9: {  	_ =	swait.ge [sflag:s22], $0x400  }
0x2aa: {  	[sflag:s22] =	ssyncset.done $0x0  }
0x2ab: {  	[sflag:s22] =	ssyncadd.s32 $0xFFFFFC00  }
0x2ac: {  	_ =	swait.ge [sflag:s22], $0x400  }
0x2ad: {  	[sflag:s22] =	ssyncset.done $0x0  }
0x2ae: {  	[sflag:s22] =	ssyncadd.s32 $0xFFFFFC00  }
0x2af: {  	_ =	swait.ge [sflag:s22], $0x400  }
0x2b0: {  	[sflag:s22] =	ssyncset.done $0x0  }
0x2b1: {  	[sflag:s22] =	ssyncadd.s32 $0xFFFFFC00  }
0x2b2: {  	_ =	swait.ge [sflag:s22], $0x400  }
0x2b3: {  	[sflag:s22] =	ssyncset.done $0x0  }
0x2b4: {  	[sflag:s22] =	ssyncadd.s32 $0xFFFFFC00  }
0x2b5: {  	_ =	swait.ge [sflag:s22], $0x400  }
0x2b6: {  	[sflag:s22] =	ssyncset.done $0x0  }
0x2b7: {  	[sflag:s22] =	ssyncadd.s32 $0xFFFFFC00  }
0x2b8: {  	_ =	swait.ge [sflag:s22], $0x400  }
0x2b9: {  	[sflag:s22] =	ssyncset.done $0x0  }
0x2ba: {  	[sflag:s22] =	ssyncadd.s32 $0xFFFFFC00  }
0x2bb: {  	_ =	swait.ge [sflag:s22], $0x400  }
0x2bc: {  	[sflag:s22] =	ssyncset.done $0x0  }
0x2bd: {  	[sflag:s22] =	ssyncadd.s32 $0xFFFFFC00  }
0x2be: {  	[bflag:$0x0] =	sbarrier.arrive $0xFFFF  }
0x2bf: {  	_ =	swait.ge [sflag:s21], $0x1000  }
0x2c0: {  	[sflag:s21] =	ssyncset.done $0x0  }
0x2c1: {  	[sflag:s21] =	ssyncadd.s32 $0xFFFFF000  }
0x2c2: {  	_ =	swait.ge [sflag:s21], $0x1000  }
0x2c3: {  	[sflag:s21] =	ssyncset.done $0x0  }
0x2c4: {  	[sflag:s21] =	ssyncadd.s32 $0xFFFFF000  }
0x2c5: {  	_ =	swait.ge [sflag:s21], $0x1000  }
0x2c6: {  	[sflag:s21] =	ssyncset.done $0x0  }
0x2c7: {  	[sflag:s21] =	ssyncadd.s32 $0xFFFFF000  }
0x2c8: {  	_ =	swait.ge [sflag:s21], $0x1000  }
0x2c9: {  	[sflag:s21] =	ssyncset.done $0x0  }
0x2ca: {  	s19 =	simm.s32 $0x1100;
	[sflag:s21] =	ssyncadd.s32 $0xFFFFF000  }
0x2cb: {  	[spmem:s4] =	stream.indirect.scatter.add.f32 [tilespmem:s20], [sflag:$0x2], $0x80, s19, s23, $0xb8;
	[tilespmem:$0x15700] =	vst v63  }
0x2cc: {  	s11 =	simm.s32 $0x1180  }
0x2cd: {  	[spmem:s4] =	stream.indirect.scatter.add.f32 [tilespmem:s25], [sflag:$0x2], $0x80, s11, s23, $0xb8;
	[tilespmem:$0x15700] =	vst v63  }
0x2ce: {  	s25 =	ssub.s32 s9, s31  }
0x2cf: {  	s19 =	simm.s32 $0x1200;
	s1 =	sadd.s32 $0x7F, s25  }
0x2d0: {  	[spmem:s4] =	stream.indirect.scatter.add.f32 [tilespmem:s28], [sflag:$0x2], $0x80, s19, s23, $0xb8;
	[tilespmem:$0x15700] =	vst v63  }
0x2d1: {  	s20 =	simm.s32 $0x1280;
	s28 =	sand.u32 $0x7F, s1  }
0x2d2: {  	[spmem:s4] =	stream.indirect.scatter.add.f32 [tilespmem:s30], [sflag:$0x2], $0x80, s20, s23, $0xb8;
	[tilespmem:$0x15700] =	vst v63  }
0x2d3: {  	p1 =	slt.s32 s1, $0x1;
	p0 =	sne.s32 s28, $0x0;
	_ =	swait.ge [sflag:s21], $0x1000  }
0x2d4: {  	s30 =	sshra.s32 s1, $0x1F;
	p0 =	por !p1, !p0;
	[sflag:s21] =	ssyncset.done $0x0  }
0x2d5: {  	s9 =	sshrl.u32 s30, $0x19;
	p0 =	por !p0, !p0;
	[sflag:s21] =	ssyncadd.s32 $0xFFFFF000  }
0x2d6: {  	s1 =	sadd.s32 s9, s1;
	s9 =	simm.s32 $0x1;
	_ =	swait.ge [sflag:s21], $0x1000  }
0x2d7: {  	s1 =	sshra.s32 s1, $0x7;
	s9 =	simm.s32 @!p0 $0x0;
	[sflag:s21] =	ssyncset.done $0x0  }
0x2d8: {  	s9 =	ssub.s32 s1, s9;
	[sflag:s21] =	ssyncadd.s32 $0xFFFFF000  }
0x2d9: {  	p0 =	slt.s32 s9, $0x2;
	_ =	swait.ge [sflag:s21], $0x1000  }
.Ltmp7:
0x2da: {  	[sflag:s21] =	ssyncset.done $0x0;
	(pc) =	sbr.rel @p0 .LBB2_13-.Ltmp7, $4  }
0x2db: {  	[sflag:s21] =	ssyncadd.s32 $0xFFFFF000  }
0x2dc: {  	_ =	swait.ge [sflag:s21], $0x1000  }
0x2dd: {  	[sflag:s21] =	ssyncset.done $0x0  }
0x2de: {  	[sflag:s21] =	ssyncadd.s32 $0xFFFFF000  }
0x2df: {  	s19 =	sadd.s32 $0x880, s8  }
0x2e0: {  	s8 =	sadd.s32 $0xD00, s8;
	s31 =	sadd.s32 $0x80, s31;
	s20 =	simm.s32 $0x1  }
.LBB2_10:
0x2e1: {  	v4 =	vmov s19;
	_ =	sdelay $0x1  }
0x2e2: {  	v5 =	vmov s8;
	_ =	sdelay $0x1  }
0x2e3: {  	s1 =	simm.s32 $0x0  }
0x2e4: {  	v6 =	vld.idx.msk [tilespmem:v4+s1+$0x0 ss:$0x1], $0xffff;
	_ =	sdelay $0x1  }
0x2e5: {  	s25 =	simm.s32 $0x0;
	v7 =	vld.idx.msk [tilespmem:v5+s1+$0x0 ss:$0x1], $0xffff  }
0x2e6: {  	s11 =	sadd.s32 $0x0, s31;
	v8 =	vor.u32 s25, v1  }
0x2e7: {  	v9 =	vadd.s32 s11, v1;
	v8 =	vand.u32 $0x3F, v8  }
0x2e8: {  	vm0 =	vlt.s32 v9, v2;
	v63 =	vshra.s32 v6, $0x2;
	v6 =	vshll.u32 v6, $0xE  }
0x2e9: {  	s11 =	sand.u32 $0x10, s25;
	s28 =	sand.u32 $0x180, s25;
	v8 =	vor.u32 $0x2000, v8;
	v9 =	vsub.s32 v63, v3;
	v6 =	vand.u32 $0xC000, v6  }
0x2ea: {  	s11 =	sor.u32 s11, s28;
	v8 =	vsel vm0, v9, v8;
	v6 =	vadd.s32 v7, v6  }
0x2eb: {  	[tilespmem:s11+$0x1100] =	vst v8;
	v6 =	vnsel vm0, $0x0, v6  }
0x2ec: {  	s30 =	simm.s32 $0x80;
	s28 =	simm.s32 $0x40;
	s1 =	simm.s32 $0x10;
	[tilespmem:s11+$0x1300] =	vst v6  }
.LBB2_11:
0x2ed: {  	p0 =	sne.s32 s30, $0x1C0;
	v6 =	vld.idx.msk [tilespmem:v4+s1+$0x0 ss:$0x1], $0xffff;
	_ =	sdelay $0x1  }
0x2ee: {  	v7 =	vld.idx.msk [tilespmem:v5+s1+$0x0 ss:$0x1], $0xffff  }
0x2ef: {  	s25 =	sadd.s32 $0x10, s25  }
0x2f0: {  	v8 =	vor.u32 s25, v1;
	s1 =	sadd.s32 s25, s31  }
0x2f1: {  	v8 =	vand.u32 $0x3F, v8;
	v9 =	vadd.s32 s1, v1  }
.Ltmp8:
0x2f2: {  	vm0 =	vlt.s32 v9, v2;
	v9 =	vshra.s32 v6, $0x2;
	v6 =	vshll.u32 v6, $0xE;
	(pc) =	sbr.rel @p0 .LBB2_11-.Ltmp8, $4  }
0x2f3: {  	s11 =	sand.u32 $0x180, s28;
	s28 =	smov.u32 s30;
	v8 =	vor.u32 $0x2000, v8;
	s1 =	sand.u32 $0x10, s25;
	v9 =	vsub.s32 v9, v3;
	v6 =	vand.u32 $0xC000, v6  }
0x2f4: {  	s11 =	sor.u32 s1, s11;
	v8 =	vsel vm0, v9, v8;
	v6 =	vadd.s32 v7, v6  }
0x2f5: {  	v6 =	vnsel vm0, $0x0, v6;
	[tilespmem:s11+$0x1100] =	vst v8  }
0x2f6: {  	s30 =	sadd.s32 $0x40, s30;
	s1 =	sshra.s32 s28, $0x2;
	[tilespmem:s11+$0x1300] =	vst v6  }
0x2f7: {  	_ =	sdelay $0x3  }
0x2f8: {  	v4 =	vld.idx.msk [tilespmem:v4+s1+$0x0 ss:$0x1], $0xffff;
	_ =	sdelay $0x1  }
0x2f9: {  	v5 =	vld.idx.msk [tilespmem:v5+s1+$0x0 ss:$0x1], $0xffff;
	s25 =	sadd.s32 $0x10, s25  }
0x2fa: {  	s11 =	sadd.s32 s25, s31;
	v6 =	vor.u32 s25, v1  }
0x2fb: {  	v7 =	vadd.s32 s11, v1;
	v6 =	vand.u32 $0x3F, v6  }
0x2fc: {  	vm0 =	vlt.s32 v7, v2;
	v63 =	vshra.s32 v4, $0x2;
	v4 =	vshll.u32 v4, $0xE  }
0x2fd: {  	s30 =	sand.u32 $0x180, s28;
	s1 =	sand.u32 $0x10, s25;
	v6 =	vor.u32 $0x2000, v6;
	v7 =	vsub.s32 v63, v3;
	v4 =	vand.u32 $0xC000, v4  }
0x2fe: {  	s1 =	sor.u32 s1, s30;
	v6 =	vsel vm0, v7, v6;
	v4 =	vadd.s32 v5, v4  }
0x2ff: {  	[tilespmem:s1+$0x1100] =	vst v6;
	v4 =	vnsel vm0, $0x0, v4  }
0x300: {  	s25 =	simm.s32 $0x1300;
	s11 =	simm.s32 $0x1500;
	[tilespmem:s1+$0x1300] =	vst v4  }
0x301: {  	[tilespmem:s11], [sflag:$0x2] =	stream.indirect.gather [hbm4b:s2+s23], $0x80, s25, s23, $0xb8;
	[tilespmem:$0x15700] =	vst v63  }
0x302: {  	s28 =	simm.s32 $0x1380;
	s25 =	simm.s32 $0x2500  }
0x303: {  	[tilespmem:s25], [sflag:$0x2] =	stream.indirect.gather [hbm4b:s2+s23], $0x80, s28, s23, $0xb8;
	[tilespmem:$0x15700] =	vst v63  }
0x304: {  	s30 =	simm.s32 $0x1400;
	s28 =	simm.s32 $0x3500  }
0x305: {  	[tilespmem:s28], [sflag:$0x2] =	stream.indirect.gather [hbm4b:s2+s23], $0x80, s30, s23, $0xb8;
	[tilespmem:$0x15700] =	vst v63  }
0x306: {  	s1 =	simm.s32 $0x1480;
	s30 =	simm.s32 $0x4500  }
0x307: {  	[tilespmem:s30], [sflag:$0x2] =	stream.indirect.gather [hbm4b:s2+s23], $0x80, s1, s23, $0xb8;
	[tilespmem:$0x15700] =	vst v63  }
0x308: {  	_ =	swait.ge [sflag:s21], $0x1000  }
0x309: {  	[sflag:s21] =	ssyncset.done $0x0  }
0x30a: {  	[sflag:s21] =	ssyncadd.s32 $0xFFFFF000  }
0x30b: {  	_ =	swait.ge [sflag:s21], $0x1000  }
0x30c: {  	[sflag:s21] =	ssyncset.done $0x0  }
0x30d: {  	[sflag:s21] =	ssyncadd.s32 $0xFFFFF000  }
0x30e: {  	_ =	swait.ge [sflag:s21], $0x1000  }
0x30f: {  	[sflag:s21] =	ssyncset.done $0x0  }
0x310: {  	[sflag:s21] =	ssyncadd.s32 $0xFFFFF000  }
0x311: {  	_ =	swait.ge [sflag:s21], $0x1000  }
0x312: {  	[sflag:s21] =	ssyncset.done $0x0  }
0x313: {  	s1 =	simm.s32 $0x1100;
	[sflag:s21] =	ssyncadd.s32 $0xFFFFF000  }
0x314: {  	[spmem:s4] =	stream.indirect.scatter.add.f32 [tilespmem:s11], [sflag:$0x2], $0x80, s1, s23, $0xb8;
	[tilespmem:$0x15700] =	vst v63  }
0x315: {  	s11 =	simm.s32 $0x1180  }
0x316: {  	[spmem:s4] =	stream.indirect.scatter.add.f32 [tilespmem:s25], [sflag:$0x2], $0x80, s11, s23, $0xb8;
	[tilespmem:$0x15700] =	vst v63  }
0x317: {  	s25 =	simm.s32 $0x1200  }
0x318: {  	[spmem:s4] =	stream.indirect.scatter.add.f32 [tilespmem:s28], [sflag:$0x2], $0x80, s25, s23, $0xb8;
	[tilespmem:$0x15700] =	vst v63  }
0x319: {  	s28 =	simm.s32 $0x1280  }
0x31a: {  	[spmem:s4] =	stream.indirect.scatter.add.f32 [tilespmem:s30], [sflag:$0x2], $0x80, s28, s23, $0xb8;
	[tilespmem:$0x15700] =	vst v63  }
0x31b: {  	_ =	swait.ge [sflag:s21], $0x1000  }
0x31c: {  	[sflag:s21] =	ssyncset.done $0x0  }
0x31d: {  	[sflag:s21] =	ssyncadd.s32 $0xFFFFF000  }
0x31e: {  	_ =	swait.ge [sflag:s21], $0x1000  }
0x31f: {  	[sflag:s21] =	ssyncset.done $0x0  }
0x320: {  	s20 =	sadd.s32 $0x1, s20;
	[sflag:s21] =	ssyncadd.s32 $0xFFFFF000  }
0x321: {  	p0 =	sne.s32 s20, s9;
	_ =	swait.ge [sflag:s21], $0x1000  }
.Ltmp9:
0x322: {  	[sflag:s21] =	ssyncset.done $0x0;
	(pc) =	sbr.rel @p0 .LBB2_10-.Ltmp9, $4  }
.Ltmp10:
0x323: {  	[sflag:s21] =	ssyncadd.s32 $0xFFFFF000;
	(pc) =	sbr.rel @!p0 .LBB2_13-.Ltmp10, $4  }
0x324: {  	_ =	swait.ge [sflag:s21], $0x1000  }
0x325: {  	s19 =	sadd.s32 $0x80, s19;
	[sflag:s21] =	ssyncset.done $0x0  }
0x326: {  	s8 =	sadd.s32 $0x80, s8;
	s31 =	sadd.s32 $0x80, s31;
	[sflag:s21] =	ssyncadd.s32 $0xFFFFF000  }
0x327: {  	_ = 	snop  }
.LBB2_15:
0x328: {  	_ =	sfence.sel $0x180000  }
0x329: {  	[bflag:$0x0] =	sbarrier.arrive $0xFFFF  }
0x32a: {  	_ =	strace $0x90000047  }
0x32b: {  	s0 =	stileid.u32;
	[bflag:$0x2] =	sbarrier.arrive $0xFFFF  }
0x32c: {  	p0 =	sne.s32 s0, $0x0;
	s0 =	rddreg [dreg:$0x6]  }
0x32d: {  	s0 =	sadd.s32 @!p0 $0x100000, s0  }
0x32e: {  	[sflag:s0] =	ssyncadd.tile.s32 @!p0 $0x1;
	_ =	shalt  }
.Lfunc_end2:
_tile_overlayer_lowered:
.L_overlay_start_2:
0x32f: {  	(tag) =	ssettag $0x2  }
0x330: {  	s0 =	rddreg [dreg:$0x0];
	s2 =	stileid.u32  }
0x331: {  	s1 =	rddreg [dreg:$0x1];
	p0 =	sne.s32 s2, $0x0  }
0x332: {  	s3 =	rddreg [dreg:$0x2];
	[bflag:$0x3] =	sbarrier.arrive $0xFFFF;
	s2 =	simm.s32 @!p0 $0x1C03  }
0x333: {  	[timem:s3], [sflag:s2] =	dma.local @!p0 [hbm:s0], s1  }
0x334: {  	s0 =	simm.s32 @!p0 $0x3  }
0x335: {  	_ =	swait.ge @!p0 [sflag:s0], s1  }
0x336: {  	s1 =	ssub.s32 @!p0 $0x0, s1;
	[sflag:s0] =	ssyncset.done @!p0 $0x0  }
0x337: {  	[sflag:s0] =	ssyncadd.s32 @!p0 s1  }
0x338: {  	[bflag:$0x3] =	sbarrier.arrive $0xFFFF  }
0x339: {  	_ =	shalt  }

</sc_bundles>
